<compile_context>
chip_gen: v7x
topology: tpu7x:2x2x1
jax: 0.10.2.dev20260603
libtpu: 0.0.44.dev20260713+nightly
codegen_flags: <defaults>
</compile_context>

<pallas_src>
import jax
import jax.numpy as jnp
from jax import lax
from jax.experimental import pallas as pl
from jax.experimental.pallas import tpu as pltpu
from jax.experimental.pallas import tpu_sc as plsc

NC = 2
NS = 16
NW = NC * NS
LANES = 16
SUB = 8
LANE = 128


def _make_gather(Dn, Cn, Bn):
    total = Bn * Dn
    n_per = total // NW
    period = SUB * Dn
    chunk = period
    n_chunks = n_per // chunk
    log2c = Cn.bit_length() - 1
    log2l = LANE.bit_length() - 1
    tile_words = SUB * LANE
    log2t = tile_words.bit_length() - 1
    assert n_per % chunk == 0 and Cn == (1 << log2c) and n_chunks >= 3
    assert Dn % LANE == 0 and Cn % LANE == 0 and Bn % SUB == 0
    row_stride = Cn * SUB
    lane_mul = tile_words - LANE

    mesh = plsc.VectorSubcoreMesh(core_axis_name="c", subcore_axis_name="s")

    depth = 4
    nbuf = 6

    def body(w_hbm, idx_hbm, out_hbm, *rest):
        ivs = rest[0:nbuf]
        ovs = rest[nbuf:2 * nbuf]
        isems = rest[2 * nbuf:3 * nbuf]
        gsems = rest[3 * nbuf:3 * nbuf + depth]
        ssems = rest[3 * nbuf + depth:3 * nbuf + depth + nbuf]
        wid = lax.axis_index("s") * NC + lax.axis_index("c")
        base = wid * n_per

        iota = lax.iota(jnp.int32, LANES)
        constvec = ((iota >> 3) * row_stride) + ((iota & 7) * LANE)

        def idx_dma(k):
            return pltpu.make_async_copy(
                idx_hbm.at[pl.ds(base + k * chunk, chunk)],
                ivs[k % nbuf], isems[k % nbuf])

        def store_dma(k):
            return pltpu.make_async_copy(
                ovs[k % nbuf], out_hbm.at[pl.ds(base + k * chunk, chunk)],
                ssems[k % nbuf])

        def addr(k):
            idx_b = ivs[k % nbuf]

            def addr_body(jj, _):
                j = jj * LANES
                jp = j & (period - 1)
                dbase = ((jp >> log2t) << log2l) + (jp & (LANE - 1))
                sl = pl.ds(j, LANES)
                iv = idx_b[sl]
                pw = (iv + (iv >> log2l) * lane_mul
                      + ((dbase >> 3) * row_stride + constvec))
                idx_b[sl] = pw
                return _

            lax.fori_loop(0, chunk // LANES, addr_body, None, unroll=8)

        def gather_dma(k):
            return pltpu.make_async_copy(
                w_hbm.at[ivs[k % nbuf]], ovs[k % nbuf], gsems[k % depth])

        for j in range(min(depth + 1, n_chunks)):
            idx_dma(j).start()
        for j in range(min(depth, n_chunks)):
            idx_dma(j).wait()
            addr(j)
            gather_dma(j).start()
        for k in range(n_chunks):
            gather_dma(k).wait()
            store_dma(k).start()
            nk = k + depth
            if nk < n_chunks:
                if nk + 1 < n_chunks:
                    idx_dma(nk + 1).start()
                idx_dma(nk).wait()
                addr(nk)
                if nk - nbuf >= 0:
                    store_dma(nk - nbuf).wait()
                gather_dma(nk).start()
        for k in range(max(0, n_chunks - nbuf), n_chunks):
            if k + depth >= nbuf:
                store_dma(k).wait()

    return pl.kernel(
        body,
        out_type=jax.ShapeDtypeStruct((total,), jnp.float32),
        mesh=mesh,
        scratch_types=(
            [pltpu.VMEM((chunk,), jnp.int32) for _ in range(nbuf)]
            + [pltpu.VMEM((chunk,), jnp.float32) for _ in range(nbuf)]
            + [pltpu.SemaphoreType.DMA for _ in range(2 * nbuf + depth)]
        ),
    )


def kernel(weights, indices):
    Dn, Cn = weights.shape
    Bn, _ = indices.shape
    wp = weights.reshape(Dn // SUB, SUB, Cn // LANE, LANE)
    wp = wp.transpose(0, 2, 1, 3).reshape(-1)
    ip = indices.reshape(Bn // SUB, SUB, Dn // LANE, LANE)
    ip = ip.transpose(0, 2, 1, 3).reshape(-1)
    out_phys = _make_gather(Dn, Cn, Bn)(wp, ip)
    out = out_phys.reshape(Bn // SUB, Dn // LANE, SUB, LANE)
    out = out.transpose(0, 2, 1, 3).reshape(Bn, Dn)
    return out

# --- scband reference (transcript-rebuilt; emitter-appended) ---
"""Pipeline reference for scband-lutlayer-basic-59072980189511 (READ-ONLY COPY).

The authoritative reference and input builder live on the scoring server;
editing this copy changes nothing except your own understanding.
"""

import jax, jax.numpy as jnp
import numpy as np

N_DETECTORS = 1024
N_ANCHORS_PER_DETECTOR = 16
SEQUENCE_LENGTH = 1
# n_lut_channels = 1 << n_anchors_per_detector * (2 if seq_len > 1 else 1)
N_CHANNELS = 1 << (N_ANCHORS_PER_DETECTOR * (2 if SEQUENCE_LENGTH > 1 else 1))
BATCH = 4096
MIN_WEIGHT = 0.0
MAX_WEIGHT = 1.0


def setup_inputs(seed: int = 0) -> dict:
    key = jax.random.key(seed)
    k_w, k_idx = jax.random.split(key)
    # Learned LUT synapse weights, one table row per detector, one scalar weight per channel.
    # SynapseMeta: initial_weight=0.0 with small initial noise, clamped to [min_weight, max_weight].
    weights = jnp.clip(
        jax.random.uniform(k_w, (N_DETECTORS, N_CHANNELS), dtype=jnp.float32, minval=0.0, maxval=0.1),
        MIN_WEIGHT,
        MAX_WEIGHT,
    )
    # Per-sample, per-detector LUT channel indices (computed upstream from anchor bit patterns).
    indices = jax.random.randint(k_idx, (BATCH, N_DETECTORS), 0, N_CHANNELS, dtype=jnp.int32)
    return {"weights": weights, "indices": indices}


def reference(weights, indices):
    # Forward: each detector looks up its scalar synapse weight at the channel
    # selected by the input bit-pattern index: out[b, d] = weights[d, indices[b, d]].
    det = jnp.arange(N_DETECTORS, dtype=jnp.int32)[None, :]  # [1, D]
    out = weights[det, indices]  # gather -> [B, D]
    return out

if __name__ == "__main__":
    import jax
    _d = setup_inputs()
    print(jax.jit(kernel)(*tuple(_d.values())))

</pallas_src>

<mosaic_0001>
#map = affine_map<(d0, d1) -> (0)>
module attributes {stable_mosaic.version = 14 : i64} {
  func.func @body(%arg0: i32, %arg1: i32, %arg2: memref<67108864xf32, #tpu.memory_space<hbm>>, %arg3: memref<4194304xi32, #tpu.memory_space<hbm>>, %arg4: memref<4194304xf32, #tpu.memory_space<hbm>>, %arg5: memref<8192xi32, #tpu.memory_space<vmem>>, %arg6: memref<8192xi32, #tpu.memory_space<vmem>>, %arg7: memref<8192xi32, #tpu.memory_space<vmem>>, %arg8: memref<8192xi32, #tpu.memory_space<vmem>>, %arg9: memref<8192xi32, #tpu.memory_space<vmem>>, %arg10: memref<8192xi32, #tpu.memory_space<vmem>>, %arg11: memref<8192xf32, #tpu.memory_space<vmem>>, %arg12: memref<8192xf32, #tpu.memory_space<vmem>>, %arg13: memref<8192xf32, #tpu.memory_space<vmem>>, %arg14: memref<8192xf32, #tpu.memory_space<vmem>>, %arg15: memref<8192xf32, #tpu.memory_space<vmem>>, %arg16: memref<8192xf32, #tpu.memory_space<vmem>>, %arg17: memref<!tpu.dma_semaphore, #tpu.memory_space<semaphore_mem>>, %arg18: memref<!tpu.dma_semaphore, #tpu.memory_space<semaphore_mem>>, %arg19: memref<!tpu.dma_semaphore, #tpu.memory_space<semaphore_mem>>, %arg20: memref<!tpu.dma_semaphore, #tpu.memory_space<semaphore_mem>>, %arg21: memref<!tpu.dma_semaphore, #tpu.memory_space<semaphore_mem>>, %arg22: memref<!tpu.dma_semaphore, #tpu.memory_space<semaphore_mem>>, %arg23: memref<!tpu.dma_semaphore, #tpu.memory_space<semaphore_mem>>, %arg24: memref<!tpu.dma_semaphore, #tpu.memory_space<semaphore_mem>>, %arg25: memref<!tpu.dma_semaphore, #tpu.memory_space<semaphore_mem>>, %arg26: memref<!tpu.dma_semaphore, #tpu.memory_space<semaphore_mem>>, %arg27: memref<!tpu.dma_semaphore, #tpu.memory_space<semaphore_mem>>, %arg28: memref<!tpu.dma_semaphore, #tpu.memory_space<semaphore_mem>>, %arg29: memref<!tpu.dma_semaphore, #tpu.memory_space<semaphore_mem>>, %arg30: memref<!tpu.dma_semaphore, #tpu.memory_space<semaphore_mem>>, %arg31: memref<!tpu.dma_semaphore, #tpu.memory_space<semaphore_mem>>, %arg32: memref<!tpu.dma_semaphore, #tpu.memory_space<semaphore_mem>>) attributes {dimension_semantics = [#tpu.dimension_semantics<core_parallel>, #tpu.dimension_semantics<subcore_parallel>], iteration_bounds = array<i64: 2, 16>, scalar_prefetch = 0 : i64, scratch_operands = 28 : i64, tpu.core_type = #tpu.core_type<sc_vector_subcore>, window_params = [{transform_indices = #map}, {transform_indices = #map}, {transform_indices = #map}]} {
    %mul3A = arith.constant 2 : i32
    %mul3A_0 = arith.muli %arg1, %mul3A : i32
    %add3A = arith.addi %mul3A_0, %arg0 : i32
    %mul3A_1 = arith.constant 131072 : i32
    %mul3A_2 = arith.muli %add3A, %mul3A_1 : i32
    %iota3A = tpu.iota {dimensions = array<i32: 0>} : vector<16xi32>
    %shift_right_arithmetic3A = arith.constant 3 : i32
    %shift_right_arithmetic3A_3 = vector.broadcast %shift_right_arithmetic3A : i32 to vector<16xi32>
    %shift_right_arithmetic3A_4 = arith.shrsi %iota3A, %shift_right_arithmetic3A_3 : vector<16xi32>
    %mul3A_5 = arith.constant 524288 : i32
    %mul3A_6 = vector.broadcast %mul3A_5 : i32 to vector<16xi32>
    %mul3A_7 = arith.muli %shift_right_arithmetic3A_4, %mul3A_6 : vector<16xi32>
    %and3A = arith.constant 7 : i32
    %and3A_8 = vector.broadcast %and3A : i32 to vector<16xi32>
    %and3A_9 = arith.andi %iota3A, %and3A_8 : vector<16xi32>
    %mul3A_10 = arith.constant 128 : i32
    %mul3A_11 = vector.broadcast %mul3A_10 : i32 to vector<16xi32>
    %mul3A_12 = arith.muli %and3A_9, %mul3A_11 : vector<16xi32>
    %add3A_13 = arith.addi %mul3A_7, %mul3A_12 : vector<16xi32>
    %add3A_14 = arith.constant 0 : i32
    %add3A_15 = arith.addi %mul3A_2, %add3A_14 : i32
    %dma_start3A = tpu.memref_slice %arg3[%add3A_15] : memref<4194304xi32, #tpu.memory_space<hbm>> -> memref<8192xi32, #tpu.memory_space<hbm>>
    %dma_start3A_16 = tpu.memref_slice %arg3[%add3A_15] : memref<4194304xi32, #tpu.memory_space<hbm>> -> memref<8192xi32, #tpu.memory_space<hbm>>
    tpu.enqueue_dma source(%dma_start3A_16 : memref<8192xi32, #tpu.memory_space<hbm>>) target(%arg5 : memref<8192xi32, #tpu.memory_space<vmem>>) target_semaphore(%arg17 : memref<!tpu.dma_semaphore, #tpu.memory_space<semaphore_mem>>)
    %add3A_17 = arith.constant 8192 : i32
    %add3A_18 = arith.addi %mul3A_2, %add3A_17 : i32
    %dma_start3A_19 = tpu.memref_slice %arg3[%add3A_18] : memref<4194304xi32, #tpu.memory_space<hbm>> -> memref<8192xi32, #tpu.memory_space<hbm>>
    %dma_start3A_20 = tpu.memref_slice %arg3[%add3A_18] : memref<4194304xi32, #tpu.memory_space<hbm>> -> memref<8192xi32, #tpu.memory_space<hbm>>
    tpu.enqueue_dma source(%dma_start3A_20 : memref<8192xi32, #tpu.memory_space<hbm>>) target(%arg6 : memref<8192xi32, #tpu.memory_space<vmem>>) target_semaphore(%arg18 : memref<!tpu.dma_semaphore, #tpu.memory_space<semaphore_mem>>)
    %add3A_21 = arith.constant 16384 : i32
    %add3A_22 = arith.addi %mul3A_2, %add3A_21 : i32
    %dma_start3A_23 = tpu.memref_slice %arg3[%add3A_22] : memref<4194304xi32, #tpu.memory_space<hbm>> -> memref<8192xi32, #tpu.memory_space<hbm>>
    %dma_start3A_24 = tpu.memref_slice %arg3[%add3A_22] : memref<4194304xi32, #tpu.memory_space<hbm>> -> memref<8192xi32, #tpu.memory_space<hbm>>
    tpu.enqueue_dma source(%dma_start3A_24 : memref<8192xi32, #tpu.memory_space<hbm>>) target(%arg7 : memref<8192xi32, #tpu.memory_space<vmem>>) target_semaphore(%arg19 : memref<!tpu.dma_semaphore, #tpu.memory_space<semaphore_mem>>)
    %add3A_25 = arith.constant 24576 : i32
    %add3A_26 = arith.addi %mul3A_2, %add3A_25 : i32
    %dma_start3A_27 = tpu.memref_slice %arg3[%add3A_26] : memref<4194304xi32, #tpu.memory_space<hbm>> -> memref<8192xi32, #tpu.memory_space<hbm>>
    %dma_start3A_28 = tpu.memref_slice %arg3[%add3A_26] : memref<4194304xi32, #tpu.memory_space<hbm>> -> memref<8192xi32, #tpu.memory_space<hbm>>
    tpu.enqueue_dma source(%dma_start3A_28 : memref<8192xi32, #tpu.memory_space<hbm>>) target(%arg8 : memref<8192xi32, #tpu.memory_space<vmem>>) target_semaphore(%arg20 : memref<!tpu.dma_semaphore, #tpu.memory_space<semaphore_mem>>)
    %add3A_29 = arith.constant 32768 : i32
    %add3A_30 = arith.addi %mul3A_2, %add3A_29 : i32
    %dma_start3A_31 = tpu.memref_slice %arg3[%add3A_30] : memref<4194304xi32, #tpu.memory_space<hbm>> -> memref<8192xi32, #tpu.memory_space<hbm>>
    %dma_start3A_32 = tpu.memref_slice %arg3[%add3A_30] : memref<4194304xi32, #tpu.memory_space<hbm>> -> memref<8192xi32, #tpu.memory_space<hbm>>
    tpu.enqueue_dma source(%dma_start3A_32 : memref<8192xi32, #tpu.memory_space<hbm>>) target(%arg9 : memref<8192xi32, #tpu.memory_space<vmem>>) target_semaphore(%arg21 : memref<!tpu.dma_semaphore, #tpu.memory_space<semaphore_mem>>)
    %add3A_33 = arith.constant 0 : i32
    %add3A_34 = arith.addi %mul3A_2, %add3A_33 : i32
    %dma_wait3A = tpu.memref_slice %arg3[%add3A_34] : memref<4194304xi32, #tpu.memory_space<hbm>> -> memref<8192xi32, #tpu.memory_space<hbm>>
    %dma_wait3A_35 = tpu.memref_slice %arg3[%add3A_34] : memref<4194304xi32, #tpu.memory_space<hbm>> -> memref<8192xi32, #tpu.memory_space<hbm>>
    tpu.wait_dma2 semaphore(%arg17 : memref<!tpu.dma_semaphore, #tpu.memory_space<semaphore_mem>>) src(%dma_wait3A_35 : memref<8192xi32, #tpu.memory_space<hbm>>) dst(%arg5 : memref<8192xi32, #tpu.memory_space<vmem>>)
    %scan3A = arith.constant 0 : i32
    %scan3A_36 = arith.constant 512 : i32
    %scan3A_37 = arith.addi %scan3A, %scan3A_36 : i32
    %scan3A_38 = arith.constant 8 : i32
    scf.for %scan3A_411 = %scan3A to %scan3A_37 step %scan3A_38  : i32 {
      %mul3A_412 = arith.constant 16 : i32
      %mul3A_413 = arith.muli %scan3A_411, %mul3A_412 : i32
      %and3A_414 = arith.constant 8191 : i32
      %and3A_415 = arith.andi %mul3A_413, %and3A_414 : i32
      %shift_right_arithmetic3A_416 = arith.constant 10 : i32
      %shift_right_arithmetic3A_417 = arith.shrsi %and3A_415, %shift_right_arithmetic3A_416 : i32
      %shift_left3A = arith.constant 7 : i32
      %shift_left3A_418 = arith.shli %shift_right_arithmetic3A_417, %shift_left3A : i32
      %and3A_419 = arith.constant 127 : i32
      %and3A_420 = arith.andi %and3A_415, %and3A_419 : i32
      %add3A_421 = arith.addi %shift_left3A_418, %and3A_420 : i32
      %get3A = arith.index_cast %mul3A_413 : i32 to index
      %get3A_422 = tpu.vector_load %arg5[%get3A] {strides = array<i32>} : memref<8192xi32, #tpu.memory_space<vmem>>, vector<16xi32>,
      %get3A_423 = vector.shape_cast %get3A_422 : vector<16xi32> to vector<16xi32>
      %shift_right_arithmetic3A_424 = arith.constant 7 : i32
      %shift_right_arithmetic3A_425 = vector.broadcast %shift_right_arithmetic3A_424 : i32 to vector<16xi32>
      %shift_right_arithmetic3A_426 = arith.shrsi %get3A_423, %shift_right_arithmetic3A_425 : vector<16xi32>
      %mul3A_427 = arith.constant 896 : i32
      %mul3A_428 = vector.broadcast %mul3A_427 : i32 to vector<16xi32>
      %mul3A_429 = arith.muli %shift_right_arithmetic3A_426, %mul3A_428 : vector<16xi32>
      %add3A_430 = arith.addi %get3A_423, %mul3A_429 : vector<16xi32>
      %shift_right_arithmetic3A_431 = arith.constant 3 : i32
      %shift_right_arithmetic3A_432 = arith.shrsi %add3A_421, %shift_right_arithmetic3A_431 : i32
      %mul3A_433 = arith.constant 524288 : i32
      %mul3A_434 = arith.muli %shift_right_arithmetic3A_432, %mul3A_433 : i32
      %add3A_435 = vector.broadcast %mul3A_434 : i32 to vector<16xi32>
      %add3A_436 = arith.addi %add3A_435, %add3A_13 : vector<16xi32>
      %add3A_437 = arith.addi %add3A_430, %add3A_436 : vector<16xi32>
      %swap3A = arith.index_cast %mul3A_413 : i32 to index
      %swap3A_438 = tpu.vector_load %arg5[%swap3A] {strides = array<i32>} : memref<8192xi32, #tpu.memory_space<vmem>>, vector<16xi32>,
      %swap3A_439 = vector.shape_cast %swap3A_438 : vector<16xi32> to vector<16xi32>
      %swap3A_440 = vector.shape_cast %add3A_437 : vector<16xi32> to vector<16xi32>
      tpu.vector_store %arg5[%swap3A], %swap3A_440 {strides = array<i32>} : memref<8192xi32, #tpu.memory_space<vmem>>, vector<16xi32>,
      %scan3A_441 = arith.constant 1 : i32
      %scan3A_442 = arith.addi %scan3A_411, %scan3A_441 : i32
      %mul3A_443 = arith.constant 16 : i32
      %mul3A_444 = arith.muli %scan3A_442, %mul3A_443 : i32
      %and3A_445 = arith.constant 8191 : i32
      %and3A_446 = arith.andi %mul3A_444, %and3A_445 : i32
      %shift_right_arithmetic3A_447 = arith.constant 10 : i32
      %shift_right_arithmetic3A_448 = arith.shrsi %and3A_446, %shift_right_arithmetic3A_447 : i32
      %shift_left3A_449 = arith.constant 7 : i32
      %shift_left3A_450 = arith.shli %shift_right_arithmetic3A_448, %shift_left3A_449 : i32
      %and3A_451 = arith.constant 127 : i32
      %and3A_452 = arith.andi %and3A_446, %and3A_451 : i32
      %add3A_453 = arith.addi %shift_left3A_450, %and3A_452 : i32
      %get3A_454 = arith.index_cast %mul3A_444 : i32 to index
      %get3A_455 = tpu.vector_load %arg5[%get3A_454] {strides = array<i32>} : memref<8192xi32, #tpu.memory_space<vmem>>, vector<16xi32>,
      %get3A_456 = vector.shape_cast %get3A_455 : vector<16xi32> to vector<16xi32>
      %shift_right_arithmetic3A_457 = arith.constant 7 : i32
      %shift_right_arithmetic3A_458 = vector.broadcast %shift_right_arithmetic3A_457 : i32 to vector<16xi32>
      %shift_right_arithmetic3A_459 = arith.shrsi %get3A_456, %shift_right_arithmetic3A_458 : vector<16xi32>
      %mul3A_460 = arith.constant 896 : i32
      %mul3A_461 = vector.broadcast %mul3A_460 : i32 to vector<16xi32>
      %mul3A_462 = arith.muli %shift_right_arithmetic3A_459, %mul3A_461 : vector<16xi32>
      %add3A_463 = arith.addi %get3A_456, %mul3A_462 : vector<16xi32>
      %shift_right_arithmetic3A_464 = arith.constant 3 : i32
      %shift_right_arithmetic3A_465 = arith.shrsi %add3A_453, %shift_right_arithmetic3A_464 : i32
      %mul3A_466 = arith.constant 524288 : i32
      %mul3A_467 = arith.muli %shift_right_arithmetic3A_465, %mul3A_466 : i32
      %add3A_468 = vector.broadcast %mul3A_467 : i32 to vector<16xi32>
      %add3A_469 = arith.addi %add3A_468, %add3A_13 : vector<16xi32>
      %add3A_470 = arith.addi %add3A_463, %add3A_469 : vector<16xi32>
      %swap3A_471 = arith.index_cast %mul3A_444 : i32 to index
      %swap3A_472 = tpu.vector_load %arg5[%swap3A_471] {strides = array<i32>} : memref<8192xi32, #tpu.memory_space<vmem>>, vector<16xi32>,
      %swap3A_473 = vector.shape_cast %swap3A_472 : vector<16xi32> to vector<16xi32>
      %swap3A_474 = vector.shape_cast %add3A_470 : vector<16xi32> to vector<16xi32>
      tpu.vector_store %arg5[%swap3A_471], %swap3A_474 {strides = array<i32>} : memref<8192xi32, #tpu.memory_space<vmem>>, vector<16xi32>,
      %scan3A_475 = arith.constant 2 : i32
      %scan3A_476 = arith.addi %scan3A_411, %scan3A_475 : i32
      %mul3A_477 = arith.constant 16 : i32
      %mul3A_478 = arith.muli %scan3A_476, %mul3A_477 : i32
      %and3A_479 = arith.constant 8191 : i32
      %and3A_480 = arith.andi %mul3A_478, %and3A_479 : i32
      %shift_right_arithmetic3A_481 = arith.constant 10 : i32
      %shift_right_arithmetic3A_482 = arith.shrsi %and3A_480, %shift_right_arithmetic3A_481 : i32
      %shift_left3A_483 = arith.constant 7 : i32
      %shift_left3A_484 = arith.shli %shift_right_arithmetic3A_482, %shift_left3A_483 : i32
      %and3A_485 = arith.constant 127 : i32
      %and3A_486 = arith.andi %and3A_480, %and3A_485 : i32
      %add3A_487 = arith.addi %shift_left3A_484, %and3A_486 : i32
      %get3A_488 = arith.index_cast %mul3A_478 : i32 to index
      %get3A_489 = tpu.vector_load %arg5[%get3A_488] {strides = array<i32>} : memref<8192xi32, #tpu.memory_space<vmem>>, vector<16xi32>,
      %get3A_490 = vector.shape_cast %get3A_489 : vector<16xi32> to vector<16xi32>
      %shift_right_arithmetic3A_491 = arith.constant 7 : i32
      %shift_right_arithmetic3A_492 = vector.broadcast %shift_right_arithmetic3A_491 : i32 to vector<16xi32>
      %shift_right_arithmetic3A_493 = arith.shrsi %get3A_490, %shift_right_arithmetic3A_492 : vector<16xi32>
      %mul3A_494 = arith.constant 896 : i32
      %mul3A_495 = vector.broadcast %mul3A_494 : i32 to vector<16xi32>
      %mul3A_496 = arith.muli %shift_right_arithmetic3A_493, %mul3A_495 : vector<16xi32>
      %add3A_497 = arith.addi %get3A_490, %mul3A_496 : vector<16xi32>
      %shift_right_arithmetic3A_498 = arith.constant 3 : i32
      %shift_right_arithmetic3A_499 = arith.shrsi %add3A_487, %shift_right_arithmetic3A_498 : i32
      %mul3A_500 = arith.constant 524288 : i32
      %mul3A_501 = arith.muli %shift_right_arithmetic3A_499, %mul3A_500 : i32
      %add3A_502 = vector.broadcast %mul3A_501 : i32 to vector<16xi32>
      %add3A_503 = arith.addi %add3A_502, %add3A_13 : vector<16xi32>
      %add3A_504 = arith.addi %add3A_497, %add3A_503 : vector<16xi32>
      %swap3A_505 = arith.index_cast %mul3A_478 : i32 to index
      %swap3A_506 = tpu.vector_load %arg5[%swap3A_505] {strides = array<i32>} : memref<8192xi32, #tpu.memory_space<vmem>>, vector<16xi32>,
      %swap3A_507 = vector.shape_cast %swap3A_506 : vector<16xi32> to vector<16xi32>
      %swap3A_508 = vector.shape_cast %add3A_504 : vector<16xi32> to vector<16xi32>
      tpu.vector_store %arg5[%swap3A_505], %swap3A_508 {strides = array<i32>} : memref<8192xi32, #tpu.memory_space<vmem>>, vector<16xi32>,
      %scan3A_509 = arith.constant 3 : i32
      %scan3A_510 = arith.addi %scan3A_411, %scan3A_509 : i32
      %mul3A_511 = arith.constant 16 : i32
      %mul3A_512 = arith.muli %scan3A_510, %mul3A_511 : i32
      %and3A_513 = arith.constant 8191 : i32
      %and3A_514 = arith.andi %mul3A_512, %and3A_513 : i32
      %shift_right_arithmetic3A_515 = arith.constant 10 : i32
      %shift_right_arithmetic3A_516 = arith.shrsi %and3A_514, %shift_right_arithmetic3A_515 : i32
      %shift_left3A_517 = arith.constant 7 : i32
      %shift_left3A_518 = arith.shli %shift_right_arithmetic3A_516, %shift_left3A_517 : i32
      %and3A_519 = arith.constant 127 : i32
      %and3A_520 = arith.andi %and3A_514, %and3A_519 : i32
      %add3A_521 = arith.addi %shift_left3A_518, %and3A_520 : i32
      %get3A_522 = arith.index_cast %mul3A_512 : i32 to index
      %get3A_523 = tpu.vector_load %arg5[%get3A_522] {strides = array<i32>} : memref<8192xi32, #tpu.memory_space<vmem>>, vector<16xi32>,
      %get3A_524 = vector.shape_cast %get3A_523 : vector<16xi32> to vector<16xi32>
      %shift_right_arithmetic3A_525 = arith.constant 7 : i32
      %shift_right_arithmetic3A_526 = vector.broadcast %shift_right_arithmetic3A_525 : i32 to vector<16xi32>
      %shift_right_arithmetic3A_527 = arith.shrsi %get3A_524, %shift_right_arithmetic3A_526 : vector<16xi32>
      %mul3A_528 = arith.constant 896 : i32
      %mul3A_529 = vector.broadcast %mul3A_528 : i32 to vector<16xi32>
      %mul3A_530 = arith.muli %shift_right_arithmetic3A_527, %mul3A_529 : vector<16xi32>
      %add3A_531 = arith.addi %get3A_524, %mul3A_530 : vector<16xi32>
      %shift_right_arithmetic3A_532 = arith.constant 3 : i32
      %shift_right_arithmetic3A_533 = arith.shrsi %add3A_521, %shift_right_arithmetic3A_532 : i32
      %mul3A_534 = arith.constant 524288 : i32
      %mul3A_535 = arith.muli %shift_right_arithmetic3A_533, %mul3A_534 : i32
      %add3A_536 = vector.broadcast %mul3A_535 : i32 to vector<16xi32>
      %add3A_537 = arith.addi %add3A_536, %add3A_13 : vector<16xi32>
      %add3A_538 = arith.addi %add3A_531, %add3A_537 : vector<16xi32>
      %swap3A_539 = arith.index_cast %mul3A_512 : i32 to index
      %swap3A_540 = tpu.vector_load %arg5[%swap3A_539] {strides = array<i32>} : memref<8192xi32, #tpu.memory_space<vmem>>, vector<16xi32>,
      %swap3A_541 = vector.shape_cast %swap3A_540 : vector<16xi32> to vector<16xi32>
      %swap3A_542 = vector.shape_cast %add3A_538 : vector<16xi32> to vector<16xi32>
      tpu.vector_store %arg5[%swap3A_539], %swap3A_542 {strides = array<i32>} : memref<8192xi32, #tpu.memory_space<vmem>>, vector<16xi32>,
      %scan3A_543 = arith.constant 4 : i32
      %scan3A_544 = arith.addi %scan3A_411, %scan3A_543 : i32
      %mul3A_545 = arith.constant 16 : i32
      %mul3A_546 = arith.muli %scan3A_544, %mul3A_545 : i32
      %and3A_547 = arith.constant 8191 : i32
      %and3A_548 = arith.andi %mul3A_546, %and3A_547 : i32
      %shift_right_arithmetic3A_549 = arith.constant 10 : i32
      %shift_right_arithmetic3A_550 = arith.shrsi %and3A_548, %shift_right_arithmetic3A_549 : i32
      %shift_left3A_551 = arith.constant 7 : i32
      %shift_left3A_552 = arith.shli %shift_right_arithmetic3A_550, %shift_left3A_551 : i32
      %and3A_553 = arith.constant 127 : i32
      %and3A_554 = arith.andi %and3A_548, %and3A_553 : i32
      %add3A_555 = arith.addi %shift_left3A_552, %and3A_554 : i32
      %get3A_556 = arith.index_cast %mul3A_546 : i32 to index
      %get3A_557 = tpu.vector_load %arg5[%get3A_556] {strides = array<i32>} : memref<8192xi32, #tpu.memory_space<vmem>>, vector<16xi32>,
      %get3A_558 = vector.shape_cast %get3A_557 : vector<16xi32> to vector<16xi32>
      %shift_right_arithmetic3A_559 = arith.constant 7 : i32
      %shift_right_arithmetic3A_560 = vector.broadcast %shift_right_arithmetic3A_559 : i32 to vector<16xi32>
      %shift_right_arithmetic3A_561 = arith.shrsi %get3A_558, %shift_right_arithmetic3A_560 : vector<16xi32>
      %mul3A_562 = arith.constant 896 : i32
      %mul3A_563 = vector.broadcast %mul3A_562 : i32 to vector<16xi32>
      %mul3A_564 = arith.muli %shift_right_arithmetic3A_561, %mul3A_563 : vector<16xi32>
      %add3A_565 = arith.addi %get3A_558, %mul3A_564 : vector<16xi32>
      %shift_right_arithmetic3A_566 = arith.constant 3 : i32
      %shift_right_arithmetic3A_567 = arith.shrsi %add3A_555, %shift_right_arithmetic3A_566 : i32
      %mul3A_568 = arith.constant 524288 : i32
      %mul3A_569 = arith.muli %shift_right_arithmetic3A_567, %mul3A_568 : i32
      %add3A_570 = vector.broadcast %mul3A_569 : i32 to vector<16xi32>
      %add3A_571 = arith.addi %add3A_570, %add3A_13 : vector<16xi32>
      %add3A_572 = arith.addi %add3A_565, %add3A_571 : vector<16xi32>
      %swap3A_573 = arith.index_cast %mul3A_546 : i32 to index
      %swap3A_574 = tpu.vector_load %arg5[%swap3A_573] {strides = array<i32>} : memref<8192xi32, #tpu.memory_space<vmem>>, vector<16xi32>,
      %swap3A_575 = vector.shape_cast %swap3A_574 : vector<16xi32> to vector<16xi32>
      %swap3A_576 = vector.shape_cast %add3A_572 : vector<16xi32> to vector<16xi32>
      tpu.vector_store %arg5[%swap3A_573], %swap3A_576 {strides = array<i32>} : memref<8192xi32, #tpu.memory_space<vmem>>, vector<16xi32>,
      %scan3A_577 = arith.constant 5 : i32
      %scan3A_578 = arith.addi %scan3A_411, %scan3A_577 : i32
      %mul3A_579 = arith.constant 16 : i32
      %mul3A_580 = arith.muli %scan3A_578, %mul3A_579 : i32
      %and3A_581 = arith.constant 8191 : i32
      %and3A_582 = arith.andi %mul3A_580, %and3A_581 : i32
      %shift_right_arithmetic3A_583 = arith.constant 10 : i32
      %shift_right_arithmetic3A_584 = arith.shrsi %and3A_582, %shift_right_arithmetic3A_583 : i32
      %shift_left3A_585 = arith.constant 7 : i32
      %shift_left3A_586 = arith.shli %shift_right_arithmetic3A_584, %shift_left3A_585 : i32
      %and3A_587 = arith.constant 127 : i32
      %and3A_588 = arith.andi %and3A_582, %and3A_587 : i32
      %add3A_589 = arith.addi %shift_left3A_586, %and3A_588 : i32
      %get3A_590 = arith.index_cast %mul3A_580 : i32 to index
      %get3A_591 = tpu.vector_load %arg5[%get3A_590] {strides = array<i32>} : memref<8192xi32, #tpu.memory_space<vmem>>, vector<16xi32>,
      %get3A_592 = vector.shape_cast %get3A_591 : vector<16xi32> to vector<16xi32>
      %shift_right_arithmetic3A_593 = arith.constant 7 : i32
      %shift_right_arithmetic3A_594 = vector.broadcast %shift_right_arithmetic3A_593 : i32 to vector<16xi32>
      %shift_right_arithmetic3A_595 = arith.shrsi %get3A_592, %shift_right_arithmetic3A_594 : vector<16xi32>
      %mul3A_596 = arith.constant 896 : i32
      %mul3A_597 = vector.broadcast %mul3A_596 : i32 to vector<16xi32>
      %mul3A_598 = arith.muli %shift_right_arithmetic3A_595, %mul3A_597 : vector<16xi32>
      %add3A_599 = arith.addi %get3A_592, %mul3A_598 : vector<16xi32>
      %shift_right_arithmetic3A_600 = arith.constant 3 : i32
      %shift_right_arithmetic3A_601 = arith.shrsi %add3A_589, %shift_right_arithmetic3A_600 : i32
      %mul3A_602 = arith.constant 524288 : i32
      %mul3A_603 = arith.muli %shift_right_arithmetic3A_601, %mul3A_602 : i32
      %add3A_604 = vector.broadcast %mul3A_603 : i32 to vector<16xi32>
      %add3A_605 = arith.addi %add3A_604, %add3A_13 : vector<16xi32>
      %add3A_606 = arith.addi %add3A_599, %add3A_605 : vector<16xi32>
      %swap3A_607 = arith.index_cast %mul3A_580 : i32 to index
      %swap3A_608 = tpu.vector_load %arg5[%swap3A_607] {strides = array<i32>} : memref<8192xi32, #tpu.memory_space<vmem>>, vector<16xi32>,
      %swap3A_609 = vector.shape_cast %swap3A_608 : vector<16xi32> to vector<16xi32>
      %swap3A_610 = vector.shape_cast %add3A_606 : vector<16xi32> to vector<16xi32>
      tpu.vector_store %arg5[%swap3A_607], %swap3A_610 {strides = array<i32>} : memref<8192xi32, #tpu.memory_space<vmem>>, vector<16xi32>,
      %scan3A_611 = arith.constant 6 : i32
      %scan3A_612 = arith.addi %scan3A_411, %scan3A_611 : i32
      %mul3A_613 = arith.constant 16 : i32
      %mul3A_614 = arith.muli %scan3A_612, %mul3A_613 : i32
      %and3A_615 = arith.constant 8191 : i32
      %and3A_616 = arith.andi %mul3A_614, %and3A_615 : i32
      %shift_right_arithmetic3A_617 = arith.constant 10 : i32
      %shift_right_arithmetic3A_618 = arith.shrsi %and3A_616, %shift_right_arithmetic3A_617 : i32
      %shift_left3A_619 = arith.constant 7 : i32
      %shift_left3A_620 = arith.shli %shift_right_arithmetic3A_618, %shift_left3A_619 : i32
      %and3A_621 = arith.constant 127 : i32
      %and3A_622 = arith.andi %and3A_616, %and3A_621 : i32
      %add3A_623 = arith.addi %shift_left3A_620, %and3A_622 : i32
      %get3A_624 = arith.index_cast %mul3A_614 : i32 to index
      %get3A_625 = tpu.vector_load %arg5[%get3A_624] {strides = array<i32>} : memref<8192xi32, #tpu.memory_space<vmem>>, vector<16xi32>,
      %get3A_626 = vector.shape_cast %get3A_625 : vector<16xi32> to vector<16xi32>
      %shift_right_arithmetic3A_627 = arith.constant 7 : i32
      %shift_right_arithmetic3A_628 = vector.broadcast %shift_right_arithmetic3A_627 : i32 to vector<16xi32>
      %shift_right_arithmetic3A_629 = arith.shrsi %get3A_626, %shift_right_arithmetic3A_628 : vector<16xi32>
      %mul3A_630 = arith.constant 896 : i32
      %mul3A_631 = vector.broadcast %mul3A_630 : i32 to vector<16xi32>
      %mul3A_632 = arith.muli %shift_right_arithmetic3A_629, %mul3A_631 : vector<16xi32>
      %add3A_633 = arith.addi %get3A_626, %mul3A_632 : vector<16xi32>
      %shift_right_arithmetic3A_634 = arith.constant 3 : i32
      %shift_right_arithmetic3A_635 = arith.shrsi %add3A_623, %shift_right_arithmetic3A_634 : i32
      %mul3A_636 = arith.constant 524288 : i32
      %mul3A_637 = arith.muli %shift_right_arithmetic3A_635, %mul3A_636 : i32
      %add3A_638 = vector.broadcast %mul3A_637 : i32 to vector<16xi32>
      %add3A_639 = arith.addi %add3A_638, %add3A_13 : vector<16xi32>
      %add3A_640 = arith.addi %add3A_633, %add3A_639 : vector<16xi32>
      %swap3A_641 = arith.index_cast %mul3A_614 : i32 to index
      %swap3A_642 = tpu.vector_load %arg5[%swap3A_641] {strides = array<i32>} : memref<8192xi32, #tpu.memory_space<vmem>>, vector<16xi32>,
      %swap3A_643 = vector.shape_cast %swap3A_642 : vector<16xi32> to vector<16xi32>
      %swap3A_644 = vector.shape_cast %add3A_640 : vector<16xi32> to vector<16xi32>
      tpu.vector_store %arg5[%swap3A_641], %swap3A_644 {strides = array<i32>} : memref<8192xi32, #tpu.memory_space<vmem>>, vector<16xi32>,
      %scan3A_645 = arith.constant 7 : i32
      %scan3A_646 = arith.addi %scan3A_411, %scan3A_645 : i32
      %mul3A_647 = arith.constant 16 : i32
      %mul3A_648 = arith.muli %scan3A_646, %mul3A_647 : i32
      %and3A_649 = arith.constant 8191 : i32
      %and3A_650 = arith.andi %mul3A_648, %and3A_649 : i32
      %shift_right_arithmetic3A_651 = arith.constant 10 : i32
      %shift_right_arithmetic3A_652 = arith.shrsi %and3A_650, %shift_right_arithmetic3A_651 : i32
      %shift_left3A_653 = arith.constant 7 : i32
      %shift_left3A_654 = arith.shli %shift_right_arithmetic3A_652, %shift_left3A_653 : i32
      %and3A_655 = arith.constant 127 : i32
      %and3A_656 = arith.andi %and3A_650, %and3A_655 : i32
      %add3A_657 = arith.addi %shift_left3A_654, %and3A_656 : i32
      %get3A_658 = arith.index_cast %mul3A_648 : i32 to index
      %get3A_659 = tpu.vector_load %arg5[%get3A_658] {strides = array<i32>} : memref<8192xi32, #tpu.memory_space<vmem>>, vector<16xi32>,
      %get3A_660 = vector.shape_cast %get3A_659 : vector<16xi32> to vector<16xi32>
      %shift_right_arithmetic3A_661 = arith.constant 7 : i32
      %shift_right_arithmetic3A_662 = vector.broadcast %shift_right_arithmetic3A_661 : i32 to vector<16xi32>
      %shift_right_arithmetic3A_663 = arith.shrsi %get3A_660, %shift_right_arithmetic3A_662 : vector<16xi32>
      %mul3A_664 = arith.constant 896 : i32
      %mul3A_665 = vector.broadcast %mul3A_664 : i32 to vector<16xi32>
      %mul3A_666 = arith.muli %shift_right_arithmetic3A_663, %mul3A_665 : vector<16xi32>
      %add3A_667 = arith.addi %get3A_660, %mul3A_666 : vector<16xi32>
      %shift_right_arithmetic3A_668 = arith.constant 3 : i32
      %shift_right_arithmetic3A_669 = arith.shrsi %add3A_657, %shift_right_arithmetic3A_668 : i32
      %mul3A_670 = arith.constant 524288 : i32
      %mul3A_671 = arith.muli %shift_right_arithmetic3A_669, %mul3A_670 : i32
      %add3A_672 = vector.broadcast %mul3A_671 : i32 to vector<16xi32>
      %add3A_673 = arith.addi %add3A_672, %add3A_13 : vector<16xi32>
      %add3A_674 = arith.addi %add3A_667, %add3A_673 : vector<16xi32>
      %swap3A_675 = arith.index_cast %mul3A_648 : i32 to index
      %swap3A_676 = tpu.vector_load %arg5[%swap3A_675] {strides = array<i32>} : memref<8192xi32, #tpu.memory_space<vmem>>, vector<16xi32>,
      %swap3A_677 = vector.shape_cast %swap3A_676 : vector<16xi32> to vector<16xi32>
      %swap3A_678 = vector.shape_cast %add3A_674 : vector<16xi32> to vector<16xi32>
      tpu.vector_store %arg5[%swap3A_675], %swap3A_678 {strides = array<i32>} : memref<8192xi32, #tpu.memory_space<vmem>>, vector<16xi32>,
    }
    %scan3A_39 = arith.constant 512 : i32
    %dma_start3A_40 = arith.constant 0 : i32
    %dma_start3A_41 = tpu.memref_slice %arg2[%dma_start3A_40] : memref<67108864xf32, #tpu.memory_space<hbm>> -> memref<67108864xf32, #tpu.memory_space<hbm>>
    tpu.enqueue_indirect_dma source(%dma_start3A_41 : memref<67108864xf32, #tpu.memory_space<hbm>>) target(%arg11 : memref<8192xf32, #tpu.memory_space<vmem>>) offsets(%arg5 : memref<8192xi32, #tpu.memory_space<vmem>>) semaphore(%arg23 : memref<!tpu.dma_semaphore, #tpu.memory_space<semaphore_mem>>)
    %add3A_42 = arith.constant 8192 : i32
    %add3A_43 = arith.addi %mul3A_2, %add3A_42 : i32
    %dma_wait3A_44 = tpu.memref_slice %arg3[%add3A_43] : memref<4194304xi32, #tpu.memory_space<hbm>> -> memref<8192xi32, #tpu.memory_space<hbm>>
    %dma_wait3A_45 = tpu.memref_slice %arg3[%add3A_43] : memref<4194304xi32, #tpu.memory_space<hbm>> -> memref<8192xi32, #tpu.memory_space<hbm>>
    tpu.wait_dma2 semaphore(%arg18 : memref<!tpu.dma_semaphore, #tpu.memory_space<semaphore_mem>>) src(%dma_wait3A_45 : memref<8192xi32, #tpu.memory_space<hbm>>) dst(%arg6 : memref<8192xi32, #tpu.memory_space<vmem>>)
    %scan3A_46 = arith.constant 0 : i32
    %scan3A_47 = arith.constant 512 : i32
    %scan3A_48 = arith.addi %scan3A_46, %scan3A_47 : i32
    %scan3A_49 = arith.constant 8 : i32
    scf.for %scan3A_411 = %scan3A_46 to %scan3A_48 step %scan3A_49  : i32 {
      %mul3A_412 = arith.constant 16 : i32
      %mul3A_413 = arith.muli %scan3A_411, %mul3A_412 : i32
      %and3A_414 = arith.constant 8191 : i32
      %and3A_415 = arith.andi %mul3A_413, %and3A_414 : i32
      %shift_right_arithmetic3A_416 = arith.constant 10 : i32
      %shift_right_arithmetic3A_417 = arith.shrsi %and3A_415, %shift_right_arithmetic3A_416 : i32
      %shift_left3A = arith.constant 7 : i32
      %shift_left3A_418 = arith.shli %shift_right_arithmetic3A_417, %shift_left3A : i32
      %and3A_419 = arith.constant 127 : i32
      %and3A_420 = arith.andi %and3A_415, %and3A_419 : i32
      %add3A_421 = arith.addi %shift_left3A_418, %and3A_420 : i32
      %get3A = arith.index_cast %mul3A_413 : i32 to index
      %get3A_422 = tpu.vector_load %arg6[%get3A] {strides = array<i32>} : memref<8192xi32, #tpu.memory_space<vmem>>, vector<16xi32>,
      %get3A_423 = vector.shape_cast %get3A_422 : vector<16xi32> to vector<16xi32>
      %shift_right_arithmetic3A_424 = arith.constant 7 : i32
      %shift_right_arithmetic3A_425 = vector.broadcast %shift_right_arithmetic3A_424 : i32 to vector<16xi32>
      %shift_right_arithmetic3A_426 = arith.shrsi %get3A_423, %shift_right_arithmetic3A_425 : vector<16xi32>
      %mul3A_427 = arith.constant 896 : i32
      %mul3A_428 = vector.broadcast %mul3A_427 : i32 to vector<16xi32>
      %mul3A_429 = arith.muli %shift_right_arithmetic3A_426, %mul3A_428 : vector<16xi32>
      %add3A_430 = arith.addi %get3A_423, %mul3A_429 : vector<16xi32>
      %shift_right_arithmetic3A_431 = arith.constant 3 : i32
      %shift_right_arithmetic3A_432 = arith.shrsi %add3A_421, %shift_right_arithmetic3A_431 : i32
      %mul3A_433 = arith.constant 524288 : i32
      %mul3A_434 = arith.muli %shift_right_arithmetic3A_432, %mul3A_433 : i32
      %add3A_435 = vector.broadcast %mul3A_434 : i32 to vector<16xi32>
      %add3A_436 = arith.addi %add3A_435, %add3A_13 : vector<16xi32>
      %add3A_437 = arith.addi %add3A_430, %add3A_436 : vector<16xi32>
      %swap3A = arith.index_cast %mul3A_413 : i32 to index
      %swap3A_438 = tpu.vector_load %arg6[%swap3A] {strides = array<i32>} : memref<8192xi32, #tpu.memory_space<vmem>>, vector<16xi32>,
      %swap3A_439 = vector.shape_cast %swap3A_438 : vector<16xi32> to vector<16xi32>
      %swap3A_440 = vector.shape_cast %add3A_437 : vector<16xi32> to vector<16xi32>
      tpu.vector_store %arg6[%swap3A], %swap3A_440 {strides = array<i32>} : memref<8192xi32, #tpu.memory_space<vmem>>, vector<16xi32>,
      %scan3A_441 = arith.constant 1 : i32
      %scan3A_442 = arith.addi %scan3A_411, %scan3A_441 : i32
      %mul3A_443 = arith.constant 16 : i32
      %mul3A_444 = arith.muli %scan3A_442, %mul3A_443 : i32
      %and3A_445 = arith.constant 8191 : i32
      %and3A_446 = arith.andi %mul3A_444, %and3A_445 : i32
      %shift_right_arithmetic3A_447 = arith.constant 10 : i32
      %shift_right_arithmetic3A_448 = arith.shrsi %and3A_446, %shift_right_arithmetic3A_447 : i32
      %shift_left3A_449 = arith.constant 7 : i32
      %shift_left3A_450 = arith.shli %shift_right_arithmetic3A_448, %shift_left3A_449 : i32
      %and3A_451 = arith.constant 127 : i32
      %and3A_452 = arith.andi %and3A_446, %and3A_451 : i32
      %add3A_453 = arith.addi %shift_left3A_450, %and3A_452 : i32
      %get3A_454 = arith.index_cast %mul3A_444 : i32 to index
      %get3A_455 = tpu.vector_load %arg6[%get3A_454] {strides = array<i32>} : memref<8192xi32, #tpu.memory_space<vmem>>, vector<16xi32>,
      %get3A_456 = vector.shape_cast %get3A_455 : vector<16xi32> to vector<16xi32>
      %shift_right_arithmetic3A_457 = arith.constant 7 : i32
      %shift_right_arithmetic3A_458 = vector.broadcast %shift_right_arithmetic3A_457 : i32 to vector<16xi32>
      %shift_right_arithmetic3A_459 = arith.shrsi %get3A_456, %shift_right_arithmetic3A_458 : vector<16xi32>
      %mul3A_460 = arith.constant 896 : i32
      %mul3A_461 = vector.broadcast %mul3A_460 : i32 to vector<16xi32>
      %mul3A_462 = arith.muli %shift_right_arithmetic3A_459, %mul3A_461 : vector<16xi32>
      %add3A_463 = arith.addi %get3A_456, %mul3A_462 : vector<16xi32>
      %shift_right_arithmetic3A_464 = arith.constant 3 : i32
      %shift_right_arithmetic3A_465 = arith.shrsi %add3A_453, %shift_right_arithmetic3A_464 : i32
      %mul3A_466 = arith.constant 524288 : i32
      %mul3A_467 = arith.muli %shift_right_arithmetic3A_465, %mul3A_466 : i32
      %add3A_468 = vector.broadcast %mul3A_467 : i32 to vector<16xi32>
      %add3A_469 = arith.addi %add3A_468, %add3A_13 : vector<16xi32>
      %add3A_470 = arith.addi %add3A_463, %add3A_469 : vector<16xi32>
      %swap3A_471 = arith.index_cast %mul3A_444 : i32 to index
      %swap3A_472 = tpu.vector_load %arg6[%swap3A_471] {strides = array<i32>} : memref<8192xi32, #tpu.memory_space<vmem>>, vector<16xi32>,
      %swap3A_473 = vector.shape_cast %swap3A_472 : vector<16xi32> to vector<16xi32>
      %swap3A_474 = vector.shape_cast %add3A_470 : vector<16xi32> to vector<16xi32>
      tpu.vector_store %arg6[%swap3A_471], %swap3A_474 {strides = array<i32>} : memref<8192xi32, #tpu.memory_space<vmem>>, vector<16xi32>,
      %scan3A_475 = arith.constant 2 : i32
      %scan3A_476 = arith.addi %scan3A_411, %scan3A_475 : i32
      %mul3A_477 = arith.constant 16 : i32
      %mul3A_478 = arith.muli %scan3A_476, %mul3A_477 : i32
      %and3A_479 = arith.constant 8191 : i32
      %and3A_480 = arith.andi %mul3A_478, %and3A_479 : i32
      %shift_right_arithmetic3A_481 = arith.constant 10 : i32
      %shift_right_arithmetic3A_482 = arith.shrsi %and3A_480, %shift_right_arithmetic3A_481 : i32
      %shift_left3A_483 = arith.constant 7 : i32
      %shift_left3A_484 = arith.shli %shift_right_arithmetic3A_482, %shift_left3A_483 : i32
      %and3A_485 = arith.constant 127 : i32
      %and3A_486 = arith.andi %and3A_480, %and3A_485 : i32
      %add3A_487 = arith.addi %shift_left3A_484, %and3A_486 : i32
      %get3A_488 = arith.index_cast %mul3A_478 : i32 to index
      %get3A_489 = tpu.vector_load %arg6[%get3A_488] {strides = array<i32>} : memref<8192xi32, #tpu.memory_space<vmem>>, vector<16xi32>,
      %get3A_490 = vector.shape_cast %get3A_489 : vector<16xi32> to vector<16xi32>
      %shift_right_arithmetic3A_491 = arith.constant 7 : i32
      %shift_right_arithmetic3A_492 = vector.broadcast %shift_right_arithmetic3A_491 : i32 to vector<16xi32>
      %shift_right_arithmetic3A_493 = arith.shrsi %get3A_490, %shift_right_arithmetic3A_492 : vector<16xi32>
      %mul3A_494 = arith.constant 896 : i32
      %mul3A_495 = vector.broadcast %mul3A_494 : i32 to vector<16xi32>
      %mul3A_496 = arith.muli %shift_right_arithmetic3A_493, %mul3A_495 : vector<16xi32>
      %add3A_497 = arith.addi %get3A_490, %mul3A_496 : vector<16xi32>
      %shift_right_arithmetic3A_498 = arith.constant 3 : i32
      %shift_right_arithmetic3A_499 = arith.shrsi %add3A_487, %shift_right_arithmetic3A_498 : i32
      %mul3A_500 = arith.constant 524288 : i32
      %mul3A_501 = arith.muli %shift_right_arithmetic3A_499, %mul3A_500 : i32
      %add3A_502 = vector.broadcast %mul3A_501 : i32 to vector<16xi32>
      %add3A_503 = arith.addi %add3A_502, %add3A_13 : vector<16xi32>
      %add3A_504 = arith.addi %add3A_497, %add3A_503 : vector<16xi32>
      %swap3A_505 = arith.index_cast %mul3A_478 : i32 to index
      %swap3A_506 = tpu.vector_load %arg6[%swap3A_505] {strides = array<i32>} : memref<8192xi32, #tpu.memory_space<vmem>>, vector<16xi32>,
      %swap3A_507 = vector.shape_cast %swap3A_506 : vector<16xi32> to vector<16xi32>
      %swap3A_508 = vector.shape_cast %add3A_504 : vector<16xi32> to vector<16xi32>
      tpu.vector_store %arg6[%swap3A_505], %swap3A_508 {strides = array<i32>} : memref<8192xi32, #tpu.memory_space<vmem>>, vector<16xi32>,
      %scan3A_509 = arith.constant 3 : i32
      %scan3A_510 = arith.addi %scan3A_411, %scan3A_509 : i32
      %mul3A_511 = arith.constant 16 : i32
      %mul3A_512 = arith.muli %scan3A_510, %mul3A_511 : i32
      %and3A_513 = arith.constant 8191 : i32
      %and3A_514 = arith.andi %mul3A_512, %and3A_513 : i32
      %shift_right_arithmetic3A_515 = arith.constant 10 : i32
      %shift_right_arithmetic3A_516 = arith.shrsi %and3A_514, %shift_right_arithmetic3A_515 : i32
      %shift_left3A_517 = arith.constant 7 : i32
      %shift_left3A_518 = arith.shli %shift_right_arithmetic3A_516, %shift_left3A_517 : i32
      %and3A_519 = arith.constant 127 : i32
      %and3A_520 = arith.andi %and3A_514, %and3A_519 : i32
      %add3A_521 = arith.addi %shift_left3A_518, %and3A_520 : i32
      %get3A_522 = arith.index_cast %mul3A_512 : i32 to index
      %get3A_523 = tpu.vector_load %arg6[%get3A_522] {strides = array<i32>} : memref<8192xi32, #tpu.memory_space<vmem>>, vector<16xi32>,
      %get3A_524 = vector.shape_cast %get3A_523 : vector<16xi32> to vector<16xi32>
      %shift_right_arithmetic3A_525 = arith.constant 7 : i32
      %shift_right_arithmetic3A_526 = vector.broadcast %shift_right_arithmetic3A_525 : i32 to vector<16xi32>
      %shift_right_arithmetic3A_527 = arith.shrsi %get3A_524, %shift_right_arithmetic3A_526 : vector<16xi32>
      %mul3A_528 = arith.constant 896 : i32
      %mul3A_529 = vector.broadcast %mul3A_528 : i32 to vector<16xi32>
      %mul3A_530 = arith.muli %shift_right_arithmetic3A_527, %mul3A_529 : vector<16xi32>
      %add3A_531 = arith.addi %get3A_524, %mul3A_530 : vector<16xi32>
      %shift_right_arithmetic3A_532 = arith.constant 3 : i32
      %shift_right_arithmetic3A_533 = arith.shrsi %add3A_521, %shift_right_arithmetic3A_532 : i32
      %mul3A_534 = arith.constant 524288 : i32
      %mul3A_535 = arith.muli %shift_right_arithmetic3A_533, %mul3A_534 : i32
      %add3A_536 = vector.broadcast %mul3A_535 : i32 to vector<16xi32>
      %add3A_537 = arith.addi %add3A_536, %add3A_13 : vector<16xi32>
      %add3A_538 = arith.addi %add3A_531, %add3A_537 : vector<16xi32>
      %swap3A_539 = arith.index_cast %mul3A_512 : i32 to index
      %swap3A_540 = tpu.vector_load %arg6[%swap3A_539] {strides = array<i32>} : memref<8192xi32, #tpu.memory_space<vmem>>, vector<16xi32>,
      %swap3A_541 = vector.shape_cast %swap3A_540 : vector<16xi32> to vector<16xi32>
      %swap3A_542 = vector.shape_cast %add3A_538 : vector<16xi32> to vector<16xi32>
      tpu.vector_store %arg6[%swap3A_539], %swap3A_542 {strides = array<i32>} : memref<8192xi32, #tpu.memory_space<vmem>>, vector<16xi32>,
      %scan3A_543 = arith.constant 4 : i32
      %scan3A_544 = arith.addi %scan3A_411, %scan3A_543 : i32
      %mul3A_545 = arith.constant 16 : i32
      %mul3A_546 = arith.muli %scan3A_544, %mul3A_545 : i32
      %and3A_547 = arith.constant 8191 : i32
      %and3A_548 = arith.andi %mul3A_546, %and3A_547 : i32
      %shift_right_arithmetic3A_549 = arith.constant 10 : i32
      %shift_right_arithmetic3A_550 = arith.shrsi %and3A_548, %shift_right_arithmetic3A_549 : i32
      %shift_left3A_551 = arith.constant 7 : i32
      %shift_left3A_552 = arith.shli %shift_right_arithmetic3A_550, %shift_left3A_551 : i32
      %and3A_553 = arith.constant 127 : i32
      %and3A_554 = arith.andi %and3A_548, %and3A_553 : i32
      %add3A_555 = arith.addi %shift_left3A_552, %and3A_554 : i32
      %get3A_556 = arith.index_cast %mul3A_546 : i32 to index
      %get3A_557 = tpu.vector_load %arg6[%get3A_556] {strides = array<i32>} : memref<8192xi32, #tpu.memory_space<vmem>>, vector<16xi32>,
      %get3A_558 = vector.shape_cast %get3A_557 : vector<16xi32> to vector<16xi32>
      %shift_right_arithmetic3A_559 = arith.constant 7 : i32
      %shift_right_arithmetic3A_560 = vector.broadcast %shift_right_arithmetic3A_559 : i32 to vector<16xi32>
      %shift_right_arithmetic3A_561 = arith.shrsi %get3A_558, %shift_right_arithmetic3A_560 : vector<16xi32>
      %mul3A_562 = arith.constant 896 : i32
      %mul3A_563 = vector.broadcast %mul3A_562 : i32 to vector<16xi32>
      %mul3A_564 = arith.muli %shift_right_arithmetic3A_561, %mul3A_563 : vector<16xi32>
      %add3A_565 = arith.addi %get3A_558, %mul3A_564 : vector<16xi32>
      %shift_right_arithmetic3A_566 = arith.constant 3 : i32
      %shift_right_arithmetic3A_567 = arith.shrsi %add3A_555, %shift_right_arithmetic3A_566 : i32
      %mul3A_568 = arith.constant 524288 : i32
      %mul3A_569 = arith.muli %shift_right_arithmetic3A_567, %mul3A_568 : i32
      %add3A_570 = vector.broadcast %mul3A_569 : i32 to vector<16xi32>
      %add3A_571 = arith.addi %add3A_570, %add3A_13 : vector<16xi32>
      %add3A_572 = arith.addi %add3A_565, %add3A_571 : vector<16xi32>
      %swap3A_573 = arith.index_cast %mul3A_546 : i32 to index
      %swap3A_574 = tpu.vector_load %arg6[%swap3A_573] {strides = array<i32>} : memref<8192xi32, #tpu.memory_space<vmem>>, vector<16xi32>,
      %swap3A_575 = vector.shape_cast %swap3A_574 : vector<16xi32> to vector<16xi32>
      %swap3A_576 = vector.shape_cast %add3A_572 : vector<16xi32> to vector<16xi32>
      tpu.vector_store %arg6[%swap3A_573], %swap3A_576 {strides = array<i32>} : memref<8192xi32, #tpu.memory_space<vmem>>, vector<16xi32>,
      %scan3A_577 = arith.constant 5 : i32
      %scan3A_578 = arith.addi %scan3A_411, %scan3A_577 : i32
      %mul3A_579 = arith.constant 16 : i32
      %mul3A_580 = arith.muli %scan3A_578, %mul3A_579 : i32
      %and3A_581 = arith.constant 8191 : i32
      %and3A_582 = arith.andi %mul3A_580, %and3A_581 : i32
      %shift_right_arithmetic3A_583 = arith.constant 10 : i32
      %shift_right_arithmetic3A_584 = arith.shrsi %and3A_582, %shift_right_arithmetic3A_583 : i32
      %shift_left3A_585 = arith.constant 7 : i32
      %shift_left3A_586 = arith.shli %shift_right_arithmetic3A_584, %shift_left3A_585 : i32
      %and3A_587 = arith.constant 127 : i32
      %and3A_588 = arith.andi %and3A_582, %and3A_587 : i32
      %add3A_589 = arith.addi %shift_left3A_586, %and3A_588 : i32
      %get3A_590 = arith.index_cast %mul3A_580 : i32 to index
      %get3A_591 = tpu.vector_load %arg6[%get3A_590] {strides = array<i32>} : memref<8192xi32, #tpu.memory_space<vmem>>, vector<16xi32>,
      %get3A_592 = vector.shape_cast %get3A_591 : vector<16xi32> to vector<16xi32>
      %shift_right_arithmetic3A_593 = arith.constant 7 : i32
      %shift_right_arithmetic3A_594 = vector.broadcast %shift_right_arithmetic3A_593 : i32 to vector<16xi32>
      %shift_right_arithmetic3A_595 = arith.shrsi %get3A_592, %shift_right_arithmetic3A_594 : vector<16xi32>
      %mul3A_596 = arith.constant 896 : i32
      %mul3A_597 = vector.broadcast %mul3A_596 : i32 to vector<16xi32>
      %mul3A_598 = arith.muli %shift_right_arithmetic3A_595, %mul3A_597 : vector<16xi32>
      %add3A_599 = arith.addi %get3A_592, %mul3A_598 : vector<16xi32>
      %shift_right_arithmetic3A_600 = arith.constant 3 : i32
      %shift_right_arithmetic3A_601 = arith.shrsi %add3A_589, %shift_right_arithmetic3A_600 : i32
      %mul3A_602 = arith.constant 524288 : i32
      %mul3A_603 = arith.muli %shift_right_arithmetic3A_601, %mul3A_602 : i32
      %add3A_604 = vector.broadcast %mul3A_603 : i32 to vector<16xi32>
      %add3A_605 = arith.addi %add3A_604, %add3A_13 : vector<16xi32>
      %add3A_606 = arith.addi %add3A_599, %add3A_605 : vector<16xi32>
      %swap3A_607 = arith.index_cast %mul3A_580 : i32 to index
      %swap3A_608 = tpu.vector_load %arg6[%swap3A_607] {strides = array<i32>} : memref<8192xi32, #tpu.memory_space<vmem>>, vector<16xi32>,
      %swap3A_609 = vector.shape_cast %swap3A_608 : vector<16xi32> to vector<16xi32>
      %swap3A_610 = vector.shape_cast %add3A_606 : vector<16xi32> to vector<16xi32>
      tpu.vector_store %arg6[%swap3A_607], %swap3A_610 {strides = array<i32>} : memref<8192xi32, #tpu.memory_space<vmem>>, vector<16xi32>,
      %scan3A_611 = arith.constant 6 : i32
      %scan3A_612 = arith.addi %scan3A_411, %scan3A_611 : i32
      %mul3A_613 = arith.constant 16 : i32
      %mul3A_614 = arith.muli %scan3A_612, %mul3A_613 : i32
      %and3A_615 = arith.constant 8191 : i32
      %and3A_616 = arith.andi %mul3A_614, %and3A_615 : i32
      %shift_right_arithmetic3A_617 = arith.constant 10 : i32
      %shift_right_arithmetic3A_618 = arith.shrsi %and3A_616, %shift_right_arithmetic3A_617 : i32
      %shift_left3A_619 = arith.constant 7 : i32
      %shift_left3A_620 = arith.shli %shift_right_arithmetic3A_618, %shift_left3A_619 : i32
      %and3A_621 = arith.constant 127 : i32
      %and3A_622 = arith.andi %and3A_616, %and3A_621 : i32
      %add3A_623 = arith.addi %shift_left3A_620, %and3A_622 : i32
      %get3A_624 = arith.index_cast %mul3A_614 : i32 to index
      %get3A_625 = tpu.vector_load %arg6[%get3A_624] {strides = array<i32>} : memref<8192xi32, #tpu.memory_space<vmem>>, vector<16xi32>,
      %get3A_626 = vector.shape_cast %get3A_625 : vector<16xi32> to vector<16xi32>
      %shift_right_arithmetic3A_627 = arith.constant 7 : i32
      %shift_right_arithmetic3A_628 = vector.broadcast %shift_right_arithmetic3A_627 : i32 to vector<16xi32>
      %shift_right_arithmetic3A_629 = arith.shrsi %get3A_626, %shift_right_arithmetic3A_628 : vector<16xi32>
      %mul3A_630 = arith.constant 896 : i32
      %mul3A_631 = vector.broadcast %mul3A_630 : i32 to vector<16xi32>
      %mul3A_632 = arith.muli %shift_right_arithmetic3A_629, %mul3A_631 : vector<16xi32>
      %add3A_633 = arith.addi %get3A_626, %mul3A_632 : vector<16xi32>
      %shift_right_arithmetic3A_634 = arith.constant 3 : i32
      %shift_right_arithmetic3A_635 = arith.shrsi %add3A_623, %shift_right_arithmetic3A_634 : i32
      %mul3A_636 = arith.constant 524288 : i32
      %mul3A_637 = arith.muli %shift_right_arithmetic3A_635, %mul3A_636 : i32
      %add3A_638 = vector.broadcast %mul3A_637 : i32 to vector<16xi32>
      %add3A_639 = arith.addi %add3A_638, %add3A_13 : vector<16xi32>
      %add3A_640 = arith.addi %add3A_633, %add3A_639 : vector<16xi32>
      %swap3A_641 = arith.index_cast %mul3A_614 : i32 to index
      %swap3A_642 = tpu.vector_load %arg6[%swap3A_641] {strides = array<i32>} : memref<8192xi32, #tpu.memory_space<vmem>>, vector<16xi32>,
      %swap3A_643 = vector.shape_cast %swap3A_642 : vector<16xi32> to vector<16xi32>
      %swap3A_644 = vector.shape_cast %add3A_640 : vector<16xi32> to vector<16xi32>
      tpu.vector_store %arg6[%swap3A_641], %swap3A_644 {strides = array<i32>} : memref<8192xi32, #tpu.memory_space<vmem>>, vector<16xi32>,
      %scan3A_645 = arith.constant 7 : i32
      %scan3A_646 = arith.addi %scan3A_411, %scan3A_645 : i32
      %mul3A_647 = arith.constant 16 : i32
      %mul3A_648 = arith.muli %scan3A_646, %mul3A_647 : i32
      %and3A_649 = arith.constant 8191 : i32
      %and3A_650 = arith.andi %mul3A_648, %and3A_649 : i32
      %shift_right_arithmetic3A_651 = arith.constant 10 : i32
      %shift_right_arithmetic3A_652 = arith.shrsi %and3A_650, %shift_right_arithmetic3A_651 : i32
      %shift_left3A_653 = arith.constant 7 : i32
      %shift_left3A_654 = arith.shli %shift_right_arithmetic3A_652, %shift_left3A_653 : i32
      %and3A_655 = arith.constant 127 : i32
      %and3A_656 = arith.andi %and3A_650, %and3A_655 : i32
      %add3A_657 = arith.addi %shift_left3A_654, %and3A_656 : i32
      %get3A_658 = arith.index_cast %mul3A_648 : i32 to index
      %get3A_659 = tpu.vector_load %arg6[%get3A_658] {strides = array<i32>} : memref<8192xi32, #tpu.memory_space<vmem>>, vector<16xi32>,
      %get3A_660 = vector.shape_cast %get3A_659 : vector<16xi32> to vector<16xi32>
      %shift_right_arithmetic3A_661 = arith.constant 7 : i32
      %shift_right_arithmetic3A_662 = vector.broadcast %shift_right_arithmetic3A_661 : i32 to vector<16xi32>
      %shift_right_arithmetic3A_663 = arith.shrsi %get3A_660, %shift_right_arithmetic3A_662 : vector<16xi32>
      %mul3A_664 = arith.constant 896 : i32
      %mul3A_665 = vector.broadcast %mul3A_664 : i32 to vector<16xi32>
      %mul3A_666 = arith.muli %shift_right_arithmetic3A_663, %mul3A_665 : vector<16xi32>
      %add3A_667 = arith.addi %get3A_660, %mul3A_666 : vector<16xi32>
      %shift_right_arithmetic3A_668 = arith.constant 3 : i32
      %shift_right_arithmetic3A_669 = arith.shrsi %add3A_657, %shift_right_arithmetic3A_668 : i32
      %mul3A_670 = arith.constant 524288 : i32
      %mul3A_671 = arith.muli %shift_right_arithmetic3A_669, %mul3A_670 : i32
      %add3A_672 = vector.broadcast %mul3A_671 : i32 to vector<16xi32>
      %add3A_673 = arith.addi %add3A_672, %add3A_13 : vector<16xi32>
      %add3A_674 = arith.addi %add3A_667, %add3A_673 : vector<16xi32>
      %swap3A_675 = arith.index_cast %mul3A_648 : i32 to index
      %swap3A_676 = tpu.vector_load %arg6[%swap3A_675] {strides = array<i32>} : memref<8192xi32, #tpu.memory_space<vmem>>, vector<16xi32>,
      %swap3A_677 = vector.shape_cast %swap3A_676 : vector<16xi32> to vector<16xi32>
      %swap3A_678 = vector.shape_cast %add3A_674 : vector<16xi32> to vector<16xi32>
      tpu.vector_store %arg6[%swap3A_675], %swap3A_678 {strides = array<i32>} : memref<8192xi32, #tpu.memory_space<vmem>>, vector<16xi32>,
    }
    %scan3A_50 = arith.constant 512 : i32
    %dma_start3A_51 = arith.constant 0 : i32
    %dma_start3A_52 = tpu.memref_slice %arg2[%dma_start3A_51] : memref<67108864xf32, #tpu.memory_space<hbm>> -> memref<67108864xf32, #tpu.memory_space<hbm>>
    tpu.enqueue_indirect_dma source(%dma_start3A_52 : memref<67108864xf32, #tpu.memory_space<hbm>>) target(%arg12 : memref<8192xf32, #tpu.memory_space<vmem>>) offsets(%arg6 : memref<8192xi32, #tpu.memory_space<vmem>>) semaphore(%arg24 : memref<!tpu.dma_semaphore, #tpu.memory_space<semaphore_mem>>)
    %add3A_53 = arith.constant 16384 : i32
    %add3A_54 = arith.addi %mul3A_2, %add3A_53 : i32
    %dma_wait3A_55 = tpu.memref_slice %arg3[%add3A_54] : memref<4194304xi32, #tpu.memory_space<hbm>> -> memref<8192xi32, #tpu.memory_space<hbm>>
    %dma_wait3A_56 = tpu.memref_slice %arg3[%add3A_54] : memref<4194304xi32, #tpu.memory_space<hbm>> -> memref<8192xi32, #tpu.memory_space<hbm>>
    tpu.wait_dma2 semaphore(%arg19 : memref<!tpu.dma_semaphore, #tpu.memory_space<semaphore_mem>>) src(%dma_wait3A_56 : memref<8192xi32, #tpu.memory_space<hbm>>) dst(%arg7 : memref<8192xi32, #tpu.memory_space<vmem>>)
    %scan3A_57 = arith.constant 0 : i32
    %scan3A_58 = arith.constant 512 : i32
    %scan3A_59 = arith.addi %scan3A_57, %scan3A_58 : i32
    %scan3A_60 = arith.constant 8 : i32
    scf.for %scan3A_411 = %scan3A_57 to %scan3A_59 step %scan3A_60  : i32 {
      %mul3A_412 = arith.constant 16 : i32
      %mul3A_413 = arith.muli %scan3A_411, %mul3A_412 : i32
      %and3A_414 = arith.constant 8191 : i32
      %and3A_415 = arith.andi %mul3A_413, %and3A_414 : i32
      %shift_right_arithmetic3A_416 = arith.constant 10 : i32
      %shift_right_arithmetic3A_417 = arith.shrsi %and3A_415, %shift_right_arithmetic3A_416 : i32
      %shift_left3A = arith.constant 7 : i32
      %shift_left3A_418 = arith.shli %shift_right_arithmetic3A_417, %shift_left3A : i32
      %and3A_419 = arith.constant 127 : i32
      %and3A_420 = arith.andi %and3A_415, %and3A_419 : i32
      %add3A_421 = arith.addi %shift_left3A_418, %and3A_420 : i32
      %get3A = arith.index_cast %mul3A_413 : i32 to index
      %get3A_422 = tpu.vector_load %arg7[%get3A] {strides = array<i32>} : memref<8192xi32, #tpu.memory_space<vmem>>, vector<16xi32>,
      %get3A_423 = vector.shape_cast %get3A_422 : vector<16xi32> to vector<16xi32>
      %shift_right_arithmetic3A_424 = arith.constant 7 : i32
      %shift_right_arithmetic3A_425 = vector.broadcast %shift_right_arithmetic3A_424 : i32 to vector<16xi32>
      %shift_right_arithmetic3A_426 = arith.shrsi %get3A_423, %shift_right_arithmetic3A_425 : vector<16xi32>
      %mul3A_427 = arith.constant 896 : i32
      %mul3A_428 = vector.broadcast %mul3A_427 : i32 to vector<16xi32>
      %mul3A_429 = arith.muli %shift_right_arithmetic3A_426, %mul3A_428 : vector<16xi32>
      %add3A_430 = arith.addi %get3A_423, %mul3A_429 : vector<16xi32>
      %shift_right_arithmetic3A_431 = arith.constant 3 : i32
      %shift_right_arithmetic3A_432 = arith.shrsi %add3A_421, %shift_right_arithmetic3A_431 : i32
      %mul3A_433 = arith.constant 524288 : i32
      %mul3A_434 = arith.muli %shift_right_arithmetic3A_432, %mul3A_433 : i32
      %add3A_435 = vector.broadcast %mul3A_434 : i32 to vector<16xi32>
      %add3A_436 = arith.addi %add3A_435, %add3A_13 : vector<16xi32>
      %add3A_437 = arith.addi %add3A_430, %add3A_436 : vector<16xi32>
      %swap3A = arith.index_cast %mul3A_413 : i32 to index
      %swap3A_438 = tpu.vector_load %arg7[%swap3A] {strides = array<i32>} : memref<8192xi32, #tpu.memory_space<vmem>>, vector<16xi32>,
      %swap3A_439 = vector.shape_cast %swap3A_438 : vector<16xi32> to vector<16xi32>
      %swap3A_440 = vector.shape_cast %add3A_437 : vector<16xi32> to vector<16xi32>
      tpu.vector_store %arg7[%swap3A], %swap3A_440 {strides = array<i32>} : memref<8192xi32, #tpu.memory_space<vmem>>, vector<16xi32>,
      %scan3A_441 = arith.constant 1 : i32
      %scan3A_442 = arith.addi %scan3A_411, %scan3A_441 : i32
      %mul3A_443 = arith.constant 16 : i32
      %mul3A_444 = arith.muli %scan3A_442, %mul3A_443 : i32
      %and3A_445 = arith.constant 8191 : i32
      %and3A_446 = arith.andi %mul3A_444, %and3A_445 : i32
      %shift_right_arithmetic3A_447 = arith.constant 10 : i32
      %shift_right_arithmetic3A_448 = arith.shrsi %and3A_446, %shift_right_arithmetic3A_447 : i32
      %shift_left3A_449 = arith.constant 7 : i32
      %shift_left3A_450 = arith.shli %shift_right_arithmetic3A_448, %shift_left3A_449 : i32
      %and3A_451 = arith.constant 127 : i32
      %and3A_452 = arith.andi %and3A_446, %and3A_451 : i32
      %add3A_453 = arith.addi %shift_left3A_450, %and3A_452 : i32
      %get3A_454 = arith.index_cast %mul3A_444 : i32 to index
      %get3A_455 = tpu.vector_load %arg7[%get3A_454] {strides = array<i32>} : memref<8192xi32, #tpu.memory_space<vmem>>, vector<16xi32>,
      %get3A_456 = vector.shape_cast %get3A_455 : vector<16xi32> to vector<16xi32>
      %shift_right_arithmetic3A_457 = arith.constant 7 : i32
      %shift_right_arithmetic3A_458 = vector.broadcast %shift_right_arithmetic3A_457 : i32 to vector<16xi32>
      %shift_right_arithmetic3A_459 = arith.shrsi %get3A_456, %shift_right_arithmetic3A_458 : vector<16xi32>
      %mul3A_460 = arith.constant 896 : i32
      %mul3A_461 = vector.broadcast %mul3A_460 : i32 to vector<16xi32>
      %mul3A_462 = arith.muli %shift_right_arithmetic3A_459, %mul3A_461 : vector<16xi32>
      %add3A_463 = arith.addi %get3A_456, %mul3A_462 : vector<16xi32>
      %shift_right_arithmetic3A_464 = arith.constant 3 : i32
      %shift_right_arithmetic3A_465 = arith.shrsi %add3A_453, %shift_right_arithmetic3A_464 : i32
      %mul3A_466 = arith.constant 524288 : i32
      %mul3A_467 = arith.muli %shift_right_arithmetic3A_465, %mul3A_466 : i32
      %add3A_468 = vector.broadcast %mul3A_467 : i32 to vector<16xi32>
      %add3A_469 = arith.addi %add3A_468, %add3A_13 : vector<16xi32>
      %add3A_470 = arith.addi %add3A_463, %add3A_469 : vector<16xi32>
      %swap3A_471 = arith.index_cast %mul3A_444 : i32 to index
      %swap3A_472 = tpu.vector_load %arg7[%swap3A_471] {strides = array<i32>} : memref<8192xi32, #tpu.memory_space<vmem>>, vector<16xi32>,
      %swap3A_473 = vector.shape_cast %swap3A_472 : vector<16xi32> to vector<16xi32>
      %swap3A_474 = vector.shape_cast %add3A_470 : vector<16xi32> to vector<16xi32>
      tpu.vector_store %arg7[%swap3A_471], %swap3A_474 {strides = array<i32>} : memref<8192xi32, #tpu.memory_space<vmem>>, vector<16xi32>,
      %scan3A_475 = arith.constant 2 : i32
      %scan3A_476 = arith.addi %scan3A_411, %scan3A_475 : i32
      %mul3A_477 = arith.constant 16 : i32
      %mul3A_478 = arith.muli %scan3A_476, %mul3A_477 : i32
      %and3A_479 = arith.constant 8191 : i32
      %and3A_480 = arith.andi %mul3A_478, %and3A_479 : i32
      %shift_right_arithmetic3A_481 = arith.constant 10 : i32
      %shift_right_arithmetic3A_482 = arith.shrsi %and3A_480, %shift_right_arithmetic3A_481 : i32
      %shift_left3A_483 = arith.constant 7 : i32
      %shift_left3A_484 = arith.shli %shift_right_arithmetic3A_482, %shift_left3A_483 : i32
      %and3A_485 = arith.constant 127 : i32
      %and3A_486 = arith.andi %and3A_480, %and3A_485 : i32
      %add3A_487 = arith.addi %shift_left3A_484, %and3A_486 : i32
      %get3A_488 = arith.index_cast %mul3A_478 : i32 to index
      %get3A_489 = tpu.vector_load %arg7[%get3A_488] {strides = array<i32>} : memref<8192xi32, #tpu.memory_space<vmem>>, vector<16xi32>,
      %get3A_490 = vector.shape_cast %get3A_489 : vector<16xi32> to vector<16xi32>
      %shift_right_arithmetic3A_491 = arith.constant 7 : i32
      %shift_right_arithmetic3A_492 = vector.broadcast %shift_right_arithmetic3A_491 : i32 to vector<16xi32>
      %shift_right_arithmetic3A_493 = arith.shrsi %get3A_490, %shift_right_arithmetic3A_492 : vector<16xi32>
      %mul3A_494 = arith.constant 896 : i32
      %mul3A_495 = vector.broadcast %mul3A_494 : i32 to vector<16xi32>
      %mul3A_496 = arith.muli %shift_right_arithmetic3A_493, %mul3A_495 : vector<16xi32>
      %add3A_497 = arith.addi %get3A_490, %mul3A_496 : vector<16xi32>
      %shift_right_arithmetic3A_498 = arith.constant 3 : i32
      %shift_right_arithmetic3A_499 = arith.shrsi %add3A_487, %shift_right_arithmetic3A_498 : i32
      %mul3A_500 = arith.constant 524288 : i32
      %mul3A_501 = arith.muli %shift_right_arithmetic3A_499, %mul3A_500 : i32
      %add3A_502 = vector.broadcast %mul3A_501 : i32 to vector<16xi32>
      %add3A_503 = arith.addi %add3A_502, %add3A_13 : vector<16xi32>
      %add3A_504 = arith.addi %add3A_497, %add3A_503 : vector<16xi32>
      %swap3A_505 = arith.index_cast %mul3A_478 : i32 to index
      %swap3A_506 = tpu.vector_load %arg7[%swap3A_505] {strides = array<i32>} : memref<8192xi32, #tpu.memory_space<vmem>>, vector<16xi32>,
      %swap3A_507 = vector.shape_cast %swap3A_506 : vector<16xi32> to vector<16xi32>
      %swap3A_508 = vector.shape_cast %add3A_504 : vector<16xi32> to vector<16xi32>
      tpu.vector_store %arg7[%swap3A_505], %swap3A_508 {strides = array<i32>} : memref<8192xi32, #tpu.memory_space<vmem>>, vector<16xi32>,
      %scan3A_509 = arith.constant 3 : i32
      %scan3A_510 = arith.addi %scan3A_411, %scan3A_509 : i32
      %mul3A_511 = arith.constant 16 : i32
      %mul3A_512 = arith.muli %scan3A_510, %mul3A_511 : i32
      %and3A_513 = arith.constant 8191 : i32
      %and3A_514 = arith.andi %mul3A_512, %and3A_513 : i32
      %shift_right_arithmetic3A_515 = arith.constant 10 : i32
      %shift_right_arithmetic3A_516 = arith.shrsi %and3A_514, %shift_right_arithmetic3A_515 : i32
      %shift_left3A_517 = arith.constant 7 : i32
      %shift_left3A_518 = arith.shli %shift_right_arithmetic3A_516, %shift_left3A_517 : i32
      %and3A_519 = arith.constant 127 : i32
      %and3A_520 = arith.andi %and3A_514, %and3A_519 : i32
      %add3A_521 = arith.addi %shift_left3A_518, %and3A_520 : i32
      %get3A_522 = arith.index_cast %mul3A_512 : i32 to index
      %get3A_523 = tpu.vector_load %arg7[%get3A_522] {strides = array<i32>} : memref<8192xi32, #tpu.memory_space<vmem>>, vector<16xi32>,
      %get3A_524 = vector.shape_cast %get3A_523 : vector<16xi32> to vector<16xi32>
      %shift_right_arithmetic3A_525 = arith.constant 7 : i32
      %shift_right_arithmetic3A_526 = vector.broadcast %shift_right_arithmetic3A_525 : i32 to vector<16xi32>
      %shift_right_arithmetic3A_527 = arith.shrsi %get3A_524, %shift_right_arithmetic3A_526 : vector<16xi32>
      %mul3A_528 = arith.constant 896 : i32
      %mul3A_529 = vector.broadcast %mul3A_528 : i32 to vector<16xi32>
      %mul3A_530 = arith.muli %shift_right_arithmetic3A_527, %mul3A_529 : vector<16xi32>
      %add3A_531 = arith.addi %get3A_524, %mul3A_530 : vector<16xi32>
      %shift_right_arithmetic3A_532 = arith.constant 3 : i32
      %shift_right_arithmetic3A_533 = arith.shrsi %add3A_521, %shift_right_arithmetic3A_532 : i32
      %mul3A_534 = arith.constant 524288 : i32
      %mul3A_535 = arith.muli %shift_right_arithmetic3A_533, %mul3A_534 : i32
      %add3A_536 = vector.broadcast %mul3A_535 : i32 to vector<16xi32>
      %add3A_537 = arith.addi %add3A_536, %add3A_13 : vector<16xi32>
      %add3A_538 = arith.addi %add3A_531, %add3A_537 : vector<16xi32>
      %swap3A_539 = arith.index_cast %mul3A_512 : i32 to index
      %swap3A_540 = tpu.vector_load %arg7[%swap3A_539] {strides = array<i32>} : memref<8192xi32, #tpu.memory_space<vmem>>, vector<16xi32>,
      %swap3A_541 = vector.shape_cast %swap3A_540 : vector<16xi32> to vector<16xi32>
      %swap3A_542 = vector.shape_cast %add3A_538 : vector<16xi32> to vector<16xi32>
      tpu.vector_store %arg7[%swap3A_539], %swap3A_542 {strides = array<i32>} : memref<8192xi32, #tpu.memory_space<vmem>>, vector<16xi32>,
      %scan3A_543 = arith.constant 4 : i32
      %scan3A_544 = arith.addi %scan3A_411, %scan3A_543 : i32
      %mul3A_545 = arith.constant 16 : i32
      %mul3A_546 = arith.muli %scan3A_544, %mul3A_545 : i32
      %and3A_547 = arith.constant 8191 : i32
      %and3A_548 = arith.andi %mul3A_546, %and3A_547 : i32
      %shift_right_arithmetic3A_549 = arith.constant 10 : i32
      %shift_right_arithmetic3A_550 = arith.shrsi %and3A_548, %shift_right_arithmetic3A_549 : i32
      %shift_left3A_551 = arith.constant 7 : i32
      %shift_left3A_552 = arith.shli %shift_right_arithmetic3A_550, %shift_left3A_551 : i32
      %and3A_553 = arith.constant 127 : i32
      %and3A_554 = arith.andi %and3A_548, %and3A_553 : i32
      %add3A_555 = arith.addi %shift_left3A_552, %and3A_554 : i32
      %get3A_556 = arith.index_cast %mul3A_546 : i32 to index
      %get3A_557 = tpu.vector_load %arg7[%get3A_556] {strides = array<i32>} : memref<8192xi32, #tpu.memory_space<vmem>>, vector<16xi32>,
      %get3A_558 = vector.shape_cast %get3A_557 : vector<16xi32> to vector<16xi32>
      %shift_right_arithmetic3A_559 = arith.constant 7 : i32
      %shift_right_arithmetic3A_560 = vector.broadcast %shift_right_arithmetic3A_559 : i32 to vector<16xi32>
      %shift_right_arithmetic3A_561 = arith.shrsi %get3A_558, %shift_right_arithmetic3A_560 : vector<16xi32>
      %mul3A_562 = arith.constant 896 : i32
      %mul3A_563 = vector.broadcast %mul3A_562 : i32 to vector<16xi32>
      %mul3A_564 = arith.muli %shift_right_arithmetic3A_561, %mul3A_563 : vector<16xi32>
      %add3A_565 = arith.addi %get3A_558, %mul3A_564 : vector<16xi32>
      %shift_right_arithmetic3A_566 = arith.constant 3 : i32
      %shift_right_arithmetic3A_567 = arith.shrsi %add3A_555, %shift_right_arithmetic3A_566 : i32
      %mul3A_568 = arith.constant 524288 : i32
      %mul3A_569 = arith.muli %shift_right_arithmetic3A_567, %mul3A_568 : i32
      %add3A_570 = vector.broadcast %mul3A_569 : i32 to vector<16xi32>
      %add3A_571 = arith.addi %add3A_570, %add3A_13 : vector<16xi32>
      %add3A_572 = arith.addi %add3A_565, %add3A_571 : vector<16xi32>
      %swap3A_573 = arith.index_cast %mul3A_546 : i32 to index
      %swap3A_574 = tpu.vector_load %arg7[%swap3A_573] {strides = array<i32>} : memref<8192xi32, #tpu.memory_space<vmem>>, vector<16xi32>,
      %swap3A_575 = vector.shape_cast %swap3A_574 : vector<16xi32> to vector<16xi32>
      %swap3A_576 = vector.shape_cast %add3A_572 : vector<16xi32> to vector<16xi32>
      tpu.vector_store %arg7[%swap3A_573], %swap3A_576 {strides = array<i32>} : memref<8192xi32, #tpu.memory_space<vmem>>, vector<16xi32>,
      %scan3A_577 = arith.constant 5 : i32
      %scan3A_578 = arith.addi %scan3A_411, %scan3A_577 : i32
      %mul3A_579 = arith.constant 16 : i32
      %mul3A_580 = arith.muli %scan3A_578, %mul3A_579 : i32
      %and3A_581 = arith.constant 8191 : i32
      %and3A_582 = arith.andi %mul3A_580, %and3A_581 : i32
      %shift_right_arithmetic3A_583 = arith.constant 10 : i32
      %shift_right_arithmetic3A_584 = arith.shrsi %and3A_582, %shift_right_arithmetic3A_583 : i32
      %shift_left3A_585 = arith.constant 7 : i32
      %shift_left3A_586 = arith.shli %shift_right_arithmetic3A_584, %shift_left3A_585 : i32
      %and3A_587 = arith.constant 127 : i32
      %and3A_588 = arith.andi %and3A_582, %and3A_587 : i32
      %add3A_589 = arith.addi %shift_left3A_586, %and3A_588 : i32
      %get3A_590 = arith.index_cast %mul3A_580 : i32 to index
      %get3A_591 = tpu.vector_load %arg7[%get3A_590] {strides = array<i32>} : memref<8192xi32, #tpu.memory_space<vmem>>, vector<16xi32>,
      %get3A_592 = vector.shape_cast %get3A_591 : vector<16xi32> to vector<16xi32>
      %shift_right_arithmetic3A_593 = arith.constant 7 : i32
      %shift_right_arithmetic3A_594 = vector.broadcast %shift_right_arithmetic3A_593 : i32 to vector<16xi32>
      %shift_right_arithmetic3A_595 = arith.shrsi %get3A_592, %shift_right_arithmetic3A_594 : vector<16xi32>
      %mul3A_596 = arith.constant 896 : i32
      %mul3A_597 = vector.broadcast %mul3A_596 : i32 to vector<16xi32>
      %mul3A_598 = arith.muli %shift_right_arithmetic3A_595, %mul3A_597 : vector<16xi32>
      %add3A_599 = arith.addi %get3A_592, %mul3A_598 : vector<16xi32>
      %shift_right_arithmetic3A_600 = arith.constant 3 : i32
      %shift_right_arithmetic3A_601 = arith.shrsi %add3A_589, %shift_right_arithmetic3A_600 : i32
      %mul3A_602 = arith.constant 524288 : i32
      %mul3A_603 = arith.muli %shift_right_arithmetic3A_601, %mul3A_602 : i32
      %add3A_604 = vector.broadcast %mul3A_603 : i32 to vector<16xi32>
      %add3A_605 = arith.addi %add3A_604, %add3A_13 : vector<16xi32>
      %add3A_606 = arith.addi %add3A_599, %add3A_605 : vector<16xi32>
      %swap3A_607 = arith.index_cast %mul3A_580 : i32 to index
      %swap3A_608 = tpu.vector_load %arg7[%swap3A_607] {strides = array<i32>} : memref<8192xi32, #tpu.memory_space<vmem>>, vector<16xi32>,
      %swap3A_609 = vector.shape_cast %swap3A_608 : vector<16xi32> to vector<16xi32>
      %swap3A_610 = vector.shape_cast %add3A_606 : vector<16xi32> to vector<16xi32>
      tpu.vector_store %arg7[%swap3A_607], %swap3A_610 {strides = array<i32>} : memref<8192xi32, #tpu.memory_space<vmem>>, vector<16xi32>,
      %scan3A_611 = arith.constant 6 : i32
      %scan3A_612 = arith.addi %scan3A_411, %scan3A_611 : i32
      %mul3A_613 = arith.constant 16 : i32
      %mul3A_614 = arith.muli %scan3A_612, %mul3A_613 : i32
      %and3A_615 = arith.constant 8191 : i32
      %and3A_616 = arith.andi %mul3A_614, %and3A_615 : i32
      %shift_right_arithmetic3A_617 = arith.constant 10 : i32
      %shift_right_arithmetic3A_618 = arith.shrsi %and3A_616, %shift_right_arithmetic3A_617 : i32
      %shift_left3A_619 = arith.constant 7 : i32
      %shift_left3A_620 = arith.shli %shift_right_arithmetic3A_618, %shift_left3A_619 : i32
      %and3A_621 = arith.constant 127 : i32
      %and3A_622 = arith.andi %and3A_616, %and3A_621 : i32
      %add3A_623 = arith.addi %shift_left3A_620, %and3A_622 : i32
      %get3A_624 = arith.index_cast %mul3A_614 : i32 to index
      %get3A_625 = tpu.vector_load %arg7[%get3A_624] {strides = array<i32>} : memref<8192xi32, #tpu.memory_space<vmem>>, vector<16xi32>,
      %get3A_626 = vector.shape_cast %get3A_625 : vector<16xi32> to vector<16xi32>
      %shift_right_arithmetic3A_627 = arith.constant 7 : i32
      %shift_right_arithmetic3A_628 = vector.broadcast %shift_right_arithmetic3A_627 : i32 to vector<16xi32>
      %shift_right_arithmetic3A_629 = arith.shrsi %get3A_626, %shift_right_arithmetic3A_628 : vector<16xi32>
      %mul3A_630 = arith.constant 896 : i32
      %mul3A_631 = vector.broadcast %mul3A_630 : i32 to vector<16xi32>
      %mul3A_632 = arith.muli %shift_right_arithmetic3A_629, %mul3A_631 : vector<16xi32>
      %add3A_633 = arith.addi %get3A_626, %mul3A_632 : vector<16xi32>
      %shift_right_arithmetic3A_634 = arith.constant 3 : i32
      %shift_right_arithmetic3A_635 = arith.shrsi %add3A_623, %shift_right_arithmetic3A_634 : i32
      %mul3A_636 = arith.constant 524288 : i32
      %mul3A_637 = arith.muli %shift_right_arithmetic3A_635, %mul3A_636 : i32
      %add3A_638 = vector.broadcast %mul3A_637 : i32 to vector<16xi32>
      %add3A_639 = arith.addi %add3A_638, %add3A_13 : vector<16xi32>
      %add3A_640 = arith.addi %add3A_633, %add3A_639 : vector<16xi32>
      %swap3A_641 = arith.index_cast %mul3A_614 : i32 to index
      %swap3A_642 = tpu.vector_load %arg7[%swap3A_641] {strides = array<i32>} : memref<8192xi32, #tpu.memory_space<vmem>>, vector<16xi32>,
      %swap3A_643 = vector.shape_cast %swap3A_642 : vector<16xi32> to vector<16xi32>
      %swap3A_644 = vector.shape_cast %add3A_640 : vector<16xi32> to vector<16xi32>
      tpu.vector_store %arg7[%swap3A_641], %swap3A_644 {strides = array<i32>} : memref<8192xi32, #tpu.memory_space<vmem>>, vector<16xi32>,
      %scan3A_645 = arith.constant 7 : i32
      %scan3A_646 = arith.addi %scan3A_411, %scan3A_645 : i32
      %mul3A_647 = arith.constant 16 : i32
      %mul3A_648 = arith.muli %scan3A_646, %mul3A_647 : i32
      %and3A_649 = arith.constant 8191 : i32
      %and3A_650 = arith.andi %mul3A_648, %and3A_649 : i32
      %shift_right_arithmetic3A_651 = arith.constant 10 : i32
      %shift_right_arithmetic3A_652 = arith.shrsi %and3A_650, %shift_right_arithmetic3A_651 : i32
      %shift_left3A_653 = arith.constant 7 : i32
      %shift_left3A_654 = arith.shli %shift_right_arithmetic3A_652, %shift_left3A_653 : i32
      %and3A_655 = arith.constant 127 : i32
      %and3A_656 = arith.andi %and3A_650, %and3A_655 : i32
      %add3A_657 = arith.addi %shift_left3A_654, %and3A_656 : i32
      %get3A_658 = arith.index_cast %mul3A_648 : i32 to index
      %get3A_659 = tpu.vector_load %arg7[%get3A_658] {strides = array<i32>} : memref<8192xi32, #tpu.memory_space<vmem>>, vector<16xi32>,
      %get3A_660 = vector.shape_cast %get3A_659 : vector<16xi32> to vector<16xi32>
      %shift_right_arithmetic3A_661 = arith.constant 7 : i32
      %shift_right_arithmetic3A_662 = vector.broadcast %shift_right_arithmetic3A_661 : i32 to vector<16xi32>
      %shift_right_arithmetic3A_663 = arith.shrsi %get3A_660, %shift_right_arithmetic3A_662 : vector<16xi32>
      %mul3A_664 = arith.constant 896 : i32
      %mul3A_665 = vector.broadcast %mul3A_664 : i32 to vector<16xi32>
      %mul3A_666 = arith.muli %shift_right_arithmetic3A_663, %mul3A_665 : vector<16xi32>
      %add3A_667 = arith.addi %get3A_660, %mul3A_666 : vector<16xi32>
      %shift_right_arithmetic3A_668 = arith.constant 3 : i32
      %shift_right_arithmetic3A_669 = arith.shrsi %add3A_657, %shift_right_arithmetic3A_668 : i32
      %mul3A_670 = arith.constant 524288 : i32
      %mul3A_671 = arith.muli %shift_right_arithmetic3A_669, %mul3A_670 : i32
      %add3A_672 = vector.broadcast %mul3A_671 : i32 to vector<16xi32>
      %add3A_673 = arith.addi %add3A_672, %add3A_13 : vector<16xi32>
      %add3A_674 = arith.addi %add3A_667, %add3A_673 : vector<16xi32>
      %swap3A_675 = arith.index_cast %mul3A_648 : i32 to index
      %swap3A_676 = tpu.vector_load %arg7[%swap3A_675] {strides = array<i32>} : memref<8192xi32, #tpu.memory_space<vmem>>, vector<16xi32>,
      %swap3A_677 = vector.shape_cast %swap3A_676 : vector<16xi32> to vector<16xi32>
      %swap3A_678 = vector.shape_cast %add3A_674 : vector<16xi32> to vector<16xi32>
      tpu.vector_store %arg7[%swap3A_675], %swap3A_678 {strides = array<i32>} : memref<8192xi32, #tpu.memory_space<vmem>>, vector<16xi32>,
    }
    %scan3A_61 = arith.constant 512 : i32
    %dma_start3A_62 = arith.constant 0 : i32
    %dma_start3A_63 = tpu.memref_slice %arg2[%dma_start3A_62] : memref<67108864xf32, #tpu.memory_space<hbm>> -> memref<67108864xf32, #tpu.memory_space<hbm>>
    tpu.enqueue_indirect_dma source(%dma_start3A_63 : memref<67108864xf32, #tpu.memory_space<hbm>>) target(%arg13 : memref<8192xf32, #tpu.memory_space<vmem>>) offsets(%arg7 : memref<8192xi32, #tpu.memory_space<vmem>>) semaphore(%arg25 : memref<!tpu.dma_semaphore, #tpu.memory_space<semaphore_mem>>)
    %add3A_64 = arith.constant 24576 : i32
    %add3A_65 = arith.addi %mul3A_2, %add3A_64 : i32
    %dma_wait3A_66 = tpu.memref_slice %arg3[%add3A_65] : memref<4194304xi32, #tpu.memory_space<hbm>> -> memref<8192xi32, #tpu.memory_space<hbm>>
    %dma_wait3A_67 = tpu.memref_slice %arg3[%add3A_65] : memref<4194304xi32, #tpu.memory_space<hbm>> -> memref<8192xi32, #tpu.memory_space<hbm>>
    tpu.wait_dma2 semaphore(%arg20 : memref<!tpu.dma_semaphore, #tpu.memory_space<semaphore_mem>>) src(%dma_wait3A_67 : memref<8192xi32, #tpu.memory_space<hbm>>) dst(%arg8 : memref<8192xi32, #tpu.memory_space<vmem>>)
    %scan3A_68 = arith.constant 0 : i32
    %scan3A_69 = arith.constant 512 : i32
    %scan3A_70 = arith.addi %scan3A_68, %scan3A_69 : i32
    %scan3A_71 = arith.constant 8 : i32
    scf.for %scan3A_411 = %scan3A_68 to %scan3A_70 step %scan3A_71  : i32 {
      %mul3A_412 = arith.constant 16 : i32
      %mul3A_413 = arith.muli %scan3A_411, %mul3A_412 : i32
      %and3A_414 = arith.constant 8191 : i32
      %and3A_415 = arith.andi %mul3A_413, %and3A_414 : i32
      %shift_right_arithmetic3A_416 = arith.constant 10 : i32
      %shift_right_arithmetic3A_417 = arith.shrsi %and3A_415, %shift_right_arithmetic3A_416 : i32
      %shift_left3A = arith.constant 7 : i32
      %shift_left3A_418 = arith.shli %shift_right_arithmetic3A_417, %shift_left3A : i32
      %and3A_419 = arith.constant 127 : i32
      %and3A_420 = arith.andi %and3A_415, %and3A_419 : i32
      %add3A_421 = arith.addi %shift_left3A_418, %and3A_420 : i32
      %get3A = arith.index_cast %mul3A_413 : i32 to index
      %get3A_422 = tpu.vector_load %arg8[%get3A] {strides = array<i32>} : memref<8192xi32, #tpu.memory_space<vmem>>, vector<16xi32>,
      %get3A_423 = vector.shape_cast %get3A_422 : vector<16xi32> to vector<16xi32>
      %shift_right_arithmetic3A_424 = arith.constant 7 : i32
      %shift_right_arithmetic3A_425 = vector.broadcast %shift_right_arithmetic3A_424 : i32 to vector<16xi32>
      %shift_right_arithmetic3A_426 = arith.shrsi %get3A_423, %shift_right_arithmetic3A_425 : vector<16xi32>
      %mul3A_427 = arith.constant 896 : i32
      %mul3A_428 = vector.broadcast %mul3A_427 : i32 to vector<16xi32>
      %mul3A_429 = arith.muli %shift_right_arithmetic3A_426, %mul3A_428 : vector<16xi32>
      %add3A_430 = arith.addi %get3A_423, %mul3A_429 : vector<16xi32>
      %shift_right_arithmetic3A_431 = arith.constant 3 : i32
      %shift_right_arithmetic3A_432 = arith.shrsi %add3A_421, %shift_right_arithmetic3A_431 : i32
      %mul3A_433 = arith.constant 524288 : i32
      %mul3A_434 = arith.muli %shift_right_arithmetic3A_432, %mul3A_433 : i32
      %add3A_435 = vector.broadcast %mul3A_434 : i32 to vector<16xi32>
      %add3A_436 = arith.addi %add3A_435, %add3A_13 : vector<16xi32>
      %add3A_437 = arith.addi %add3A_430, %add3A_436 : vector<16xi32>
      %swap3A = arith.index_cast %mul3A_413 : i32 to index
      %swap3A_438 = tpu.vector_load %arg8[%swap3A] {strides = array<i32>} : memref<8192xi32, #tpu.memory_space<vmem>>, vector<16xi32>,
      %swap3A_439 = vector.shape_cast %swap3A_438 : vector<16xi32> to vector<16xi32>
      %swap3A_440 = vector.shape_cast %add3A_437 : vector<16xi32> to vector<16xi32>
      tpu.vector_store %arg8[%swap3A], %swap3A_440 {strides = array<i32>} : memref<8192xi32, #tpu.memory_space<vmem>>, vector<16xi32>,
      %scan3A_441 = arith.constant 1 : i32
      %scan3A_442 = arith.addi %scan3A_411, %scan3A_441 : i32
      %mul3A_443 = arith.constant 16 : i32
      %mul3A_444 = arith.muli %scan3A_442, %mul3A_443 : i32
      %and3A_445 = arith.constant 8191 : i32
      %and3A_446 = arith.andi %mul3A_444, %and3A_445 : i32
      %shift_right_arithmetic3A_447 = arith.constant 10 : i32
      %shift_right_arithmetic3A_448 = arith.shrsi %and3A_446, %shift_right_arithmetic3A_447 : i32
      %shift_left3A_449 = arith.constant 7 : i32
      %shift_left3A_450 = arith.shli %shift_right_arithmetic3A_448, %shift_left3A_449 : i32
      %and3A_451 = arith.constant 127 : i32
      %and3A_452 = arith.andi %and3A_446, %and3A_451 : i32
      %add3A_453 = arith.addi %shift_left3A_450, %and3A_452 : i32
      %get3A_454 = arith.index_cast %mul3A_444 : i32 to index
      %get3A_455 = tpu.vector_load %arg8[%get3A_454] {strides = array<i32>} : memref<8192xi32, #tpu.memory_space<vmem>>, vector<16xi32>,
      %get3A_456 = vector.shape_cast %get3A_455 : vector<16xi32> to vector<16xi32>
      %shift_right_arithmetic3A_457 = arith.constant 7 : i32
      %shift_right_arithmetic3A_458 = vector.broadcast %shift_right_arithmetic3A_457 : i32 to vector<16xi32>
      %shift_right_arithmetic3A_459 = arith.shrsi %get3A_456, %shift_right_arithmetic3A_458 : vector<16xi32>
      %mul3A_460 = arith.constant 896 : i32
      %mul3A_461 = vector.broadcast %mul3A_460 : i32 to vector<16xi32>
      %mul3A_462 = arith.muli %shift_right_arithmetic3A_459, %mul3A_461 : vector<16xi32>
      %add3A_463 = arith.addi %get3A_456, %mul3A_462 : vector<16xi32>
      %shift_right_arithmetic3A_464 = arith.constant 3 : i32
      %shift_right_arithmetic3A_465 = arith.shrsi %add3A_453, %shift_right_arithmetic3A_464 : i32
      %mul3A_466 = arith.constant 524288 : i32
      %mul3A_467 = arith.muli %shift_right_arithmetic3A_465, %mul3A_466 : i32
      %add3A_468 = vector.broadcast %mul3A_467 : i32 to vector<16xi32>
      %add3A_469 = arith.addi %add3A_468, %add3A_13 : vector<16xi32>
      %add3A_470 = arith.addi %add3A_463, %add3A_469 : vector<16xi32>
      %swap3A_471 = arith.index_cast %mul3A_444 : i32 to index
      %swap3A_472 = tpu.vector_load %arg8[%swap3A_471] {strides = array<i32>} : memref<8192xi32, #tpu.memory_space<vmem>>, vector<16xi32>,
      %swap3A_473 = vector.shape_cast %swap3A_472 : vector<16xi32> to vector<16xi32>
      %swap3A_474 = vector.shape_cast %add3A_470 : vector<16xi32> to vector<16xi32>
      tpu.vector_store %arg8[%swap3A_471], %swap3A_474 {strides = array<i32>} : memref<8192xi32, #tpu.memory_space<vmem>>, vector<16xi32>,
      %scan3A_475 = arith.constant 2 : i32
      %scan3A_476 = arith.addi %scan3A_411, %scan3A_475 : i32
      %mul3A_477 = arith.constant 16 : i32
      %mul3A_478 = arith.muli %scan3A_476, %mul3A_477 : i32
      %and3A_479 = arith.constant 8191 : i32
      %and3A_480 = arith.andi %mul3A_478, %and3A_479 : i32
      %shift_right_arithmetic3A_481 = arith.constant 10 : i32
      %shift_right_arithmetic3A_482 = arith.shrsi %and3A_480, %shift_right_arithmetic3A_481 : i32
      %shift_left3A_483 = arith.constant 7 : i32
      %shift_left3A_484 = arith.shli %shift_right_arithmetic3A_482, %shift_left3A_483 : i32
      %and3A_485 = arith.constant 127 : i32
      %and3A_486 = arith.andi %and3A_480, %and3A_485 : i32
      %add3A_487 = arith.addi %shift_left3A_484, %and3A_486 : i32
      %get3A_488 = arith.index_cast %mul3A_478 : i32 to index
      %get3A_489 = tpu.vector_load %arg8[%get3A_488] {strides = array<i32>} : memref<8192xi32, #tpu.memory_space<vmem>>, vector<16xi32>,
      %get3A_490 = vector.shape_cast %get3A_489 : vector<16xi32> to vector<16xi32>
      %shift_right_arithmetic3A_491 = arith.constant 7 : i32
      %shift_right_arithmetic3A_492 = vector.broadcast %shift_right_arithmetic3A_491 : i32 to vector<16xi32>
      %shift_right_arithmetic3A_493 = arith.shrsi %get3A_490, %shift_right_arithmetic3A_492 : vector<16xi32>
      %mul3A_494 = arith.constant 896 : i32
      %mul3A_495 = vector.broadcast %mul3A_494 : i32 to vector<16xi32>
      %mul3A_496 = arith.muli %shift_right_arithmetic3A_493, %mul3A_495 : vector<16xi32>
      %add3A_497 = arith.addi %get3A_490, %mul3A_496 : vector<16xi32>
      %shift_right_arithmetic3A_498 = arith.constant 3 : i32
      %shift_right_arithmetic3A_499 = arith.shrsi %add3A_487, %shift_right_arithmetic3A_498 : i32
      %mul3A_500 = arith.constant 524288 : i32
      %mul3A_501 = arith.muli %shift_right_arithmetic3A_499, %mul3A_500 : i32
      %add3A_502 = vector.broadcast %mul3A_501 : i32 to vector<16xi32>
      %add3A_503 = arith.addi %add3A_502, %add3A_13 : vector<16xi32>
      %add3A_504 = arith.addi %add3A_497, %add3A_503 : vector<16xi32>
      %swap3A_505 = arith.index_cast %mul3A_478 : i32 to index
      %swap3A_506 = tpu.vector_load %arg8[%swap3A_505] {strides = array<i32>} : memref<8192xi32, #tpu.memory_space<vmem>>, vector<16xi32>,
      %swap3A_507 = vector.shape_cast %swap3A_506 : vector<16xi32> to vector<16xi32>
      %swap3A_508 = vector.shape_cast %add3A_504 : vector<16xi32> to vector<16xi32>
      tpu.vector_store %arg8[%swap3A_505], %swap3A_508 {strides = array<i32>} : memref<8192xi32, #tpu.memory_space<vmem>>, vector<16xi32>,
      %scan3A_509 = arith.constant 3 : i32
      %scan3A_510 = arith.addi %scan3A_411, %scan3A_509 : i32
      %mul3A_511 = arith.constant 16 : i32
      %mul3A_512 = arith.muli %scan3A_510, %mul3A_511 : i32
      %and3A_513 = arith.constant 8191 : i32
      %and3A_514 = arith.andi %mul3A_512, %and3A_513 : i32
      %shift_right_arithmetic3A_515 = arith.constant 10 : i32
      %shift_right_arithmetic3A_516 = arith.shrsi %and3A_514, %shift_right_arithmetic3A_515 : i32
      %shift_left3A_517 = arith.constant 7 : i32
      %shift_left3A_518 = arith.shli %shift_right_arithmetic3A_516, %shift_left3A_517 : i32
      %and3A_519 = arith.constant 127 : i32
      %and3A_520 = arith.andi %and3A_514, %and3A_519 : i32
      %add3A_521 = arith.addi %shift_left3A_518, %and3A_520 : i32
      %get3A_522 = arith.index_cast %mul3A_512 : i32 to index
      %get3A_523 = tpu.vector_load %arg8[%get3A_522] {strides = array<i32>} : memref<8192xi32, #tpu.memory_space<vmem>>, vector<16xi32>,
      %get3A_524 = vector.shape_cast %get3A_523 : vector<16xi32> to vector<16xi32>
      %shift_right_arithmetic3A_525 = arith.constant 7 : i32
      %shift_right_arithmetic3A_526 = vector.broadcast %shift_right_arithmetic3A_525 : i32 to vector<16xi32>
      %shift_right_arithmetic3A_527 = arith.shrsi %get3A_524, %shift_right_arithmetic3A_526 : vector<16xi32>
      %mul3A_528 = arith.constant 896 : i32
      %mul3A_529 = vector.broadcast %mul3A_528 : i32 to vector<16xi32>
      %mul3A_530 = arith.muli %shift_right_arithmetic3A_527, %mul3A_529 : vector<16xi32>
      %add3A_531 = arith.addi %get3A_524, %mul3A_530 : vector<16xi32>
      %shift_right_arithmetic3A_532 = arith.constant 3 : i32
      %shift_right_arithmetic3A_533 = arith.shrsi %add3A_521, %shift_right_arithmetic3A_532 : i32
      %mul3A_534 = arith.constant 524288 : i32
      %mul3A_535 = arith.muli %shift_right_arithmetic3A_533, %mul3A_534 : i32
      %add3A_536 = vector.broadcast %mul3A_535 : i32 to vector<16xi32>
      %add3A_537 = arith.addi %add3A_536, %add3A_13 : vector<16xi32>
      %add3A_538 = arith.addi %add3A_531, %add3A_537 : vector<16xi32>
      %swap3A_539 = arith.index_cast %mul3A_512 : i32 to index
      %swap3A_540 = tpu.vector_load %arg8[%swap3A_539] {strides = array<i32>} : memref<8192xi32, #tpu.memory_space<vmem>>, vector<16xi32>,
      %swap3A_541 = vector.shape_cast %swap3A_540 : vector<16xi32> to vector<16xi32>
      %swap3A_542 = vector.shape_cast %add3A_538 : vector<16xi32> to vector<16xi32>
      tpu.vector_store %arg8[%swap3A_539], %swap3A_542 {strides = array<i32>} : memref<8192xi32, #tpu.memory_space<vmem>>, vector<16xi32>,
      %scan3A_543 = arith.constant 4 : i32
      %scan3A_544 = arith.addi %scan3A_411, %scan3A_543 : i32
      %mul3A_545 = arith.constant 16 : i32
      %mul3A_546 = arith.muli %scan3A_544, %mul3A_545 : i32
      %and3A_547 = arith.constant 8191 : i32
      %and3A_548 = arith.andi %mul3A_546, %and3A_547 : i32
      %shift_right_arithmetic3A_549 = arith.constant 10 : i32
      %shift_right_arithmetic3A_550 = arith.shrsi %and3A_548, %shift_right_arithmetic3A_549 : i32
      %shift_left3A_551 = arith.constant 7 : i32
      %shift_left3A_552 = arith.shli %shift_right_arithmetic3A_550, %shift_left3A_551 : i32
      %and3A_553 = arith.constant 127 : i32
      %and3A_554 = arith.andi %and3A_548, %and3A_553 : i32
      %add3A_555 = arith.addi %shift_left3A_552, %and3A_554 : i32
      %get3A_556 = arith.index_cast %mul3A_546 : i32 to index
      %get3A_557 = tpu.vector_load %arg8[%get3A_556] {strides = array<i32>} : memref<8192xi32, #tpu.memory_space<vmem>>, vector<16xi32>,
      %get3A_558 = vector.shape_cast %get3A_557 : vector<16xi32> to vector<16xi32>
      %shift_right_arithmetic3A_559 = arith.constant 7 : i32
      %shift_right_arithmetic3A_560 = vector.broadcast %shift_right_arithmetic3A_559 : i32 to vector<16xi32>
      %shift_right_arithmetic3A_561 = arith.shrsi %get3A_558, %shift_right_arithmetic3A_560 : vector<16xi32>
      %mul3A_562 = arith.constant 896 : i32
      %mul3A_563 = vector.broadcast %mul3A_562 : i32 to vector<16xi32>
      %mul3A_564 = arith.muli %shift_right_arithmetic3A_561, %mul3A_563 : vector<16xi32>
      %add3A_565 = arith.addi %get3A_558, %mul3A_564 : vector<16xi32>
      %shift_right_arithmetic3A_566 = arith.constant 3 : i32
      %shift_right_arithmetic3A_567 = arith.shrsi %add3A_555, %shift_right_arithmetic3A_566 : i32
      %mul3A_568 = arith.constant 524288 : i32
      %mul3A_569 = arith.muli %shift_right_arithmetic3A_567, %mul3A_568 : i32
      %add3A_570 = vector.broadcast %mul3A_569 : i32 to vector<16xi32>
      %add3A_571 = arith.addi %add3A_570, %add3A_13 : vector<16xi32>
      %add3A_572 = arith.addi %add3A_565, %add3A_571 : vector<16xi32>
      %swap3A_573 = arith.index_cast %mul3A_546 : i32 to index
      %swap3A_574 = tpu.vector_load %arg8[%swap3A_573] {strides = array<i32>} : memref<8192xi32, #tpu.memory_space<vmem>>, vector<16xi32>,
      %swap3A_575 = vector.shape_cast %swap3A_574 : vector<16xi32> to vector<16xi32>
      %swap3A_576 = vector.shape_cast %add3A_572 : vector<16xi32> to vector<16xi32>
      tpu.vector_store %arg8[%swap3A_573], %swap3A_576 {strides = array<i32>} : memref<8192xi32, #tpu.memory_space<vmem>>, vector<16xi32>,
      %scan3A_577 = arith.constant 5 : i32
      %scan3A_578 = arith.addi %scan3A_411, %scan3A_577 : i32
      %mul3A_579 = arith.constant 16 : i32
      %mul3A_580 = arith.muli %scan3A_578, %mul3A_579 : i32
      %and3A_581 = arith.constant 8191 : i32
      %and3A_582 = arith.andi %mul3A_580, %and3A_581 : i32
      %shift_right_arithmetic3A_583 = arith.constant 10 : i32
      %shift_right_arithmetic3A_584 = arith.shrsi %and3A_582, %shift_right_arithmetic3A_583 : i32
      %shift_left3A_585 = arith.constant 7 : i32
      %shift_left3A_586 = arith.shli %shift_right_arithmetic3A_584, %shift_left3A_585 : i32
      %and3A_587 = arith.constant 127 : i32
      %and3A_588 = arith.andi %and3A_582, %and3A_587 : i32
      %add3A_589 = arith.addi %shift_left3A_586, %and3A_588 : i32
      %get3A_590 = arith.index_cast %mul3A_580 : i32 to index
      %get3A_591 = tpu.vector_load %arg8[%get3A_590] {strides = array<i32>} : memref<8192xi32, #tpu.memory_space<vmem>>, vector<16xi32>,
      %get3A_592 = vector.shape_cast %get3A_591 : vector<16xi32> to vector<16xi32>
      %shift_right_arithmetic3A_593 = arith.constant 7 : i32
      %shift_right_arithmetic3A_594 = vector.broadcast %shift_right_arithmetic3A_593 : i32 to vector<16xi32>
      %shift_right_arithmetic3A_595 = arith.shrsi %get3A_592, %shift_right_arithmetic3A_594 : vector<16xi32>
      %mul3A_596 = arith.constant 896 : i32
      %mul3A_597 = vector.broadcast %mul3A_596 : i32 to vector<16xi32>
      %mul3A_598 = arith.muli %shift_right_arithmetic3A_595, %mul3A_597 : vector<16xi32>
      %add3A_599 = arith.addi %get3A_592, %mul3A_598 : vector<16xi32>
      %shift_right_arithmetic3A_600 = arith.constant 3 : i32
      %shift_right_arithmetic3A_601 = arith.shrsi %add3A_589, %shift_right_arithmetic3A_600 : i32
      %mul3A_602 = arith.constant 524288 : i32
      %mul3A_603 = arith.muli %shift_right_arithmetic3A_601, %mul3A_602 : i32
      %add3A_604 = vector.broadcast %mul3A_603 : i32 to vector<16xi32>
      %add3A_605 = arith.addi %add3A_604, %add3A_13 : vector<16xi32>
      %add3A_606 = arith.addi %add3A_599, %add3A_605 : vector<16xi32>
      %swap3A_607 = arith.index_cast %mul3A_580 : i32 to index
      %swap3A_608 = tpu.vector_load %arg8[%swap3A_607] {strides = array<i32>} : memref<8192xi32, #tpu.memory_space<vmem>>, vector<16xi32>,
      %swap3A_609 = vector.shape_cast %swap3A_608 : vector<16xi32> to vector<16xi32>
      %swap3A_610 = vector.shape_cast %add3A_606 : vector<16xi32> to vector<16xi32>
      tpu.vector_store %arg8[%swap3A_607], %swap3A_610 {strides = array<i32>} : memref<8192xi32, #tpu.memory_space<vmem>>, vector<16xi32>,
      %scan3A_611 = arith.constant 6 : i32
      %scan3A_612 = arith.addi %scan3A_411, %scan3A_611 : i32
      %mul3A_613 = arith.constant 16 : i32
      %mul3A_614 = arith.muli %scan3A_612, %mul3A_613 : i32
      %and3A_615 = arith.constant 8191 : i32
      %and3A_616 = arith.andi %mul3A_614, %and3A_615 : i32
      %shift_right_arithmetic3A_617 = arith.constant 10 : i32
      %shift_right_arithmetic3A_618 = arith.shrsi %and3A_616, %shift_right_arithmetic3A_617 : i32
      %shift_left3A_619 = arith.constant 7 : i32
      %shift_left3A_620 = arith.shli %shift_right_arithmetic3A_618, %shift_left3A_619 : i32
      %and3A_621 = arith.constant 127 : i32
      %and3A_622 = arith.andi %and3A_616, %and3A_621 : i32
      %add3A_623 = arith.addi %shift_left3A_620, %and3A_622 : i32
      %get3A_624 = arith.index_cast %mul3A_614 : i32 to index
      %get3A_625 = tpu.vector_load %arg8[%get3A_624] {strides = array<i32>} : memref<8192xi32, #tpu.memory_space<vmem>>, vector<16xi32>,
      %get3A_626 = vector.shape_cast %get3A_625 : vector<16xi32> to vector<16xi32>
      %shift_right_arithmetic3A_627 = arith.constant 7 : i32
      %shift_right_arithmetic3A_628 = vector.broadcast %shift_right_arithmetic3A_627 : i32 to vector<16xi32>
      %shift_right_arithmetic3A_629 = arith.shrsi %get3A_626, %shift_right_arithmetic3A_628 : vector<16xi32>
      %mul3A_630 = arith.constant 896 : i32
      %mul3A_631 = vector.broadcast %mul3A_630 : i32 to vector<16xi32>
      %mul3A_632 = arith.muli %shift_right_arithmetic3A_629, %mul3A_631 : vector<16xi32>
      %add3A_633 = arith.addi %get3A_626, %mul3A_632 : vector<16xi32>
      %shift_right_arithmetic3A_634 = arith.constant 3 : i32
      %shift_right_arithmetic3A_635 = arith.shrsi %add3A_623, %shift_right_arithmetic3A_634 : i32
      %mul3A_636 = arith.constant 524288 : i32
      %mul3A_637 = arith.muli %shift_right_arithmetic3A_635, %mul3A_636 : i32
      %add3A_638 = vector.broadcast %mul3A_637 : i32 to vector<16xi32>
      %add3A_639 = arith.addi %add3A_638, %add3A_13 : vector<16xi32>
      %add3A_640 = arith.addi %add3A_633, %add3A_639 : vector<16xi32>
      %swap3A_641 = arith.index_cast %mul3A_614 : i32 to index
      %swap3A_642 = tpu.vector_load %arg8[%swap3A_641] {strides = array<i32>} : memref<8192xi32, #tpu.memory_space<vmem>>, vector<16xi32>,
      %swap3A_643 = vector.shape_cast %swap3A_642 : vector<16xi32> to vector<16xi32>
      %swap3A_644 = vector.shape_cast %add3A_640 : vector<16xi32> to vector<16xi32>
      tpu.vector_store %arg8[%swap3A_641], %swap3A_644 {strides = array<i32>} : memref<8192xi32, #tpu.memory_space<vmem>>, vector<16xi32>,
      %scan3A_645 = arith.constant 7 : i32
      %scan3A_646 = arith.addi %scan3A_411, %scan3A_645 : i32
      %mul3A_647 = arith.constant 16 : i32
      %mul3A_648 = arith.muli %scan3A_646, %mul3A_647 : i32
      %and3A_649 = arith.constant 8191 : i32
      %and3A_650 = arith.andi %mul3A_648, %and3A_649 : i32
      %shift_right_arithmetic3A_651 = arith.constant 10 : i32
      %shift_right_arithmetic3A_652 = arith.shrsi %and3A_650, %shift_right_arithmetic3A_651 : i32
      %shift_left3A_653 = arith.constant 7 : i32
      %shift_left3A_654 = arith.shli %shift_right_arithmetic3A_652, %shift_left3A_653 : i32
      %and3A_655 = arith.constant 127 : i32
      %and3A_656 = arith.andi %and3A_650, %and3A_655 : i32
      %add3A_657 = arith.addi %shift_left3A_654, %and3A_656 : i32
      %get3A_658 = arith.index_cast %mul3A_648 : i32 to index
      %get3A_659 = tpu.vector_load %arg8[%get3A_658] {strides = array<i32>} : memref<8192xi32, #tpu.memory_space<vmem>>, vector<16xi32>,
      %get3A_660 = vector.shape_cast %get3A_659 : vector<16xi32> to vector<16xi32>
      %shift_right_arithmetic3A_661 = arith.constant 7 : i32
      %shift_right_arithmetic3A_662 = vector.broadcast %shift_right_arithmetic3A_661 : i32 to vector<16xi32>
      %shift_right_arithmetic3A_663 = arith.shrsi %get3A_660, %shift_right_arithmetic3A_662 : vector<16xi32>
      %mul3A_664 = arith.constant 896 : i32
      %mul3A_665 = vector.broadcast %mul3A_664 : i32 to vector<16xi32>
      %mul3A_666 = arith.muli %shift_right_arithmetic3A_663, %mul3A_665 : vector<16xi32>
      %add3A_667 = arith.addi %get3A_660, %mul3A_666 : vector<16xi32>
      %shift_right_arithmetic3A_668 = arith.constant 3 : i32
      %shift_right_arithmetic3A_669 = arith.shrsi %add3A_657, %shift_right_arithmetic3A_668 : i32
      %mul3A_670 = arith.constant 524288 : i32
      %mul3A_671 = arith.muli %shift_right_arithmetic3A_669, %mul3A_670 : i32
      %add3A_672 = vector.broadcast %mul3A_671 : i32 to vector<16xi32>
      %add3A_673 = arith.addi %add3A_672, %add3A_13 : vector<16xi32>
      %add3A_674 = arith.addi %add3A_667, %add3A_673 : vector<16xi32>
      %swap3A_675 = arith.index_cast %mul3A_648 : i32 to index
      %swap3A_676 = tpu.vector_load %arg8[%swap3A_675] {strides = array<i32>} : memref<8192xi32, #tpu.memory_space<vmem>>, vector<16xi32>,
      %swap3A_677 = vector.shape_cast %swap3A_676 : vector<16xi32> to vector<16xi32>
      %swap3A_678 = vector.shape_cast %add3A_674 : vector<16xi32> to vector<16xi32>
      tpu.vector_store %arg8[%swap3A_675], %swap3A_678 {strides = array<i32>} : memref<8192xi32, #tpu.memory_space<vmem>>, vector<16xi32>,
    }
    %scan3A_72 = arith.constant 512 : i32
    %dma_start3A_73 = arith.constant 0 : i32
    %dma_start3A_74 = tpu.memref_slice %arg2[%dma_start3A_73] : memref<67108864xf32, #tpu.memory_space<hbm>> -> memref<67108864xf32, #tpu.memory_space<hbm>>
    tpu.enqueue_indirect_dma source(%dma_start3A_74 : memref<67108864xf32, #tpu.memory_space<hbm>>) target(%arg14 : memref<8192xf32, #tpu.memory_space<vmem>>) offsets(%arg8 : memref<8192xi32, #tpu.memory_space<vmem>>) semaphore(%arg26 : memref<!tpu.dma_semaphore, #tpu.memory_space<semaphore_mem>>)
    %dma_wait3A_75 = arith.constant 0 : i32
    %dma_wait3A_76 = tpu.memref_slice %arg2[%dma_wait3A_75] : memref<67108864xf32, #tpu.memory_space<hbm>> -> memref<67108864xf32, #tpu.memory_space<hbm>>
    tpu.wait_indirect_dma semaphore(%arg23 : memref<!tpu.dma_semaphore, #tpu.memory_space<semaphore_mem>>) src(%dma_wait3A_76 : memref<67108864xf32, #tpu.memory_space<hbm>>) dst(%arg11 : memref<8192xf32, #tpu.memory_space<vmem>>)
    %add3A_77 = arith.constant 0 : i32
    %add3A_78 = arith.addi %mul3A_2, %add3A_77 : i32
    %dma_start3A_79 = tpu.memref_slice %arg4[%add3A_78] : memref<4194304xf32, #tpu.memory_space<hbm>> -> memref<8192xf32, #tpu.memory_space<hbm>>
    %dma_start3A_80 = tpu.memref_slice %arg4[%add3A_78] : memref<4194304xf32, #tpu.memory_space<hbm>> -> memref<8192xf32, #tpu.memory_space<hbm>>
    tpu.enqueue_dma source(%arg11 : memref<8192xf32, #tpu.memory_space<vmem>>) target(%dma_start3A_80 : memref<8192xf32, #tpu.memory_space<hbm>>) target_semaphore(%arg27 : memref<!tpu.dma_semaphore, #tpu.memory_space<semaphore_mem>>)
    %add3A_81 = arith.constant 40960 : i32
    %add3A_82 = arith.addi %mul3A_2, %add3A_81 : i32
    %dma_start3A_83 = tpu.memref_slice %arg3[%add3A_82] : memref<4194304xi32, #tpu.memory_space<hbm>> -> memref<8192xi32, #tpu.memory_space<hbm>>
    %dma_start3A_84 = tpu.memref_slice %arg3[%add3A_82] : memref<4194304xi32, #tpu.memory_space<hbm>> -> memref<8192xi32, #tpu.memory_space<hbm>>
    tpu.enqueue_dma source(%dma_start3A_84 : memref<8192xi32, #tpu.memory_space<hbm>>) target(%arg10 : memref<8192xi32, #tpu.memory_space<vmem>>) target_semaphore(%arg22 : memref<!tpu.dma_semaphore, #tpu.memory_space<semaphore_mem>>)
    %add3A_85 = arith.constant 32768 : i32
    %add3A_86 = arith.addi %mul3A_2, %add3A_85 : i32
    %dma_wait3A_87 = tpu.memref_slice %arg3[%add3A_86] : memref<4194304xi32, #tpu.memory_space<hbm>> -> memref<8192xi32, #tpu.memory_space<hbm>>
    %dma_wait3A_88 = tpu.memref_slice %arg3[%add3A_86] : memref<4194304xi32, #tpu.memory_space<hbm>> -> memref<8192xi32, #tpu.memory_space<hbm>>
    tpu.wait_dma2 semaphore(%arg21 : memref<!tpu.dma_semaphore, #tpu.memory_space<semaphore_mem>>) src(%dma_wait3A_88 : memref<8192xi32, #tpu.memory_space<hbm>>) dst(%arg9 : memref<8192xi32, #tpu.memory_space<vmem>>)
    %scan3A_89 = arith.constant 0 : i32
    %scan3A_90 = arith.constant 512 : i32
    %scan3A_91 = arith.addi %scan3A_89, %scan3A_90 : i32
    %scan3A_92 = arith.constant 8 : i32
    scf.for %scan3A_411 = %scan3A_89 to %scan3A_91 step %scan3A_92  : i32 {
      %mul3A_412 = arith.constant 16 : i32
      %mul3A_413 = arith.muli %scan3A_411, %mul3A_412 : i32
      %and3A_414 = arith.constant 8191 : i32
      %and3A_415 = arith.andi %mul3A_413, %and3A_414 : i32
      %shift_right_arithmetic3A_416 = arith.constant 10 : i32
      %shift_right_arithmetic3A_417 = arith.shrsi %and3A_415, %shift_right_arithmetic3A_416 : i32
      %shift_left3A = arith.constant 7 : i32
      %shift_left3A_418 = arith.shli %shift_right_arithmetic3A_417, %shift_left3A : i32
      %and3A_419 = arith.constant 127 : i32
      %and3A_420 = arith.andi %and3A_415, %and3A_419 : i32
      %add3A_421 = arith.addi %shift_left3A_418, %and3A_420 : i32
      %get3A = arith.index_cast %mul3A_413 : i32 to index
      %get3A_422 = tpu.vector_load %arg9[%get3A] {strides = array<i32>} : memref<8192xi32, #tpu.memory_space<vmem>>, vector<16xi32>,
      %get3A_423 = vector.shape_cast %get3A_422 : vector<16xi32> to vector<16xi32>
      %shift_right_arithmetic3A_424 = arith.constant 7 : i32
      %shift_right_arithmetic3A_425 = vector.broadcast %shift_right_arithmetic3A_424 : i32 to vector<16xi32>
      %shift_right_arithmetic3A_426 = arith.shrsi %get3A_423, %shift_right_arithmetic3A_425 : vector<16xi32>
      %mul3A_427 = arith.constant 896 : i32
      %mul3A_428 = vector.broadcast %mul3A_427 : i32 to vector<16xi32>
      %mul3A_429 = arith.muli %shift_right_arithmetic3A_426, %mul3A_428 : vector<16xi32>
      %add3A_430 = arith.addi %get3A_423, %mul3A_429 : vector<16xi32>
      %shift_right_arithmetic3A_431 = arith.constant 3 : i32
      %shift_right_arithmetic3A_432 = arith.shrsi %add3A_421, %shift_right_arithmetic3A_431 : i32
      %mul3A_433 = arith.constant 524288 : i32
      %mul3A_434 = arith.muli %shift_right_arithmetic3A_432, %mul3A_433 : i32
      %add3A_435 = vector.broadcast %mul3A_434 : i32 to vector<16xi32>
      %add3A_436 = arith.addi %add3A_435, %add3A_13 : vector<16xi32>
      %add3A_437 = arith.addi %add3A_430, %add3A_436 : vector<16xi32>
      %swap3A = arith.index_cast %mul3A_413 : i32 to index
      %swap3A_438 = tpu.vector_load %arg9[%swap3A] {strides = array<i32>} : memref<8192xi32, #tpu.memory_space<vmem>>, vector<16xi32>,
      %swap3A_439 = vector.shape_cast %swap3A_438 : vector<16xi32> to vector<16xi32>
      %swap3A_440 = vector.shape_cast %add3A_437 : vector<16xi32> to vector<16xi32>
      tpu.vector_store %arg9[%swap3A], %swap3A_440 {strides = array<i32>} : memref<8192xi32, #tpu.memory_space<vmem>>, vector<16xi32>,
      %scan3A_441 = arith.constant 1 : i32
      %scan3A_442 = arith.addi %scan3A_411, %scan3A_441 : i32
      %mul3A_443 = arith.constant 16 : i32
      %mul3A_444 = arith.muli %scan3A_442, %mul3A_443 : i32
      %and3A_445 = arith.constant 8191 : i32
      %and3A_446 = arith.andi %mul3A_444, %and3A_445 : i32
      %shift_right_arithmetic3A_447 = arith.constant 10 : i32
      %shift_right_arithmetic3A_448 = arith.shrsi %and3A_446, %shift_right_arithmetic3A_447 : i32
      %shift_left3A_449 = arith.constant 7 : i32
      %shift_left3A_450 = arith.shli %shift_right_arithmetic3A_448, %shift_left3A_449 : i32
      %and3A_451 = arith.constant 127 : i32
      %and3A_452 = arith.andi %and3A_446, %and3A_451 : i32
      %add3A_453 = arith.addi %shift_left3A_450, %and3A_452 : i32
      %get3A_454 = arith.index_cast %mul3A_444 : i32 to index
      %get3A_455 = tpu.vector_load %arg9[%get3A_454] {strides = array<i32>} : memref<8192xi32, #tpu.memory_space<vmem>>, vector<16xi32>,
      %get3A_456 = vector.shape_cast %get3A_455 : vector<16xi32> to vector<16xi32>
      %shift_right_arithmetic3A_457 = arith.constant 7 : i32
      %shift_right_arithmetic3A_458 = vector.broadcast %shift_right_arithmetic3A_457 : i32 to vector<16xi32>
      %shift_right_arithmetic3A_459 = arith.shrsi %get3A_456, %shift_right_arithmetic3A_458 : vector<16xi32>
      %mul3A_460 = arith.constant 896 : i32
      %mul3A_461 = vector.broadcast %mul3A_460 : i32 to vector<16xi32>
      %mul3A_462 = arith.muli %shift_right_arithmetic3A_459, %mul3A_461 : vector<16xi32>
      %add3A_463 = arith.addi %get3A_456, %mul3A_462 : vector<16xi32>
      %shift_right_arithmetic3A_464 = arith.constant 3 : i32
      %shift_right_arithmetic3A_465 = arith.shrsi %add3A_453, %shift_right_arithmetic3A_464 : i32
      %mul3A_466 = arith.constant 524288 : i32
      %mul3A_467 = arith.muli %shift_right_arithmetic3A_465, %mul3A_466 : i32
      %add3A_468 = vector.broadcast %mul3A_467 : i32 to vector<16xi32>
      %add3A_469 = arith.addi %add3A_468, %add3A_13 : vector<16xi32>
      %add3A_470 = arith.addi %add3A_463, %add3A_469 : vector<16xi32>
      %swap3A_471 = arith.index_cast %mul3A_444 : i32 to index
      %swap3A_472 = tpu.vector_load %arg9[%swap3A_471] {strides = array<i32>} : memref<8192xi32, #tpu.memory_space<vmem>>, vector<16xi32>,
      %swap3A_473 = vector.shape_cast %swap3A_472 : vector<16xi32> to vector<16xi32>
      %swap3A_474 = vector.shape_cast %add3A_470 : vector<16xi32> to vector<16xi32>
      tpu.vector_store %arg9[%swap3A_471], %swap3A_474 {strides = array<i32>} : memref<8192xi32, #tpu.memory_space<vmem>>, vector<16xi32>,
      %scan3A_475 = arith.constant 2 : i32
      %scan3A_476 = arith.addi %scan3A_411, %scan3A_475 : i32
      %mul3A_477 = arith.constant 16 : i32
      %mul3A_478 = arith.muli %scan3A_476, %mul3A_477 : i32
      %and3A_479 = arith.constant 8191 : i32
      %and3A_480 = arith.andi %mul3A_478, %and3A_479 : i32
      %shift_right_arithmetic3A_481 = arith.constant 10 : i32
      %shift_right_arithmetic3A_482 = arith.shrsi %and3A_480, %shift_right_arithmetic3A_481 : i32
      %shift_left3A_483 = arith.constant 7 : i32
      %shift_left3A_484 = arith.shli %shift_right_arithmetic3A_482, %shift_left3A_483 : i32
      %and3A_485 = arith.constant 127 : i32
      %and3A_486 = arith.andi %and3A_480, %and3A_485 : i32
      %add3A_487 = arith.addi %shift_left3A_484, %and3A_486 : i32
      %get3A_488 = arith.index_cast %mul3A_478 : i32 to index
      %get3A_489 = tpu.vector_load %arg9[%get3A_488] {strides = array<i32>} : memref<8192xi32, #tpu.memory_space<vmem>>, vector<16xi32>,
      %get3A_490 = vector.shape_cast %get3A_489 : vector<16xi32> to vector<16xi32>
      %shift_right_arithmetic3A_491 = arith.constant 7 : i32
      %shift_right_arithmetic3A_492 = vector.broadcast %shift_right_arithmetic3A_491 : i32 to vector<16xi32>
      %shift_right_arithmetic3A_493 = arith.shrsi %get3A_490, %shift_right_arithmetic3A_492 : vector<16xi32>
      %mul3A_494 = arith.constant 896 : i32
      %mul3A_495 = vector.broadcast %mul3A_494 : i32 to vector<16xi32>
      %mul3A_496 = arith.muli %shift_right_arithmetic3A_493, %mul3A_495 : vector<16xi32>
      %add3A_497 = arith.addi %get3A_490, %mul3A_496 : vector<16xi32>
      %shift_right_arithmetic3A_498 = arith.constant 3 : i32
      %shift_right_arithmetic3A_499 = arith.shrsi %add3A_487, %shift_right_arithmetic3A_498 : i32
      %mul3A_500 = arith.constant 524288 : i32
      %mul3A_501 = arith.muli %shift_right_arithmetic3A_499, %mul3A_500 : i32
      %add3A_502 = vector.broadcast %mul3A_501 : i32 to vector<16xi32>
      %add3A_503 = arith.addi %add3A_502, %add3A_13 : vector<16xi32>
      %add3A_504 = arith.addi %add3A_497, %add3A_503 : vector<16xi32>
      %swap3A_505 = arith.index_cast %mul3A_478 : i32 to index
      %swap3A_506 = tpu.vector_load %arg9[%swap3A_505] {strides = array<i32>} : memref<8192xi32, #tpu.memory_space<vmem>>, vector<16xi32>,
      %swap3A_507 = vector.shape_cast %swap3A_506 : vector<16xi32> to vector<16xi32>
      %swap3A_508 = vector.shape_cast %add3A_504 : vector<16xi32> to vector<16xi32>
      tpu.vector_store %arg9[%swap3A_505], %swap3A_508 {strides = array<i32>} : memref<8192xi32, #tpu.memory_space<vmem>>, vector<16xi32>,
      %scan3A_509 = arith.constant 3 : i32
      %scan3A_510 = arith.addi %scan3A_411, %scan3A_509 : i32
      %mul3A_511 = arith.constant 16 : i32
      %mul3A_512 = arith.muli %scan3A_510, %mul3A_511 : i32
      %and3A_513 = arith.constant 8191 : i32
      %and3A_514 = arith.andi %mul3A_512, %and3A_513 : i32
      %shift_right_arithmetic3A_515 = arith.constant 10 : i32
      %shift_right_arithmetic3A_516 = arith.shrsi %and3A_514, %shift_right_arithmetic3A_515 : i32
      %shift_left3A_517 = arith.constant 7 : i32
      %shift_left3A_518 = arith.shli %shift_right_arithmetic3A_516, %shift_left3A_517 : i32
      %and3A_519 = arith.constant 127 : i32
      %and3A_520 = arith.andi %and3A_514, %and3A_519 : i32
      %add3A_521 = arith.addi %shift_left3A_518, %and3A_520 : i32
      %get3A_522 = arith.index_cast %mul3A_512 : i32 to index
      %get3A_523 = tpu.vector_load %arg9[%get3A_522] {strides = array<i32>} : memref<8192xi32, #tpu.memory_space<vmem>>, vector<16xi32>,
      %get3A_524 = vector.shape_cast %get3A_523 : vector<16xi32> to vector<16xi32>
      %shift_right_arithmetic3A_525 = arith.constant 7 : i32
      %shift_right_arithmetic3A_526 = vector.broadcast %shift_right_arithmetic3A_525 : i32 to vector<16xi32>
      %shift_right_arithmetic3A_527 = arith.shrsi %get3A_524, %shift_right_arithmetic3A_526 : vector<16xi32>
      %mul3A_528 = arith.constant 896 : i32
      %mul3A_529 = vector.broadcast %mul3A_528 : i32 to vector<16xi32>
      %mul3A_530 = arith.muli %shift_right_arithmetic3A_527, %mul3A_529 : vector<16xi32>
      %add3A_531 = arith.addi %get3A_524, %mul3A_530 : vector<16xi32>
      %shift_right_arithmetic3A_532 = arith.constant 3 : i32
      %shift_right_arithmetic3A_533 = arith.shrsi %add3A_521, %shift_right_arithmetic3A_532 : i32
      %mul3A_534 = arith.constant 524288 : i32
      %mul3A_535 = arith.muli %shift_right_arithmetic3A_533, %mul3A_534 : i32
      %add3A_536 = vector.broadcast %mul3A_535 : i32 to vector<16xi32>
      %add3A_537 = arith.addi %add3A_536, %add3A_13 : vector<16xi32>
      %add3A_538 = arith.addi %add3A_531, %add3A_537 : vector<16xi32>
      %swap3A_539 = arith.index_cast %mul3A_512 : i32 to index
      %swap3A_540 = tpu.vector_load %arg9[%swap3A_539] {strides = array<i32>} : memref<8192xi32, #tpu.memory_space<vmem>>, vector<16xi32>,
      %swap3A_541 = vector.shape_cast %swap3A_540 : vector<16xi32> to vector<16xi32>
      %swap3A_542 = vector.shape_cast %add3A_538 : vector<16xi32> to vector<16xi32>
      tpu.vector_store %arg9[%swap3A_539], %swap3A_542 {strides = array<i32>} : memref<8192xi32, #tpu.memory_space<vmem>>, vector<16xi32>,
      %scan3A_543 = arith.constant 4 : i32
      %scan3A_544 = arith.addi %scan3A_411, %scan3A_543 : i32
      %mul3A_545 = arith.constant 16 : i32
      %mul3A_546 = arith.muli %scan3A_544, %mul3A_545 : i32
      %and3A_547 = arith.constant 8191 : i32
      %and3A_548 = arith.andi %mul3A_546, %and3A_547 : i32
      %shift_right_arithmetic3A_549 = arith.constant 10 : i32
      %shift_right_arithmetic3A_550 = arith.shrsi %and3A_548, %shift_right_arithmetic3A_549 : i32
      %shift_left3A_551 = arith.constant 7 : i32
      %shift_left3A_552 = arith.shli %shift_right_arithmetic3A_550, %shift_left3A_551 : i32
      %and3A_553 = arith.constant 127 : i32
      %and3A_554 = arith.andi %and3A_548, %and3A_553 : i32
      %add3A_555 = arith.addi %shift_left3A_552, %and3A_554 : i32
      %get3A_556 = arith.index_cast %mul3A_546 : i32 to index
      %get3A_557 = tpu.vector_load %arg9[%get3A_556] {strides = array<i32>} : memref<8192xi32, #tpu.memory_space<vmem>>, vector<16xi32>,
      %get3A_558 = vector.shape_cast %get3A_557 : vector<16xi32> to vector<16xi32>
      %shift_right_arithmetic3A_559 = arith.constant 7 : i32
      %shift_right_arithmetic3A_560 = vector.broadcast %shift_right_arithmetic3A_559 : i32 to vector<16xi32>
      %shift_right_arithmetic3A_561 = arith.shrsi %get3A_558, %shift_right_arithmetic3A_560 : vector<16xi32>
      %mul3A_562 = arith.constant 896 : i32
      %mul3A_563 = vector.broadcast %mul3A_562 : i32 to vector<16xi32>
      %mul3A_564 = arith.muli %shift_right_arithmetic3A_561, %mul3A_563 : vector<16xi32>
      %add3A_565 = arith.addi %get3A_558, %mul3A_564 : vector<16xi32>
      %shift_right_arithmetic3A_566 = arith.constant 3 : i32
      %shift_right_arithmetic3A_567 = arith.shrsi %add3A_555, %shift_right_arithmetic3A_566 : i32
      %mul3A_568 = arith.constant 524288 : i32
      %mul3A_569 = arith.muli %shift_right_arithmetic3A_567, %mul3A_568 : i32
      %add3A_570 = vector.broadcast %mul3A_569 : i32 to vector<16xi32>
      %add3A_571 = arith.addi %add3A_570, %add3A_13 : vector<16xi32>
      %add3A_572 = arith.addi %add3A_565, %add3A_571 : vector<16xi32>
      %swap3A_573 = arith.index_cast %mul3A_546 : i32 to index
      %swap3A_574 = tpu.vector_load %arg9[%swap3A_573] {strides = array<i32>} : memref<8192xi32, #tpu.memory_space<vmem>>, vector<16xi32>,
      %swap3A_575 = vector.shape_cast %swap3A_574 : vector<16xi32> to vector<16xi32>
      %swap3A_576 = vector.shape_cast %add3A_572 : vector<16xi32> to vector<16xi32>
      tpu.vector_store %arg9[%swap3A_573], %swap3A_576 {strides = array<i32>} : memref<8192xi32, #tpu.memory_space<vmem>>, vector<16xi32>,
      %scan3A_577 = arith.constant 5 : i32
      %scan3A_578 = arith.addi %scan3A_411, %scan3A_577 : i32
      %mul3A_579 = arith.constant 16 : i32
      %mul3A_580 = arith.muli %scan3A_578, %mul3A_579 : i32
      %and3A_581 = arith.constant 8191 : i32
      %and3A_582 = arith.andi %mul3A_580, %and3A_581 : i32
      %shift_right_arithmetic3A_583 = arith.constant 10 : i32
      %shift_right_arithmetic3A_584 = arith.shrsi %and3A_582, %shift_right_arithmetic3A_583 : i32
      %shift_left3A_585 = arith.constant 7 : i32
      %shift_left3A_586 = arith.shli %shift_right_arithmetic3A_584, %shift_left3A_585 : i32
      %and3A_587 = arith.constant 127 : i32
      %and3A_588 = arith.andi %and3A_582, %and3A_587 : i32
      %add3A_589 = arith.addi %shift_left3A_586, %and3A_588 : i32
      %get3A_590 = arith.index_cast %mul3A_580 : i32 to index
      %get3A_591 = tpu.vector_load %arg9[%get3A_590] {strides = array<i32>} : memref<8192xi32, #tpu.memory_space<vmem>>, vector<16xi32>,
      %get3A_592 = vector.shape_cast %get3A_591 : vector<16xi32> to vector<16xi32>
      %shift_right_arithmetic3A_593 = arith.constant 7 : i32
      %shift_right_arithmetic3A_594 = vector.broadcast %shift_right_arithmetic3A_593 : i32 to vector<16xi32>
      %shift_right_arithmetic3A_595 = arith.shrsi %get3A_592, %shift_right_arithmetic3A_594 : vector<16xi32>
      %mul3A_596 = arith.constant 896 : i32
      %mul3A_597 = vector.broadcast %mul3A_596 : i32 to vector<16xi32>
      %mul3A_598 = arith.muli %shift_right_arithmetic3A_595, %mul3A_597 : vector<16xi32>
      %add3A_599 = arith.addi %get3A_592, %mul3A_598 : vector<16xi32>
      %shift_right_arithmetic3A_600 = arith.constant 3 : i32
      %shift_right_arithmetic3A_601 = arith.shrsi %add3A_589, %shift_right_arithmetic3A_600 : i32
      %mul3A_602 = arith.constant 524288 : i32
      %mul3A_603 = arith.muli %shift_right_arithmetic3A_601, %mul3A_602 : i32
      %add3A_604 = vector.broadcast %mul3A_603 : i32 to vector<16xi32>
      %add3A_605 = arith.addi %add3A_604, %add3A_13 : vector<16xi32>
      %add3A_606 = arith.addi %add3A_599, %add3A_605 : vector<16xi32>
      %swap3A_607 = arith.index_cast %mul3A_580 : i32 to index
      %swap3A_608 = tpu.vector_load %arg9[%swap3A_607] {strides = array<i32>} : memref<8192xi32, #tpu.memory_space<vmem>>, vector<16xi32>,
      %swap3A_609 = vector.shape_cast %swap3A_608 : vector<16xi32> to vector<16xi32>
      %swap3A_610 = vector.shape_cast %add3A_606 : vector<16xi32> to vector<16xi32>
      tpu.vector_store %arg9[%swap3A_607], %swap3A_610 {strides = array<i32>} : memref<8192xi32, #tpu.memory_space<vmem>>, vector<16xi32>,
      %scan3A_611 = arith.constant 6 : i32
      %scan3A_612 = arith.addi %scan3A_411, %scan3A_611 : i32
      %mul3A_613 = arith.constant 16 : i32
      %mul3A_614 = arith.muli %scan3A_612, %mul3A_613 : i32
      %and3A_615 = arith.constant 8191 : i32
      %and3A_616 = arith.andi %mul3A_614, %and3A_615 : i32
      %shift_right_arithmetic3A_617 = arith.constant 10 : i32
      %shift_right_arithmetic3A_618 = arith.shrsi %and3A_616, %shift_right_arithmetic3A_617 : i32
      %shift_left3A_619 = arith.constant 7 : i32
      %shift_left3A_620 = arith.shli %shift_right_arithmetic3A_618, %shift_left3A_619 : i32
      %and3A_621 = arith.constant 127 : i32
      %and3A_622 = arith.andi %and3A_616, %and3A_621 : i32
      %add3A_623 = arith.addi %shift_left3A_620, %and3A_622 : i32
      %get3A_624 = arith.index_cast %mul3A_614 : i32 to index
      %get3A_625 = tpu.vector_load %arg9[%get3A_624] {strides = array<i32>} : memref<8192xi32, #tpu.memory_space<vmem>>, vector<16xi32>,
      %get3A_626 = vector.shape_cast %get3A_625 : vector<16xi32> to vector<16xi32>
      %shift_right_arithmetic3A_627 = arith.constant 7 : i32
      %shift_right_arithmetic3A_628 = vector.broadcast %shift_right_arithmetic3A_627 : i32 to vector<16xi32>
      %shift_right_arithmetic3A_629 = arith.shrsi %get3A_626, %shift_right_arithmetic3A_628 : vector<16xi32>
      %mul3A_630 = arith.constant 896 : i32
      %mul3A_631 = vector.broadcast %mul3A_630 : i32 to vector<16xi32>
      %mul3A_632 = arith.muli %shift_right_arithmetic3A_629, %mul3A_631 : vector<16xi32>
      %add3A_633 = arith.addi %get3A_626, %mul3A_632 : vector<16xi32>
      %shift_right_arithmetic3A_634 = arith.constant 3 : i32
      %shift_right_arithmetic3A_635 = arith.shrsi %add3A_623, %shift_right_arithmetic3A_634 : i32
      %mul3A_636 = arith.constant 524288 : i32
      %mul3A_637 = arith.muli %shift_right_arithmetic3A_635, %mul3A_636 : i32
      %add3A_638 = vector.broadcast %mul3A_637 : i32 to vector<16xi32>
      %add3A_639 = arith.addi %add3A_638, %add3A_13 : vector<16xi32>
      %add3A_640 = arith.addi %add3A_633, %add3A_639 : vector<16xi32>
      %swap3A_641 = arith.index_cast %mul3A_614 : i32 to index
      %swap3A_642 = tpu.vector_load %arg9[%swap3A_641] {strides = array<i32>} : memref<8192xi32, #tpu.memory_space<vmem>>, vector<16xi32>,
      %swap3A_643 = vector.shape_cast %swap3A_642 : vector<16xi32> to vector<16xi32>
      %swap3A_644 = vector.shape_cast %add3A_640 : vector<16xi32> to vector<16xi32>
      tpu.vector_store %arg9[%swap3A_641], %swap3A_644 {strides = array<i32>} : memref<8192xi32, #tpu.memory_space<vmem>>, vector<16xi32>,
      %scan3A_645 = arith.constant 7 : i32
      %scan3A_646 = arith.addi %scan3A_411, %scan3A_645 : i32
      %mul3A_647 = arith.constant 16 : i32
      %mul3A_648 = arith.muli %scan3A_646, %mul3A_647 : i32
      %and3A_649 = arith.constant 8191 : i32
      %and3A_650 = arith.andi %mul3A_648, %and3A_649 : i32
      %shift_right_arithmetic3A_651 = arith.constant 10 : i32
      %shift_right_arithmetic3A_652 = arith.shrsi %and3A_650, %shift_right_arithmetic3A_651 : i32
      %shift_left3A_653 = arith.constant 7 : i32
      %shift_left3A_654 = arith.shli %shift_right_arithmetic3A_652, %shift_left3A_653 : i32
      %and3A_655 = arith.constant 127 : i32
      %and3A_656 = arith.andi %and3A_650, %and3A_655 : i32
      %add3A_657 = arith.addi %shift_left3A_654, %and3A_656 : i32
      %get3A_658 = arith.index_cast %mul3A_648 : i32 to index
      %get3A_659 = tpu.vector_load %arg9[%get3A_658] {strides = array<i32>} : memref<8192xi32, #tpu.memory_space<vmem>>, vector<16xi32>,
      %get3A_660 = vector.shape_cast %get3A_659 : vector<16xi32> to vector<16xi32>
      %shift_right_arithmetic3A_661 = arith.constant 7 : i32
      %shift_right_arithmetic3A_662 = vector.broadcast %shift_right_arithmetic3A_661 : i32 to vector<16xi32>
      %shift_right_arithmetic3A_663 = arith.shrsi %get3A_660, %shift_right_arithmetic3A_662 : vector<16xi32>
      %mul3A_664 = arith.constant 896 : i32
      %mul3A_665 = vector.broadcast %mul3A_664 : i32 to vector<16xi32>
      %mul3A_666 = arith.muli %shift_right_arithmetic3A_663, %mul3A_665 : vector<16xi32>
      %add3A_667 = arith.addi %get3A_660, %mul3A_666 : vector<16xi32>
      %shift_right_arithmetic3A_668 = arith.constant 3 : i32
      %shift_right_arithmetic3A_669 = arith.shrsi %add3A_657, %shift_right_arithmetic3A_668 : i32
      %mul3A_670 = arith.constant 524288 : i32
      %mul3A_671 = arith.muli %shift_right_arithmetic3A_669, %mul3A_670 : i32
      %add3A_672 = vector.broadcast %mul3A_671 : i32 to vector<16xi32>
      %add3A_673 = arith.addi %add3A_672, %add3A_13 : vector<16xi32>
      %add3A_674 = arith.addi %add3A_667, %add3A_673 : vector<16xi32>
      %swap3A_675 = arith.index_cast %mul3A_648 : i32 to index
      %swap3A_676 = tpu.vector_load %arg9[%swap3A_675] {strides = array<i32>} : memref<8192xi32, #tpu.memory_space<vmem>>, vector<16xi32>,
      %swap3A_677 = vector.shape_cast %swap3A_676 : vector<16xi32> to vector<16xi32>
      %swap3A_678 = vector.shape_cast %add3A_674 : vector<16xi32> to vector<16xi32>
      tpu.vector_store %arg9[%swap3A_675], %swap3A_678 {strides = array<i32>} : memref<8192xi32, #tpu.memory_space<vmem>>, vector<16xi32>,
    }
    %scan3A_93 = arith.constant 512 : i32
    %dma_start3A_94 = arith.constant 0 : i32
    %dma_start3A_95 = tpu.memref_slice %arg2[%dma_start3A_94] : memref<67108864xf32, #tpu.memory_space<hbm>> -> memref<67108864xf32, #tpu.memory_space<hbm>>
    tpu.enqueue_indirect_dma source(%dma_start3A_95 : memref<67108864xf32, #tpu.memory_space<hbm>>) target(%arg15 : memref<8192xf32, #tpu.memory_space<vmem>>) offsets(%arg9 : memref<8192xi32, #tpu.memory_space<vmem>>) semaphore(%arg23 : memref<!tpu.dma_semaphore, #tpu.memory_space<semaphore_mem>>)
    %dma_wait3A_96 = arith.constant 0 : i32
    %dma_wait3A_97 = tpu.memref_slice %arg2[%dma_wait3A_96] : memref<67108864xf32, #tpu.memory_space<hbm>> -> memref<67108864xf32, #tpu.memory_space<hbm>>
    tpu.wait_indirect_dma semaphore(%arg24 : memref<!tpu.dma_semaphore, #tpu.memory_space<semaphore_mem>>) src(%dma_wait3A_97 : memref<67108864xf32, #tpu.memory_space<hbm>>) dst(%arg12 : memref<8192xf32, #tpu.memory_space<vmem>>)
    %add3A_98 = arith.constant 8192 : i32
    %add3A_99 = arith.addi %mul3A_2, %add3A_98 : i32
    %dma_start3A_100 = tpu.memref_slice %arg4[%add3A_99] : memref<4194304xf32, #tpu.memory_space<hbm>> -> memref<8192xf32, #tpu.memory_space<hbm>>
    %dma_start3A_101 = tpu.memref_slice %arg4[%add3A_99] : memref<4194304xf32, #tpu.memory_space<hbm>> -> memref<8192xf32, #tpu.memory_space<hbm>>
    tpu.enqueue_dma source(%arg12 : memref<8192xf32, #tpu.memory_space<vmem>>) target(%dma_start3A_101 : memref<8192xf32, #tpu.memory_space<hbm>>) target_semaphore(%arg28 : memref<!tpu.dma_semaphore, #tpu.memory_space<semaphore_mem>>)
    %add3A_102 = arith.constant 49152 : i32
    %add3A_103 = arith.addi %mul3A_2, %add3A_102 : i32
    %dma_start3A_104 = tpu.memref_slice %arg3[%add3A_103] : memref<4194304xi32, #tpu.memory_space<hbm>> -> memref<8192xi32, #tpu.memory_space<hbm>>
    %dma_start3A_105 = tpu.memref_slice %arg3[%add3A_103] : memref<4194304xi32, #tpu.memory_space<hbm>> -> memref<8192xi32, #tpu.memory_space<hbm>>
    tpu.enqueue_dma source(%dma_start3A_105 : memref<8192xi32, #tpu.memory_space<hbm>>) target(%arg5 : memref<8192xi32, #tpu.memory_space<vmem>>) target_semaphore(%arg17 : memref<!tpu.dma_semaphore, #tpu.memory_space<semaphore_mem>>)
    %add3A_106 = arith.constant 40960 : i32
    %add3A_107 = arith.addi %mul3A_2, %add3A_106 : i32
    %dma_wait3A_108 = tpu.memref_slice %arg3[%add3A_107] : memref<4194304xi32, #tpu.memory_space<hbm>> -> memref<8192xi32, #tpu.memory_space<hbm>>
    %dma_wait3A_109 = tpu.memref_slice %arg3[%add3A_107] : memref<4194304xi32, #tpu.memory_space<hbm>> -> memref<8192xi32, #tpu.memory_space<hbm>>
    tpu.wait_dma2 semaphore(%arg22 : memref<!tpu.dma_semaphore, #tpu.memory_space<semaphore_mem>>) src(%dma_wait3A_109 : memref<8192xi32, #tpu.memory_space<hbm>>) dst(%arg10 : memref<8192xi32, #tpu.memory_space<vmem>>)
    %scan3A_110 = arith.constant 0 : i32
    %scan3A_111 = arith.constant 512 : i32
    %scan3A_112 = arith.addi %scan3A_110, %scan3A_111 : i32
    %scan3A_113 = arith.constant 8 : i32
    scf.for %scan3A_411 = %scan3A_110 to %scan3A_112 step %scan3A_113  : i32 {
      %mul3A_412 = arith.constant 16 : i32
      %mul3A_413 = arith.muli %scan3A_411, %mul3A_412 : i32
      %and3A_414 = arith.constant 8191 : i32
      %and3A_415 = arith.andi %mul3A_413, %and3A_414 : i32
      %shift_right_arithmetic3A_416 = arith.constant 10 : i32
      %shift_right_arithmetic3A_417 = arith.shrsi %and3A_415, %shift_right_arithmetic3A_416 : i32
      %shift_left3A = arith.constant 7 : i32
      %shift_left3A_418 = arith.shli %shift_right_arithmetic3A_417, %shift_left3A : i32
      %and3A_419 = arith.constant 127 : i32
      %and3A_420 = arith.andi %and3A_415, %and3A_419 : i32
      %add3A_421 = arith.addi %shift_left3A_418, %and3A_420 : i32
      %get3A = arith.index_cast %mul3A_413 : i32 to index
      %get3A_422 = tpu.vector_load %arg10[%get3A] {strides = array<i32>} : memref<8192xi32, #tpu.memory_space<vmem>>, vector<16xi32>,
      %get3A_423 = vector.shape_cast %get3A_422 : vector<16xi32> to vector<16xi32>
      %shift_right_arithmetic3A_424 = arith.constant 7 : i32
      %shift_right_arithmetic3A_425 = vector.broadcast %shift_right_arithmetic3A_424 : i32 to vector<16xi32>
      %shift_right_arithmetic3A_426 = arith.shrsi %get3A_423, %shift_right_arithmetic3A_425 : vector<16xi32>
      %mul3A_427 = arith.constant 896 : i32
      %mul3A_428 = vector.broadcast %mul3A_427 : i32 to vector<16xi32>
      %mul3A_429 = arith.muli %shift_right_arithmetic3A_426, %mul3A_428 : vector<16xi32>
      %add3A_430 = arith.addi %get3A_423, %mul3A_429 : vector<16xi32>
      %shift_right_arithmetic3A_431 = arith.constant 3 : i32
      %shift_right_arithmetic3A_432 = arith.shrsi %add3A_421, %shift_right_arithmetic3A_431 : i32
      %mul3A_433 = arith.constant 524288 : i32
      %mul3A_434 = arith.muli %shift_right_arithmetic3A_432, %mul3A_433 : i32
      %add3A_435 = vector.broadcast %mul3A_434 : i32 to vector<16xi32>
      %add3A_436 = arith.addi %add3A_435, %add3A_13 : vector<16xi32>
      %add3A_437 = arith.addi %add3A_430, %add3A_436 : vector<16xi32>
      %swap3A = arith.index_cast %mul3A_413 : i32 to index
      %swap3A_438 = tpu.vector_load %arg10[%swap3A] {strides = array<i32>} : memref<8192xi32, #tpu.memory_space<vmem>>, vector<16xi32>,
      %swap3A_439 = vector.shape_cast %swap3A_438 : vector<16xi32> to vector<16xi32>
      %swap3A_440 = vector.shape_cast %add3A_437 : vector<16xi32> to vector<16xi32>
      tpu.vector_store %arg10[%swap3A], %swap3A_440 {strides = array<i32>} : memref<8192xi32, #tpu.memory_space<vmem>>, vector<16xi32>,
      %scan3A_441 = arith.constant 1 : i32
      %scan3A_442 = arith.addi %scan3A_411, %scan3A_441 : i32
      %mul3A_443 = arith.constant 16 : i32
      %mul3A_444 = arith.muli %scan3A_442, %mul3A_443 : i32
      %and3A_445 = arith.constant 8191 : i32
      %and3A_446 = arith.andi %mul3A_444, %and3A_445 : i32
      %shift_right_arithmetic3A_447 = arith.constant 10 : i32
      %shift_right_arithmetic3A_448 = arith.shrsi %and3A_446, %shift_right_arithmetic3A_447 : i32
      %shift_left3A_449 = arith.constant 7 : i32
      %shift_left3A_450 = arith.shli %shift_right_arithmetic3A_448, %shift_left3A_449 : i32
      %and3A_451 = arith.constant 127 : i32
      %and3A_452 = arith.andi %and3A_446, %and3A_451 : i32
      %add3A_453 = arith.addi %shift_left3A_450, %and3A_452 : i32
      %get3A_454 = arith.index_cast %mul3A_444 : i32 to index
      %get3A_455 = tpu.vector_load %arg10[%get3A_454] {strides = array<i32>} : memref<8192xi32, #tpu.memory_space<vmem>>, vector<16xi32>,
      %get3A_456 = vector.shape_cast %get3A_455 : vector<16xi32> to vector<16xi32>
      %shift_right_arithmetic3A_457 = arith.constant 7 : i32
      %shift_right_arithmetic3A_458 = vector.broadcast %shift_right_arithmetic3A_457 : i32 to vector<16xi32>
      %shift_right_arithmetic3A_459 = arith.shrsi %get3A_456, %shift_right_arithmetic3A_458 : vector<16xi32>
      %mul3A_460 = arith.constant 896 : i32
      %mul3A_461 = vector.broadcast %mul3A_460 : i32 to vector<16xi32>
      %mul3A_462 = arith.muli %shift_right_arithmetic3A_459, %mul3A_461 : vector<16xi32>
      %add3A_463 = arith.addi %get3A_456, %mul3A_462 : vector<16xi32>
      %shift_right_arithmetic3A_464 = arith.constant 3 : i32
      %shift_right_arithmetic3A_465 = arith.shrsi %add3A_453, %shift_right_arithmetic3A_464 : i32
      %mul3A_466 = arith.constant 524288 : i32
      %mul3A_467 = arith.muli %shift_right_arithmetic3A_465, %mul3A_466 : i32
      %add3A_468 = vector.broadcast %mul3A_467 : i32 to vector<16xi32>
      %add3A_469 = arith.addi %add3A_468, %add3A_13 : vector<16xi32>
      %add3A_470 = arith.addi %add3A_463, %add3A_469 : vector<16xi32>
      %swap3A_471 = arith.index_cast %mul3A_444 : i32 to index
      %swap3A_472 = tpu.vector_load %arg10[%swap3A_471] {strides = array<i32>} : memref<8192xi32, #tpu.memory_space<vmem>>, vector<16xi32>,
      %swap3A_473 = vector.shape_cast %swap3A_472 : vector<16xi32> to vector<16xi32>
      %swap3A_474 = vector.shape_cast %add3A_470 : vector<16xi32> to vector<16xi32>
      tpu.vector_store %arg10[%swap3A_471], %swap3A_474 {strides = array<i32>} : memref<8192xi32, #tpu.memory_space<vmem>>, vector<16xi32>,
      %scan3A_475 = arith.constant 2 : i32
      %scan3A_476 = arith.addi %scan3A_411, %scan3A_475 : i32
      %mul3A_477 = arith.constant 16 : i32
      %mul3A_478 = arith.muli %scan3A_476, %mul3A_477 : i32
      %and3A_479 = arith.constant 8191 : i32
      %and3A_480 = arith.andi %mul3A_478, %and3A_479 : i32
      %shift_right_arithmetic3A_481 = arith.constant 10 : i32
      %shift_right_arithmetic3A_482 = arith.shrsi %and3A_480, %shift_right_arithmetic3A_481 : i32
      %shift_left3A_483 = arith.constant 7 : i32
      %shift_left3A_484 = arith.shli %shift_right_arithmetic3A_482, %shift_left3A_483 : i32
      %and3A_485 = arith.constant 127 : i32
      %and3A_486 = arith.andi %and3A_480, %and3A_485 : i32
      %add3A_487 = arith.addi %shift_left3A_484, %and3A_486 : i32
      %get3A_488 = arith.index_cast %mul3A_478 : i32 to index
      %get3A_489 = tpu.vector_load %arg10[%get3A_488] {strides = array<i32>} : memref<8192xi32, #tpu.memory_space<vmem>>, vector<16xi32>,
      %get3A_490 = vector.shape_cast %get3A_489 : vector<16xi32> to vector<16xi32>
      %shift_right_arithmetic3A_491 = arith.constant 7 : i32
      %shift_right_arithmetic3A_492 = vector.broadcast %shift_right_arithmetic3A_491 : i32 to vector<16xi32>
      %shift_right_arithmetic3A_493 = arith.shrsi %get3A_490, %shift_right_arithmetic3A_492 : vector<16xi32>
      %mul3A_494 = arith.constant 896 : i32
      %mul3A_495 = vector.broadcast %mul3A_494 : i32 to vector<16xi32>
      %mul3A_496 = arith.muli %shift_right_arithmetic3A_493, %mul3A_495 : vector<16xi32>
      %add3A_497 = arith.addi %get3A_490, %mul3A_496 : vector<16xi32>
      %shift_right_arithmetic3A_498 = arith.constant 3 : i32
      %shift_right_arithmetic3A_499 = arith.shrsi %add3A_487, %shift_right_arithmetic3A_498 : i32
      %mul3A_500 = arith.constant 524288 : i32
      %mul3A_501 = arith.muli %shift_right_arithmetic3A_499, %mul3A_500 : i32
      %add3A_502 = vector.broadcast %mul3A_501 : i32 to vector<16xi32>
      %add3A_503 = arith.addi %add3A_502, %add3A_13 : vector<16xi32>
      %add3A_504 = arith.addi %add3A_497, %add3A_503 : vector<16xi32>
      %swap3A_505 = arith.index_cast %mul3A_478 : i32 to index
      %swap3A_506 = tpu.vector_load %arg10[%swap3A_505] {strides = array<i32>} : memref<8192xi32, #tpu.memory_space<vmem>>, vector<16xi32>,
      %swap3A_507 = vector.shape_cast %swap3A_506 : vector<16xi32> to vector<16xi32>
      %swap3A_508 = vector.shape_cast %add3A_504 : vector<16xi32> to vector<16xi32>
      tpu.vector_store %arg10[%swap3A_505], %swap3A_508 {strides = array<i32>} : memref<8192xi32, #tpu.memory_space<vmem>>, vector<16xi32>,
      %scan3A_509 = arith.constant 3 : i32
      %scan3A_510 = arith.addi %scan3A_411, %scan3A_509 : i32
      %mul3A_511 = arith.constant 16 : i32
      %mul3A_512 = arith.muli %scan3A_510, %mul3A_511 : i32
      %and3A_513 = arith.constant 8191 : i32
      %and3A_514 = arith.andi %mul3A_512, %and3A_513 : i32
      %shift_right_arithmetic3A_515 = arith.constant 10 : i32
      %shift_right_arithmetic3A_516 = arith.shrsi %and3A_514, %shift_right_arithmetic3A_515 : i32
      %shift_left3A_517 = arith.constant 7 : i32
      %shift_left3A_518 = arith.shli %shift_right_arithmetic3A_516, %shift_left3A_517 : i32
      %and3A_519 = arith.constant 127 : i32
      %and3A_520 = arith.andi %and3A_514, %and3A_519 : i32
      %add3A_521 = arith.addi %shift_left3A_518, %and3A_520 : i32
      %get3A_522 = arith.index_cast %mul3A_512 : i32 to index
      %get3A_523 = tpu.vector_load %arg10[%get3A_522] {strides = array<i32>} : memref<8192xi32, #tpu.memory_space<vmem>>, vector<16xi32>,
      %get3A_524 = vector.shape_cast %get3A_523 : vector<16xi32> to vector<16xi32>
      %shift_right_arithmetic3A_525 = arith.constant 7 : i32
      %shift_right_arithmetic3A_526 = vector.broadcast %shift_right_arithmetic3A_525 : i32 to vector<16xi32>
      %shift_right_arithmetic3A_527 = arith.shrsi %get3A_524, %shift_right_arithmetic3A_526 : vector<16xi32>
      %mul3A_528 = arith.constant 896 : i32
      %mul3A_529 = vector.broadcast %mul3A_528 : i32 to vector<16xi32>
      %mul3A_530 = arith.muli %shift_right_arithmetic3A_527, %mul3A_529 : vector<16xi32>
      %add3A_531 = arith.addi %get3A_524, %mul3A_530 : vector<16xi32>
      %shift_right_arithmetic3A_532 = arith.constant 3 : i32
      %shift_right_arithmetic3A_533 = arith.shrsi %add3A_521, %shift_right_arithmetic3A_532 : i32
      %mul3A_534 = arith.constant 524288 : i32
      %mul3A_535 = arith.muli %shift_right_arithmetic3A_533, %mul3A_534 : i32
      %add3A_536 = vector.broadcast %mul3A_535 : i32 to vector<16xi32>
      %add3A_537 = arith.addi %add3A_536, %add3A_13 : vector<16xi32>
      %add3A_538 = arith.addi %add3A_531, %add3A_537 : vector<16xi32>
      %swap3A_539 = arith.index_cast %mul3A_512 : i32 to index
      %swap3A_540 = tpu.vector_load %arg10[%swap3A_539] {strides = array<i32>} : memref<8192xi32, #tpu.memory_space<vmem>>, vector<16xi32>,
      %swap3A_541 = vector.shape_cast %swap3A_540 : vector<16xi32> to vector<16xi32>
      %swap3A_542 = vector.shape_cast %add3A_538 : vector<16xi32> to vector<16xi32>
      tpu.vector_store %arg10[%swap3A_539], %swap3A_542 {strides = array<i32>} : memref<8192xi32, #tpu.memory_space<vmem>>, vector<16xi32>,
      %scan3A_543 = arith.constant 4 : i32
      %scan3A_544 = arith.addi %scan3A_411, %scan3A_543 : i32
      %mul3A_545 = arith.constant 16 : i32
      %mul3A_546 = arith.muli %scan3A_544, %mul3A_545 : i32
      %and3A_547 = arith.constant 8191 : i32
      %and3A_548 = arith.andi %mul3A_546, %and3A_547 : i32
      %shift_right_arithmetic3A_549 = arith.constant 10 : i32
      %shift_right_arithmetic3A_550 = arith.shrsi %and3A_548, %shift_right_arithmetic3A_549 : i32
      %shift_left3A_551 = arith.constant 7 : i32
      %shift_left3A_552 = arith.shli %shift_right_arithmetic3A_550, %shift_left3A_551 : i32
      %and3A_553 = arith.constant 127 : i32
      %and3A_554 = arith.andi %and3A_548, %and3A_553 : i32
      %add3A_555 = arith.addi %shift_left3A_552, %and3A_554 : i32
      %get3A_556 = arith.index_cast %mul3A_546 : i32 to index
      %get3A_557 = tpu.vector_load %arg10[%get3A_556] {strides = array<i32>} : memref<8192xi32, #tpu.memory_space<vmem>>, vector<16xi32>,
      %get3A_558 = vector.shape_cast %get3A_557 : vector<16xi32> to vector<16xi32>
      %shift_right_arithmetic3A_559 = arith.constant 7 : i32
      %shift_right_arithmetic3A_560 = vector.broadcast %shift_right_arithmetic3A_559 : i32 to vector<16xi32>
      %shift_right_arithmetic3A_561 = arith.shrsi %get3A_558, %shift_right_arithmetic3A_560 : vector<16xi32>
      %mul3A_562 = arith.constant 896 : i32
      %mul3A_563 = vector.broadcast %mul3A_562 : i32 to vector<16xi32>
      %mul3A_564 = arith.muli %shift_right_arithmetic3A_561, %mul3A_563 : vector<16xi32>
      %add3A_565 = arith.addi %get3A_558, %mul3A_564 : vector<16xi32>
      %shift_right_arithmetic3A_566 = arith.constant 3 : i32
      %shift_right_arithmetic3A_567 = arith.shrsi %add3A_555, %shift_right_arithmetic3A_566 : i32
      %mul3A_568 = arith.constant 524288 : i32
      %mul3A_569 = arith.muli %shift_right_arithmetic3A_567, %mul3A_568 : i32
      %add3A_570 = vector.broadcast %mul3A_569 : i32 to vector<16xi32>
      %add3A_571 = arith.addi %add3A_570, %add3A_13 : vector<16xi32>
      %add3A_572 = arith.addi %add3A_565, %add3A_571 : vector<16xi32>
      %swap3A_573 = arith.index_cast %mul3A_546 : i32 to index
      %swap3A_574 = tpu.vector_load %arg10[%swap3A_573] {strides = array<i32>} : memref<8192xi32, #tpu.memory_space<vmem>>, vector<16xi32>,
      %swap3A_575 = vector.shape_cast %swap3A_574 : vector<16xi32> to vector<16xi32>
      %swap3A_576 = vector.shape_cast %add3A_572 : vector<16xi32> to vector<16xi32>
      tpu.vector_store %arg10[%swap3A_573], %swap3A_576 {strides = array<i32>} : memref<8192xi32, #tpu.memory_space<vmem>>, vector<16xi32>,
      %scan3A_577 = arith.constant 5 : i32
      %scan3A_578 = arith.addi %scan3A_411, %scan3A_577 : i32
      %mul3A_579 = arith.constant 16 : i32
      %mul3A_580 = arith.muli %scan3A_578, %mul3A_579 : i32
      %and3A_581 = arith.constant 8191 : i32
      %and3A_582 = arith.andi %mul3A_580, %and3A_581 : i32
      %shift_right_arithmetic3A_583 = arith.constant 10 : i32
      %shift_right_arithmetic3A_584 = arith.shrsi %and3A_582, %shift_right_arithmetic3A_583 : i32
      %shift_left3A_585 = arith.constant 7 : i32
      %shift_left3A_586 = arith.shli %shift_right_arithmetic3A_584, %shift_left3A_585 : i32
      %and3A_587 = arith.constant 127 : i32
      %and3A_588 = arith.andi %and3A_582, %and3A_587 : i32
      %add3A_589 = arith.addi %shift_left3A_586, %and3A_588 : i32
      %get3A_590 = arith.index_cast %mul3A_580 : i32 to index
      %get3A_591 = tpu.vector_load %arg10[%get3A_590] {strides = array<i32>} : memref<8192xi32, #tpu.memory_space<vmem>>, vector<16xi32>,
      %get3A_592 = vector.shape_cast %get3A_591 : vector<16xi32> to vector<16xi32>
      %shift_right_arithmetic3A_593 = arith.constant 7 : i32
      %shift_right_arithmetic3A_594 = vector.broadcast %shift_right_arithmetic3A_593 : i32 to vector<16xi32>
      %shift_right_arithmetic3A_595 = arith.shrsi %get3A_592, %shift_right_arithmetic3A_594 : vector<16xi32>
      %mul3A_596 = arith.constant 896 : i32
      %mul3A_597 = vector.broadcast %mul3A_596 : i32 to vector<16xi32>
      %mul3A_598 = arith.muli %shift_right_arithmetic3A_595, %mul3A_597 : vector<16xi32>
      %add3A_599 = arith.addi %get3A_592, %mul3A_598 : vector<16xi32>
      %shift_right_arithmetic3A_600 = arith.constant 3 : i32
      %shift_right_arithmetic3A_601 = arith.shrsi %add3A_589, %shift_right_arithmetic3A_600 : i32
      %mul3A_602 = arith.constant 524288 : i32
      %mul3A_603 = arith.muli %shift_right_arithmetic3A_601, %mul3A_602 : i32
      %add3A_604 = vector.broadcast %mul3A_603 : i32 to vector<16xi32>
      %add3A_605 = arith.addi %add3A_604, %add3A_13 : vector<16xi32>
      %add3A_606 = arith.addi %add3A_599, %add3A_605 : vector<16xi32>
      %swap3A_607 = arith.index_cast %mul3A_580 : i32 to index
      %swap3A_608 = tpu.vector_load %arg10[%swap3A_607] {strides = array<i32>} : memref<8192xi32, #tpu.memory_space<vmem>>, vector<16xi32>,
      %swap3A_609 = vector.shape_cast %swap3A_608 : vector<16xi32> to vector<16xi32>
      %swap3A_610 = vector.shape_cast %add3A_606 : vector<16xi32> to vector<16xi32>
      tpu.vector_store %arg10[%swap3A_607], %swap3A_610 {strides = array<i32>} : memref<8192xi32, #tpu.memory_space<vmem>>, vector<16xi32>,
      %scan3A_611 = arith.constant 6 : i32
      %scan3A_612 = arith.addi %scan3A_411, %scan3A_611 : i32
      %mul3A_613 = arith.constant 16 : i32
      %mul3A_614 = arith.muli %scan3A_612, %mul3A_613 : i32
      %and3A_615 = arith.constant 8191 : i32
      %and3A_616 = arith.andi %mul3A_614, %and3A_615 : i32
      %shift_right_arithmetic3A_617 = arith.constant 10 : i32
      %shift_right_arithmetic3A_618 = arith.shrsi %and3A_616, %shift_right_arithmetic3A_617 : i32
      %shift_left3A_619 = arith.constant 7 : i32
      %shift_left3A_620 = arith.shli %shift_right_arithmetic3A_618, %shift_left3A_619 : i32
      %and3A_621 = arith.constant 127 : i32
      %and3A_622 = arith.andi %and3A_616, %and3A_621 : i32
      %add3A_623 = arith.addi %shift_left3A_620, %and3A_622 : i32
      %get3A_624 = arith.index_cast %mul3A_614 : i32 to index
      %get3A_625 = tpu.vector_load %arg10[%get3A_624] {strides = array<i32>} : memref<8192xi32, #tpu.memory_space<vmem>>, vector<16xi32>,
      %get3A_626 = vector.shape_cast %get3A_625 : vector<16xi32> to vector<16xi32>
      %shift_right_arithmetic3A_627 = arith.constant 7 : i32
      %shift_right_arithmetic3A_628 = vector.broadcast %shift_right_arithmetic3A_627 : i32 to vector<16xi32>
      %shift_right_arithmetic3A_629 = arith.shrsi %get3A_626, %shift_right_arithmetic3A_628 : vector<16xi32>
      %mul3A_630 = arith.constant 896 : i32
      %mul3A_631 = vector.broadcast %mul3A_630 : i32 to vector<16xi32>
      %mul3A_632 = arith.muli %shift_right_arithmetic3A_629, %mul3A_631 : vector<16xi32>
      %add3A_633 = arith.addi %get3A_626, %mul3A_632 : vector<16xi32>
      %shift_right_arithmetic3A_634 = arith.constant 3 : i32
      %shift_right_arithmetic3A_635 = arith.shrsi %add3A_623, %shift_right_arithmetic3A_634 : i32
      %mul3A_636 = arith.constant 524288 : i32
      %mul3A_637 = arith.muli %shift_right_arithmetic3A_635, %mul3A_636 : i32
      %add3A_638 = vector.broadcast %mul3A_637 : i32 to vector<16xi32>
      %add3A_639 = arith.addi %add3A_638, %add3A_13 : vector<16xi32>
      %add3A_640 = arith.addi %add3A_633, %add3A_639 : vector<16xi32>
      %swap3A_641 = arith.index_cast %mul3A_614 : i32 to index
      %swap3A_642 = tpu.vector_load %arg10[%swap3A_641] {strides = array<i32>} : memref<8192xi32, #tpu.memory_space<vmem>>, vector<16xi32>,
      %swap3A_643 = vector.shape_cast %swap3A_642 : vector<16xi32> to vector<16xi32>
      %swap3A_644 = vector.shape_cast %add3A_640 : vector<16xi32> to vector<16xi32>
      tpu.vector_store %arg10[%swap3A_641], %swap3A_644 {strides = array<i32>} : memref<8192xi32, #tpu.memory_space<vmem>>, vector<16xi32>,
      %scan3A_645 = arith.constant 7 : i32
      %scan3A_646 = arith.addi %scan3A_411, %scan3A_645 : i32
      %mul3A_647 = arith.constant 16 : i32
      %mul3A_648 = arith.muli %scan3A_646, %mul3A_647 : i32
      %and3A_649 = arith.constant 8191 : i32
      %and3A_650 = arith.andi %mul3A_648, %and3A_649 : i32
      %shift_right_arithmetic3A_651 = arith.constant 10 : i32
      %shift_right_arithmetic3A_652 = arith.shrsi %and3A_650, %shift_right_arithmetic3A_651 : i32
      %shift_left3A_653 = arith.constant 7 : i32
      %shift_left3A_654 = arith.shli %shift_right_arithmetic3A_652, %shift_left3A_653 : i32
      %and3A_655 = arith.constant 127 : i32
      %and3A_656 = arith.andi %and3A_650, %and3A_655 : i32
      %add3A_657 = arith.addi %shift_left3A_654, %and3A_656 : i32
      %get3A_658 = arith.index_cast %mul3A_648 : i32 to index
      %get3A_659 = tpu.vector_load %arg10[%get3A_658] {strides = array<i32>} : memref<8192xi32, #tpu.memory_space<vmem>>, vector<16xi32>,
      %get3A_660 = vector.shape_cast %get3A_659 : vector<16xi32> to vector<16xi32>
      %shift_right_arithmetic3A_661 = arith.constant 7 : i32
      %shift_right_arithmetic3A_662 = vector.broadcast %shift_right_arithmetic3A_661 : i32 to vector<16xi32>
      %shift_right_arithmetic3A_663 = arith.shrsi %get3A_660, %shift_right_arithmetic3A_662 : vector<16xi32>
      %mul3A_664 = arith.constant 896 : i32
      %mul3A_665 = vector.broadcast %mul3A_664 : i32 to vector<16xi32>
      %mul3A_666 = arith.muli %shift_right_arithmetic3A_663, %mul3A_665 : vector<16xi32>
      %add3A_667 = arith.addi %get3A_660, %mul3A_666 : vector<16xi32>
      %shift_right_arithmetic3A_668 = arith.constant 3 : i32
      %shift_right_arithmetic3A_669 = arith.shrsi %add3A_657, %shift_right_arithmetic3A_668 : i32
      %mul3A_670 = arith.constant 524288 : i32
      %mul3A_671 = arith.muli %shift_right_arithmetic3A_669, %mul3A_670 : i32
      %add3A_672 = vector.broadcast %mul3A_671 : i32 to vector<16xi32>
      %add3A_673 = arith.addi %add3A_672, %add3A_13 : vector<16xi32>
      %add3A_674 = arith.addi %add3A_667, %add3A_673 : vector<16xi32>
      %swap3A_675 = arith.index_cast %mul3A_648 : i32 to index
      %swap3A_676 = tpu.vector_load %arg10[%swap3A_675] {strides = array<i32>} : memref<8192xi32, #tpu.memory_space<vmem>>, vector<16xi32>,
      %swap3A_677 = vector.shape_cast %swap3A_676 : vector<16xi32> to vector<16xi32>
      %swap3A_678 = vector.shape_cast %add3A_674 : vector<16xi32> to vector<16xi32>
      tpu.vector_store %arg10[%swap3A_675], %swap3A_678 {strides = array<i32>} : memref<8192xi32, #tpu.memory_space<vmem>>, vector<16xi32>,
    }
    %scan3A_114 = arith.constant 512 : i32
    %dma_start3A_115 = arith.constant 0 : i32
    %dma_start3A_116 = tpu.memref_slice %arg2[%dma_start3A_115] : memref<67108864xf32, #tpu.memory_space<hbm>> -> memref<67108864xf32, #tpu.memory_space<hbm>>
    tpu.enqueue_indirect_dma source(%dma_start3A_116 : memref<67108864xf32, #tpu.memory_space<hbm>>) target(%arg16 : memref<8192xf32, #tpu.memory_space<vmem>>) offsets(%arg10 : memref<8192xi32, #tpu.memory_space<vmem>>) semaphore(%arg24 : memref<!tpu.dma_semaphore, #tpu.memory_space<semaphore_mem>>)
    %dma_wait3A_117 = arith.constant 0 : i32
    %dma_wait3A_118 = tpu.memref_slice %arg2[%dma_wait3A_117] : memref<67108864xf32, #tpu.memory_space<hbm>> -> memref<67108864xf32, #tpu.memory_space<hbm>>
    tpu.wait_indirect_dma semaphore(%arg25 : memref<!tpu.dma_semaphore, #tpu.memory_space<semaphore_mem>>) src(%dma_wait3A_118 : memref<67108864xf32, #tpu.memory_space<hbm>>) dst(%arg13 : memref<8192xf32, #tpu.memory_space<vmem>>)
    %add3A_119 = arith.constant 16384 : i32
    %add3A_120 = arith.addi %mul3A_2, %add3A_119 : i32
    %dma_start3A_121 = tpu.memref_slice %arg4[%add3A_120] : memref<4194304xf32, #tpu.memory_space<hbm>> -> memref<8192xf32, #tpu.memory_space<hbm>>
    %dma_start3A_122 = tpu.memref_slice %arg4[%add3A_120] : memref<4194304xf32, #tpu.memory_space<hbm>> -> memref<8192xf32, #tpu.memory_space<hbm>>
    tpu.enqueue_dma source(%arg13 : memref<8192xf32, #tpu.memory_space<vmem>>) target(%dma_start3A_122 : memref<8192xf32, #tpu.memory_space<hbm>>) target_semaphore(%arg29 : memref<!tpu.dma_semaphore, #tpu.memory_space<semaphore_mem>>)
    %add3A_123 = arith.constant 57344 : i32
    %add3A_124 = arith.addi %mul3A_2, %add3A_123 : i32
    %dma_start3A_125 = tpu.memref_slice %arg3[%add3A_124] : memref<4194304xi32, #tpu.memory_space<hbm>> -> memref<8192xi32, #tpu.memory_space<hbm>>
    %dma_start3A_126 = tpu.memref_slice %arg3[%add3A_124] : memref<4194304xi32, #tpu.memory_space<hbm>> -> memref<8192xi32, #tpu.memory_space<hbm>>
    tpu.enqueue_dma source(%dma_start3A_126 : memref<8192xi32, #tpu.memory_space<hbm>>) target(%arg6 : memref<8192xi32, #tpu.memory_space<vmem>>) target_semaphore(%arg18 : memref<!tpu.dma_semaphore, #tpu.memory_space<semaphore_mem>>)
    %add3A_127 = arith.constant 49152 : i32
    %add3A_128 = arith.addi %mul3A_2, %add3A_127 : i32
    %dma_wait3A_129 = tpu.memref_slice %arg3[%add3A_128] : memref<4194304xi32, #tpu.memory_space<hbm>> -> memref<8192xi32, #tpu.memory_space<hbm>>
    %dma_wait3A_130 = tpu.memref_slice %arg3[%add3A_128] : memref<4194304xi32, #tpu.memory_space<hbm>> -> memref<8192xi32, #tpu.memory_space<hbm>>
    tpu.wait_dma2 semaphore(%arg17 : memref<!tpu.dma_semaphore, #tpu.memory_space<semaphore_mem>>) src(%dma_wait3A_130 : memref<8192xi32, #tpu.memory_space<hbm>>) dst(%arg5 : memref<8192xi32, #tpu.memory_space<vmem>>)
    %scan3A_131 = arith.constant 0 : i32
    %scan3A_132 = arith.constant 512 : i32
    %scan3A_133 = arith.addi %scan3A_131, %scan3A_132 : i32
    %scan3A_134 = arith.constant 8 : i32
    scf.for %scan3A_411 = %scan3A_131 to %scan3A_133 step %scan3A_134  : i32 {
      %mul3A_412 = arith.constant 16 : i32
      %mul3A_413 = arith.muli %scan3A_411, %mul3A_412 : i32
      %and3A_414 = arith.constant 8191 : i32
      %and3A_415 = arith.andi %mul3A_413, %and3A_414 : i32
      %shift_right_arithmetic3A_416 = arith.constant 10 : i32
      %shift_right_arithmetic3A_417 = arith.shrsi %and3A_415, %shift_right_arithmetic3A_416 : i32
      %shift_left3A = arith.constant 7 : i32
      %shift_left3A_418 = arith.shli %shift_right_arithmetic3A_417, %shift_left3A : i32
      %and3A_419 = arith.constant 127 : i32
      %and3A_420 = arith.andi %and3A_415, %and3A_419 : i32
      %add3A_421 = arith.addi %shift_left3A_418, %and3A_420 : i32
      %get3A = arith.index_cast %mul3A_413 : i32 to index
      %get3A_422 = tpu.vector_load %arg5[%get3A] {strides = array<i32>} : memref<8192xi32, #tpu.memory_space<vmem>>, vector<16xi32>,
      %get3A_423 = vector.shape_cast %get3A_422 : vector<16xi32> to vector<16xi32>
      %shift_right_arithmetic3A_424 = arith.constant 7 : i32
      %shift_right_arithmetic3A_425 = vector.broadcast %shift_right_arithmetic3A_424 : i32 to vector<16xi32>
      %shift_right_arithmetic3A_426 = arith.shrsi %get3A_423, %shift_right_arithmetic3A_425 : vector<16xi32>
      %mul3A_427 = arith.constant 896 : i32
      %mul3A_428 = vector.broadcast %mul3A_427 : i32 to vector<16xi32>
      %mul3A_429 = arith.muli %shift_right_arithmetic3A_426, %mul3A_428 : vector<16xi32>
      %add3A_430 = arith.addi %get3A_423, %mul3A_429 : vector<16xi32>
      %shift_right_arithmetic3A_431 = arith.constant 3 : i32
      %shift_right_arithmetic3A_432 = arith.shrsi %add3A_421, %shift_right_arithmetic3A_431 : i32
      %mul3A_433 = arith.constant 524288 : i32
      %mul3A_434 = arith.muli %shift_right_arithmetic3A_432, %mul3A_433 : i32
      %add3A_435 = vector.broadcast %mul3A_434 : i32 to vector<16xi32>
      %add3A_436 = arith.addi %add3A_435, %add3A_13 : vector<16xi32>
      %add3A_437 = arith.addi %add3A_430, %add3A_436 : vector<16xi32>
      %swap3A = arith.index_cast %mul3A_413 : i32 to index
      %swap3A_438 = tpu.vector_load %arg5[%swap3A] {strides = array<i32>} : memref<8192xi32, #tpu.memory_space<vmem>>, vector<16xi32>,
      %swap3A_439 = vector.shape_cast %swap3A_438 : vector<16xi32> to vector<16xi32>
      %swap3A_440 = vector.shape_cast %add3A_437 : vector<16xi32> to vector<16xi32>
      tpu.vector_store %arg5[%swap3A], %swap3A_440 {strides = array<i32>} : memref<8192xi32, #tpu.memory_space<vmem>>, vector<16xi32>,
      %scan3A_441 = arith.constant 1 : i32
      %scan3A_442 = arith.addi %scan3A_411, %scan3A_441 : i32
      %mul3A_443 = arith.constant 16 : i32
      %mul3A_444 = arith.muli %scan3A_442, %mul3A_443 : i32
      %and3A_445 = arith.constant 8191 : i32
      %and3A_446 = arith.andi %mul3A_444, %and3A_445 : i32
      %shift_right_arithmetic3A_447 = arith.constant 10 : i32
      %shift_right_arithmetic3A_448 = arith.shrsi %and3A_446, %shift_right_arithmetic3A_447 : i32
      %shift_left3A_449 = arith.constant 7 : i32
      %shift_left3A_450 = arith.shli %shift_right_arithmetic3A_448, %shift_left3A_449 : i32
      %and3A_451 = arith.constant 127 : i32
      %and3A_452 = arith.andi %and3A_446, %and3A_451 : i32
      %add3A_453 = arith.addi %shift_left3A_450, %and3A_452 : i32
      %get3A_454 = arith.index_cast %mul3A_444 : i32 to index
      %get3A_455 = tpu.vector_load %arg5[%get3A_454] {strides = array<i32>} : memref<8192xi32, #tpu.memory_space<vmem>>, vector<16xi32>,
      %get3A_456 = vector.shape_cast %get3A_455 : vector<16xi32> to vector<16xi32>
      %shift_right_arithmetic3A_457 = arith.constant 7 : i32
      %shift_right_arithmetic3A_458 = vector.broadcast %shift_right_arithmetic3A_457 : i32 to vector<16xi32>
      %shift_right_arithmetic3A_459 = arith.shrsi %get3A_456, %shift_right_arithmetic3A_458 : vector<16xi32>
      %mul3A_460 = arith.constant 896 : i32
      %mul3A_461 = vector.broadcast %mul3A_460 : i32 to vector<16xi32>
      %mul3A_462 = arith.muli %shift_right_arithmetic3A_459, %mul3A_461 : vector<16xi32>
      %add3A_463 = arith.addi %get3A_456, %mul3A_462 : vector<16xi32>
      %shift_right_arithmetic3A_464 = arith.constant 3 : i32
      %shift_right_arithmetic3A_465 = arith.shrsi %add3A_453, %shift_right_arithmetic3A_464 : i32
      %mul3A_466 = arith.constant 524288 : i32
      %mul3A_467 = arith.muli %shift_right_arithmetic3A_465, %mul3A_466 : i32
      %add3A_468 = vector.broadcast %mul3A_467 : i32 to vector<16xi32>
      %add3A_469 = arith.addi %add3A_468, %add3A_13 : vector<16xi32>
      %add3A_470 = arith.addi %add3A_463, %add3A_469 : vector<16xi32>
      %swap3A_471 = arith.index_cast %mul3A_444 : i32 to index
      %swap3A_472 = tpu.vector_load %arg5[%swap3A_471] {strides = array<i32>} : memref<8192xi32, #tpu.memory_space<vmem>>, vector<16xi32>,
      %swap3A_473 = vector.shape_cast %swap3A_472 : vector<16xi32> to vector<16xi32>
      %swap3A_474 = vector.shape_cast %add3A_470 : vector<16xi32> to vector<16xi32>
      tpu.vector_store %arg5[%swap3A_471], %swap3A_474 {strides = array<i32>} : memref<8192xi32, #tpu.memory_space<vmem>>, vector<16xi32>,
      %scan3A_475 = arith.constant 2 : i32
      %scan3A_476 = arith.addi %scan3A_411, %scan3A_475 : i32
      %mul3A_477 = arith.constant 16 : i32
      %mul3A_478 = arith.muli %scan3A_476, %mul3A_477 : i32
      %and3A_479 = arith.constant 8191 : i32
      %and3A_480 = arith.andi %mul3A_478, %and3A_479 : i32
      %shift_right_arithmetic3A_481 = arith.constant 10 : i32
      %shift_right_arithmetic3A_482 = arith.shrsi %and3A_480, %shift_right_arithmetic3A_481 : i32
      %shift_left3A_483 = arith.constant 7 : i32
      %shift_left3A_484 = arith.shli %shift_right_arithmetic3A_482, %shift_left3A_483 : i32
      %and3A_485 = arith.constant 127 : i32
      %and3A_486 = arith.andi %and3A_480, %and3A_485 : i32
      %add3A_487 = arith.addi %shift_left3A_484, %and3A_486 : i32
      %get3A_488 = arith.index_cast %mul3A_478 : i32 to index
      %get3A_489 = tpu.vector_load %arg5[%get3A_488] {strides = array<i32>} : memref<8192xi32, #tpu.memory_space<vmem>>, vector<16xi32>,
      %get3A_490 = vector.shape_cast %get3A_489 : vector<16xi32> to vector<16xi32>
      %shift_right_arithmetic3A_491 = arith.constant 7 : i32
      %shift_right_arithmetic3A_492 = vector.broadcast %shift_right_arithmetic3A_491 : i32 to vector<16xi32>
      %shift_right_arithmetic3A_493 = arith.shrsi %get3A_490, %shift_right_arithmetic3A_492 : vector<16xi32>
      %mul3A_494 = arith.constant 896 : i32
      %mul3A_495 = vector.broadcast %mul3A_494 : i32 to vector<16xi32>
      %mul3A_496 = arith.muli %shift_right_arithmetic3A_493, %mul3A_495 : vector<16xi32>
      %add3A_497 = arith.addi %get3A_490, %mul3A_496 : vector<16xi32>
      %shift_right_arithmetic3A_498 = arith.constant 3 : i32
      %shift_right_arithmetic3A_499 = arith.shrsi %add3A_487, %shift_right_arithmetic3A_498 : i32
      %mul3A_500 = arith.constant 524288 : i32
      %mul3A_501 = arith.muli %shift_right_arithmetic3A_499, %mul3A_500 : i32
      %add3A_502 = vector.broadcast %mul3A_501 : i32 to vector<16xi32>
      %add3A_503 = arith.addi %add3A_502, %add3A_13 : vector<16xi32>
      %add3A_504 = arith.addi %add3A_497, %add3A_503 : vector<16xi32>
      %swap3A_505 = arith.index_cast %mul3A_478 : i32 to index
      %swap3A_506 = tpu.vector_load %arg5[%swap3A_505] {strides = array<i32>} : memref<8192xi32, #tpu.memory_space<vmem>>, vector<16xi32>,
      %swap3A_507 = vector.shape_cast %swap3A_506 : vector<16xi32> to vector<16xi32>
      %swap3A_508 = vector.shape_cast %add3A_504 : vector<16xi32> to vector<16xi32>
      tpu.vector_store %arg5[%swap3A_505], %swap3A_508 {strides = array<i32>} : memref<8192xi32, #tpu.memory_space<vmem>>, vector<16xi32>,
      %scan3A_509 = arith.constant 3 : i32
      %scan3A_510 = arith.addi %scan3A_411, %scan3A_509 : i32
      %mul3A_511 = arith.constant 16 : i32
      %mul3A_512 = arith.muli %scan3A_510, %mul3A_511 : i32
      %and3A_513 = arith.constant 8191 : i32
      %and3A_514 = arith.andi %mul3A_512, %and3A_513 : i32
      %shift_right_arithmetic3A_515 = arith.constant 10 : i32
      %shift_right_arithmetic3A_516 = arith.shrsi %and3A_514, %shift_right_arithmetic3A_515 : i32
      %shift_left3A_517 = arith.constant 7 : i32
      %shift_left3A_518 = arith.shli %shift_right_arithmetic3A_516, %shift_left3A_517 : i32
      %and3A_519 = arith.constant 127 : i32
      %and3A_520 = arith.andi %and3A_514, %and3A_519 : i32
      %add3A_521 = arith.addi %shift_left3A_518, %and3A_520 : i32
      %get3A_522 = arith.index_cast %mul3A_512 : i32 to index
      %get3A_523 = tpu.vector_load %arg5[%get3A_522] {strides = array<i32>} : memref<8192xi32, #tpu.memory_space<vmem>>, vector<16xi32>,
      %get3A_524 = vector.shape_cast %get3A_523 : vector<16xi32> to vector<16xi32>
      %shift_right_arithmetic3A_525 = arith.constant 7 : i32
      %shift_right_arithmetic3A_526 = vector.broadcast %shift_right_arithmetic3A_525 : i32 to vector<16xi32>
      %shift_right_arithmetic3A_527 = arith.shrsi %get3A_524, %shift_right_arithmetic3A_526 : vector<16xi32>
      %mul3A_528 = arith.constant 896 : i32
      %mul3A_529 = vector.broadcast %mul3A_528 : i32 to vector<16xi32>
      %mul3A_530 = arith.muli %shift_right_arithmetic3A_527, %mul3A_529 : vector<16xi32>
      %add3A_531 = arith.addi %get3A_524, %mul3A_530 : vector<16xi32>
      %shift_right_arithmetic3A_532 = arith.constant 3 : i32
      %shift_right_arithmetic3A_533 = arith.shrsi %add3A_521, %shift_right_arithmetic3A_532 : i32
      %mul3A_534 = arith.constant 524288 : i32
      %mul3A_535 = arith.muli %shift_right_arithmetic3A_533, %mul3A_534 : i32
      %add3A_536 = vector.broadcast %mul3A_535 : i32 to vector<16xi32>
      %add3A_537 = arith.addi %add3A_536, %add3A_13 : vector<16xi32>
      %add3A_538 = arith.addi %add3A_531, %add3A_537 : vector<16xi32>
      %swap3A_539 = arith.index_cast %mul3A_512 : i32 to index
      %swap3A_540 = tpu.vector_load %arg5[%swap3A_539] {strides = array<i32>} : memref<8192xi32, #tpu.memory_space<vmem>>, vector<16xi32>,
      %swap3A_541 = vector.shape_cast %swap3A_540 : vector<16xi32> to vector<16xi32>
      %swap3A_542 = vector.shape_cast %add3A_538 : vector<16xi32> to vector<16xi32>
      tpu.vector_store %arg5[%swap3A_539], %swap3A_542 {strides = array<i32>} : memref<8192xi32, #tpu.memory_space<vmem>>, vector<16xi32>,
      %scan3A_543 = arith.constant 4 : i32
      %scan3A_544 = arith.addi %scan3A_411, %scan3A_543 : i32
      %mul3A_545 = arith.constant 16 : i32
      %mul3A_546 = arith.muli %scan3A_544, %mul3A_545 : i32
      %and3A_547 = arith.constant 8191 : i32
      %and3A_548 = arith.andi %mul3A_546, %and3A_547 : i32
      %shift_right_arithmetic3A_549 = arith.constant 10 : i32
      %shift_right_arithmetic3A_550 = arith.shrsi %and3A_548, %shift_right_arithmetic3A_549 : i32
      %shift_left3A_551 = arith.constant 7 : i32
      %shift_left3A_552 = arith.shli %shift_right_arithmetic3A_550, %shift_left3A_551 : i32
      %and3A_553 = arith.constant 127 : i32
      %and3A_554 = arith.andi %and3A_548, %and3A_553 : i32
      %add3A_555 = arith.addi %shift_left3A_552, %and3A_554 : i32
      %get3A_556 = arith.index_cast %mul3A_546 : i32 to index
      %get3A_557 = tpu.vector_load %arg5[%get3A_556] {strides = array<i32>} : memref<8192xi32, #tpu.memory_space<vmem>>, vector<16xi32>,
      %get3A_558 = vector.shape_cast %get3A_557 : vector<16xi32> to vector<16xi32>
      %shift_right_arithmetic3A_559 = arith.constant 7 : i32
      %shift_right_arithmetic3A_560 = vector.broadcast %shift_right_arithmetic3A_559 : i32 to vector<16xi32>
      %shift_right_arithmetic3A_561 = arith.shrsi %get3A_558, %shift_right_arithmetic3A_560 : vector<16xi32>
      %mul3A_562 = arith.constant 896 : i32
      %mul3A_563 = vector.broadcast %mul3A_562 : i32 to vector<16xi32>
      %mul3A_564 = arith.muli %shift_right_arithmetic3A_561, %mul3A_563 : vector<16xi32>
      %add3A_565 = arith.addi %get3A_558, %mul3A_564 : vector<16xi32>
      %shift_right_arithmetic3A_566 = arith.constant 3 : i32
      %shift_right_arithmetic3A_567 = arith.shrsi %add3A_555, %shift_right_arithmetic3A_566 : i32
      %mul3A_568 = arith.constant 524288 : i32
      %mul3A_569 = arith.muli %shift_right_arithmetic3A_567, %mul3A_568 : i32
      %add3A_570 = vector.broadcast %mul3A_569 : i32 to vector<16xi32>
      %add3A_571 = arith.addi %add3A_570, %add3A_13 : vector<16xi32>
      %add3A_572 = arith.addi %add3A_565, %add3A_571 : vector<16xi32>
      %swap3A_573 = arith.index_cast %mul3A_546 : i32 to index
      %swap3A_574 = tpu.vector_load %arg5[%swap3A_573] {strides = array<i32>} : memref<8192xi32, #tpu.memory_space<vmem>>, vector<16xi32>,
      %swap3A_575 = vector.shape_cast %swap3A_574 : vector<16xi32> to vector<16xi32>
      %swap3A_576 = vector.shape_cast %add3A_572 : vector<16xi32> to vector<16xi32>
      tpu.vector_store %arg5[%swap3A_573], %swap3A_576 {strides = array<i32>} : memref<8192xi32, #tpu.memory_space<vmem>>, vector<16xi32>,
      %scan3A_577 = arith.constant 5 : i32
      %scan3A_578 = arith.addi %scan3A_411, %scan3A_577 : i32
      %mul3A_579 = arith.constant 16 : i32
      %mul3A_580 = arith.muli %scan3A_578, %mul3A_579 : i32
      %and3A_581 = arith.constant 8191 : i32
      %and3A_582 = arith.andi %mul3A_580, %and3A_581 : i32
      %shift_right_arithmetic3A_583 = arith.constant 10 : i32
      %shift_right_arithmetic3A_584 = arith.shrsi %and3A_582, %shift_right_arithmetic3A_583 : i32
      %shift_left3A_585 = arith.constant 7 : i32
      %shift_left3A_586 = arith.shli %shift_right_arithmetic3A_584, %shift_left3A_585 : i32
      %and3A_587 = arith.constant 127 : i32
      %and3A_588 = arith.andi %and3A_582, %and3A_587 : i32
      %add3A_589 = arith.addi %shift_left3A_586, %and3A_588 : i32
      %get3A_590 = arith.index_cast %mul3A_580 : i32 to index
      %get3A_591 = tpu.vector_load %arg5[%get3A_590] {strides = array<i32>} : memref<8192xi32, #tpu.memory_space<vmem>>, vector<16xi32>,
      %get3A_592 = vector.shape_cast %get3A_591 : vector<16xi32> to vector<16xi32>
      %shift_right_arithmetic3A_593 = arith.constant 7 : i32
      %shift_right_arithmetic3A_594 = vector.broadcast %shift_right_arithmetic3A_593 : i32 to vector<16xi32>
      %shift_right_arithmetic3A_595 = arith.shrsi %get3A_592, %shift_right_arithmetic3A_594 : vector<16xi32>
      %mul3A_596 = arith.constant 896 : i32
      %mul3A_597 = vector.broadcast %mul3A_596 : i32 to vector<16xi32>
      %mul3A_598 = arith.muli %shift_right_arithmetic3A_595, %mul3A_597 : vector<16xi32>
      %add3A_599 = arith.addi %get3A_592, %mul3A_598 : vector<16xi32>
      %shift_right_arithmetic3A_600 = arith.constant 3 : i32
      %shift_right_arithmetic3A_601 = arith.shrsi %add3A_589, %shift_right_arithmetic3A_600 : i32
      %mul3A_602 = arith.constant 524288 : i32
      %mul3A_603 = arith.muli %shift_right_arithmetic3A_601, %mul3A_602 : i32
      %add3A_604 = vector.broadcast %mul3A_603 : i32 to vector<16xi32>
      %add3A_605 = arith.addi %add3A_604, %add3A_13 : vector<16xi32>
      %add3A_606 = arith.addi %add3A_599, %add3A_605 : vector<16xi32>
      %swap3A_607 = arith.index_cast %mul3A_580 : i32 to index
      %swap3A_608 = tpu.vector_load %arg5[%swap3A_607] {strides = array<i32>} : memref<8192xi32, #tpu.memory_space<vmem>>, vector<16xi32>,
      %swap3A_609 = vector.shape_cast %swap3A_608 : vector<16xi32> to vector<16xi32>
      %swap3A_610 = vector.shape_cast %add3A_606 : vector<16xi32> to vector<16xi32>
      tpu.vector_store %arg5[%swap3A_607], %swap3A_610 {strides = array<i32>} : memref<8192xi32, #tpu.memory_space<vmem>>, vector<16xi32>,
      %scan3A_611 = arith.constant 6 : i32
      %scan3A_612 = arith.addi %scan3A_411, %scan3A_611 : i32
      %mul3A_613 = arith.constant 16 : i32
      %mul3A_614 = arith.muli %scan3A_612, %mul3A_613 : i32
      %and3A_615 = arith.constant 8191 : i32
      %and3A_616 = arith.andi %mul3A_614, %and3A_615 : i32
      %shift_right_arithmetic3A_617 = arith.constant 10 : i32
      %shift_right_arithmetic3A_618 = arith.shrsi %and3A_616, %shift_right_arithmetic3A_617 : i32
      %shift_left3A_619 = arith.constant 7 : i32
      %shift_left3A_620 = arith.shli %shift_right_arithmetic3A_618, %shift_left3A_619 : i32
      %and3A_621 = arith.constant 127 : i32
      %and3A_622 = arith.andi %and3A_616, %and3A_621 : i32
      %add3A_623 = arith.addi %shift_left3A_620, %and3A_622 : i32
      %get3A_624 = arith.index_cast %mul3A_614 : i32 to index
      %get3A_625 = tpu.vector_load %arg5[%get3A_624] {strides = array<i32>} : memref<8192xi32, #tpu.memory_space<vmem>>, vector<16xi32>,
      %get3A_626 = vector.shape_cast %get3A_625 : vector<16xi32> to vector<16xi32>
      %shift_right_arithmetic3A_627 = arith.constant 7 : i32
      %shift_right_arithmetic3A_628 = vector.broadcast %shift_right_arithmetic3A_627 : i32 to vector<16xi32>
      %shift_right_arithmetic3A_629 = arith.shrsi %get3A_626, %shift_right_arithmetic3A_628 : vector<16xi32>
      %mul3A_630 = arith.constant 896 : i32
      %mul3A_631 = vector.broadcast %mul3A_630 : i32 to vector<16xi32>
      %mul3A_632 = arith.muli %shift_right_arithmetic3A_629, %mul3A_631 : vector<16xi32>
      %add3A_633 = arith.addi %get3A_626, %mul3A_632 : vector<16xi32>
      %shift_right_arithmetic3A_634 = arith.constant 3 : i32
      %shift_right_arithmetic3A_635 = arith.shrsi %add3A_623, %shift_right_arithmetic3A_634 : i32
      %mul3A_636 = arith.constant 524288 : i32
      %mul3A_637 = arith.muli %shift_right_arithmetic3A_635, %mul3A_636 : i32
      %add3A_638 = vector.broadcast %mul3A_637 : i32 to vector<16xi32>
      %add3A_639 = arith.addi %add3A_638, %add3A_13 : vector<16xi32>
      %add3A_640 = arith.addi %add3A_633, %add3A_639 : vector<16xi32>
      %swap3A_641 = arith.index_cast %mul3A_614 : i32 to index
      %swap3A_642 = tpu.vector_load %arg5[%swap3A_641] {strides = array<i32>} : memref<8192xi32, #tpu.memory_space<vmem>>, vector<16xi32>,
      %swap3A_643 = vector.shape_cast %swap3A_642 : vector<16xi32> to vector<16xi32>
      %swap3A_644 = vector.shape_cast %add3A_640 : vector<16xi32> to vector<16xi32>
      tpu.vector_store %arg5[%swap3A_641], %swap3A_644 {strides = array<i32>} : memref<8192xi32, #tpu.memory_space<vmem>>, vector<16xi32>,
      %scan3A_645 = arith.constant 7 : i32
      %scan3A_646 = arith.addi %scan3A_411, %scan3A_645 : i32
      %mul3A_647 = arith.constant 16 : i32
      %mul3A_648 = arith.muli %scan3A_646, %mul3A_647 : i32
      %and3A_649 = arith.constant 8191 : i32
      %and3A_650 = arith.andi %mul3A_648, %and3A_649 : i32
      %shift_right_arithmetic3A_651 = arith.constant 10 : i32
      %shift_right_arithmetic3A_652 = arith.shrsi %and3A_650, %shift_right_arithmetic3A_651 : i32
      %shift_left3A_653 = arith.constant 7 : i32
      %shift_left3A_654 = arith.shli %shift_right_arithmetic3A_652, %shift_left3A_653 : i32
      %and3A_655 = arith.constant 127 : i32
      %and3A_656 = arith.andi %and3A_650, %and3A_655 : i32
      %add3A_657 = arith.addi %shift_left3A_654, %and3A_656 : i32
      %get3A_658 = arith.index_cast %mul3A_648 : i32 to index
      %get3A_659 = tpu.vector_load %arg5[%get3A_658] {strides = array<i32>} : memref<8192xi32, #tpu.memory_space<vmem>>, vector<16xi32>,
      %get3A_660 = vector.shape_cast %get3A_659 : vector<16xi32> to vector<16xi32>
      %shift_right_arithmetic3A_661 = arith.constant 7 : i32
      %shift_right_arithmetic3A_662 = vector.broadcast %shift_right_arithmetic3A_661 : i32 to vector<16xi32>
      %shift_right_arithmetic3A_663 = arith.shrsi %get3A_660, %shift_right_arithmetic3A_662 : vector<16xi32>
      %mul3A_664 = arith.constant 896 : i32
      %mul3A_665 = vector.broadcast %mul3A_664 : i32 to vector<16xi32>
      %mul3A_666 = arith.muli %shift_right_arithmetic3A_663, %mul3A_665 : vector<16xi32>
      %add3A_667 = arith.addi %get3A_660, %mul3A_666 : vector<16xi32>
      %shift_right_arithmetic3A_668 = arith.constant 3 : i32
      %shift_right_arithmetic3A_669 = arith.shrsi %add3A_657, %shift_right_arithmetic3A_668 : i32
      %mul3A_670 = arith.constant 524288 : i32
      %mul3A_671 = arith.muli %shift_right_arithmetic3A_669, %mul3A_670 : i32
      %add3A_672 = vector.broadcast %mul3A_671 : i32 to vector<16xi32>
      %add3A_673 = arith.addi %add3A_672, %add3A_13 : vector<16xi32>
      %add3A_674 = arith.addi %add3A_667, %add3A_673 : vector<16xi32>
      %swap3A_675 = arith.index_cast %mul3A_648 : i32 to index
      %swap3A_676 = tpu.vector_load %arg5[%swap3A_675] {strides = array<i32>} : memref<8192xi32, #tpu.memory_space<vmem>>, vector<16xi32>,
      %swap3A_677 = vector.shape_cast %swap3A_676 : vector<16xi32> to vector<16xi32>
      %swap3A_678 = vector.shape_cast %add3A_674 : vector<16xi32> to vector<16xi32>
      tpu.vector_store %arg5[%swap3A_675], %swap3A_678 {strides = array<i32>} : memref<8192xi32, #tpu.memory_space<vmem>>, vector<16xi32>,
    }
    %scan3A_135 = arith.constant 512 : i32
    %add3A_136 = arith.constant 0 : i32
    %add3A_137 = arith.addi %mul3A_2, %add3A_136 : i32
    %dma_wait3A_138 = tpu.memref_slice %arg4[%add3A_137] : memref<4194304xf32, #tpu.memory_space<hbm>> -> memref<8192xf32, #tpu.memory_space<hbm>>
    %dma_wait3A_139 = tpu.memref_slice %arg4[%add3A_137] : memref<4194304xf32, #tpu.memory_space<hbm>> -> memref<8192xf32, #tpu.memory_space<hbm>>
    tpu.wait_dma2 semaphore(%arg27 : memref<!tpu.dma_semaphore, #tpu.memory_space<semaphore_mem>>) src(%arg11 : memref<8192xf32, #tpu.memory_space<vmem>>) dst(%dma_wait3A_139 : memref<8192xf32, #tpu.memory_space<hbm>>)
    %dma_start3A_140 = arith.constant 0 : i32
    %dma_start3A_141 = tpu.memref_slice %arg2[%dma_start3A_140] : memref<67108864xf32, #tpu.memory_space<hbm>> -> memref<67108864xf32, #tpu.memory_space<hbm>>
    tpu.enqueue_indirect_dma source(%dma_start3A_141 : memref<67108864xf32, #tpu.memory_space<hbm>>) target(%arg11 : memref<8192xf32, #tpu.memory_space<vmem>>) offsets(%arg5 : memref<8192xi32, #tpu.memory_space<vmem>>) semaphore(%arg25 : memref<!tpu.dma_semaphore, #tpu.memory_space<semaphore_mem>>)
    %dma_wait3A_142 = arith.constant 0 : i32
    %dma_wait3A_143 = tpu.memref_slice %arg2[%dma_wait3A_142] : memref<67108864xf32, #tpu.memory_space<hbm>> -> memref<67108864xf32, #tpu.memory_space<hbm>>
    tpu.wait_indirect_dma semaphore(%arg26 : memref<!tpu.dma_semaphore, #tpu.memory_space<semaphore_mem>>) src(%dma_wait3A_143 : memref<67108864xf32, #tpu.memory_space<hbm>>) dst(%arg14 : memref<8192xf32, #tpu.memory_space<vmem>>)
    %add3A_144 = arith.constant 24576 : i32
    %add3A_145 = arith.addi %mul3A_2, %add3A_144 : i32
    %dma_start3A_146 = tpu.memref_slice %arg4[%add3A_145] : memref<4194304xf32, #tpu.memory_space<hbm>> -> memref<8192xf32, #tpu.memory_space<hbm>>
    %dma_start3A_147 = tpu.memref_slice %arg4[%add3A_145] : memref<4194304xf32, #tpu.memory_space<hbm>> -> memref<8192xf32, #tpu.memory_space<hbm>>
    tpu.enqueue_dma source(%arg14 : memref<8192xf32, #tpu.memory_space<vmem>>) target(%dma_start3A_147 : memref<8192xf32, #tpu.memory_space<hbm>>) target_semaphore(%arg30 : memref<!tpu.dma_semaphore, #tpu.memory_space<semaphore_mem>>)
    %add3A_148 = arith.constant 65536 : i32
    %add3A_149 = arith.addi %mul3A_2, %add3A_148 : i32
    %dma_start3A_150 = tpu.memref_slice %arg3[%add3A_149] : memref<4194304xi32, #tpu.memory_space<hbm>> -> memref<8192xi32, #tpu.memory_space<hbm>>
    %dma_start3A_151 = tpu.memref_slice %arg3[%add3A_149] : memref<4194304xi32, #tpu.memory_space<hbm>> -> memref<8192xi32, #tpu.memory_space<hbm>>
    tpu.enqueue_dma source(%dma_start3A_151 : memref<8192xi32, #tpu.memory_space<hbm>>) target(%arg7 : memref<8192xi32, #tpu.memory_space<vmem>>) target_semaphore(%arg19 : memref<!tpu.dma_semaphore, #tpu.memory_space<semaphore_mem>>)
    %add3A_152 = arith.constant 57344 : i32
    %add3A_153 = arith.addi %mul3A_2, %add3A_152 : i32
    %dma_wait3A_154 = tpu.memref_slice %arg3[%add3A_153] : memref<4194304xi32, #tpu.memory_space<hbm>> -> memref<8192xi32, #tpu.memory_space<hbm>>
    %dma_wait3A_155 = tpu.memref_slice %arg3[%add3A_153] : memref<4194304xi32, #tpu.memory_space<hbm>> -> memref<8192xi32, #tpu.memory_space<hbm>>
    tpu.wait_dma2 semaphore(%arg18 : memref<!tpu.dma_semaphore, #tpu.memory_space<semaphore_mem>>) src(%dma_wait3A_155 : memref<8192xi32, #tpu.memory_space<hbm>>) dst(%arg6 : memref<8192xi32, #tpu.memory_space<vmem>>)
    %scan3A_156 = arith.constant 0 : i32
    %scan3A_157 = arith.constant 512 : i32
    %scan3A_158 = arith.addi %scan3A_156, %scan3A_157 : i32
    %scan3A_159 = arith.constant 8 : i32
    scf.for %scan3A_411 = %scan3A_156 to %scan3A_158 step %scan3A_159  : i32 {
      %mul3A_412 = arith.constant 16 : i32
      %mul3A_413 = arith.muli %scan3A_411, %mul3A_412 : i32
      %and3A_414 = arith.constant 8191 : i32
      %and3A_415 = arith.andi %mul3A_413, %and3A_414 : i32
      %shift_right_arithmetic3A_416 = arith.constant 10 : i32
      %shift_right_arithmetic3A_417 = arith.shrsi %and3A_415, %shift_right_arithmetic3A_416 : i32
      %shift_left3A = arith.constant 7 : i32
      %shift_left3A_418 = arith.shli %shift_right_arithmetic3A_417, %shift_left3A : i32
      %and3A_419 = arith.constant 127 : i32
      %and3A_420 = arith.andi %and3A_415, %and3A_419 : i32
      %add3A_421 = arith.addi %shift_left3A_418, %and3A_420 : i32
      %get3A = arith.index_cast %mul3A_413 : i32 to index
      %get3A_422 = tpu.vector_load %arg6[%get3A] {strides = array<i32>} : memref<8192xi32, #tpu.memory_space<vmem>>, vector<16xi32>,
      %get3A_423 = vector.shape_cast %get3A_422 : vector<16xi32> to vector<16xi32>
      %shift_right_arithmetic3A_424 = arith.constant 7 : i32
      %shift_right_arithmetic3A_425 = vector.broadcast %shift_right_arithmetic3A_424 : i32 to vector<16xi32>
      %shift_right_arithmetic3A_426 = arith.shrsi %get3A_423, %shift_right_arithmetic3A_425 : vector<16xi32>
      %mul3A_427 = arith.constant 896 : i32
      %mul3A_428 = vector.broadcast %mul3A_427 : i32 to vector<16xi32>
      %mul3A_429 = arith.muli %shift_right_arithmetic3A_426, %mul3A_428 : vector<16xi32>
      %add3A_430 = arith.addi %get3A_423, %mul3A_429 : vector<16xi32>
      %shift_right_arithmetic3A_431 = arith.constant 3 : i32
      %shift_right_arithmetic3A_432 = arith.shrsi %add3A_421, %shift_right_arithmetic3A_431 : i32
      %mul3A_433 = arith.constant 524288 : i32
      %mul3A_434 = arith.muli %shift_right_arithmetic3A_432, %mul3A_433 : i32
      %add3A_435 = vector.broadcast %mul3A_434 : i32 to vector<16xi32>
      %add3A_436 = arith.addi %add3A_435, %add3A_13 : vector<16xi32>
      %add3A_437 = arith.addi %add3A_430, %add3A_436 : vector<16xi32>
      %swap3A = arith.index_cast %mul3A_413 : i32 to index
      %swap3A_438 = tpu.vector_load %arg6[%swap3A] {strides = array<i32>} : memref<8192xi32, #tpu.memory_space<vmem>>, vector<16xi32>,
      %swap3A_439 = vector.shape_cast %swap3A_438 : vector<16xi32> to vector<16xi32>
      %swap3A_440 = vector.shape_cast %add3A_437 : vector<16xi32> to vector<16xi32>
      tpu.vector_store %arg6[%swap3A], %swap3A_440 {strides = array<i32>} : memref<8192xi32, #tpu.memory_space<vmem>>, vector<16xi32>,
      %scan3A_441 = arith.constant 1 : i32
      %scan3A_442 = arith.addi %scan3A_411, %scan3A_441 : i32
      %mul3A_443 = arith.constant 16 : i32
      %mul3A_444 = arith.muli %scan3A_442, %mul3A_443 : i32
      %and3A_445 = arith.constant 8191 : i32
      %and3A_446 = arith.andi %mul3A_444, %and3A_445 : i32
      %shift_right_arithmetic3A_447 = arith.constant 10 : i32
      %shift_right_arithmetic3A_448 = arith.shrsi %and3A_446, %shift_right_arithmetic3A_447 : i32
      %shift_left3A_449 = arith.constant 7 : i32
      %shift_left3A_450 = arith.shli %shift_right_arithmetic3A_448, %shift_left3A_449 : i32
      %and3A_451 = arith.constant 127 : i32
      %and3A_452 = arith.andi %and3A_446, %and3A_451 : i32
      %add3A_453 = arith.addi %shift_left3A_450, %and3A_452 : i32
      %get3A_454 = arith.index_cast %mul3A_444 : i32 to index
      %get3A_455 = tpu.vector_load %arg6[%get3A_454] {strides = array<i32>} : memref<8192xi32, #tpu.memory_space<vmem>>, vector<16xi32>,
      %get3A_456 = vector.shape_cast %get3A_455 : vector<16xi32> to vector<16xi32>
      %shift_right_arithmetic3A_457 = arith.constant 7 : i32
      %shift_right_arithmetic3A_458 = vector.broadcast %shift_right_arithmetic3A_457 : i32 to vector<16xi32>
      %shift_right_arithmetic3A_459 = arith.shrsi %get3A_456, %shift_right_arithmetic3A_458 : vector<16xi32>
      %mul3A_460 = arith.constant 896 : i32
      %mul3A_461 = vector.broadcast %mul3A_460 : i32 to vector<16xi32>
      %mul3A_462 = arith.muli %shift_right_arithmetic3A_459, %mul3A_461 : vector<16xi32>
      %add3A_463 = arith.addi %get3A_456, %mul3A_462 : vector<16xi32>
      %shift_right_arithmetic3A_464 = arith.constant 3 : i32
      %shift_right_arithmetic3A_465 = arith.shrsi %add3A_453, %shift_right_arithmetic3A_464 : i32
      %mul3A_466 = arith.constant 524288 : i32
      %mul3A_467 = arith.muli %shift_right_arithmetic3A_465, %mul3A_466 : i32
      %add3A_468 = vector.broadcast %mul3A_467 : i32 to vector<16xi32>
      %add3A_469 = arith.addi %add3A_468, %add3A_13 : vector<16xi32>
      %add3A_470 = arith.addi %add3A_463, %add3A_469 : vector<16xi32>
      %swap3A_471 = arith.index_cast %mul3A_444 : i32 to index
      %swap3A_472 = tpu.vector_load %arg6[%swap3A_471] {strides = array<i32>} : memref<8192xi32, #tpu.memory_space<vmem>>, vector<16xi32>,
      %swap3A_473 = vector.shape_cast %swap3A_472 : vector<16xi32> to vector<16xi32>
      %swap3A_474 = vector.shape_cast %add3A_470 : vector<16xi32> to vector<16xi32>
      tpu.vector_store %arg6[%swap3A_471], %swap3A_474 {strides = array<i32>} : memref<8192xi32, #tpu.memory_space<vmem>>, vector<16xi32>,
      %scan3A_475 = arith.constant 2 : i32
      %scan3A_476 = arith.addi %scan3A_411, %scan3A_475 : i32
      %mul3A_477 = arith.constant 16 : i32
      %mul3A_478 = arith.muli %scan3A_476, %mul3A_477 : i32
      %and3A_479 = arith.constant 8191 : i32
      %and3A_480 = arith.andi %mul3A_478, %and3A_479 : i32
      %shift_right_arithmetic3A_481 = arith.constant 10 : i32
      %shift_right_arithmetic3A_482 = arith.shrsi %and3A_480, %shift_right_arithmetic3A_481 : i32
      %shift_left3A_483 = arith.constant 7 : i32
      %shift_left3A_484 = arith.shli %shift_right_arithmetic3A_482, %shift_left3A_483 : i32
      %and3A_485 = arith.constant 127 : i32
      %and3A_486 = arith.andi %and3A_480, %and3A_485 : i32
      %add3A_487 = arith.addi %shift_left3A_484, %and3A_486 : i32
      %get3A_488 = arith.index_cast %mul3A_478 : i32 to index
      %get3A_489 = tpu.vector_load %arg6[%get3A_488] {strides = array<i32>} : memref<8192xi32, #tpu.memory_space<vmem>>, vector<16xi32>,
      %get3A_490 = vector.shape_cast %get3A_489 : vector<16xi32> to vector<16xi32>
      %shift_right_arithmetic3A_491 = arith.constant 7 : i32
      %shift_right_arithmetic3A_492 = vector.broadcast %shift_right_arithmetic3A_491 : i32 to vector<16xi32>
      %shift_right_arithmetic3A_493 = arith.shrsi %get3A_490, %shift_right_arithmetic3A_492 : vector<16xi32>
      %mul3A_494 = arith.constant 896 : i32
      %mul3A_495 = vector.broadcast %mul3A_494 : i32 to vector<16xi32>
      %mul3A_496 = arith.muli %shift_right_arithmetic3A_493, %mul3A_495 : vector<16xi32>
      %add3A_497 = arith.addi %get3A_490, %mul3A_496 : vector<16xi32>
      %shift_right_arithmetic3A_498 = arith.constant 3 : i32
      %shift_right_arithmetic3A_499 = arith.shrsi %add3A_487, %shift_right_arithmetic3A_498 : i32
      %mul3A_500 = arith.constant 524288 : i32
      %mul3A_501 = arith.muli %shift_right_arithmetic3A_499, %mul3A_500 : i32
      %add3A_502 = vector.broadcast %mul3A_501 : i32 to vector<16xi32>
      %add3A_503 = arith.addi %add3A_502, %add3A_13 : vector<16xi32>
      %add3A_504 = arith.addi %add3A_497, %add3A_503 : vector<16xi32>
      %swap3A_505 = arith.index_cast %mul3A_478 : i32 to index
      %swap3A_506 = tpu.vector_load %arg6[%swap3A_505] {strides = array<i32>} : memref<8192xi32, #tpu.memory_space<vmem>>, vector<16xi32>,
      %swap3A_507 = vector.shape_cast %swap3A_506 : vector<16xi32> to vector<16xi32>
      %swap3A_508 = vector.shape_cast %add3A_504 : vector<16xi32> to vector<16xi32>
      tpu.vector_store %arg6[%swap3A_505], %swap3A_508 {strides = array<i32>} : memref<8192xi32, #tpu.memory_space<vmem>>, vector<16xi32>,
      %scan3A_509 = arith.constant 3 : i32
      %scan3A_510 = arith.addi %scan3A_411, %scan3A_509 : i32
      %mul3A_511 = arith.constant 16 : i32
      %mul3A_512 = arith.muli %scan3A_510, %mul3A_511 : i32
      %and3A_513 = arith.constant 8191 : i32
      %and3A_514 = arith.andi %mul3A_512, %and3A_513 : i32
      %shift_right_arithmetic3A_515 = arith.constant 10 : i32
      %shift_right_arithmetic3A_516 = arith.shrsi %and3A_514, %shift_right_arithmetic3A_515 : i32
      %shift_left3A_517 = arith.constant 7 : i32
      %shift_left3A_518 = arith.shli %shift_right_arithmetic3A_516, %shift_left3A_517 : i32
      %and3A_519 = arith.constant 127 : i32
      %and3A_520 = arith.andi %and3A_514, %and3A_519 : i32
      %add3A_521 = arith.addi %shift_left3A_518, %and3A_520 : i32
      %get3A_522 = arith.index_cast %mul3A_512 : i32 to index
      %get3A_523 = tpu.vector_load %arg6[%get3A_522] {strides = array<i32>} : memref<8192xi32, #tpu.memory_space<vmem>>, vector<16xi32>,
      %get3A_524 = vector.shape_cast %get3A_523 : vector<16xi32> to vector<16xi32>
      %shift_right_arithmetic3A_525 = arith.constant 7 : i32
      %shift_right_arithmetic3A_526 = vector.broadcast %shift_right_arithmetic3A_525 : i32 to vector<16xi32>
      %shift_right_arithmetic3A_527 = arith.shrsi %get3A_524, %shift_right_arithmetic3A_526 : vector<16xi32>
      %mul3A_528 = arith.constant 896 : i32
      %mul3A_529 = vector.broadcast %mul3A_528 : i32 to vector<16xi32>
      %mul3A_530 = arith.muli %shift_right_arithmetic3A_527, %mul3A_529 : vector<16xi32>
      %add3A_531 = arith.addi %get3A_524, %mul3A_530 : vector<16xi32>
      %shift_right_arithmetic3A_532 = arith.constant 3 : i32
      %shift_right_arithmetic3A_533 = arith.shrsi %add3A_521, %shift_right_arithmetic3A_532 : i32
      %mul3A_534 = arith.constant 524288 : i32
      %mul3A_535 = arith.muli %shift_right_arithmetic3A_533, %mul3A_534 : i32
      %add3A_536 = vector.broadcast %mul3A_535 : i32 to vector<16xi32>
      %add3A_537 = arith.addi %add3A_536, %add3A_13 : vector<16xi32>
      %add3A_538 = arith.addi %add3A_531, %add3A_537 : vector<16xi32>
      %swap3A_539 = arith.index_cast %mul3A_512 : i32 to index
      %swap3A_540 = tpu.vector_load %arg6[%swap3A_539] {strides = array<i32>} : memref<8192xi32, #tpu.memory_space<vmem>>, vector<16xi32>,
      %swap3A_541 = vector.shape_cast %swap3A_540 : vector<16xi32> to vector<16xi32>
      %swap3A_542 = vector.shape_cast %add3A_538 : vector<16xi32> to vector<16xi32>
      tpu.vector_store %arg6[%swap3A_539], %swap3A_542 {strides = array<i32>} : memref<8192xi32, #tpu.memory_space<vmem>>, vector<16xi32>,
      %scan3A_543 = arith.constant 4 : i32
      %scan3A_544 = arith.addi %scan3A_411, %scan3A_543 : i32
      %mul3A_545 = arith.constant 16 : i32
      %mul3A_546 = arith.muli %scan3A_544, %mul3A_545 : i32
      %and3A_547 = arith.constant 8191 : i32
      %and3A_548 = arith.andi %mul3A_546, %and3A_547 : i32
      %shift_right_arithmetic3A_549 = arith.constant 10 : i32
      %shift_right_arithmetic3A_550 = arith.shrsi %and3A_548, %shift_right_arithmetic3A_549 : i32
      %shift_left3A_551 = arith.constant 7 : i32
      %shift_left3A_552 = arith.shli %shift_right_arithmetic3A_550, %shift_left3A_551 : i32
      %and3A_553 = arith.constant 127 : i32
      %and3A_554 = arith.andi %and3A_548, %and3A_553 : i32
      %add3A_555 = arith.addi %shift_left3A_552, %and3A_554 : i32
      %get3A_556 = arith.index_cast %mul3A_546 : i32 to index
      %get3A_557 = tpu.vector_load %arg6[%get3A_556] {strides = array<i32>} : memref<8192xi32, #tpu.memory_space<vmem>>, vector<16xi32>,
      %get3A_558 = vector.shape_cast %get3A_557 : vector<16xi32> to vector<16xi32>
      %shift_right_arithmetic3A_559 = arith.constant 7 : i32
      %shift_right_arithmetic3A_560 = vector.broadcast %shift_right_arithmetic3A_559 : i32 to vector<16xi32>
      %shift_right_arithmetic3A_561 = arith.shrsi %get3A_558, %shift_right_arithmetic3A_560 : vector<16xi32>
      %mul3A_562 = arith.constant 896 : i32
      %mul3A_563 = vector.broadcast %mul3A_562 : i32 to vector<16xi32>
      %mul3A_564 = arith.muli %shift_right_arithmetic3A_561, %mul3A_563 : vector<16xi32>
      %add3A_565 = arith.addi %get3A_558, %mul3A_564 : vector<16xi32>
      %shift_right_arithmetic3A_566 = arith.constant 3 : i32
      %shift_right_arithmetic3A_567 = arith.shrsi %add3A_555, %shift_right_arithmetic3A_566 : i32
      %mul3A_568 = arith.constant 524288 : i32
      %mul3A_569 = arith.muli %shift_right_arithmetic3A_567, %mul3A_568 : i32
      %add3A_570 = vector.broadcast %mul3A_569 : i32 to vector<16xi32>
      %add3A_571 = arith.addi %add3A_570, %add3A_13 : vector<16xi32>
      %add3A_572 = arith.addi %add3A_565, %add3A_571 : vector<16xi32>
      %swap3A_573 = arith.index_cast %mul3A_546 : i32 to index
      %swap3A_574 = tpu.vector_load %arg6[%swap3A_573] {strides = array<i32>} : memref<8192xi32, #tpu.memory_space<vmem>>, vector<16xi32>,
      %swap3A_575 = vector.shape_cast %swap3A_574 : vector<16xi32> to vector<16xi32>
      %swap3A_576 = vector.shape_cast %add3A_572 : vector<16xi32> to vector<16xi32>
      tpu.vector_store %arg6[%swap3A_573], %swap3A_576 {strides = array<i32>} : memref<8192xi32, #tpu.memory_space<vmem>>, vector<16xi32>,
      %scan3A_577 = arith.constant 5 : i32
      %scan3A_578 = arith.addi %scan3A_411, %scan3A_577 : i32
      %mul3A_579 = arith.constant 16 : i32
      %mul3A_580 = arith.muli %scan3A_578, %mul3A_579 : i32
      %and3A_581 = arith.constant 8191 : i32
      %and3A_582 = arith.andi %mul3A_580, %and3A_581 : i32
      %shift_right_arithmetic3A_583 = arith.constant 10 : i32
      %shift_right_arithmetic3A_584 = arith.shrsi %and3A_582, %shift_right_arithmetic3A_583 : i32
      %shift_left3A_585 = arith.constant 7 : i32
      %shift_left3A_586 = arith.shli %shift_right_arithmetic3A_584, %shift_left3A_585 : i32
      %and3A_587 = arith.constant 127 : i32
      %and3A_588 = arith.andi %and3A_582, %and3A_587 : i32
      %add3A_589 = arith.addi %shift_left3A_586, %and3A_588 : i32
      %get3A_590 = arith.index_cast %mul3A_580 : i32 to index
      %get3A_591 = tpu.vector_load %arg6[%get3A_590] {strides = array<i32>} : memref<8192xi32, #tpu.memory_space<vmem>>, vector<16xi32>,
      %get3A_592 = vector.shape_cast %get3A_591 : vector<16xi32> to vector<16xi32>
      %shift_right_arithmetic3A_593 = arith.constant 7 : i32
      %shift_right_arithmetic3A_594 = vector.broadcast %shift_right_arithmetic3A_593 : i32 to vector<16xi32>
      %shift_right_arithmetic3A_595 = arith.shrsi %get3A_592, %shift_right_arithmetic3A_594 : vector<16xi32>
      %mul3A_596 = arith.constant 896 : i32
      %mul3A_597 = vector.broadcast %mul3A_596 : i32 to vector<16xi32>
      %mul3A_598 = arith.muli %shift_right_arithmetic3A_595, %mul3A_597 : vector<16xi32>
      %add3A_599 = arith.addi %get3A_592, %mul3A_598 : vector<16xi32>
      %shift_right_arithmetic3A_600 = arith.constant 3 : i32
      %shift_right_arithmetic3A_601 = arith.shrsi %add3A_589, %shift_right_arithmetic3A_600 : i32
      %mul3A_602 = arith.constant 524288 : i32
      %mul3A_603 = arith.muli %shift_right_arithmetic3A_601, %mul3A_602 : i32
      %add3A_604 = vector.broadcast %mul3A_603 : i32 to vector<16xi32>
      %add3A_605 = arith.addi %add3A_604, %add3A_13 : vector<16xi32>
      %add3A_606 = arith.addi %add3A_599, %add3A_605 : vector<16xi32>
      %swap3A_607 = arith.index_cast %mul3A_580 : i32 to index
      %swap3A_608 = tpu.vector_load %arg6[%swap3A_607] {strides = array<i32>} : memref<8192xi32, #tpu.memory_space<vmem>>, vector<16xi32>,
      %swap3A_609 = vector.shape_cast %swap3A_608 : vector<16xi32> to vector<16xi32>
      %swap3A_610 = vector.shape_cast %add3A_606 : vector<16xi32> to vector<16xi32>
      tpu.vector_store %arg6[%swap3A_607], %swap3A_610 {strides = array<i32>} : memref<8192xi32, #tpu.memory_space<vmem>>, vector<16xi32>,
      %scan3A_611 = arith.constant 6 : i32
      %scan3A_612 = arith.addi %scan3A_411, %scan3A_611 : i32
      %mul3A_613 = arith.constant 16 : i32
      %mul3A_614 = arith.muli %scan3A_612, %mul3A_613 : i32
      %and3A_615 = arith.constant 8191 : i32
      %and3A_616 = arith.andi %mul3A_614, %and3A_615 : i32
      %shift_right_arithmetic3A_617 = arith.constant 10 : i32
      %shift_right_arithmetic3A_618 = arith.shrsi %and3A_616, %shift_right_arithmetic3A_617 : i32
      %shift_left3A_619 = arith.constant 7 : i32
      %shift_left3A_620 = arith.shli %shift_right_arithmetic3A_618, %shift_left3A_619 : i32
      %and3A_621 = arith.constant 127 : i32
      %and3A_622 = arith.andi %and3A_616, %and3A_621 : i32
      %add3A_623 = arith.addi %shift_left3A_620, %and3A_622 : i32
      %get3A_624 = arith.index_cast %mul3A_614 : i32 to index
      %get3A_625 = tpu.vector_load %arg6[%get3A_624] {strides = array<i32>} : memref<8192xi32, #tpu.memory_space<vmem>>, vector<16xi32>,
      %get3A_626 = vector.shape_cast %get3A_625 : vector<16xi32> to vector<16xi32>
      %shift_right_arithmetic3A_627 = arith.constant 7 : i32
      %shift_right_arithmetic3A_628 = vector.broadcast %shift_right_arithmetic3A_627 : i32 to vector<16xi32>
      %shift_right_arithmetic3A_629 = arith.shrsi %get3A_626, %shift_right_arithmetic3A_628 : vector<16xi32>
      %mul3A_630 = arith.constant 896 : i32
      %mul3A_631 = vector.broadcast %mul3A_630 : i32 to vector<16xi32>
      %mul3A_632 = arith.muli %shift_right_arithmetic3A_629, %mul3A_631 : vector<16xi32>
      %add3A_633 = arith.addi %get3A_626, %mul3A_632 : vector<16xi32>
      %shift_right_arithmetic3A_634 = arith.constant 3 : i32
      %shift_right_arithmetic3A_635 = arith.shrsi %add3A_623, %shift_right_arithmetic3A_634 : i32
      %mul3A_636 = arith.constant 524288 : i32
      %mul3A_637 = arith.muli %shift_right_arithmetic3A_635, %mul3A_636 : i32
      %add3A_638 = vector.broadcast %mul3A_637 : i32 to vector<16xi32>
      %add3A_639 = arith.addi %add3A_638, %add3A_13 : vector<16xi32>
      %add3A_640 = arith.addi %add3A_633, %add3A_639 : vector<16xi32>
      %swap3A_641 = arith.index_cast %mul3A_614 : i32 to index
      %swap3A_642 = tpu.vector_load %arg6[%swap3A_641] {strides = array<i32>} : memref<8192xi32, #tpu.memory_space<vmem>>, vector<16xi32>,
      %swap3A_643 = vector.shape_cast %swap3A_642 : vector<16xi32> to vector<16xi32>
      %swap3A_644 = vector.shape_cast %add3A_640 : vector<16xi32> to vector<16xi32>
      tpu.vector_store %arg6[%swap3A_641], %swap3A_644 {strides = array<i32>} : memref<8192xi32, #tpu.memory_space<vmem>>, vector<16xi32>,
      %scan3A_645 = arith.constant 7 : i32
      %scan3A_646 = arith.addi %scan3A_411, %scan3A_645 : i32
      %mul3A_647 = arith.constant 16 : i32
      %mul3A_648 = arith.muli %scan3A_646, %mul3A_647 : i32
      %and3A_649 = arith.constant 8191 : i32
      %and3A_650 = arith.andi %mul3A_648, %and3A_649 : i32
      %shift_right_arithmetic3A_651 = arith.constant 10 : i32
      %shift_right_arithmetic3A_652 = arith.shrsi %and3A_650, %shift_right_arithmetic3A_651 : i32
      %shift_left3A_653 = arith.constant 7 : i32
      %shift_left3A_654 = arith.shli %shift_right_arithmetic3A_652, %shift_left3A_653 : i32
      %and3A_655 = arith.constant 127 : i32
      %and3A_656 = arith.andi %and3A_650, %and3A_655 : i32
      %add3A_657 = arith.addi %shift_left3A_654, %and3A_656 : i32
      %get3A_658 = arith.index_cast %mul3A_648 : i32 to index
      %get3A_659 = tpu.vector_load %arg6[%get3A_658] {strides = array<i32>} : memref<8192xi32, #tpu.memory_space<vmem>>, vector<16xi32>,
      %get3A_660 = vector.shape_cast %get3A_659 : vector<16xi32> to vector<16xi32>
      %shift_right_arithmetic3A_661 = arith.constant 7 : i32
      %shift_right_arithmetic3A_662 = vector.broadcast %shift_right_arithmetic3A_661 : i32 to vector<16xi32>
      %shift_right_arithmetic3A_663 = arith.shrsi %get3A_660, %shift_right_arithmetic3A_662 : vector<16xi32>
      %mul3A_664 = arith.constant 896 : i32
      %mul3A_665 = vector.broadcast %mul3A_664 : i32 to vector<16xi32>
      %mul3A_666 = arith.muli %shift_right_arithmetic3A_663, %mul3A_665 : vector<16xi32>
      %add3A_667 = arith.addi %get3A_660, %mul3A_666 : vector<16xi32>
      %shift_right_arithmetic3A_668 = arith.constant 3 : i32
      %shift_right_arithmetic3A_669 = arith.shrsi %add3A_657, %shift_right_arithmetic3A_668 : i32
      %mul3A_670 = arith.constant 524288 : i32
      %mul3A_671 = arith.muli %shift_right_arithmetic3A_669, %mul3A_670 : i32
      %add3A_672 = vector.broadcast %mul3A_671 : i32 to vector<16xi32>
      %add3A_673 = arith.addi %add3A_672, %add3A_13 : vector<16xi32>
      %add3A_674 = arith.addi %add3A_667, %add3A_673 : vector<16xi32>
      %swap3A_675 = arith.index_cast %mul3A_648 : i32 to index
      %swap3A_676 = tpu.vector_load %arg6[%swap3A_675] {strides = array<i32>} : memref<8192xi32, #tpu.memory_space<vmem>>, vector<16xi32>,
      %swap3A_677 = vector.shape_cast %swap3A_676 : vector<16xi32> to vector<16xi32>
      %swap3A_678 = vector.shape_cast %add3A_674 : vector<16xi32> to vector<16xi32>
      tpu.vector_store %arg6[%swap3A_675], %swap3A_678 {strides = array<i32>} : memref<8192xi32, #tpu.memory_space<vmem>>, vector<16xi32>,
    }
    %scan3A_160 = arith.constant 512 : i32
    %add3A_161 = arith.constant 8192 : i32
    %add3A_162 = arith.addi %mul3A_2, %add3A_161 : i32
    %dma_wait3A_163 = tpu.memref_slice %arg4[%add3A_162] : memref<4194304xf32, #tpu.memory_space<hbm>> -> memref<8192xf32, #tpu.memory_space<hbm>>
    %dma_wait3A_164 = tpu.memref_slice %arg4[%add3A_162] : memref<4194304xf32, #tpu.memory_space<hbm>> -> memref<8192xf32, #tpu.memory_space<hbm>>
    tpu.wait_dma2 semaphore(%arg28 : memref<!tpu.dma_semaphore, #tpu.memory_space<semaphore_mem>>) src(%arg12 : memref<8192xf32, #tpu.memory_space<vmem>>) dst(%dma_wait3A_164 : memref<8192xf32, #tpu.memory_space<hbm>>)
    %dma_start3A_165 = arith.constant 0 : i32
    %dma_start3A_166 = tpu.memref_slice %arg2[%dma_start3A_165] : memref<67108864xf32, #tpu.memory_space<hbm>> -> memref<67108864xf32, #tpu.memory_space<hbm>>
    tpu.enqueue_indirect_dma source(%dma_start3A_166 : memref<67108864xf32, #tpu.memory_space<hbm>>) target(%arg12 : memref<8192xf32, #tpu.memory_space<vmem>>) offsets(%arg6 : memref<8192xi32, #tpu.memory_space<vmem>>) semaphore(%arg26 : memref<!tpu.dma_semaphore, #tpu.memory_space<semaphore_mem>>)
    %dma_wait3A_167 = arith.constant 0 : i32
    %dma_wait3A_168 = tpu.memref_slice %arg2[%dma_wait3A_167] : memref<67108864xf32, #tpu.memory_space<hbm>> -> memref<67108864xf32, #tpu.memory_space<hbm>>
    tpu.wait_indirect_dma semaphore(%arg23 : memref<!tpu.dma_semaphore, #tpu.memory_space<semaphore_mem>>) src(%dma_wait3A_168 : memref<67108864xf32, #tpu.memory_space<hbm>>) dst(%arg15 : memref<8192xf32, #tpu.memory_space<vmem>>)
    %add3A_169 = arith.constant 32768 : i32
    %add3A_170 = arith.addi %mul3A_2, %add3A_169 : i32
    %dma_start3A_171 = tpu.memref_slice %arg4[%add3A_170] : memref<4194304xf32, #tpu.memory_space<hbm>> -> memref<8192xf32, #tpu.memory_space<hbm>>
    %dma_start3A_172 = tpu.memref_slice %arg4[%add3A_170] : memref<4194304xf32, #tpu.memory_space<hbm>> -> memref<8192xf32, #tpu.memory_space<hbm>>
    tpu.enqueue_dma source(%arg15 : memref<8192xf32, #tpu.memory_space<vmem>>) target(%dma_start3A_172 : memref<8192xf32, #tpu.memory_space<hbm>>) target_semaphore(%arg31 : memref<!tpu.dma_semaphore, #tpu.memory_space<semaphore_mem>>)
    %add3A_173 = arith.constant 73728 : i32
    %add3A_174 = arith.addi %mul3A_2, %add3A_173 : i32
    %dma_start3A_175 = tpu.memref_slice %arg3[%add3A_174] : memref<4194304xi32, #tpu.memory_space<hbm>> -> memref<8192xi32, #tpu.memory_space<hbm>>
    %dma_start3A_176 = tpu.memref_slice %arg3[%add3A_174] : memref<4194304xi32, #tpu.memory_space<hbm>> -> memref<8192xi32, #tpu.memory_space<hbm>>
    tpu.enqueue_dma source(%dma_start3A_176 : memref<8192xi32, #tpu.memory_space<hbm>>) target(%arg8 : memref<8192xi32, #tpu.memory_space<vmem>>) target_semaphore(%arg20 : memref<!tpu.dma_semaphore, #tpu.memory_space<semaphore_mem>>)
    %add3A_177 = arith.constant 65536 : i32
    %add3A_178 = arith.addi %mul3A_2, %add3A_177 : i32
    %dma_wait3A_179 = tpu.memref_slice %arg3[%add3A_178] : memref<4194304xi32, #tpu.memory_space<hbm>> -> memref<8192xi32, #tpu.memory_space<hbm>>
    %dma_wait3A_180 = tpu.memref_slice %arg3[%add3A_178] : memref<4194304xi32, #tpu.memory_space<hbm>> -> memref<8192xi32, #tpu.memory_space<hbm>>
    tpu.wait_dma2 semaphore(%arg19 : memref<!tpu.dma_semaphore, #tpu.memory_space<semaphore_mem>>) src(%dma_wait3A_180 : memref<8192xi32, #tpu.memory_space<hbm>>) dst(%arg7 : memref<8192xi32, #tpu.memory_space<vmem>>)
    %scan3A_181 = arith.constant 0 : i32
    %scan3A_182 = arith.constant 512 : i32
    %scan3A_183 = arith.addi %scan3A_181, %scan3A_182 : i32
    %scan3A_184 = arith.constant 8 : i32
    scf.for %scan3A_411 = %scan3A_181 to %scan3A_183 step %scan3A_184  : i32 {
      %mul3A_412 = arith.constant 16 : i32
      %mul3A_413 = arith.muli %scan3A_411, %mul3A_412 : i32
      %and3A_414 = arith.constant 8191 : i32
      %and3A_415 = arith.andi %mul3A_413, %and3A_414 : i32
      %shift_right_arithmetic3A_416 = arith.constant 10 : i32
      %shift_right_arithmetic3A_417 = arith.shrsi %and3A_415, %shift_right_arithmetic3A_416 : i32
      %shift_left3A = arith.constant 7 : i32
      %shift_left3A_418 = arith.shli %shift_right_arithmetic3A_417, %shift_left3A : i32
      %and3A_419 = arith.constant 127 : i32
      %and3A_420 = arith.andi %and3A_415, %and3A_419 : i32
      %add3A_421 = arith.addi %shift_left3A_418, %and3A_420 : i32
      %get3A = arith.index_cast %mul3A_413 : i32 to index
      %get3A_422 = tpu.vector_load %arg7[%get3A] {strides = array<i32>} : memref<8192xi32, #tpu.memory_space<vmem>>, vector<16xi32>,
      %get3A_423 = vector.shape_cast %get3A_422 : vector<16xi32> to vector<16xi32>
      %shift_right_arithmetic3A_424 = arith.constant 7 : i32
      %shift_right_arithmetic3A_425 = vector.broadcast %shift_right_arithmetic3A_424 : i32 to vector<16xi32>
      %shift_right_arithmetic3A_426 = arith.shrsi %get3A_423, %shift_right_arithmetic3A_425 : vector<16xi32>
      %mul3A_427 = arith.constant 896 : i32
      %mul3A_428 = vector.broadcast %mul3A_427 : i32 to vector<16xi32>
      %mul3A_429 = arith.muli %shift_right_arithmetic3A_426, %mul3A_428 : vector<16xi32>
      %add3A_430 = arith.addi %get3A_423, %mul3A_429 : vector<16xi32>
      %shift_right_arithmetic3A_431 = arith.constant 3 : i32
      %shift_right_arithmetic3A_432 = arith.shrsi %add3A_421, %shift_right_arithmetic3A_431 : i32
      %mul3A_433 = arith.constant 524288 : i32
      %mul3A_434 = arith.muli %shift_right_arithmetic3A_432, %mul3A_433 : i32
      %add3A_435 = vector.broadcast %mul3A_434 : i32 to vector<16xi32>
      %add3A_436 = arith.addi %add3A_435, %add3A_13 : vector<16xi32>
      %add3A_437 = arith.addi %add3A_430, %add3A_436 : vector<16xi32>
      %swap3A = arith.index_cast %mul3A_413 : i32 to index
      %swap3A_438 = tpu.vector_load %arg7[%swap3A] {strides = array<i32>} : memref<8192xi32, #tpu.memory_space<vmem>>, vector<16xi32>,
      %swap3A_439 = vector.shape_cast %swap3A_438 : vector<16xi32> to vector<16xi32>
      %swap3A_440 = vector.shape_cast %add3A_437 : vector<16xi32> to vector<16xi32>
      tpu.vector_store %arg7[%swap3A], %swap3A_440 {strides = array<i32>} : memref<8192xi32, #tpu.memory_space<vmem>>, vector<16xi32>,
      %scan3A_441 = arith.constant 1 : i32
      %scan3A_442 = arith.addi %scan3A_411, %scan3A_441 : i32
      %mul3A_443 = arith.constant 16 : i32
      %mul3A_444 = arith.muli %scan3A_442, %mul3A_443 : i32
      %and3A_445 = arith.constant 8191 : i32
      %and3A_446 = arith.andi %mul3A_444, %and3A_445 : i32
      %shift_right_arithmetic3A_447 = arith.constant 10 : i32
      %shift_right_arithmetic3A_448 = arith.shrsi %and3A_446, %shift_right_arithmetic3A_447 : i32
      %shift_left3A_449 = arith.constant 7 : i32
      %shift_left3A_450 = arith.shli %shift_right_arithmetic3A_448, %shift_left3A_449 : i32
      %and3A_451 = arith.constant 127 : i32
      %and3A_452 = arith.andi %and3A_446, %and3A_451 : i32
      %add3A_453 = arith.addi %shift_left3A_450, %and3A_452 : i32
      %get3A_454 = arith.index_cast %mul3A_444 : i32 to index
      %get3A_455 = tpu.vector_load %arg7[%get3A_454] {strides = array<i32>} : memref<8192xi32, #tpu.memory_space<vmem>>, vector<16xi32>,
      %get3A_456 = vector.shape_cast %get3A_455 : vector<16xi32> to vector<16xi32>
      %shift_right_arithmetic3A_457 = arith.constant 7 : i32
      %shift_right_arithmetic3A_458 = vector.broadcast %shift_right_arithmetic3A_457 : i32 to vector<16xi32>
      %shift_right_arithmetic3A_459 = arith.shrsi %get3A_456, %shift_right_arithmetic3A_458 : vector<16xi32>
      %mul3A_460 = arith.constant 896 : i32
      %mul3A_461 = vector.broadcast %mul3A_460 : i32 to vector<16xi32>
      %mul3A_462 = arith.muli %shift_right_arithmetic3A_459, %mul3A_461 : vector<16xi32>
      %add3A_463 = arith.addi %get3A_456, %mul3A_462 : vector<16xi32>
      %shift_right_arithmetic3A_464 = arith.constant 3 : i32
      %shift_right_arithmetic3A_465 = arith.shrsi %add3A_453, %shift_right_arithmetic3A_464 : i32
      %mul3A_466 = arith.constant 524288 : i32
      %mul3A_467 = arith.muli %shift_right_arithmetic3A_465, %mul3A_466 : i32
      %add3A_468 = vector.broadcast %mul3A_467 : i32 to vector<16xi32>
      %add3A_469 = arith.addi %add3A_468, %add3A_13 : vector<16xi32>
      %add3A_470 = arith.addi %add3A_463, %add3A_469 : vector<16xi32>
      %swap3A_471 = arith.index_cast %mul3A_444 : i32 to index
      %swap3A_472 = tpu.vector_load %arg7[%swap3A_471] {strides = array<i32>} : memref<8192xi32, #tpu.memory_space<vmem>>, vector<16xi32>,
      %swap3A_473 = vector.shape_cast %swap3A_472 : vector<16xi32> to vector<16xi32>
      %swap3A_474 = vector.shape_cast %add3A_470 : vector<16xi32> to vector<16xi32>
      tpu.vector_store %arg7[%swap3A_471], %swap3A_474 {strides = array<i32>} : memref<8192xi32, #tpu.memory_space<vmem>>, vector<16xi32>,
      %scan3A_475 = arith.constant 2 : i32
      %scan3A_476 = arith.addi %scan3A_411, %scan3A_475 : i32
      %mul3A_477 = arith.constant 16 : i32
      %mul3A_478 = arith.muli %scan3A_476, %mul3A_477 : i32
      %and3A_479 = arith.constant 8191 : i32
      %and3A_480 = arith.andi %mul3A_478, %and3A_479 : i32
      %shift_right_arithmetic3A_481 = arith.constant 10 : i32
      %shift_right_arithmetic3A_482 = arith.shrsi %and3A_480, %shift_right_arithmetic3A_481 : i32
      %shift_left3A_483 = arith.constant 7 : i32
      %shift_left3A_484 = arith.shli %shift_right_arithmetic3A_482, %shift_left3A_483 : i32
      %and3A_485 = arith.constant 127 : i32
      %and3A_486 = arith.andi %and3A_480, %and3A_485 : i32
      %add3A_487 = arith.addi %shift_left3A_484, %and3A_486 : i32
      %get3A_488 = arith.index_cast %mul3A_478 : i32 to index
      %get3A_489 = tpu.vector_load %arg7[%get3A_488] {strides = array<i32>} : memref<8192xi32, #tpu.memory_space<vmem>>, vector<16xi32>,
      %get3A_490 = vector.shape_cast %get3A_489 : vector<16xi32> to vector<16xi32>
      %shift_right_arithmetic3A_491 = arith.constant 7 : i32
      %shift_right_arithmetic3A_492 = vector.broadcast %shift_right_arithmetic3A_491 : i32 to vector<16xi32>
      %shift_right_arithmetic3A_493 = arith.shrsi %get3A_490, %shift_right_arithmetic3A_492 : vector<16xi32>
      %mul3A_494 = arith.constant 896 : i32
      %mul3A_495 = vector.broadcast %mul3A_494 : i32 to vector<16xi32>
      %mul3A_496 = arith.muli %shift_right_arithmetic3A_493, %mul3A_495 : vector<16xi32>
      %add3A_497 = arith.addi %get3A_490, %mul3A_496 : vector<16xi32>
      %shift_right_arithmetic3A_498 = arith.constant 3 : i32
      %shift_right_arithmetic3A_499 = arith.shrsi %add3A_487, %shift_right_arithmetic3A_498 : i32
      %mul3A_500 = arith.constant 524288 : i32
      %mul3A_501 = arith.muli %shift_right_arithmetic3A_499, %mul3A_500 : i32
      %add3A_502 = vector.broadcast %mul3A_501 : i32 to vector<16xi32>
      %add3A_503 = arith.addi %add3A_502, %add3A_13 : vector<16xi32>
      %add3A_504 = arith.addi %add3A_497, %add3A_503 : vector<16xi32>
      %swap3A_505 = arith.index_cast %mul3A_478 : i32 to index
      %swap3A_506 = tpu.vector_load %arg7[%swap3A_505] {strides = array<i32>} : memref<8192xi32, #tpu.memory_space<vmem>>, vector<16xi32>,
      %swap3A_507 = vector.shape_cast %swap3A_506 : vector<16xi32> to vector<16xi32>
      %swap3A_508 = vector.shape_cast %add3A_504 : vector<16xi32> to vector<16xi32>
      tpu.vector_store %arg7[%swap3A_505], %swap3A_508 {strides = array<i32>} : memref<8192xi32, #tpu.memory_space<vmem>>, vector<16xi32>,
      %scan3A_509 = arith.constant 3 : i32
      %scan3A_510 = arith.addi %scan3A_411, %scan3A_509 : i32
      %mul3A_511 = arith.constant 16 : i32
      %mul3A_512 = arith.muli %scan3A_510, %mul3A_511 : i32
      %and3A_513 = arith.constant 8191 : i32
      %and3A_514 = arith.andi %mul3A_512, %and3A_513 : i32
      %shift_right_arithmetic3A_515 = arith.constant 10 : i32
      %shift_right_arithmetic3A_516 = arith.shrsi %and3A_514, %shift_right_arithmetic3A_515 : i32
      %shift_left3A_517 = arith.constant 7 : i32
      %shift_left3A_518 = arith.shli %shift_right_arithmetic3A_516, %shift_left3A_517 : i32
      %and3A_519 = arith.constant 127 : i32
      %and3A_520 = arith.andi %and3A_514, %and3A_519 : i32
      %add3A_521 = arith.addi %shift_left3A_518, %and3A_520 : i32
      %get3A_522 = arith.index_cast %mul3A_512 : i32 to index
      %get3A_523 = tpu.vector_load %arg7[%get3A_522] {strides = array<i32>} : memref<8192xi32, #tpu.memory_space<vmem>>, vector<16xi32>,
      %get3A_524 = vector.shape_cast %get3A_523 : vector<16xi32> to vector<16xi32>
      %shift_right_arithmetic3A_525 = arith.constant 7 : i32
      %shift_right_arithmetic3A_526 = vector.broadcast %shift_right_arithmetic3A_525 : i32 to vector<16xi32>
      %shift_right_arithmetic3A_527 = arith.shrsi %get3A_524, %shift_right_arithmetic3A_526 : vector<16xi32>
      %mul3A_528 = arith.constant 896 : i32
      %mul3A_529 = vector.broadcast %mul3A_528 : i32 to vector<16xi32>
      %mul3A_530 = arith.muli %shift_right_arithmetic3A_527, %mul3A_529 : vector<16xi32>
      %add3A_531 = arith.addi %get3A_524, %mul3A_530 : vector<16xi32>
      %shift_right_arithmetic3A_532 = arith.constant 3 : i32
      %shift_right_arithmetic3A_533 = arith.shrsi %add3A_521, %shift_right_arithmetic3A_532 : i32
      %mul3A_534 = arith.constant 524288 : i32
      %mul3A_535 = arith.muli %shift_right_arithmetic3A_533, %mul3A_534 : i32
      %add3A_536 = vector.broadcast %mul3A_535 : i32 to vector<16xi32>
      %add3A_537 = arith.addi %add3A_536, %add3A_13 : vector<16xi32>
      %add3A_538 = arith.addi %add3A_531, %add3A_537 : vector<16xi32>
      %swap3A_539 = arith.index_cast %mul3A_512 : i32 to index
      %swap3A_540 = tpu.vector_load %arg7[%swap3A_539] {strides = array<i32>} : memref<8192xi32, #tpu.memory_space<vmem>>, vector<16xi32>,
      %swap3A_541 = vector.shape_cast %swap3A_540 : vector<16xi32> to vector<16xi32>
      %swap3A_542 = vector.shape_cast %add3A_538 : vector<16xi32> to vector<16xi32>
      tpu.vector_store %arg7[%swap3A_539], %swap3A_542 {strides = array<i32>} : memref<8192xi32, #tpu.memory_space<vmem>>, vector<16xi32>,
      %scan3A_543 = arith.constant 4 : i32
      %scan3A_544 = arith.addi %scan3A_411, %scan3A_543 : i32
      %mul3A_545 = arith.constant 16 : i32
      %mul3A_546 = arith.muli %scan3A_544, %mul3A_545 : i32
      %and3A_547 = arith.constant 8191 : i32
      %and3A_548 = arith.andi %mul3A_546, %and3A_547 : i32
      %shift_right_arithmetic3A_549 = arith.constant 10 : i32
      %shift_right_arithmetic3A_550 = arith.shrsi %and3A_548, %shift_right_arithmetic3A_549 : i32
      %shift_left3A_551 = arith.constant 7 : i32
      %shift_left3A_552 = arith.shli %shift_right_arithmetic3A_550, %shift_left3A_551 : i32
      %and3A_553 = arith.constant 127 : i32
      %and3A_554 = arith.andi %and3A_548, %and3A_553 : i32
      %add3A_555 = arith.addi %shift_left3A_552, %and3A_554 : i32
      %get3A_556 = arith.index_cast %mul3A_546 : i32 to index
      %get3A_557 = tpu.vector_load %arg7[%get3A_556] {strides = array<i32>} : memref<8192xi32, #tpu.memory_space<vmem>>, vector<16xi32>,
      %get3A_558 = vector.shape_cast %get3A_557 : vector<16xi32> to vector<16xi32>
      %shift_right_arithmetic3A_559 = arith.constant 7 : i32
      %shift_right_arithmetic3A_560 = vector.broadcast %shift_right_arithmetic3A_559 : i32 to vector<16xi32>
      %shift_right_arithmetic3A_561 = arith.shrsi %get3A_558, %shift_right_arithmetic3A_560 : vector<16xi32>
      %mul3A_562 = arith.constant 896 : i32
      %mul3A_563 = vector.broadcast %mul3A_562 : i32 to vector<16xi32>
      %mul3A_564 = arith.muli %shift_right_arithmetic3A_561, %mul3A_563 : vector<16xi32>
      %add3A_565 = arith.addi %get3A_558, %mul3A_564 : vector<16xi32>
      %shift_right_arithmetic3A_566 = arith.constant 3 : i32
      %shift_right_arithmetic3A_567 = arith.shrsi %add3A_555, %shift_right_arithmetic3A_566 : i32
      %mul3A_568 = arith.constant 524288 : i32
      %mul3A_569 = arith.muli %shift_right_arithmetic3A_567, %mul3A_568 : i32
      %add3A_570 = vector.broadcast %mul3A_569 : i32 to vector<16xi32>
      %add3A_571 = arith.addi %add3A_570, %add3A_13 : vector<16xi32>
      %add3A_572 = arith.addi %add3A_565, %add3A_571 : vector<16xi32>
      %swap3A_573 = arith.index_cast %mul3A_546 : i32 to index
      %swap3A_574 = tpu.vector_load %arg7[%swap3A_573] {strides = array<i32>} : memref<8192xi32, #tpu.memory_space<vmem>>, vector<16xi32>,
      %swap3A_575 = vector.shape_cast %swap3A_574 : vector<16xi32> to vector<16xi32>
      %swap3A_576 = vector.shape_cast %add3A_572 : vector<16xi32> to vector<16xi32>
      tpu.vector_store %arg7[%swap3A_573], %swap3A_576 {strides = array<i32>} : memref<8192xi32, #tpu.memory_space<vmem>>, vector<16xi32>,
      %scan3A_577 = arith.constant 5 : i32
      %scan3A_578 = arith.addi %scan3A_411, %scan3A_577 : i32
      %mul3A_579 = arith.constant 16 : i32
      %mul3A_580 = arith.muli %scan3A_578, %mul3A_579 : i32
      %and3A_581 = arith.constant 8191 : i32
      %and3A_582 = arith.andi %mul3A_580, %and3A_581 : i32
      %shift_right_arithmetic3A_583 = arith.constant 10 : i32
      %shift_right_arithmetic3A_584 = arith.shrsi %and3A_582, %shift_right_arithmetic3A_583 : i32
      %shift_left3A_585 = arith.constant 7 : i32
      %shift_left3A_586 = arith.shli %shift_right_arithmetic3A_584, %shift_left3A_585 : i32
      %and3A_587 = arith.constant 127 : i32
      %and3A_588 = arith.andi %and3A_582, %and3A_587 : i32
      %add3A_589 = arith.addi %shift_left3A_586, %and3A_588 : i32
      %get3A_590 = arith.index_cast %mul3A_580 : i32 to index
      %get3A_591 = tpu.vector_load %arg7[%get3A_590] {strides = array<i32>} : memref<8192xi32, #tpu.memory_space<vmem>>, vector<16xi32>,
      %get3A_592 = vector.shape_cast %get3A_591 : vector<16xi32> to vector<16xi32>
      %shift_right_arithmetic3A_593 = arith.constant 7 : i32
      %shift_right_arithmetic3A_594 = vector.broadcast %shift_right_arithmetic3A_593 : i32 to vector<16xi32>
      %shift_right_arithmetic3A_595 = arith.shrsi %get3A_592, %shift_right_arithmetic3A_594 : vector<16xi32>
      %mul3A_596 = arith.constant 896 : i32
      %mul3A_597 = vector.broadcast %mul3A_596 : i32 to vector<16xi32>
      %mul3A_598 = arith.muli %shift_right_arithmetic3A_595, %mul3A_597 : vector<16xi32>
      %add3A_599 = arith.addi %get3A_592, %mul3A_598 : vector<16xi32>
      %shift_right_arithmetic3A_600 = arith.constant 3 : i32
      %shift_right_arithmetic3A_601 = arith.shrsi %add3A_589, %shift_right_arithmetic3A_600 : i32
      %mul3A_602 = arith.constant 524288 : i32
      %mul3A_603 = arith.muli %shift_right_arithmetic3A_601, %mul3A_602 : i32
      %add3A_604 = vector.broadcast %mul3A_603 : i32 to vector<16xi32>
      %add3A_605 = arith.addi %add3A_604, %add3A_13 : vector<16xi32>
      %add3A_606 = arith.addi %add3A_599, %add3A_605 : vector<16xi32>
      %swap3A_607 = arith.index_cast %mul3A_580 : i32 to index
      %swap3A_608 = tpu.vector_load %arg7[%swap3A_607] {strides = array<i32>} : memref<8192xi32, #tpu.memory_space<vmem>>, vector<16xi32>,
      %swap3A_609 = vector.shape_cast %swap3A_608 : vector<16xi32> to vector<16xi32>
      %swap3A_610 = vector.shape_cast %add3A_606 : vector<16xi32> to vector<16xi32>
      tpu.vector_store %arg7[%swap3A_607], %swap3A_610 {strides = array<i32>} : memref<8192xi32, #tpu.memory_space<vmem>>, vector<16xi32>,
      %scan3A_611 = arith.constant 6 : i32
      %scan3A_612 = arith.addi %scan3A_411, %scan3A_611 : i32
      %mul3A_613 = arith.constant 16 : i32
      %mul3A_614 = arith.muli %scan3A_612, %mul3A_613 : i32
      %and3A_615 = arith.constant 8191 : i32
      %and3A_616 = arith.andi %mul3A_614, %and3A_615 : i32
      %shift_right_arithmetic3A_617 = arith.constant 10 : i32
      %shift_right_arithmetic3A_618 = arith.shrsi %and3A_616, %shift_right_arithmetic3A_617 : i32
      %shift_left3A_619 = arith.constant 7 : i32
      %shift_left3A_620 = arith.shli %shift_right_arithmetic3A_618, %shift_left3A_619 : i32
      %and3A_621 = arith.constant 127 : i32
      %and3A_622 = arith.andi %and3A_616, %and3A_621 : i32
      %add3A_623 = arith.addi %shift_left3A_620, %and3A_622 : i32
      %get3A_624 = arith.index_cast %mul3A_614 : i32 to index
      %get3A_625 = tpu.vector_load %arg7[%get3A_624] {strides = array<i32>} : memref<8192xi32, #tpu.memory_space<vmem>>, vector<16xi32>,
      %get3A_626 = vector.shape_cast %get3A_625 : vector<16xi32> to vector<16xi32>
      %shift_right_arithmetic3A_627 = arith.constant 7 : i32
      %shift_right_arithmetic3A_628 = vector.broadcast %shift_right_arithmetic3A_627 : i32 to vector<16xi32>
      %shift_right_arithmetic3A_629 = arith.shrsi %get3A_626, %shift_right_arithmetic3A_628 : vector<16xi32>
      %mul3A_630 = arith.constant 896 : i32
      %mul3A_631 = vector.broadcast %mul3A_630 : i32 to vector<16xi32>
      %mul3A_632 = arith.muli %shift_right_arithmetic3A_629, %mul3A_631 : vector<16xi32>
      %add3A_633 = arith.addi %get3A_626, %mul3A_632 : vector<16xi32>
      %shift_right_arithmetic3A_634 = arith.constant 3 : i32
      %shift_right_arithmetic3A_635 = arith.shrsi %add3A_623, %shift_right_arithmetic3A_634 : i32
      %mul3A_636 = arith.constant 524288 : i32
      %mul3A_637 = arith.muli %shift_right_arithmetic3A_635, %mul3A_636 : i32
      %add3A_638 = vector.broadcast %mul3A_637 : i32 to vector<16xi32>
      %add3A_639 = arith.addi %add3A_638, %add3A_13 : vector<16xi32>
      %add3A_640 = arith.addi %add3A_633, %add3A_639 : vector<16xi32>
      %swap3A_641 = arith.index_cast %mul3A_614 : i32 to index
      %swap3A_642 = tpu.vector_load %arg7[%swap3A_641] {strides = array<i32>} : memref<8192xi32, #tpu.memory_space<vmem>>, vector<16xi32>,
      %swap3A_643 = vector.shape_cast %swap3A_642 : vector<16xi32> to vector<16xi32>
      %swap3A_644 = vector.shape_cast %add3A_640 : vector<16xi32> to vector<16xi32>
      tpu.vector_store %arg7[%swap3A_641], %swap3A_644 {strides = array<i32>} : memref<8192xi32, #tpu.memory_space<vmem>>, vector<16xi32>,
      %scan3A_645 = arith.constant 7 : i32
      %scan3A_646 = arith.addi %scan3A_411, %scan3A_645 : i32
      %mul3A_647 = arith.constant 16 : i32
      %mul3A_648 = arith.muli %scan3A_646, %mul3A_647 : i32
      %and3A_649 = arith.constant 8191 : i32
      %and3A_650 = arith.andi %mul3A_648, %and3A_649 : i32
      %shift_right_arithmetic3A_651 = arith.constant 10 : i32
      %shift_right_arithmetic3A_652 = arith.shrsi %and3A_650, %shift_right_arithmetic3A_651 : i32
      %shift_left3A_653 = arith.constant 7 : i32
      %shift_left3A_654 = arith.shli %shift_right_arithmetic3A_652, %shift_left3A_653 : i32
      %and3A_655 = arith.constant 127 : i32
      %and3A_656 = arith.andi %and3A_650, %and3A_655 : i32
      %add3A_657 = arith.addi %shift_left3A_654, %and3A_656 : i32
      %get3A_658 = arith.index_cast %mul3A_648 : i32 to index
      %get3A_659 = tpu.vector_load %arg7[%get3A_658] {strides = array<i32>} : memref<8192xi32, #tpu.memory_space<vmem>>, vector<16xi32>,
      %get3A_660 = vector.shape_cast %get3A_659 : vector<16xi32> to vector<16xi32>
      %shift_right_arithmetic3A_661 = arith.constant 7 : i32
      %shift_right_arithmetic3A_662 = vector.broadcast %shift_right_arithmetic3A_661 : i32 to vector<16xi32>
      %shift_right_arithmetic3A_663 = arith.shrsi %get3A_660, %shift_right_arithmetic3A_662 : vector<16xi32>
      %mul3A_664 = arith.constant 896 : i32
      %mul3A_665 = vector.broadcast %mul3A_664 : i32 to vector<16xi32>
      %mul3A_666 = arith.muli %shift_right_arithmetic3A_663, %mul3A_665 : vector<16xi32>
      %add3A_667 = arith.addi %get3A_660, %mul3A_666 : vector<16xi32>
      %shift_right_arithmetic3A_668 = arith.constant 3 : i32
      %shift_right_arithmetic3A_669 = arith.shrsi %add3A_657, %shift_right_arithmetic3A_668 : i32
      %mul3A_670 = arith.constant 524288 : i32
      %mul3A_671 = arith.muli %shift_right_arithmetic3A_669, %mul3A_670 : i32
      %add3A_672 = vector.broadcast %mul3A_671 : i32 to vector<16xi32>
      %add3A_673 = arith.addi %add3A_672, %add3A_13 : vector<16xi32>
      %add3A_674 = arith.addi %add3A_667, %add3A_673 : vector<16xi32>
      %swap3A_675 = arith.index_cast %mul3A_648 : i32 to index
      %swap3A_676 = tpu.vector_load %arg7[%swap3A_675] {strides = array<i32>} : memref<8192xi32, #tpu.memory_space<vmem>>, vector<16xi32>,
      %swap3A_677 = vector.shape_cast %swap3A_676 : vector<16xi32> to vector<16xi32>
      %swap3A_678 = vector.shape_cast %add3A_674 : vector<16xi32> to vector<16xi32>
      tpu.vector_store %arg7[%swap3A_675], %swap3A_678 {strides = array<i32>} : memref<8192xi32, #tpu.memory_space<vmem>>, vector<16xi32>,
    }
    %scan3A_185 = arith.constant 512 : i32
    %add3A_186 = arith.constant 16384 : i32
    %add3A_187 = arith.addi %mul3A_2, %add3A_186 : i32
    %dma_wait3A_188 = tpu.memref_slice %arg4[%add3A_187] : memref<4194304xf32, #tpu.memory_space<hbm>> -> memref<8192xf32, #tpu.memory_space<hbm>>
    %dma_wait3A_189 = tpu.memref_slice %arg4[%add3A_187] : memref<4194304xf32, #tpu.memory_space<hbm>> -> memref<8192xf32, #tpu.memory_space<hbm>>
    tpu.wait_dma2 semaphore(%arg29 : memref<!tpu.dma_semaphore, #tpu.memory_space<semaphore_mem>>) src(%arg13 : memref<8192xf32, #tpu.memory_space<vmem>>) dst(%dma_wait3A_189 : memref<8192xf32, #tpu.memory_space<hbm>>)
    %dma_start3A_190 = arith.constant 0 : i32
    %dma_start3A_191 = tpu.memref_slice %arg2[%dma_start3A_190] : memref<67108864xf32, #tpu.memory_space<hbm>> -> memref<67108864xf32, #tpu.memory_space<hbm>>
    tpu.enqueue_indirect_dma source(%dma_start3A_191 : memref<67108864xf32, #tpu.memory_space<hbm>>) target(%arg13 : memref<8192xf32, #tpu.memory_space<vmem>>) offsets(%arg7 : memref<8192xi32, #tpu.memory_space<vmem>>) semaphore(%arg23 : memref<!tpu.dma_semaphore, #tpu.memory_space<semaphore_mem>>)
    %dma_wait3A_192 = arith.constant 0 : i32
    %dma_wait3A_193 = tpu.memref_slice %arg2[%dma_wait3A_192] : memref<67108864xf32, #tpu.memory_space<hbm>> -> memref<67108864xf32, #tpu.memory_space<hbm>>
    tpu.wait_indirect_dma semaphore(%arg24 : memref<!tpu.dma_semaphore, #tpu.memory_space<semaphore_mem>>) src(%dma_wait3A_193 : memref<67108864xf32, #tpu.memory_space<hbm>>) dst(%arg16 : memref<8192xf32, #tpu.memory_space<vmem>>)
    %add3A_194 = arith.constant 40960 : i32
    %add3A_195 = arith.addi %mul3A_2, %add3A_194 : i32
    %dma_start3A_196 = tpu.memref_slice %arg4[%add3A_195] : memref<4194304xf32, #tpu.memory_space<hbm>> -> memref<8192xf32, #tpu.memory_space<hbm>>
    %dma_start3A_197 = tpu.memref_slice %arg4[%add3A_195] : memref<4194304xf32, #tpu.memory_space<hbm>> -> memref<8192xf32, #tpu.memory_space<hbm>>
    tpu.enqueue_dma source(%arg16 : memref<8192xf32, #tpu.memory_space<vmem>>) target(%dma_start3A_197 : memref<8192xf32, #tpu.memory_space<hbm>>) target_semaphore(%arg32 : memref<!tpu.dma_semaphore, #tpu.memory_space<semaphore_mem>>)
    %add3A_198 = arith.constant 81920 : i32
    %add3A_199 = arith.addi %mul3A_2, %add3A_198 : i32
    %dma_start3A_200 = tpu.memref_slice %arg3[%add3A_199] : memref<4194304xi32, #tpu.memory_space<hbm>> -> memref<8192xi32, #tpu.memory_space<hbm>>
    %dma_start3A_201 = tpu.memref_slice %arg3[%add3A_199] : memref<4194304xi32, #tpu.memory_space<hbm>> -> memref<8192xi32, #tpu.memory_space<hbm>>
    tpu.enqueue_dma source(%dma_start3A_201 : memref<8192xi32, #tpu.memory_space<hbm>>) target(%arg9 : memref<8192xi32, #tpu.memory_space<vmem>>) target_semaphore(%arg21 : memref<!tpu.dma_semaphore, #tpu.memory_space<semaphore_mem>>)
    %add3A_202 = arith.constant 73728 : i32
    %add3A_203 = arith.addi %mul3A_2, %add3A_202 : i32
    %dma_wait3A_204 = tpu.memref_slice %arg3[%add3A_203] : memref<4194304xi32, #tpu.memory_space<hbm>> -> memref<8192xi32, #tpu.memory_space<hbm>>
    %dma_wait3A_205 = tpu.memref_slice %arg3[%add3A_203] : memref<4194304xi32, #tpu.memory_space<hbm>> -> memref<8192xi32, #tpu.memory_space<hbm>>
    tpu.wait_dma2 semaphore(%arg20 : memref<!tpu.dma_semaphore, #tpu.memory_space<semaphore_mem>>) src(%dma_wait3A_205 : memref<8192xi32, #tpu.memory_space<hbm>>) dst(%arg8 : memref<8192xi32, #tpu.memory_space<vmem>>)
    %scan3A_206 = arith.constant 0 : i32
    %scan3A_207 = arith.constant 512 : i32
    %scan3A_208 = arith.addi %scan3A_206, %scan3A_207 : i32
    %scan3A_209 = arith.constant 8 : i32
    scf.for %scan3A_411 = %scan3A_206 to %scan3A_208 step %scan3A_209  : i32 {
      %mul3A_412 = arith.constant 16 : i32
      %mul3A_413 = arith.muli %scan3A_411, %mul3A_412 : i32
      %and3A_414 = arith.constant 8191 : i32
      %and3A_415 = arith.andi %mul3A_413, %and3A_414 : i32
      %shift_right_arithmetic3A_416 = arith.constant 10 : i32
      %shift_right_arithmetic3A_417 = arith.shrsi %and3A_415, %shift_right_arithmetic3A_416 : i32
      %shift_left3A = arith.constant 7 : i32
      %shift_left3A_418 = arith.shli %shift_right_arithmetic3A_417, %shift_left3A : i32
      %and3A_419 = arith.constant 127 : i32
      %and3A_420 = arith.andi %and3A_415, %and3A_419 : i32
      %add3A_421 = arith.addi %shift_left3A_418, %and3A_420 : i32
      %get3A = arith.index_cast %mul3A_413 : i32 to index
      %get3A_422 = tpu.vector_load %arg8[%get3A] {strides = array<i32>} : memref<8192xi32, #tpu.memory_space<vmem>>, vector<16xi32>,
      %get3A_423 = vector.shape_cast %get3A_422 : vector<16xi32> to vector<16xi32>
      %shift_right_arithmetic3A_424 = arith.constant 7 : i32
      %shift_right_arithmetic3A_425 = vector.broadcast %shift_right_arithmetic3A_424 : i32 to vector<16xi32>
      %shift_right_arithmetic3A_426 = arith.shrsi %get3A_423, %shift_right_arithmetic3A_425 : vector<16xi32>
      %mul3A_427 = arith.constant 896 : i32
      %mul3A_428 = vector.broadcast %mul3A_427 : i32 to vector<16xi32>
      %mul3A_429 = arith.muli %shift_right_arithmetic3A_426, %mul3A_428 : vector<16xi32>
      %add3A_430 = arith.addi %get3A_423, %mul3A_429 : vector<16xi32>
      %shift_right_arithmetic3A_431 = arith.constant 3 : i32
      %shift_right_arithmetic3A_432 = arith.shrsi %add3A_421, %shift_right_arithmetic3A_431 : i32
      %mul3A_433 = arith.constant 524288 : i32
      %mul3A_434 = arith.muli %shift_right_arithmetic3A_432, %mul3A_433 : i32
      %add3A_435 = vector.broadcast %mul3A_434 : i32 to vector<16xi32>
      %add3A_436 = arith.addi %add3A_435, %add3A_13 : vector<16xi32>
      %add3A_437 = arith.addi %add3A_430, %add3A_436 : vector<16xi32>
      %swap3A = arith.index_cast %mul3A_413 : i32 to index
      %swap3A_438 = tpu.vector_load %arg8[%swap3A] {strides = array<i32>} : memref<8192xi32, #tpu.memory_space<vmem>>, vector<16xi32>,
      %swap3A_439 = vector.shape_cast %swap3A_438 : vector<16xi32> to vector<16xi32>
      %swap3A_440 = vector.shape_cast %add3A_437 : vector<16xi32> to vector<16xi32>
      tpu.vector_store %arg8[%swap3A], %swap3A_440 {strides = array<i32>} : memref<8192xi32, #tpu.memory_space<vmem>>, vector<16xi32>,
      %scan3A_441 = arith.constant 1 : i32
      %scan3A_442 = arith.addi %scan3A_411, %scan3A_441 : i32
      %mul3A_443 = arith.constant 16 : i32
      %mul3A_444 = arith.muli %scan3A_442, %mul3A_443 : i32
      %and3A_445 = arith.constant 8191 : i32
      %and3A_446 = arith.andi %mul3A_444, %and3A_445 : i32
      %shift_right_arithmetic3A_447 = arith.constant 10 : i32
      %shift_right_arithmetic3A_448 = arith.shrsi %and3A_446, %shift_right_arithmetic3A_447 : i32
      %shift_left3A_449 = arith.constant 7 : i32
      %shift_left3A_450 = arith.shli %shift_right_arithmetic3A_448, %shift_left3A_449 : i32
      %and3A_451 = arith.constant 127 : i32
      %and3A_452 = arith.andi %and3A_446, %and3A_451 : i32
      %add3A_453 = arith.addi %shift_left3A_450, %and3A_452 : i32
      %get3A_454 = arith.index_cast %mul3A_444 : i32 to index
      %get3A_455 = tpu.vector_load %arg8[%get3A_454] {strides = array<i32>} : memref<8192xi32, #tpu.memory_space<vmem>>, vector<16xi32>,
      %get3A_456 = vector.shape_cast %get3A_455 : vector<16xi32> to vector<16xi32>
      %shift_right_arithmetic3A_457 = arith.constant 7 : i32
      %shift_right_arithmetic3A_458 = vector.broadcast %shift_right_arithmetic3A_457 : i32 to vector<16xi32>
      %shift_right_arithmetic3A_459 = arith.shrsi %get3A_456, %shift_right_arithmetic3A_458 : vector<16xi32>
      %mul3A_460 = arith.constant 896 : i32
      %mul3A_461 = vector.broadcast %mul3A_460 : i32 to vector<16xi32>
      %mul3A_462 = arith.muli %shift_right_arithmetic3A_459, %mul3A_461 : vector<16xi32>
      %add3A_463 = arith.addi %get3A_456, %mul3A_462 : vector<16xi32>
      %shift_right_arithmetic3A_464 = arith.constant 3 : i32
      %shift_right_arithmetic3A_465 = arith.shrsi %add3A_453, %shift_right_arithmetic3A_464 : i32
      %mul3A_466 = arith.constant 524288 : i32
      %mul3A_467 = arith.muli %shift_right_arithmetic3A_465, %mul3A_466 : i32
      %add3A_468 = vector.broadcast %mul3A_467 : i32 to vector<16xi32>
      %add3A_469 = arith.addi %add3A_468, %add3A_13 : vector<16xi32>
      %add3A_470 = arith.addi %add3A_463, %add3A_469 : vector<16xi32>
      %swap3A_471 = arith.index_cast %mul3A_444 : i32 to index
      %swap3A_472 = tpu.vector_load %arg8[%swap3A_471] {strides = array<i32>} : memref<8192xi32, #tpu.memory_space<vmem>>, vector<16xi32>,
      %swap3A_473 = vector.shape_cast %swap3A_472 : vector<16xi32> to vector<16xi32>
      %swap3A_474 = vector.shape_cast %add3A_470 : vector<16xi32> to vector<16xi32>
      tpu.vector_store %arg8[%swap3A_471], %swap3A_474 {strides = array<i32>} : memref<8192xi32, #tpu.memory_space<vmem>>, vector<16xi32>,
      %scan3A_475 = arith.constant 2 : i32
      %scan3A_476 = arith.addi %scan3A_411, %scan3A_475 : i32
      %mul3A_477 = arith.constant 16 : i32
      %mul3A_478 = arith.muli %scan3A_476, %mul3A_477 : i32
      %and3A_479 = arith.constant 8191 : i32
      %and3A_480 = arith.andi %mul3A_478, %and3A_479 : i32
      %shift_right_arithmetic3A_481 = arith.constant 10 : i32
      %shift_right_arithmetic3A_482 = arith.shrsi %and3A_480, %shift_right_arithmetic3A_481 : i32
      %shift_left3A_483 = arith.constant 7 : i32
      %shift_left3A_484 = arith.shli %shift_right_arithmetic3A_482, %shift_left3A_483 : i32
      %and3A_485 = arith.constant 127 : i32
      %and3A_486 = arith.andi %and3A_480, %and3A_485 : i32
      %add3A_487 = arith.addi %shift_left3A_484, %and3A_486 : i32
      %get3A_488 = arith.index_cast %mul3A_478 : i32 to index
      %get3A_489 = tpu.vector_load %arg8[%get3A_488] {strides = array<i32>} : memref<8192xi32, #tpu.memory_space<vmem>>, vector<16xi32>,
      %get3A_490 = vector.shape_cast %get3A_489 : vector<16xi32> to vector<16xi32>
      %shift_right_arithmetic3A_491 = arith.constant 7 : i32
      %shift_right_arithmetic3A_492 = vector.broadcast %shift_right_arithmetic3A_491 : i32 to vector<16xi32>
      %shift_right_arithmetic3A_493 = arith.shrsi %get3A_490, %shift_right_arithmetic3A_492 : vector<16xi32>
      %mul3A_494 = arith.constant 896 : i32
      %mul3A_495 = vector.broadcast %mul3A_494 : i32 to vector<16xi32>
      %mul3A_496 = arith.muli %shift_right_arithmetic3A_493, %mul3A_495 : vector<16xi32>
      %add3A_497 = arith.addi %get3A_490, %mul3A_496 : vector<16xi32>
      %shift_right_arithmetic3A_498 = arith.constant 3 : i32
      %shift_right_arithmetic3A_499 = arith.shrsi %add3A_487, %shift_right_arithmetic3A_498 : i32
      %mul3A_500 = arith.constant 524288 : i32
      %mul3A_501 = arith.muli %shift_right_arithmetic3A_499, %mul3A_500 : i32
      %add3A_502 = vector.broadcast %mul3A_501 : i32 to vector<16xi32>
      %add3A_503 = arith.addi %add3A_502, %add3A_13 : vector<16xi32>
      %add3A_504 = arith.addi %add3A_497, %add3A_503 : vector<16xi32>
      %swap3A_505 = arith.index_cast %mul3A_478 : i32 to index
      %swap3A_506 = tpu.vector_load %arg8[%swap3A_505] {strides = array<i32>} : memref<8192xi32, #tpu.memory_space<vmem>>, vector<16xi32>,
      %swap3A_507 = vector.shape_cast %swap3A_506 : vector<16xi32> to vector<16xi32>
      %swap3A_508 = vector.shape_cast %add3A_504 : vector<16xi32> to vector<16xi32>
      tpu.vector_store %arg8[%swap3A_505], %swap3A_508 {strides = array<i32>} : memref<8192xi32, #tpu.memory_space<vmem>>, vector<16xi32>,
      %scan3A_509 = arith.constant 3 : i32
      %scan3A_510 = arith.addi %scan3A_411, %scan3A_509 : i32
      %mul3A_511 = arith.constant 16 : i32
      %mul3A_512 = arith.muli %scan3A_510, %mul3A_511 : i32
      %and3A_513 = arith.constant 8191 : i32
      %and3A_514 = arith.andi %mul3A_512, %and3A_513 : i32
      %shift_right_arithmetic3A_515 = arith.constant 10 : i32
      %shift_right_arithmetic3A_516 = arith.shrsi %and3A_514, %shift_right_arithmetic3A_515 : i32
      %shift_left3A_517 = arith.constant 7 : i32
      %shift_left3A_518 = arith.shli %shift_right_arithmetic3A_516, %shift_left3A_517 : i32
      %and3A_519 = arith.constant 127 : i32
      %and3A_520 = arith.andi %and3A_514, %and3A_519 : i32
      %add3A_521 = arith.addi %shift_left3A_518, %and3A_520 : i32
      %get3A_522 = arith.index_cast %mul3A_512 : i32 to index
      %get3A_523 = tpu.vector_load %arg8[%get3A_522] {strides = array<i32>} : memref<8192xi32, #tpu.memory_space<vmem>>, vector<16xi32>,
      %get3A_524 = vector.shape_cast %get3A_523 : vector<16xi32> to vector<16xi32>
      %shift_right_arithmetic3A_525 = arith.constant 7 : i32
      %shift_right_arithmetic3A_526 = vector.broadcast %shift_right_arithmetic3A_525 : i32 to vector<16xi32>
      %shift_right_arithmetic3A_527 = arith.shrsi %get3A_524, %shift_right_arithmetic3A_526 : vector<16xi32>
      %mul3A_528 = arith.constant 896 : i32
      %mul3A_529 = vector.broadcast %mul3A_528 : i32 to vector<16xi32>
      %mul3A_530 = arith.muli %shift_right_arithmetic3A_527, %mul3A_529 : vector<16xi32>
      %add3A_531 = arith.addi %get3A_524, %mul3A_530 : vector<16xi32>
      %shift_right_arithmetic3A_532 = arith.constant 3 : i32
      %shift_right_arithmetic3A_533 = arith.shrsi %add3A_521, %shift_right_arithmetic3A_532 : i32
      %mul3A_534 = arith.constant 524288 : i32
      %mul3A_535 = arith.muli %shift_right_arithmetic3A_533, %mul3A_534 : i32
      %add3A_536 = vector.broadcast %mul3A_535 : i32 to vector<16xi32>
      %add3A_537 = arith.addi %add3A_536, %add3A_13 : vector<16xi32>
      %add3A_538 = arith.addi %add3A_531, %add3A_537 : vector<16xi32>
      %swap3A_539 = arith.index_cast %mul3A_512 : i32 to index
      %swap3A_540 = tpu.vector_load %arg8[%swap3A_539] {strides = array<i32>} : memref<8192xi32, #tpu.memory_space<vmem>>, vector<16xi32>,
      %swap3A_541 = vector.shape_cast %swap3A_540 : vector<16xi32> to vector<16xi32>
      %swap3A_542 = vector.shape_cast %add3A_538 : vector<16xi32> to vector<16xi32>
      tpu.vector_store %arg8[%swap3A_539], %swap3A_542 {strides = array<i32>} : memref<8192xi32, #tpu.memory_space<vmem>>, vector<16xi32>,
      %scan3A_543 = arith.constant 4 : i32
      %scan3A_544 = arith.addi %scan3A_411, %scan3A_543 : i32
      %mul3A_545 = arith.constant 16 : i32
      %mul3A_546 = arith.muli %scan3A_544, %mul3A_545 : i32
      %and3A_547 = arith.constant 8191 : i32
      %and3A_548 = arith.andi %mul3A_546, %and3A_547 : i32
      %shift_right_arithmetic3A_549 = arith.constant 10 : i32
      %shift_right_arithmetic3A_550 = arith.shrsi %and3A_548, %shift_right_arithmetic3A_549 : i32
      %shift_left3A_551 = arith.constant 7 : i32
      %shift_left3A_552 = arith.shli %shift_right_arithmetic3A_550, %shift_left3A_551 : i32
      %and3A_553 = arith.constant 127 : i32
      %and3A_554 = arith.andi %and3A_548, %and3A_553 : i32
      %add3A_555 = arith.addi %shift_left3A_552, %and3A_554 : i32
      %get3A_556 = arith.index_cast %mul3A_546 : i32 to index
      %get3A_557 = tpu.vector_load %arg8[%get3A_556] {strides = array<i32>} : memref<8192xi32, #tpu.memory_space<vmem>>, vector<16xi32>,
      %get3A_558 = vector.shape_cast %get3A_557 : vector<16xi32> to vector<16xi32>
      %shift_right_arithmetic3A_559 = arith.constant 7 : i32
      %shift_right_arithmetic3A_560 = vector.broadcast %shift_right_arithmetic3A_559 : i32 to vector<16xi32>
      %shift_right_arithmetic3A_561 = arith.shrsi %get3A_558, %shift_right_arithmetic3A_560 : vector<16xi32>
      %mul3A_562 = arith.constant 896 : i32
      %mul3A_563 = vector.broadcast %mul3A_562 : i32 to vector<16xi32>
      %mul3A_564 = arith.muli %shift_right_arithmetic3A_561, %mul3A_563 : vector<16xi32>
      %add3A_565 = arith.addi %get3A_558, %mul3A_564 : vector<16xi32>
      %shift_right_arithmetic3A_566 = arith.constant 3 : i32
      %shift_right_arithmetic3A_567 = arith.shrsi %add3A_555, %shift_right_arithmetic3A_566 : i32
      %mul3A_568 = arith.constant 524288 : i32
      %mul3A_569 = arith.muli %shift_right_arithmetic3A_567, %mul3A_568 : i32
      %add3A_570 = vector.broadcast %mul3A_569 : i32 to vector<16xi32>
      %add3A_571 = arith.addi %add3A_570, %add3A_13 : vector<16xi32>
      %add3A_572 = arith.addi %add3A_565, %add3A_571 : vector<16xi32>
      %swap3A_573 = arith.index_cast %mul3A_546 : i32 to index
      %swap3A_574 = tpu.vector_load %arg8[%swap3A_573] {strides = array<i32>} : memref<8192xi32, #tpu.memory_space<vmem>>, vector<16xi32>,
      %swap3A_575 = vector.shape_cast %swap3A_574 : vector<16xi32> to vector<16xi32>
      %swap3A_576 = vector.shape_cast %add3A_572 : vector<16xi32> to vector<16xi32>
      tpu.vector_store %arg8[%swap3A_573], %swap3A_576 {strides = array<i32>} : memref<8192xi32, #tpu.memory_space<vmem>>, vector<16xi32>,
      %scan3A_577 = arith.constant 5 : i32
      %scan3A_578 = arith.addi %scan3A_411, %scan3A_577 : i32
      %mul3A_579 = arith.constant 16 : i32
      %mul3A_580 = arith.muli %scan3A_578, %mul3A_579 : i32
      %and3A_581 = arith.constant 8191 : i32
      %and3A_582 = arith.andi %mul3A_580, %and3A_581 : i32
      %shift_right_arithmetic3A_583 = arith.constant 10 : i32
      %shift_right_arithmetic3A_584 = arith.shrsi %and3A_582, %shift_right_arithmetic3A_583 : i32
      %shift_left3A_585 = arith.constant 7 : i32
      %shift_left3A_586 = arith.shli %shift_right_arithmetic3A_584, %shift_left3A_585 : i32
      %and3A_587 = arith.constant 127 : i32
      %and3A_588 = arith.andi %and3A_582, %and3A_587 : i32
      %add3A_589 = arith.addi %shift_left3A_586, %and3A_588 : i32
      %get3A_590 = arith.index_cast %mul3A_580 : i32 to index
      %get3A_591 = tpu.vector_load %arg8[%get3A_590] {strides = array<i32>} : memref<8192xi32, #tpu.memory_space<vmem>>, vector<16xi32>,
      %get3A_592 = vector.shape_cast %get3A_591 : vector<16xi32> to vector<16xi32>
      %shift_right_arithmetic3A_593 = arith.constant 7 : i32
      %shift_right_arithmetic3A_594 = vector.broadcast %shift_right_arithmetic3A_593 : i32 to vector<16xi32>
      %shift_right_arithmetic3A_595 = arith.shrsi %get3A_592, %shift_right_arithmetic3A_594 : vector<16xi32>
      %mul3A_596 = arith.constant 896 : i32
      %mul3A_597 = vector.broadcast %mul3A_596 : i32 to vector<16xi32>
      %mul3A_598 = arith.muli %shift_right_arithmetic3A_595, %mul3A_597 : vector<16xi32>
      %add3A_599 = arith.addi %get3A_592, %mul3A_598 : vector<16xi32>
      %shift_right_arithmetic3A_600 = arith.constant 3 : i32
      %shift_right_arithmetic3A_601 = arith.shrsi %add3A_589, %shift_right_arithmetic3A_600 : i32
      %mul3A_602 = arith.constant 524288 : i32
      %mul3A_603 = arith.muli %shift_right_arithmetic3A_601, %mul3A_602 : i32
      %add3A_604 = vector.broadcast %mul3A_603 : i32 to vector<16xi32>
      %add3A_605 = arith.addi %add3A_604, %add3A_13 : vector<16xi32>
      %add3A_606 = arith.addi %add3A_599, %add3A_605 : vector<16xi32>
      %swap3A_607 = arith.index_cast %mul3A_580 : i32 to index
      %swap3A_608 = tpu.vector_load %arg8[%swap3A_607] {strides = array<i32>} : memref<8192xi32, #tpu.memory_space<vmem>>, vector<16xi32>,
      %swap3A_609 = vector.shape_cast %swap3A_608 : vector<16xi32> to vector<16xi32>
      %swap3A_610 = vector.shape_cast %add3A_606 : vector<16xi32> to vector<16xi32>
      tpu.vector_store %arg8[%swap3A_607], %swap3A_610 {strides = array<i32>} : memref<8192xi32, #tpu.memory_space<vmem>>, vector<16xi32>,
      %scan3A_611 = arith.constant 6 : i32
      %scan3A_612 = arith.addi %scan3A_411, %scan3A_611 : i32
      %mul3A_613 = arith.constant 16 : i32
      %mul3A_614 = arith.muli %scan3A_612, %mul3A_613 : i32
      %and3A_615 = arith.constant 8191 : i32
      %and3A_616 = arith.andi %mul3A_614, %and3A_615 : i32
      %shift_right_arithmetic3A_617 = arith.constant 10 : i32
      %shift_right_arithmetic3A_618 = arith.shrsi %and3A_616, %shift_right_arithmetic3A_617 : i32
      %shift_left3A_619 = arith.constant 7 : i32
      %shift_left3A_620 = arith.shli %shift_right_arithmetic3A_618, %shift_left3A_619 : i32
      %and3A_621 = arith.constant 127 : i32
      %and3A_622 = arith.andi %and3A_616, %and3A_621 : i32
      %add3A_623 = arith.addi %shift_left3A_620, %and3A_622 : i32
      %get3A_624 = arith.index_cast %mul3A_614 : i32 to index
      %get3A_625 = tpu.vector_load %arg8[%get3A_624] {strides = array<i32>} : memref<8192xi32, #tpu.memory_space<vmem>>, vector<16xi32>,
      %get3A_626 = vector.shape_cast %get3A_625 : vector<16xi32> to vector<16xi32>
      %shift_right_arithmetic3A_627 = arith.constant 7 : i32
      %shift_right_arithmetic3A_628 = vector.broadcast %shift_right_arithmetic3A_627 : i32 to vector<16xi32>
      %shift_right_arithmetic3A_629 = arith.shrsi %get3A_626, %shift_right_arithmetic3A_628 : vector<16xi32>
      %mul3A_630 = arith.constant 896 : i32
      %mul3A_631 = vector.broadcast %mul3A_630 : i32 to vector<16xi32>
      %mul3A_632 = arith.muli %shift_right_arithmetic3A_629, %mul3A_631 : vector<16xi32>
      %add3A_633 = arith.addi %get3A_626, %mul3A_632 : vector<16xi32>
      %shift_right_arithmetic3A_634 = arith.constant 3 : i32
      %shift_right_arithmetic3A_635 = arith.shrsi %add3A_623, %shift_right_arithmetic3A_634 : i32
      %mul3A_636 = arith.constant 524288 : i32
      %mul3A_637 = arith.muli %shift_right_arithmetic3A_635, %mul3A_636 : i32
      %add3A_638 = vector.broadcast %mul3A_637 : i32 to vector<16xi32>
      %add3A_639 = arith.addi %add3A_638, %add3A_13 : vector<16xi32>
      %add3A_640 = arith.addi %add3A_633, %add3A_639 : vector<16xi32>
      %swap3A_641 = arith.index_cast %mul3A_614 : i32 to index
      %swap3A_642 = tpu.vector_load %arg8[%swap3A_641] {strides = array<i32>} : memref<8192xi32, #tpu.memory_space<vmem>>, vector<16xi32>,
      %swap3A_643 = vector.shape_cast %swap3A_642 : vector<16xi32> to vector<16xi32>
      %swap3A_644 = vector.shape_cast %add3A_640 : vector<16xi32> to vector<16xi32>
      tpu.vector_store %arg8[%swap3A_641], %swap3A_644 {strides = array<i32>} : memref<8192xi32, #tpu.memory_space<vmem>>, vector<16xi32>,
      %scan3A_645 = arith.constant 7 : i32
      %scan3A_646 = arith.addi %scan3A_411, %scan3A_645 : i32
      %mul3A_647 = arith.constant 16 : i32
      %mul3A_648 = arith.muli %scan3A_646, %mul3A_647 : i32
      %and3A_649 = arith.constant 8191 : i32
      %and3A_650 = arith.andi %mul3A_648, %and3A_649 : i32
      %shift_right_arithmetic3A_651 = arith.constant 10 : i32
      %shift_right_arithmetic3A_652 = arith.shrsi %and3A_650, %shift_right_arithmetic3A_651 : i32
      %shift_left3A_653 = arith.constant 7 : i32
      %shift_left3A_654 = arith.shli %shift_right_arithmetic3A_652, %shift_left3A_653 : i32
      %and3A_655 = arith.constant 127 : i32
      %and3A_656 = arith.andi %and3A_650, %and3A_655 : i32
      %add3A_657 = arith.addi %shift_left3A_654, %and3A_656 : i32
      %get3A_658 = arith.index_cast %mul3A_648 : i32 to index
      %get3A_659 = tpu.vector_load %arg8[%get3A_658] {strides = array<i32>} : memref<8192xi32, #tpu.memory_space<vmem>>, vector<16xi32>,
      %get3A_660 = vector.shape_cast %get3A_659 : vector<16xi32> to vector<16xi32>
      %shift_right_arithmetic3A_661 = arith.constant 7 : i32
      %shift_right_arithmetic3A_662 = vector.broadcast %shift_right_arithmetic3A_661 : i32 to vector<16xi32>
      %shift_right_arithmetic3A_663 = arith.shrsi %get3A_660, %shift_right_arithmetic3A_662 : vector<16xi32>
      %mul3A_664 = arith.constant 896 : i32
      %mul3A_665 = vector.broadcast %mul3A_664 : i32 to vector<16xi32>
      %mul3A_666 = arith.muli %shift_right_arithmetic3A_663, %mul3A_665 : vector<16xi32>
      %add3A_667 = arith.addi %get3A_660, %mul3A_666 : vector<16xi32>
      %shift_right_arithmetic3A_668 = arith.constant 3 : i32
      %shift_right_arithmetic3A_669 = arith.shrsi %add3A_657, %shift_right_arithmetic3A_668 : i32
      %mul3A_670 = arith.constant 524288 : i32
      %mul3A_671 = arith.muli %shift_right_arithmetic3A_669, %mul3A_670 : i32
      %add3A_672 = vector.broadcast %mul3A_671 : i32 to vector<16xi32>
      %add3A_673 = arith.addi %add3A_672, %add3A_13 : vector<16xi32>
      %add3A_674 = arith.addi %add3A_667, %add3A_673 : vector<16xi32>
      %swap3A_675 = arith.index_cast %mul3A_648 : i32 to index
      %swap3A_676 = tpu.vector_load %arg8[%swap3A_675] {strides = array<i32>} : memref<8192xi32, #tpu.memory_space<vmem>>, vector<16xi32>,
      %swap3A_677 = vector.shape_cast %swap3A_676 : vector<16xi32> to vector<16xi32>
      %swap3A_678 = vector.shape_cast %add3A_674 : vector<16xi32> to vector<16xi32>
      tpu.vector_store %arg8[%swap3A_675], %swap3A_678 {strides = array<i32>} : memref<8192xi32, #tpu.memory_space<vmem>>, vector<16xi32>,
    }
    %scan3A_210 = arith.constant 512 : i32
    %add3A_211 = arith.constant 24576 : i32
    %add3A_212 = arith.addi %mul3A_2, %add3A_211 : i32
    %dma_wait3A_213 = tpu.memref_slice %arg4[%add3A_212] : memref<4194304xf32, #tpu.memory_space<hbm>> -> memref<8192xf32, #tpu.memory_space<hbm>>
    %dma_wait3A_214 = tpu.memref_slice %arg4[%add3A_212] : memref<4194304xf32, #tpu.memory_space<hbm>> -> memref<8192xf32, #tpu.memory_space<hbm>>
    tpu.wait_dma2 semaphore(%arg30 : memref<!tpu.dma_semaphore, #tpu.memory_space<semaphore_mem>>) src(%arg14 : memref<8192xf32, #tpu.memory_space<vmem>>) dst(%dma_wait3A_214 : memref<8192xf32, #tpu.memory_space<hbm>>)
    %dma_start3A_215 = arith.constant 0 : i32
    %dma_start3A_216 = tpu.memref_slice %arg2[%dma_start3A_215] : memref<67108864xf32, #tpu.memory_space<hbm>> -> memref<67108864xf32, #tpu.memory_space<hbm>>
    tpu.enqueue_indirect_dma source(%dma_start3A_216 : memref<67108864xf32, #tpu.memory_space<hbm>>) target(%arg14 : memref<8192xf32, #tpu.memory_space<vmem>>) offsets(%arg8 : memref<8192xi32, #tpu.memory_space<vmem>>) semaphore(%arg24 : memref<!tpu.dma_semaphore, #tpu.memory_space<semaphore_mem>>)
    %dma_wait3A_217 = arith.constant 0 : i32
    %dma_wait3A_218 = tpu.memref_slice %arg2[%dma_wait3A_217] : memref<67108864xf32, #tpu.memory_space<hbm>> -> memref<67108864xf32, #tpu.memory_space<hbm>>
    tpu.wait_indirect_dma semaphore(%arg25 : memref<!tpu.dma_semaphore, #tpu.memory_space<semaphore_mem>>) src(%dma_wait3A_218 : memref<67108864xf32, #tpu.memory_space<hbm>>) dst(%arg11 : memref<8192xf32, #tpu.memory_space<vmem>>)
    %add3A_219 = arith.constant 49152 : i32
    %add3A_220 = arith.addi %mul3A_2, %add3A_219 : i32
    %dma_start3A_221 = tpu.memref_slice %arg4[%add3A_220] : memref<4194304xf32, #tpu.memory_space<hbm>> -> memref<8192xf32, #tpu.memory_space<hbm>>
    %dma_start3A_222 = tpu.memref_slice %arg4[%add3A_220] : memref<4194304xf32, #tpu.memory_space<hbm>> -> memref<8192xf32, #tpu.memory_space<hbm>>
    tpu.enqueue_dma source(%arg11 : memref<8192xf32, #tpu.memory_space<vmem>>) target(%dma_start3A_222 : memref<8192xf32, #tpu.memory_space<hbm>>) target_semaphore(%arg27 : memref<!tpu.dma_semaphore, #tpu.memory_space<semaphore_mem>>)
    %add3A_223 = arith.constant 90112 : i32
    %add3A_224 = arith.addi %mul3A_2, %add3A_223 : i32
    %dma_start3A_225 = tpu.memref_slice %arg3[%add3A_224] : memref<4194304xi32, #tpu.memory_space<hbm>> -> memref<8192xi32, #tpu.memory_space<hbm>>
    %dma_start3A_226 = tpu.memref_slice %arg3[%add3A_224] : memref<4194304xi32, #tpu.memory_space<hbm>> -> memref<8192xi32, #tpu.memory_space<hbm>>
    tpu.enqueue_dma source(%dma_start3A_226 : memref<8192xi32, #tpu.memory_space<hbm>>) target(%arg10 : memref<8192xi32, #tpu.memory_space<vmem>>) target_semaphore(%arg22 : memref<!tpu.dma_semaphore, #tpu.memory_space<semaphore_mem>>)
    %add3A_227 = arith.constant 81920 : i32
    %add3A_228 = arith.addi %mul3A_2, %add3A_227 : i32
    %dma_wait3A_229 = tpu.memref_slice %arg3[%add3A_228] : memref<4194304xi32, #tpu.memory_space<hbm>> -> memref<8192xi32, #tpu.memory_space<hbm>>
    %dma_wait3A_230 = tpu.memref_slice %arg3[%add3A_228] : memref<4194304xi32, #tpu.memory_space<hbm>> -> memref<8192xi32, #tpu.memory_space<hbm>>
    tpu.wait_dma2 semaphore(%arg21 : memref<!tpu.dma_semaphore, #tpu.memory_space<semaphore_mem>>) src(%dma_wait3A_230 : memref<8192xi32, #tpu.memory_space<hbm>>) dst(%arg9 : memref<8192xi32, #tpu.memory_space<vmem>>)
    %scan3A_231 = arith.constant 0 : i32
    %scan3A_232 = arith.constant 512 : i32
    %scan3A_233 = arith.addi %scan3A_231, %scan3A_232 : i32
    %scan3A_234 = arith.constant 8 : i32
    scf.for %scan3A_411 = %scan3A_231 to %scan3A_233 step %scan3A_234  : i32 {
      %mul3A_412 = arith.constant 16 : i32
      %mul3A_413 = arith.muli %scan3A_411, %mul3A_412 : i32
      %and3A_414 = arith.constant 8191 : i32
      %and3A_415 = arith.andi %mul3A_413, %and3A_414 : i32
      %shift_right_arithmetic3A_416 = arith.constant 10 : i32
      %shift_right_arithmetic3A_417 = arith.shrsi %and3A_415, %shift_right_arithmetic3A_416 : i32
      %shift_left3A = arith.constant 7 : i32
      %shift_left3A_418 = arith.shli %shift_right_arithmetic3A_417, %shift_left3A : i32
      %and3A_419 = arith.constant 127 : i32
      %and3A_420 = arith.andi %and3A_415, %and3A_419 : i32
      %add3A_421 = arith.addi %shift_left3A_418, %and3A_420 : i32
      %get3A = arith.index_cast %mul3A_413 : i32 to index
      %get3A_422 = tpu.vector_load %arg9[%get3A] {strides = array<i32>} : memref<8192xi32, #tpu.memory_space<vmem>>, vector<16xi32>,
      %get3A_423 = vector.shape_cast %get3A_422 : vector<16xi32> to vector<16xi32>
      %shift_right_arithmetic3A_424 = arith.constant 7 : i32
      %shift_right_arithmetic3A_425 = vector.broadcast %shift_right_arithmetic3A_424 : i32 to vector<16xi32>
      %shift_right_arithmetic3A_426 = arith.shrsi %get3A_423, %shift_right_arithmetic3A_425 : vector<16xi32>
      %mul3A_427 = arith.constant 896 : i32
      %mul3A_428 = vector.broadcast %mul3A_427 : i32 to vector<16xi32>
      %mul3A_429 = arith.muli %shift_right_arithmetic3A_426, %mul3A_428 : vector<16xi32>
      %add3A_430 = arith.addi %get3A_423, %mul3A_429 : vector<16xi32>
      %shift_right_arithmetic3A_431 = arith.constant 3 : i32
      %shift_right_arithmetic3A_432 = arith.shrsi %add3A_421, %shift_right_arithmetic3A_431 : i32
      %mul3A_433 = arith.constant 524288 : i32
      %mul3A_434 = arith.muli %shift_right_arithmetic3A_432, %mul3A_433 : i32
      %add3A_435 = vector.broadcast %mul3A_434 : i32 to vector<16xi32>
      %add3A_436 = arith.addi %add3A_435, %add3A_13 : vector<16xi32>
      %add3A_437 = arith.addi %add3A_430, %add3A_436 : vector<16xi32>
      %swap3A = arith.index_cast %mul3A_413 : i32 to index
      %swap3A_438 = tpu.vector_load %arg9[%swap3A] {strides = array<i32>} : memref<8192xi32, #tpu.memory_space<vmem>>, vector<16xi32>,
      %swap3A_439 = vector.shape_cast %swap3A_438 : vector<16xi32> to vector<16xi32>
      %swap3A_440 = vector.shape_cast %add3A_437 : vector<16xi32> to vector<16xi32>
      tpu.vector_store %arg9[%swap3A], %swap3A_440 {strides = array<i32>} : memref<8192xi32, #tpu.memory_space<vmem>>, vector<16xi32>,
      %scan3A_441 = arith.constant 1 : i32
      %scan3A_442 = arith.addi %scan3A_411, %scan3A_441 : i32
      %mul3A_443 = arith.constant 16 : i32
      %mul3A_444 = arith.muli %scan3A_442, %mul3A_443 : i32
      %and3A_445 = arith.constant 8191 : i32
      %and3A_446 = arith.andi %mul3A_444, %and3A_445 : i32
      %shift_right_arithmetic3A_447 = arith.constant 10 : i32
      %shift_right_arithmetic3A_448 = arith.shrsi %and3A_446, %shift_right_arithmetic3A_447 : i32
      %shift_left3A_449 = arith.constant 7 : i32
      %shift_left3A_450 = arith.shli %shift_right_arithmetic3A_448, %shift_left3A_449 : i32
      %and3A_451 = arith.constant 127 : i32
      %and3A_452 = arith.andi %and3A_446, %and3A_451 : i32
      %add3A_453 = arith.addi %shift_left3A_450, %and3A_452 : i32
      %get3A_454 = arith.index_cast %mul3A_444 : i32 to index
      %get3A_455 = tpu.vector_load %arg9[%get3A_454] {strides = array<i32>} : memref<8192xi32, #tpu.memory_space<vmem>>, vector<16xi32>,
      %get3A_456 = vector.shape_cast %get3A_455 : vector<16xi32> to vector<16xi32>
      %shift_right_arithmetic3A_457 = arith.constant 7 : i32
      %shift_right_arithmetic3A_458 = vector.broadcast %shift_right_arithmetic3A_457 : i32 to vector<16xi32>
      %shift_right_arithmetic3A_459 = arith.shrsi %get3A_456, %shift_right_arithmetic3A_458 : vector<16xi32>
      %mul3A_460 = arith.constant 896 : i32
      %mul3A_461 = vector.broadcast %mul3A_460 : i32 to vector<16xi32>
      %mul3A_462 = arith.muli %shift_right_arithmetic3A_459, %mul3A_461 : vector<16xi32>
      %add3A_463 = arith.addi %get3A_456, %mul3A_462 : vector<16xi32>
      %shift_right_arithmetic3A_464 = arith.constant 3 : i32
      %shift_right_arithmetic3A_465 = arith.shrsi %add3A_453, %shift_right_arithmetic3A_464 : i32
      %mul3A_466 = arith.constant 524288 : i32
      %mul3A_467 = arith.muli %shift_right_arithmetic3A_465, %mul3A_466 : i32
      %add3A_468 = vector.broadcast %mul3A_467 : i32 to vector<16xi32>
      %add3A_469 = arith.addi %add3A_468, %add3A_13 : vector<16xi32>
      %add3A_470 = arith.addi %add3A_463, %add3A_469 : vector<16xi32>
      %swap3A_471 = arith.index_cast %mul3A_444 : i32 to index
      %swap3A_472 = tpu.vector_load %arg9[%swap3A_471] {strides = array<i32>} : memref<8192xi32, #tpu.memory_space<vmem>>, vector<16xi32>,
      %swap3A_473 = vector.shape_cast %swap3A_472 : vector<16xi32> to vector<16xi32>
      %swap3A_474 = vector.shape_cast %add3A_470 : vector<16xi32> to vector<16xi32>
      tpu.vector_store %arg9[%swap3A_471], %swap3A_474 {strides = array<i32>} : memref<8192xi32, #tpu.memory_space<vmem>>, vector<16xi32>,
      %scan3A_475 = arith.constant 2 : i32
      %scan3A_476 = arith.addi %scan3A_411, %scan3A_475 : i32
      %mul3A_477 = arith.constant 16 : i32
      %mul3A_478 = arith.muli %scan3A_476, %mul3A_477 : i32
      %and3A_479 = arith.constant 8191 : i32
      %and3A_480 = arith.andi %mul3A_478, %and3A_479 : i32
      %shift_right_arithmetic3A_481 = arith.constant 10 : i32
      %shift_right_arithmetic3A_482 = arith.shrsi %and3A_480, %shift_right_arithmetic3A_481 : i32
      %shift_left3A_483 = arith.constant 7 : i32
      %shift_left3A_484 = arith.shli %shift_right_arithmetic3A_482, %shift_left3A_483 : i32
      %and3A_485 = arith.constant 127 : i32
      %and3A_486 = arith.andi %and3A_480, %and3A_485 : i32
      %add3A_487 = arith.addi %shift_left3A_484, %and3A_486 : i32
      %get3A_488 = arith.index_cast %mul3A_478 : i32 to index
      %get3A_489 = tpu.vector_load %arg9[%get3A_488] {strides = array<i32>} : memref<8192xi32, #tpu.memory_space<vmem>>, vector<16xi32>,
      %get3A_490 = vector.shape_cast %get3A_489 : vector<16xi32> to vector<16xi32>
      %shift_right_arithmetic3A_491 = arith.constant 7 : i32
      %shift_right_arithmetic3A_492 = vector.broadcast %shift_right_arithmetic3A_491 : i32 to vector<16xi32>
      %shift_right_arithmetic3A_493 = arith.shrsi %get3A_490, %shift_right_arithmetic3A_492 : vector<16xi32>
      %mul3A_494 = arith.constant 896 : i32
      %mul3A_495 = vector.broadcast %mul3A_494 : i32 to vector<16xi32>
      %mul3A_496 = arith.muli %shift_right_arithmetic3A_493, %mul3A_495 : vector<16xi32>
      %add3A_497 = arith.addi %get3A_490, %mul3A_496 : vector<16xi32>
      %shift_right_arithmetic3A_498 = arith.constant 3 : i32
      %shift_right_arithmetic3A_499 = arith.shrsi %add3A_487, %shift_right_arithmetic3A_498 : i32
      %mul3A_500 = arith.constant 524288 : i32
      %mul3A_501 = arith.muli %shift_right_arithmetic3A_499, %mul3A_500 : i32
      %add3A_502 = vector.broadcast %mul3A_501 : i32 to vector<16xi32>
      %add3A_503 = arith.addi %add3A_502, %add3A_13 : vector<16xi32>
      %add3A_504 = arith.addi %add3A_497, %add3A_503 : vector<16xi32>
      %swap3A_505 = arith.index_cast %mul3A_478 : i32 to index
      %swap3A_506 = tpu.vector_load %arg9[%swap3A_505] {strides = array<i32>} : memref<8192xi32, #tpu.memory_space<vmem>>, vector<16xi32>,
      %swap3A_507 = vector.shape_cast %swap3A_506 : vector<16xi32> to vector<16xi32>
      %swap3A_508 = vector.shape_cast %add3A_504 : vector<16xi32> to vector<16xi32>
      tpu.vector_store %arg9[%swap3A_505], %swap3A_508 {strides = array<i32>} : memref<8192xi32, #tpu.memory_space<vmem>>, vector<16xi32>,
      %scan3A_509 = arith.constant 3 : i32
      %scan3A_510 = arith.addi %scan3A_411, %scan3A_509 : i32
      %mul3A_511 = arith.constant 16 : i32
      %mul3A_512 = arith.muli %scan3A_510, %mul3A_511 : i32
      %and3A_513 = arith.constant 8191 : i32
      %and3A_514 = arith.andi %mul3A_512, %and3A_513 : i32
      %shift_right_arithmetic3A_515 = arith.constant 10 : i32
      %shift_right_arithmetic3A_516 = arith.shrsi %and3A_514, %shift_right_arithmetic3A_515 : i32
      %shift_left3A_517 = arith.constant 7 : i32
      %shift_left3A_518 = arith.shli %shift_right_arithmetic3A_516, %shift_left3A_517 : i32
      %and3A_519 = arith.constant 127 : i32
      %and3A_520 = arith.andi %and3A_514, %and3A_519 : i32
      %add3A_521 = arith.addi %shift_left3A_518, %and3A_520 : i32
      %get3A_522 = arith.index_cast %mul3A_512 : i32 to index
      %get3A_523 = tpu.vector_load %arg9[%get3A_522] {strides = array<i32>} : memref<8192xi32, #tpu.memory_space<vmem>>, vector<16xi32>,
      %get3A_524 = vector.shape_cast %get3A_523 : vector<16xi32> to vector<16xi32>
      %shift_right_arithmetic3A_525 = arith.constant 7 : i32
      %shift_right_arithmetic3A_526 = vector.broadcast %shift_right_arithmetic3A_525 : i32 to vector<16xi32>
      %shift_right_arithmetic3A_527 = arith.shrsi %get3A_524, %shift_right_arithmetic3A_526 : vector<16xi32>
      %mul3A_528 = arith.constant 896 : i32
      %mul3A_529 = vector.broadcast %mul3A_528 : i32 to vector<16xi32>
      %mul3A_530 = arith.muli %shift_right_arithmetic3A_527, %mul3A_529 : vector<16xi32>
      %add3A_531 = arith.addi %get3A_524, %mul3A_530 : vector<16xi32>
      %shift_right_arithmetic3A_532 = arith.constant 3 : i32
      %shift_right_arithmetic3A_533 = arith.shrsi %add3A_521, %shift_right_arithmetic3A_532 : i32
      %mul3A_534 = arith.constant 524288 : i32
      %mul3A_535 = arith.muli %shift_right_arithmetic3A_533, %mul3A_534 : i32
      %add3A_536 = vector.broadcast %mul3A_535 : i32 to vector<16xi32>
      %add3A_537 = arith.addi %add3A_536, %add3A_13 : vector<16xi32>
      %add3A_538 = arith.addi %add3A_531, %add3A_537 : vector<16xi32>
      %swap3A_539 = arith.index_cast %mul3A_512 : i32 to index
      %swap3A_540 = tpu.vector_load %arg9[%swap3A_539] {strides = array<i32>} : memref<8192xi32, #tpu.memory_space<vmem>>, vector<16xi32>,
      %swap3A_541 = vector.shape_cast %swap3A_540 : vector<16xi32> to vector<16xi32>
      %swap3A_542 = vector.shape_cast %add3A_538 : vector<16xi32> to vector<16xi32>
      tpu.vector_store %arg9[%swap3A_539], %swap3A_542 {strides = array<i32>} : memref<8192xi32, #tpu.memory_space<vmem>>, vector<16xi32>,
      %scan3A_543 = arith.constant 4 : i32
      %scan3A_544 = arith.addi %scan3A_411, %scan3A_543 : i32
      %mul3A_545 = arith.constant 16 : i32
      %mul3A_546 = arith.muli %scan3A_544, %mul3A_545 : i32
      %and3A_547 = arith.constant 8191 : i32
      %and3A_548 = arith.andi %mul3A_546, %and3A_547 : i32
      %shift_right_arithmetic3A_549 = arith.constant 10 : i32
      %shift_right_arithmetic3A_550 = arith.shrsi %and3A_548, %shift_right_arithmetic3A_549 : i32
      %shift_left3A_551 = arith.constant 7 : i32
      %shift_left3A_552 = arith.shli %shift_right_arithmetic3A_550, %shift_left3A_551 : i32
      %and3A_553 = arith.constant 127 : i32
      %and3A_554 = arith.andi %and3A_548, %and3A_553 : i32
      %add3A_555 = arith.addi %shift_left3A_552, %and3A_554 : i32
      %get3A_556 = arith.index_cast %mul3A_546 : i32 to index
      %get3A_557 = tpu.vector_load %arg9[%get3A_556] {strides = array<i32>} : memref<8192xi32, #tpu.memory_space<vmem>>, vector<16xi32>,
      %get3A_558 = vector.shape_cast %get3A_557 : vector<16xi32> to vector<16xi32>
      %shift_right_arithmetic3A_559 = arith.constant 7 : i32
      %shift_right_arithmetic3A_560 = vector.broadcast %shift_right_arithmetic3A_559 : i32 to vector<16xi32>
      %shift_right_arithmetic3A_561 = arith.shrsi %get3A_558, %shift_right_arithmetic3A_560 : vector<16xi32>
      %mul3A_562 = arith.constant 896 : i32
      %mul3A_563 = vector.broadcast %mul3A_562 : i32 to vector<16xi32>
      %mul3A_564 = arith.muli %shift_right_arithmetic3A_561, %mul3A_563 : vector<16xi32>
      %add3A_565 = arith.addi %get3A_558, %mul3A_564 : vector<16xi32>
      %shift_right_arithmetic3A_566 = arith.constant 3 : i32
      %shift_right_arithmetic3A_567 = arith.shrsi %add3A_555, %shift_right_arithmetic3A_566 : i32
      %mul3A_568 = arith.constant 524288 : i32
      %mul3A_569 = arith.muli %shift_right_arithmetic3A_567, %mul3A_568 : i32
      %add3A_570 = vector.broadcast %mul3A_569 : i32 to vector<16xi32>
      %add3A_571 = arith.addi %add3A_570, %add3A_13 : vector<16xi32>
      %add3A_572 = arith.addi %add3A_565, %add3A_571 : vector<16xi32>
      %swap3A_573 = arith.index_cast %mul3A_546 : i32 to index
      %swap3A_574 = tpu.vector_load %arg9[%swap3A_573] {strides = array<i32>} : memref<8192xi32, #tpu.memory_space<vmem>>, vector<16xi32>,
      %swap3A_575 = vector.shape_cast %swap3A_574 : vector<16xi32> to vector<16xi32>
      %swap3A_576 = vector.shape_cast %add3A_572 : vector<16xi32> to vector<16xi32>
      tpu.vector_store %arg9[%swap3A_573], %swap3A_576 {strides = array<i32>} : memref<8192xi32, #tpu.memory_space<vmem>>, vector<16xi32>,
      %scan3A_577 = arith.constant 5 : i32
      %scan3A_578 = arith.addi %scan3A_411, %scan3A_577 : i32
      %mul3A_579 = arith.constant 16 : i32
      %mul3A_580 = arith.muli %scan3A_578, %mul3A_579 : i32
      %and3A_581 = arith.constant 8191 : i32
      %and3A_582 = arith.andi %mul3A_580, %and3A_581 : i32
      %shift_right_arithmetic3A_583 = arith.constant 10 : i32
      %shift_right_arithmetic3A_584 = arith.shrsi %and3A_582, %shift_right_arithmetic3A_583 : i32
      %shift_left3A_585 = arith.constant 7 : i32
      %shift_left3A_586 = arith.shli %shift_right_arithmetic3A_584, %shift_left3A_585 : i32
      %and3A_587 = arith.constant 127 : i32
      %and3A_588 = arith.andi %and3A_582, %and3A_587 : i32
      %add3A_589 = arith.addi %shift_left3A_586, %and3A_588 : i32
      %get3A_590 = arith.index_cast %mul3A_580 : i32 to index
      %get3A_591 = tpu.vector_load %arg9[%get3A_590] {strides = array<i32>} : memref<8192xi32, #tpu.memory_space<vmem>>, vector<16xi32>,
      %get3A_592 = vector.shape_cast %get3A_591 : vector<16xi32> to vector<16xi32>
      %shift_right_arithmetic3A_593 = arith.constant 7 : i32
      %shift_right_arithmetic3A_594 = vector.broadcast %shift_right_arithmetic3A_593 : i32 to vector<16xi32>
      %shift_right_arithmetic3A_595 = arith.shrsi %get3A_592, %shift_right_arithmetic3A_594 : vector<16xi32>
      %mul3A_596 = arith.constant 896 : i32
      %mul3A_597 = vector.broadcast %mul3A_596 : i32 to vector<16xi32>
      %mul3A_598 = arith.muli %shift_right_arithmetic3A_595, %mul3A_597 : vector<16xi32>
      %add3A_599 = arith.addi %get3A_592, %mul3A_598 : vector<16xi32>
      %shift_right_arithmetic3A_600 = arith.constant 3 : i32
      %shift_right_arithmetic3A_601 = arith.shrsi %add3A_589, %shift_right_arithmetic3A_600 : i32
      %mul3A_602 = arith.constant 524288 : i32
      %mul3A_603 = arith.muli %shift_right_arithmetic3A_601, %mul3A_602 : i32
      %add3A_604 = vector.broadcast %mul3A_603 : i32 to vector<16xi32>
      %add3A_605 = arith.addi %add3A_604, %add3A_13 : vector<16xi32>
      %add3A_606 = arith.addi %add3A_599, %add3A_605 : vector<16xi32>
      %swap3A_607 = arith.index_cast %mul3A_580 : i32 to index
      %swap3A_608 = tpu.vector_load %arg9[%swap3A_607] {strides = array<i32>} : memref<8192xi32, #tpu.memory_space<vmem>>, vector<16xi32>,
      %swap3A_609 = vector.shape_cast %swap3A_608 : vector<16xi32> to vector<16xi32>
      %swap3A_610 = vector.shape_cast %add3A_606 : vector<16xi32> to vector<16xi32>
      tpu.vector_store %arg9[%swap3A_607], %swap3A_610 {strides = array<i32>} : memref<8192xi32, #tpu.memory_space<vmem>>, vector<16xi32>,
      %scan3A_611 = arith.constant 6 : i32
      %scan3A_612 = arith.addi %scan3A_411, %scan3A_611 : i32
      %mul3A_613 = arith.constant 16 : i32
      %mul3A_614 = arith.muli %scan3A_612, %mul3A_613 : i32
      %and3A_615 = arith.constant 8191 : i32
      %and3A_616 = arith.andi %mul3A_614, %and3A_615 : i32
      %shift_right_arithmetic3A_617 = arith.constant 10 : i32
      %shift_right_arithmetic3A_618 = arith.shrsi %and3A_616, %shift_right_arithmetic3A_617 : i32
      %shift_left3A_619 = arith.constant 7 : i32
      %shift_left3A_620 = arith.shli %shift_right_arithmetic3A_618, %shift_left3A_619 : i32
      %and3A_621 = arith.constant 127 : i32
      %and3A_622 = arith.andi %and3A_616, %and3A_621 : i32
      %add3A_623 = arith.addi %shift_left3A_620, %and3A_622 : i32
      %get3A_624 = arith.index_cast %mul3A_614 : i32 to index
      %get3A_625 = tpu.vector_load %arg9[%get3A_624] {strides = array<i32>} : memref<8192xi32, #tpu.memory_space<vmem>>, vector<16xi32>,
      %get3A_626 = vector.shape_cast %get3A_625 : vector<16xi32> to vector<16xi32>
      %shift_right_arithmetic3A_627 = arith.constant 7 : i32
      %shift_right_arithmetic3A_628 = vector.broadcast %shift_right_arithmetic3A_627 : i32 to vector<16xi32>
      %shift_right_arithmetic3A_629 = arith.shrsi %get3A_626, %shift_right_arithmetic3A_628 : vector<16xi32>
      %mul3A_630 = arith.constant 896 : i32
      %mul3A_631 = vector.broadcast %mul3A_630 : i32 to vector<16xi32>
      %mul3A_632 = arith.muli %shift_right_arithmetic3A_629, %mul3A_631 : vector<16xi32>
      %add3A_633 = arith.addi %get3A_626, %mul3A_632 : vector<16xi32>
      %shift_right_arithmetic3A_634 = arith.constant 3 : i32
      %shift_right_arithmetic3A_635 = arith.shrsi %add3A_623, %shift_right_arithmetic3A_634 : i32
      %mul3A_636 = arith.constant 524288 : i32
      %mul3A_637 = arith.muli %shift_right_arithmetic3A_635, %mul3A_636 : i32
      %add3A_638 = vector.broadcast %mul3A_637 : i32 to vector<16xi32>
      %add3A_639 = arith.addi %add3A_638, %add3A_13 : vector<16xi32>
      %add3A_640 = arith.addi %add3A_633, %add3A_639 : vector<16xi32>
      %swap3A_641 = arith.index_cast %mul3A_614 : i32 to index
      %swap3A_642 = tpu.vector_load %arg9[%swap3A_641] {strides = array<i32>} : memref<8192xi32, #tpu.memory_space<vmem>>, vector<16xi32>,
      %swap3A_643 = vector.shape_cast %swap3A_642 : vector<16xi32> to vector<16xi32>
      %swap3A_644 = vector.shape_cast %add3A_640 : vector<16xi32> to vector<16xi32>
      tpu.vector_store %arg9[%swap3A_641], %swap3A_644 {strides = array<i32>} : memref<8192xi32, #tpu.memory_space<vmem>>, vector<16xi32>,
      %scan3A_645 = arith.constant 7 : i32
      %scan3A_646 = arith.addi %scan3A_411, %scan3A_645 : i32
      %mul3A_647 = arith.constant 16 : i32
      %mul3A_648 = arith.muli %scan3A_646, %mul3A_647 : i32
      %and3A_649 = arith.constant 8191 : i32
      %and3A_650 = arith.andi %mul3A_648, %and3A_649 : i32
      %shift_right_arithmetic3A_651 = arith.constant 10 : i32
      %shift_right_arithmetic3A_652 = arith.shrsi %and3A_650, %shift_right_arithmetic3A_651 : i32
      %shift_left3A_653 = arith.constant 7 : i32
      %shift_left3A_654 = arith.shli %shift_right_arithmetic3A_652, %shift_left3A_653 : i32
      %and3A_655 = arith.constant 127 : i32
      %and3A_656 = arith.andi %and3A_650, %and3A_655 : i32
      %add3A_657 = arith.addi %shift_left3A_654, %and3A_656 : i32
      %get3A_658 = arith.index_cast %mul3A_648 : i32 to index
      %get3A_659 = tpu.vector_load %arg9[%get3A_658] {strides = array<i32>} : memref<8192xi32, #tpu.memory_space<vmem>>, vector<16xi32>,
      %get3A_660 = vector.shape_cast %get3A_659 : vector<16xi32> to vector<16xi32>
      %shift_right_arithmetic3A_661 = arith.constant 7 : i32
      %shift_right_arithmetic3A_662 = vector.broadcast %shift_right_arithmetic3A_661 : i32 to vector<16xi32>
      %shift_right_arithmetic3A_663 = arith.shrsi %get3A_660, %shift_right_arithmetic3A_662 : vector<16xi32>
      %mul3A_664 = arith.constant 896 : i32
      %mul3A_665 = vector.broadcast %mul3A_664 : i32 to vector<16xi32>
      %mul3A_666 = arith.muli %shift_right_arithmetic3A_663, %mul3A_665 : vector<16xi32>
      %add3A_667 = arith.addi %get3A_660, %mul3A_666 : vector<16xi32>
      %shift_right_arithmetic3A_668 = arith.constant 3 : i32
      %shift_right_arithmetic3A_669 = arith.shrsi %add3A_657, %shift_right_arithmetic3A_668 : i32
      %mul3A_670 = arith.constant 524288 : i32
      %mul3A_671 = arith.muli %shift_right_arithmetic3A_669, %mul3A_670 : i32
      %add3A_672 = vector.broadcast %mul3A_671 : i32 to vector<16xi32>
      %add3A_673 = arith.addi %add3A_672, %add3A_13 : vector<16xi32>
      %add3A_674 = arith.addi %add3A_667, %add3A_673 : vector<16xi32>
      %swap3A_675 = arith.index_cast %mul3A_648 : i32 to index
      %swap3A_676 = tpu.vector_load %arg9[%swap3A_675] {strides = array<i32>} : memref<8192xi32, #tpu.memory_space<vmem>>, vector<16xi32>,
      %swap3A_677 = vector.shape_cast %swap3A_676 : vector<16xi32> to vector<16xi32>
      %swap3A_678 = vector.shape_cast %add3A_674 : vector<16xi32> to vector<16xi32>
      tpu.vector_store %arg9[%swap3A_675], %swap3A_678 {strides = array<i32>} : memref<8192xi32, #tpu.memory_space<vmem>>, vector<16xi32>,
    }
    %scan3A_235 = arith.constant 512 : i32
    %add3A_236 = arith.constant 32768 : i32
    %add3A_237 = arith.addi %mul3A_2, %add3A_236 : i32
    %dma_wait3A_238 = tpu.memref_slice %arg4[%add3A_237] : memref<4194304xf32, #tpu.memory_space<hbm>> -> memref<8192xf32, #tpu.memory_space<hbm>>
    %dma_wait3A_239 = tpu.memref_slice %arg4[%add3A_237] : memref<4194304xf32, #tpu.memory_space<hbm>> -> memref<8192xf32, #tpu.memory_space<hbm>>
    tpu.wait_dma2 semaphore(%arg31 : memref<!tpu.dma_semaphore, #tpu.memory_space<semaphore_mem>>) src(%arg15 : memref<8192xf32, #tpu.memory_space<vmem>>) dst(%dma_wait3A_239 : memref<8192xf32, #tpu.memory_space<hbm>>)
    %dma_start3A_240 = arith.constant 0 : i32
    %dma_start3A_241 = tpu.memref_slice %arg2[%dma_start3A_240] : memref<67108864xf32, #tpu.memory_space<hbm>> -> memref<67108864xf32, #tpu.memory_space<hbm>>
    tpu.enqueue_indirect_dma source(%dma_start3A_241 : memref<67108864xf32, #tpu.memory_space<hbm>>) target(%arg15 : memref<8192xf32, #tpu.memory_space<vmem>>) offsets(%arg9 : memref<8192xi32, #tpu.memory_space<vmem>>) semaphore(%arg25 : memref<!tpu.dma_semaphore, #tpu.memory_space<semaphore_mem>>)
    %dma_wait3A_242 = arith.constant 0 : i32
    %dma_wait3A_243 = tpu.memref_slice %arg2[%dma_wait3A_242] : memref<67108864xf32, #tpu.memory_space<hbm>> -> memref<67108864xf32, #tpu.memory_space<hbm>>
    tpu.wait_indirect_dma semaphore(%arg26 : memref<!tpu.dma_semaphore, #tpu.memory_space<semaphore_mem>>) src(%dma_wait3A_243 : memref<67108864xf32, #tpu.memory_space<hbm>>) dst(%arg12 : memref<8192xf32, #tpu.memory_space<vmem>>)
    %add3A_244 = arith.constant 57344 : i32
    %add3A_245 = arith.addi %mul3A_2, %add3A_244 : i32
    %dma_start3A_246 = tpu.memref_slice %arg4[%add3A_245] : memref<4194304xf32, #tpu.memory_space<hbm>> -> memref<8192xf32, #tpu.memory_space<hbm>>
    %dma_start3A_247 = tpu.memref_slice %arg4[%add3A_245] : memref<4194304xf32, #tpu.memory_space<hbm>> -> memref<8192xf32, #tpu.memory_space<hbm>>
    tpu.enqueue_dma source(%arg12 : memref<8192xf32, #tpu.memory_space<vmem>>) target(%dma_start3A_247 : memref<8192xf32, #tpu.memory_space<hbm>>) target_semaphore(%arg28 : memref<!tpu.dma_semaphore, #tpu.memory_space<semaphore_mem>>)
    %add3A_248 = arith.constant 98304 : i32
    %add3A_249 = arith.addi %mul3A_2, %add3A_248 : i32
    %dma_start3A_250 = tpu.memref_slice %arg3[%add3A_249] : memref<4194304xi32, #tpu.memory_space<hbm>> -> memref<8192xi32, #tpu.memory_space<hbm>>
    %dma_start3A_251 = tpu.memref_slice %arg3[%add3A_249] : memref<4194304xi32, #tpu.memory_space<hbm>> -> memref<8192xi32, #tpu.memory_space<hbm>>
    tpu.enqueue_dma source(%dma_start3A_251 : memref<8192xi32, #tpu.memory_space<hbm>>) target(%arg5 : memref<8192xi32, #tpu.memory_space<vmem>>) target_semaphore(%arg17 : memref<!tpu.dma_semaphore, #tpu.memory_space<semaphore_mem>>)
    %add3A_252 = arith.constant 90112 : i32
    %add3A_253 = arith.addi %mul3A_2, %add3A_252 : i32
    %dma_wait3A_254 = tpu.memref_slice %arg3[%add3A_253] : memref<4194304xi32, #tpu.memory_space<hbm>> -> memref<8192xi32, #tpu.memory_space<hbm>>
    %dma_wait3A_255 = tpu.memref_slice %arg3[%add3A_253] : memref<4194304xi32, #tpu.memory_space<hbm>> -> memref<8192xi32, #tpu.memory_space<hbm>>
    tpu.wait_dma2 semaphore(%arg22 : memref<!tpu.dma_semaphore, #tpu.memory_space<semaphore_mem>>) src(%dma_wait3A_255 : memref<8192xi32, #tpu.memory_space<hbm>>) dst(%arg10 : memref<8192xi32, #tpu.memory_space<vmem>>)
    %scan3A_256 = arith.constant 0 : i32
    %scan3A_257 = arith.constant 512 : i32
    %scan3A_258 = arith.addi %scan3A_256, %scan3A_257 : i32
    %scan3A_259 = arith.constant 8 : i32
    scf.for %scan3A_411 = %scan3A_256 to %scan3A_258 step %scan3A_259  : i32 {
      %mul3A_412 = arith.constant 16 : i32
      %mul3A_413 = arith.muli %scan3A_411, %mul3A_412 : i32
      %and3A_414 = arith.constant 8191 : i32
      %and3A_415 = arith.andi %mul3A_413, %and3A_414 : i32
      %shift_right_arithmetic3A_416 = arith.constant 10 : i32
      %shift_right_arithmetic3A_417 = arith.shrsi %and3A_415, %shift_right_arithmetic3A_416 : i32
      %shift_left3A = arith.constant 7 : i32
      %shift_left3A_418 = arith.shli %shift_right_arithmetic3A_417, %shift_left3A : i32
      %and3A_419 = arith.constant 127 : i32
      %and3A_420 = arith.andi %and3A_415, %and3A_419 : i32
      %add3A_421 = arith.addi %shift_left3A_418, %and3A_420 : i32
      %get3A = arith.index_cast %mul3A_413 : i32 to index
      %get3A_422 = tpu.vector_load %arg10[%get3A] {strides = array<i32>} : memref<8192xi32, #tpu.memory_space<vmem>>, vector<16xi32>,
      %get3A_423 = vector.shape_cast %get3A_422 : vector<16xi32> to vector<16xi32>
      %shift_right_arithmetic3A_424 = arith.constant 7 : i32
      %shift_right_arithmetic3A_425 = vector.broadcast %shift_right_arithmetic3A_424 : i32 to vector<16xi32>
      %shift_right_arithmetic3A_426 = arith.shrsi %get3A_423, %shift_right_arithmetic3A_425 : vector<16xi32>
      %mul3A_427 = arith.constant 896 : i32
      %mul3A_428 = vector.broadcast %mul3A_427 : i32 to vector<16xi32>
      %mul3A_429 = arith.muli %shift_right_arithmetic3A_426, %mul3A_428 : vector<16xi32>
      %add3A_430 = arith.addi %get3A_423, %mul3A_429 : vector<16xi32>
      %shift_right_arithmetic3A_431 = arith.constant 3 : i32
      %shift_right_arithmetic3A_432 = arith.shrsi %add3A_421, %shift_right_arithmetic3A_431 : i32
      %mul3A_433 = arith.constant 524288 : i32
      %mul3A_434 = arith.muli %shift_right_arithmetic3A_432, %mul3A_433 : i32
      %add3A_435 = vector.broadcast %mul3A_434 : i32 to vector<16xi32>
      %add3A_436 = arith.addi %add3A_435, %add3A_13 : vector<16xi32>
      %add3A_437 = arith.addi %add3A_430, %add3A_436 : vector<16xi32>
      %swap3A = arith.index_cast %mul3A_413 : i32 to index
      %swap3A_438 = tpu.vector_load %arg10[%swap3A] {strides = array<i32>} : memref<8192xi32, #tpu.memory_space<vmem>>, vector<16xi32>,
      %swap3A_439 = vector.shape_cast %swap3A_438 : vector<16xi32> to vector<16xi32>
      %swap3A_440 = vector.shape_cast %add3A_437 : vector<16xi32> to vector<16xi32>
      tpu.vector_store %arg10[%swap3A], %swap3A_440 {strides = array<i32>} : memref<8192xi32, #tpu.memory_space<vmem>>, vector<16xi32>,
      %scan3A_441 = arith.constant 1 : i32
      %scan3A_442 = arith.addi %scan3A_411, %scan3A_441 : i32
      %mul3A_443 = arith.constant 16 : i32
      %mul3A_444 = arith.muli %scan3A_442, %mul3A_443 : i32
      %and3A_445 = arith.constant 8191 : i32
      %and3A_446 = arith.andi %mul3A_444, %and3A_445 : i32
      %shift_right_arithmetic3A_447 = arith.constant 10 : i32
      %shift_right_arithmetic3A_448 = arith.shrsi %and3A_446, %shift_right_arithmetic3A_447 : i32
      %shift_left3A_449 = arith.constant 7 : i32
      %shift_left3A_450 = arith.shli %shift_right_arithmetic3A_448, %shift_left3A_449 : i32
      %and3A_451 = arith.constant 127 : i32
      %and3A_452 = arith.andi %and3A_446, %and3A_451 : i32
      %add3A_453 = arith.addi %shift_left3A_450, %and3A_452 : i32
      %get3A_454 = arith.index_cast %mul3A_444 : i32 to index
      %get3A_455 = tpu.vector_load %arg10[%get3A_454] {strides = array<i32>} : memref<8192xi32, #tpu.memory_space<vmem>>, vector<16xi32>,
      %get3A_456 = vector.shape_cast %get3A_455 : vector<16xi32> to vector<16xi32>
      %shift_right_arithmetic3A_457 = arith.constant 7 : i32
      %shift_right_arithmetic3A_458 = vector.broadcast %shift_right_arithmetic3A_457 : i32 to vector<16xi32>
      %shift_right_arithmetic3A_459 = arith.shrsi %get3A_456, %shift_right_arithmetic3A_458 : vector<16xi32>
      %mul3A_460 = arith.constant 896 : i32
      %mul3A_461 = vector.broadcast %mul3A_460 : i32 to vector<16xi32>
      %mul3A_462 = arith.muli %shift_right_arithmetic3A_459, %mul3A_461 : vector<16xi32>
      %add3A_463 = arith.addi %get3A_456, %mul3A_462 : vector<16xi32>
      %shift_right_arithmetic3A_464 = arith.constant 3 : i32
      %shift_right_arithmetic3A_465 = arith.shrsi %add3A_453, %shift_right_arithmetic3A_464 : i32
      %mul3A_466 = arith.constant 524288 : i32
      %mul3A_467 = arith.muli %shift_right_arithmetic3A_465, %mul3A_466 : i32
      %add3A_468 = vector.broadcast %mul3A_467 : i32 to vector<16xi32>
      %add3A_469 = arith.addi %add3A_468, %add3A_13 : vector<16xi32>
      %add3A_470 = arith.addi %add3A_463, %add3A_469 : vector<16xi32>
      %swap3A_471 = arith.index_cast %mul3A_444 : i32 to index
      %swap3A_472 = tpu.vector_load %arg10[%swap3A_471] {strides = array<i32>} : memref<8192xi32, #tpu.memory_space<vmem>>, vector<16xi32>,
      %swap3A_473 = vector.shape_cast %swap3A_472 : vector<16xi32> to vector<16xi32>
      %swap3A_474 = vector.shape_cast %add3A_470 : vector<16xi32> to vector<16xi32>
      tpu.vector_store %arg10[%swap3A_471], %swap3A_474 {strides = array<i32>} : memref<8192xi32, #tpu.memory_space<vmem>>, vector<16xi32>,
      %scan3A_475 = arith.constant 2 : i32
      %scan3A_476 = arith.addi %scan3A_411, %scan3A_475 : i32
      %mul3A_477 = arith.constant 16 : i32
      %mul3A_478 = arith.muli %scan3A_476, %mul3A_477 : i32
      %and3A_479 = arith.constant 8191 : i32
      %and3A_480 = arith.andi %mul3A_478, %and3A_479 : i32
      %shift_right_arithmetic3A_481 = arith.constant 10 : i32
      %shift_right_arithmetic3A_482 = arith.shrsi %and3A_480, %shift_right_arithmetic3A_481 : i32
      %shift_left3A_483 = arith.constant 7 : i32
      %shift_left3A_484 = arith.shli %shift_right_arithmetic3A_482, %shift_left3A_483 : i32
      %and3A_485 = arith.constant 127 : i32
      %and3A_486 = arith.andi %and3A_480, %and3A_485 : i32
      %add3A_487 = arith.addi %shift_left3A_484, %and3A_486 : i32
      %get3A_488 = arith.index_cast %mul3A_478 : i32 to index
      %get3A_489 = tpu.vector_load %arg10[%get3A_488] {strides = array<i32>} : memref<8192xi32, #tpu.memory_space<vmem>>, vector<16xi32>,
      %get3A_490 = vector.shape_cast %get3A_489 : vector<16xi32> to vector<16xi32>
      %shift_right_arithmetic3A_491 = arith.constant 7 : i32
      %shift_right_arithmetic3A_492 = vector.broadcast %shift_right_arithmetic3A_491 : i32 to vector<16xi32>
      %shift_right_arithmetic3A_493 = arith.shrsi %get3A_490, %shift_right_arithmetic3A_492 : vector<16xi32>
      %mul3A_494 = arith.constant 896 : i32
      %mul3A_495 = vector.broadcast %mul3A_494 : i32 to vector<16xi32>
      %mul3A_496 = arith.muli %shift_right_arithmetic3A_493, %mul3A_495 : vector<16xi32>
      %add3A_497 = arith.addi %get3A_490, %mul3A_496 : vector<16xi32>
      %shift_right_arithmetic3A_498 = arith.constant 3 : i32
      %shift_right_arithmetic3A_499 = arith.shrsi %add3A_487, %shift_right_arithmetic3A_498 : i32
      %mul3A_500 = arith.constant 524288 : i32
      %mul3A_501 = arith.muli %shift_right_arithmetic3A_499, %mul3A_500 : i32
      %add3A_502 = vector.broadcast %mul3A_501 : i32 to vector<16xi32>
      %add3A_503 = arith.addi %add3A_502, %add3A_13 : vector<16xi32>
      %add3A_504 = arith.addi %add3A_497, %add3A_503 : vector<16xi32>
      %swap3A_505 = arith.index_cast %mul3A_478 : i32 to index
      %swap3A_506 = tpu.vector_load %arg10[%swap3A_505] {strides = array<i32>} : memref<8192xi32, #tpu.memory_space<vmem>>, vector<16xi32>,
      %swap3A_507 = vector.shape_cast %swap3A_506 : vector<16xi32> to vector<16xi32>
      %swap3A_508 = vector.shape_cast %add3A_504 : vector<16xi32> to vector<16xi32>
      tpu.vector_store %arg10[%swap3A_505], %swap3A_508 {strides = array<i32>} : memref<8192xi32, #tpu.memory_space<vmem>>, vector<16xi32>,
      %scan3A_509 = arith.constant 3 : i32
      %scan3A_510 = arith.addi %scan3A_411, %scan3A_509 : i32
      %mul3A_511 = arith.constant 16 : i32
      %mul3A_512 = arith.muli %scan3A_510, %mul3A_511 : i32
      %and3A_513 = arith.constant 8191 : i32
      %and3A_514 = arith.andi %mul3A_512, %and3A_513 : i32
      %shift_right_arithmetic3A_515 = arith.constant 10 : i32
      %shift_right_arithmetic3A_516 = arith.shrsi %and3A_514, %shift_right_arithmetic3A_515 : i32
      %shift_left3A_517 = arith.constant 7 : i32
      %shift_left3A_518 = arith.shli %shift_right_arithmetic3A_516, %shift_left3A_517 : i32
      %and3A_519 = arith.constant 127 : i32
      %and3A_520 = arith.andi %and3A_514, %and3A_519 : i32
      %add3A_521 = arith.addi %shift_left3A_518, %and3A_520 : i32
      %get3A_522 = arith.index_cast %mul3A_512 : i32 to index
      %get3A_523 = tpu.vector_load %arg10[%get3A_522] {strides = array<i32>} : memref<8192xi32, #tpu.memory_space<vmem>>, vector<16xi32>,
      %get3A_524 = vector.shape_cast %get3A_523 : vector<16xi32> to vector<16xi32>
      %shift_right_arithmetic3A_525 = arith.constant 7 : i32
      %shift_right_arithmetic3A_526 = vector.broadcast %shift_right_arithmetic3A_525 : i32 to vector<16xi32>
      %shift_right_arithmetic3A_527 = arith.shrsi %get3A_524, %shift_right_arithmetic3A_526 : vector<16xi32>
      %mul3A_528 = arith.constant 896 : i32
      %mul3A_529 = vector.broadcast %mul3A_528 : i32 to vector<16xi32>
      %mul3A_530 = arith.muli %shift_right_arithmetic3A_527, %mul3A_529 : vector<16xi32>
      %add3A_531 = arith.addi %get3A_524, %mul3A_530 : vector<16xi32>
      %shift_right_arithmetic3A_532 = arith.constant 3 : i32
      %shift_right_arithmetic3A_533 = arith.shrsi %add3A_521, %shift_right_arithmetic3A_532 : i32
      %mul3A_534 = arith.constant 524288 : i32
      %mul3A_535 = arith.muli %shift_right_arithmetic3A_533, %mul3A_534 : i32
      %add3A_536 = vector.broadcast %mul3A_535 : i32 to vector<16xi32>
      %add3A_537 = arith.addi %add3A_536, %add3A_13 : vector<16xi32>
      %add3A_538 = arith.addi %add3A_531, %add3A_537 : vector<16xi32>
      %swap3A_539 = arith.index_cast %mul3A_512 : i32 to index
      %swap3A_540 = tpu.vector_load %arg10[%swap3A_539] {strides = array<i32>} : memref<8192xi32, #tpu.memory_space<vmem>>, vector<16xi32>,
      %swap3A_541 = vector.shape_cast %swap3A_540 : vector<16xi32> to vector<16xi32>
      %swap3A_542 = vector.shape_cast %add3A_538 : vector<16xi32> to vector<16xi32>
      tpu.vector_store %arg10[%swap3A_539], %swap3A_542 {strides = array<i32>} : memref<8192xi32, #tpu.memory_space<vmem>>, vector<16xi32>,
      %scan3A_543 = arith.constant 4 : i32
      %scan3A_544 = arith.addi %scan3A_411, %scan3A_543 : i32
      %mul3A_545 = arith.constant 16 : i32
      %mul3A_546 = arith.muli %scan3A_544, %mul3A_545 : i32
      %and3A_547 = arith.constant 8191 : i32
      %and3A_548 = arith.andi %mul3A_546, %and3A_547 : i32
      %shift_right_arithmetic3A_549 = arith.constant 10 : i32
      %shift_right_arithmetic3A_550 = arith.shrsi %and3A_548, %shift_right_arithmetic3A_549 : i32
      %shift_left3A_551 = arith.constant 7 : i32
      %shift_left3A_552 = arith.shli %shift_right_arithmetic3A_550, %shift_left3A_551 : i32
      %and3A_553 = arith.constant 127 : i32
      %and3A_554 = arith.andi %and3A_548, %and3A_553 : i32
      %add3A_555 = arith.addi %shift_left3A_552, %and3A_554 : i32
      %get3A_556 = arith.index_cast %mul3A_546 : i32 to index
      %get3A_557 = tpu.vector_load %arg10[%get3A_556] {strides = array<i32>} : memref<8192xi32, #tpu.memory_space<vmem>>, vector<16xi32>,
      %get3A_558 = vector.shape_cast %get3A_557 : vector<16xi32> to vector<16xi32>
      %shift_right_arithmetic3A_559 = arith.constant 7 : i32
      %shift_right_arithmetic3A_560 = vector.broadcast %shift_right_arithmetic3A_559 : i32 to vector<16xi32>
      %shift_right_arithmetic3A_561 = arith.shrsi %get3A_558, %shift_right_arithmetic3A_560 : vector<16xi32>
      %mul3A_562 = arith.constant 896 : i32
      %mul3A_563 = vector.broadcast %mul3A_562 : i32 to vector<16xi32>
      %mul3A_564 = arith.muli %shift_right_arithmetic3A_561, %mul3A_563 : vector<16xi32>
      %add3A_565 = arith.addi %get3A_558, %mul3A_564 : vector<16xi32>
      %shift_right_arithmetic3A_566 = arith.constant 3 : i32
      %shift_right_arithmetic3A_567 = arith.shrsi %add3A_555, %shift_right_arithmetic3A_566 : i32
      %mul3A_568 = arith.constant 524288 : i32
      %mul3A_569 = arith.muli %shift_right_arithmetic3A_567, %mul3A_568 : i32
      %add3A_570 = vector.broadcast %mul3A_569 : i32 to vector<16xi32>
      %add3A_571 = arith.addi %add3A_570, %add3A_13 : vector<16xi32>
      %add3A_572 = arith.addi %add3A_565, %add3A_571 : vector<16xi32>
      %swap3A_573 = arith.index_cast %mul3A_546 : i32 to index
      %swap3A_574 = tpu.vector_load %arg10[%swap3A_573] {strides = array<i32>} : memref<8192xi32, #tpu.memory_space<vmem>>, vector<16xi32>,
      %swap3A_575 = vector.shape_cast %swap3A_574 : vector<16xi32> to vector<16xi32>
      %swap3A_576 = vector.shape_cast %add3A_572 : vector<16xi32> to vector<16xi32>
      tpu.vector_store %arg10[%swap3A_573], %swap3A_576 {strides = array<i32>} : memref<8192xi32, #tpu.memory_space<vmem>>, vector<16xi32>,
      %scan3A_577 = arith.constant 5 : i32
      %scan3A_578 = arith.addi %scan3A_411, %scan3A_577 : i32
      %mul3A_579 = arith.constant 16 : i32
      %mul3A_580 = arith.muli %scan3A_578, %mul3A_579 : i32
      %and3A_581 = arith.constant 8191 : i32
      %and3A_582 = arith.andi %mul3A_580, %and3A_581 : i32
      %shift_right_arithmetic3A_583 = arith.constant 10 : i32
      %shift_right_arithmetic3A_584 = arith.shrsi %and3A_582, %shift_right_arithmetic3A_583 : i32
      %shift_left3A_585 = arith.constant 7 : i32
      %shift_left3A_586 = arith.shli %shift_right_arithmetic3A_584, %shift_left3A_585 : i32
      %and3A_587 = arith.constant 127 : i32
      %and3A_588 = arith.andi %and3A_582, %and3A_587 : i32
      %add3A_589 = arith.addi %shift_left3A_586, %and3A_588 : i32
      %get3A_590 = arith.index_cast %mul3A_580 : i32 to index
      %get3A_591 = tpu.vector_load %arg10[%get3A_590] {strides = array<i32>} : memref<8192xi32, #tpu.memory_space<vmem>>, vector<16xi32>,
      %get3A_592 = vector.shape_cast %get3A_591 : vector<16xi32> to vector<16xi32>
      %shift_right_arithmetic3A_593 = arith.constant 7 : i32
      %shift_right_arithmetic3A_594 = vector.broadcast %shift_right_arithmetic3A_593 : i32 to vector<16xi32>
      %shift_right_arithmetic3A_595 = arith.shrsi %get3A_592, %shift_right_arithmetic3A_594 : vector<16xi32>
      %mul3A_596 = arith.constant 896 : i32
      %mul3A_597 = vector.broadcast %mul3A_596 : i32 to vector<16xi32>
      %mul3A_598 = arith.muli %shift_right_arithmetic3A_595, %mul3A_597 : vector<16xi32>
      %add3A_599 = arith.addi %get3A_592, %mul3A_598 : vector<16xi32>
      %shift_right_arithmetic3A_600 = arith.constant 3 : i32
      %shift_right_arithmetic3A_601 = arith.shrsi %add3A_589, %shift_right_arithmetic3A_600 : i32
      %mul3A_602 = arith.constant 524288 : i32
      %mul3A_603 = arith.muli %shift_right_arithmetic3A_601, %mul3A_602 : i32
      %add3A_604 = vector.broadcast %mul3A_603 : i32 to vector<16xi32>
      %add3A_605 = arith.addi %add3A_604, %add3A_13 : vector<16xi32>
      %add3A_606 = arith.addi %add3A_599, %add3A_605 : vector<16xi32>
      %swap3A_607 = arith.index_cast %mul3A_580 : i32 to index
      %swap3A_608 = tpu.vector_load %arg10[%swap3A_607] {strides = array<i32>} : memref<8192xi32, #tpu.memory_space<vmem>>, vector<16xi32>,
      %swap3A_609 = vector.shape_cast %swap3A_608 : vector<16xi32> to vector<16xi32>
      %swap3A_610 = vector.shape_cast %add3A_606 : vector<16xi32> to vector<16xi32>
      tpu.vector_store %arg10[%swap3A_607], %swap3A_610 {strides = array<i32>} : memref<8192xi32, #tpu.memory_space<vmem>>, vector<16xi32>,
      %scan3A_611 = arith.constant 6 : i32
      %scan3A_612 = arith.addi %scan3A_411, %scan3A_611 : i32
      %mul3A_613 = arith.constant 16 : i32
      %mul3A_614 = arith.muli %scan3A_612, %mul3A_613 : i32
      %and3A_615 = arith.constant 8191 : i32
      %and3A_616 = arith.andi %mul3A_614, %and3A_615 : i32
      %shift_right_arithmetic3A_617 = arith.constant 10 : i32
      %shift_right_arithmetic3A_618 = arith.shrsi %and3A_616, %shift_right_arithmetic3A_617 : i32
      %shift_left3A_619 = arith.constant 7 : i32
      %shift_left3A_620 = arith.shli %shift_right_arithmetic3A_618, %shift_left3A_619 : i32
      %and3A_621 = arith.constant 127 : i32
      %and3A_622 = arith.andi %and3A_616, %and3A_621 : i32
      %add3A_623 = arith.addi %shift_left3A_620, %and3A_622 : i32
      %get3A_624 = arith.index_cast %mul3A_614 : i32 to index
      %get3A_625 = tpu.vector_load %arg10[%get3A_624] {strides = array<i32>} : memref<8192xi32, #tpu.memory_space<vmem>>, vector<16xi32>,
      %get3A_626 = vector.shape_cast %get3A_625 : vector<16xi32> to vector<16xi32>
      %shift_right_arithmetic3A_627 = arith.constant 7 : i32
      %shift_right_arithmetic3A_628 = vector.broadcast %shift_right_arithmetic3A_627 : i32 to vector<16xi32>
      %shift_right_arithmetic3A_629 = arith.shrsi %get3A_626, %shift_right_arithmetic3A_628 : vector<16xi32>
      %mul3A_630 = arith.constant 896 : i32
      %mul3A_631 = vector.broadcast %mul3A_630 : i32 to vector<16xi32>
      %mul3A_632 = arith.muli %shift_right_arithmetic3A_629, %mul3A_631 : vector<16xi32>
      %add3A_633 = arith.addi %get3A_626, %mul3A_632 : vector<16xi32>
      %shift_right_arithmetic3A_634 = arith.constant 3 : i32
      %shift_right_arithmetic3A_635 = arith.shrsi %add3A_623, %shift_right_arithmetic3A_634 : i32
      %mul3A_636 = arith.constant 524288 : i32
      %mul3A_637 = arith.muli %shift_right_arithmetic3A_635, %mul3A_636 : i32
      %add3A_638 = vector.broadcast %mul3A_637 : i32 to vector<16xi32>
      %add3A_639 = arith.addi %add3A_638, %add3A_13 : vector<16xi32>
      %add3A_640 = arith.addi %add3A_633, %add3A_639 : vector<16xi32>
      %swap3A_641 = arith.index_cast %mul3A_614 : i32 to index
      %swap3A_642 = tpu.vector_load %arg10[%swap3A_641] {strides = array<i32>} : memref<8192xi32, #tpu.memory_space<vmem>>, vector<16xi32>,
      %swap3A_643 = vector.shape_cast %swap3A_642 : vector<16xi32> to vector<16xi32>
      %swap3A_644 = vector.shape_cast %add3A_640 : vector<16xi32> to vector<16xi32>
      tpu.vector_store %arg10[%swap3A_641], %swap3A_644 {strides = array<i32>} : memref<8192xi32, #tpu.memory_space<vmem>>, vector<16xi32>,
      %scan3A_645 = arith.constant 7 : i32
      %scan3A_646 = arith.addi %scan3A_411, %scan3A_645 : i32
      %mul3A_647 = arith.constant 16 : i32
      %mul3A_648 = arith.muli %scan3A_646, %mul3A_647 : i32
      %and3A_649 = arith.constant 8191 : i32
      %and3A_650 = arith.andi %mul3A_648, %and3A_649 : i32
      %shift_right_arithmetic3A_651 = arith.constant 10 : i32
      %shift_right_arithmetic3A_652 = arith.shrsi %and3A_650, %shift_right_arithmetic3A_651 : i32
      %shift_left3A_653 = arith.constant 7 : i32
      %shift_left3A_654 = arith.shli %shift_right_arithmetic3A_652, %shift_left3A_653 : i32
      %and3A_655 = arith.constant 127 : i32
      %and3A_656 = arith.andi %and3A_650, %and3A_655 : i32
      %add3A_657 = arith.addi %shift_left3A_654, %and3A_656 : i32
      %get3A_658 = arith.index_cast %mul3A_648 : i32 to index
      %get3A_659 = tpu.vector_load %arg10[%get3A_658] {strides = array<i32>} : memref<8192xi32, #tpu.memory_space<vmem>>, vector<16xi32>,
      %get3A_660 = vector.shape_cast %get3A_659 : vector<16xi32> to vector<16xi32>
      %shift_right_arithmetic3A_661 = arith.constant 7 : i32
      %shift_right_arithmetic3A_662 = vector.broadcast %shift_right_arithmetic3A_661 : i32 to vector<16xi32>
      %shift_right_arithmetic3A_663 = arith.shrsi %get3A_660, %shift_right_arithmetic3A_662 : vector<16xi32>
      %mul3A_664 = arith.constant 896 : i32
      %mul3A_665 = vector.broadcast %mul3A_664 : i32 to vector<16xi32>
      %mul3A_666 = arith.muli %shift_right_arithmetic3A_663, %mul3A_665 : vector<16xi32>
      %add3A_667 = arith.addi %get3A_660, %mul3A_666 : vector<16xi32>
      %shift_right_arithmetic3A_668 = arith.constant 3 : i32
      %shift_right_arithmetic3A_669 = arith.shrsi %add3A_657, %shift_right_arithmetic3A_668 : i32
      %mul3A_670 = arith.constant 524288 : i32
      %mul3A_671 = arith.muli %shift_right_arithmetic3A_669, %mul3A_670 : i32
      %add3A_672 = vector.broadcast %mul3A_671 : i32 to vector<16xi32>
      %add3A_673 = arith.addi %add3A_672, %add3A_13 : vector<16xi32>
      %add3A_674 = arith.addi %add3A_667, %add3A_673 : vector<16xi32>
      %swap3A_675 = arith.index_cast %mul3A_648 : i32 to index
      %swap3A_676 = tpu.vector_load %arg10[%swap3A_675] {strides = array<i32>} : memref<8192xi32, #tpu.memory_space<vmem>>, vector<16xi32>,
      %swap3A_677 = vector.shape_cast %swap3A_676 : vector<16xi32> to vector<16xi32>
      %swap3A_678 = vector.shape_cast %add3A_674 : vector<16xi32> to vector<16xi32>
      tpu.vector_store %arg10[%swap3A_675], %swap3A_678 {strides = array<i32>} : memref<8192xi32, #tpu.memory_space<vmem>>, vector<16xi32>,
    }
    %scan3A_260 = arith.constant 512 : i32
    %add3A_261 = arith.constant 40960 : i32
    %add3A_262 = arith.addi %mul3A_2, %add3A_261 : i32
    %dma_wait3A_263 = tpu.memref_slice %arg4[%add3A_262] : memref<4194304xf32, #tpu.memory_space<hbm>> -> memref<8192xf32, #tpu.memory_space<hbm>>
    %dma_wait3A_264 = tpu.memref_slice %arg4[%add3A_262] : memref<4194304xf32, #tpu.memory_space<hbm>> -> memref<8192xf32, #tpu.memory_space<hbm>>
    tpu.wait_dma2 semaphore(%arg32 : memref<!tpu.dma_semaphore, #tpu.memory_space<semaphore_mem>>) src(%arg16 : memref<8192xf32, #tpu.memory_space<vmem>>) dst(%dma_wait3A_264 : memref<8192xf32, #tpu.memory_space<hbm>>)
    %dma_start3A_265 = arith.constant 0 : i32
    %dma_start3A_266 = tpu.memref_slice %arg2[%dma_start3A_265] : memref<67108864xf32, #tpu.memory_space<hbm>> -> memref<67108864xf32, #tpu.memory_space<hbm>>
    tpu.enqueue_indirect_dma source(%dma_start3A_266 : memref<67108864xf32, #tpu.memory_space<hbm>>) target(%arg16 : memref<8192xf32, #tpu.memory_space<vmem>>) offsets(%arg10 : memref<8192xi32, #tpu.memory_space<vmem>>) semaphore(%arg26 : memref<!tpu.dma_semaphore, #tpu.memory_space<semaphore_mem>>)
    %dma_wait3A_267 = arith.constant 0 : i32
    %dma_wait3A_268 = tpu.memref_slice %arg2[%dma_wait3A_267] : memref<67108864xf32, #tpu.memory_space<hbm>> -> memref<67108864xf32, #tpu.memory_space<hbm>>
    tpu.wait_indirect_dma semaphore(%arg23 : memref<!tpu.dma_semaphore, #tpu.memory_space<semaphore_mem>>) src(%dma_wait3A_268 : memref<67108864xf32, #tpu.memory_space<hbm>>) dst(%arg13 : memref<8192xf32, #tpu.memory_space<vmem>>)
    %add3A_269 = arith.constant 65536 : i32
    %add3A_270 = arith.addi %mul3A_2, %add3A_269 : i32
    %dma_start3A_271 = tpu.memref_slice %arg4[%add3A_270] : memref<4194304xf32, #tpu.memory_space<hbm>> -> memref<8192xf32, #tpu.memory_space<hbm>>
    %dma_start3A_272 = tpu.memref_slice %arg4[%add3A_270] : memref<4194304xf32, #tpu.memory_space<hbm>> -> memref<8192xf32, #tpu.memory_space<hbm>>
    tpu.enqueue_dma source(%arg13 : memref<8192xf32, #tpu.memory_space<vmem>>) target(%dma_start3A_272 : memref<8192xf32, #tpu.memory_space<hbm>>) target_semaphore(%arg29 : memref<!tpu.dma_semaphore, #tpu.memory_space<semaphore_mem>>)
    %add3A_273 = arith.constant 106496 : i32
    %add3A_274 = arith.addi %mul3A_2, %add3A_273 : i32
    %dma_start3A_275 = tpu.memref_slice %arg3[%add3A_274] : memref<4194304xi32, #tpu.memory_space<hbm>> -> memref<8192xi32, #tpu.memory_space<hbm>>
    %dma_start3A_276 = tpu.memref_slice %arg3[%add3A_274] : memref<4194304xi32, #tpu.memory_space<hbm>> -> memref<8192xi32, #tpu.memory_space<hbm>>
    tpu.enqueue_dma source(%dma_start3A_276 : memref<8192xi32, #tpu.memory_space<hbm>>) target(%arg6 : memref<8192xi32, #tpu.memory_space<vmem>>) target_semaphore(%arg18 : memref<!tpu.dma_semaphore, #tpu.memory_space<semaphore_mem>>)
    %add3A_277 = arith.constant 98304 : i32
    %add3A_278 = arith.addi %mul3A_2, %add3A_277 : i32
    %dma_wait3A_279 = tpu.memref_slice %arg3[%add3A_278] : memref<4194304xi32, #tpu.memory_space<hbm>> -> memref<8192xi32, #tpu.memory_space<hbm>>
    %dma_wait3A_280 = tpu.memref_slice %arg3[%add3A_278] : memref<4194304xi32, #tpu.memory_space<hbm>> -> memref<8192xi32, #tpu.memory_space<hbm>>
    tpu.wait_dma2 semaphore(%arg17 : memref<!tpu.dma_semaphore, #tpu.memory_space<semaphore_mem>>) src(%dma_wait3A_280 : memref<8192xi32, #tpu.memory_space<hbm>>) dst(%arg5 : memref<8192xi32, #tpu.memory_space<vmem>>)
    %scan3A_281 = arith.constant 0 : i32
    %scan3A_282 = arith.constant 512 : i32
    %scan3A_283 = arith.addi %scan3A_281, %scan3A_282 : i32
    %scan3A_284 = arith.constant 8 : i32
    scf.for %scan3A_411 = %scan3A_281 to %scan3A_283 step %scan3A_284  : i32 {
      %mul3A_412 = arith.constant 16 : i32
      %mul3A_413 = arith.muli %scan3A_411, %mul3A_412 : i32
      %and3A_414 = arith.constant 8191 : i32
      %and3A_415 = arith.andi %mul3A_413, %and3A_414 : i32
      %shift_right_arithmetic3A_416 = arith.constant 10 : i32
      %shift_right_arithmetic3A_417 = arith.shrsi %and3A_415, %shift_right_arithmetic3A_416 : i32
      %shift_left3A = arith.constant 7 : i32
      %shift_left3A_418 = arith.shli %shift_right_arithmetic3A_417, %shift_left3A : i32
      %and3A_419 = arith.constant 127 : i32
      %and3A_420 = arith.andi %and3A_415, %and3A_419 : i32
      %add3A_421 = arith.addi %shift_left3A_418, %and3A_420 : i32
      %get3A = arith.index_cast %mul3A_413 : i32 to index
      %get3A_422 = tpu.vector_load %arg5[%get3A] {strides = array<i32>} : memref<8192xi32, #tpu.memory_space<vmem>>, vector<16xi32>,
      %get3A_423 = vector.shape_cast %get3A_422 : vector<16xi32> to vector<16xi32>
      %shift_right_arithmetic3A_424 = arith.constant 7 : i32
      %shift_right_arithmetic3A_425 = vector.broadcast %shift_right_arithmetic3A_424 : i32 to vector<16xi32>
      %shift_right_arithmetic3A_426 = arith.shrsi %get3A_423, %shift_right_arithmetic3A_425 : vector<16xi32>
      %mul3A_427 = arith.constant 896 : i32
      %mul3A_428 = vector.broadcast %mul3A_427 : i32 to vector<16xi32>
      %mul3A_429 = arith.muli %shift_right_arithmetic3A_426, %mul3A_428 : vector<16xi32>
      %add3A_430 = arith.addi %get3A_423, %mul3A_429 : vector<16xi32>
      %shift_right_arithmetic3A_431 = arith.constant 3 : i32
      %shift_right_arithmetic3A_432 = arith.shrsi %add3A_421, %shift_right_arithmetic3A_431 : i32
      %mul3A_433 = arith.constant 524288 : i32
      %mul3A_434 = arith.muli %shift_right_arithmetic3A_432, %mul3A_433 : i32
      %add3A_435 = vector.broadcast %mul3A_434 : i32 to vector<16xi32>
      %add3A_436 = arith.addi %add3A_435, %add3A_13 : vector<16xi32>
      %add3A_437 = arith.addi %add3A_430, %add3A_436 : vector<16xi32>
      %swap3A = arith.index_cast %mul3A_413 : i32 to index
      %swap3A_438 = tpu.vector_load %arg5[%swap3A] {strides = array<i32>} : memref<8192xi32, #tpu.memory_space<vmem>>, vector<16xi32>,
      %swap3A_439 = vector.shape_cast %swap3A_438 : vector<16xi32> to vector<16xi32>
      %swap3A_440 = vector.shape_cast %add3A_437 : vector<16xi32> to vector<16xi32>
      tpu.vector_store %arg5[%swap3A], %swap3A_440 {strides = array<i32>} : memref<8192xi32, #tpu.memory_space<vmem>>, vector<16xi32>,
      %scan3A_441 = arith.constant 1 : i32
      %scan3A_442 = arith.addi %scan3A_411, %scan3A_441 : i32
      %mul3A_443 = arith.constant 16 : i32
      %mul3A_444 = arith.muli %scan3A_442, %mul3A_443 : i32
      %and3A_445 = arith.constant 8191 : i32
      %and3A_446 = arith.andi %mul3A_444, %and3A_445 : i32
      %shift_right_arithmetic3A_447 = arith.constant 10 : i32
      %shift_right_arithmetic3A_448 = arith.shrsi %and3A_446, %shift_right_arithmetic3A_447 : i32
      %shift_left3A_449 = arith.constant 7 : i32
      %shift_left3A_450 = arith.shli %shift_right_arithmetic3A_448, %shift_left3A_449 : i32
      %and3A_451 = arith.constant 127 : i32
      %and3A_452 = arith.andi %and3A_446, %and3A_451 : i32
      %add3A_453 = arith.addi %shift_left3A_450, %and3A_452 : i32
      %get3A_454 = arith.index_cast %mul3A_444 : i32 to index
      %get3A_455 = tpu.vector_load %arg5[%get3A_454] {strides = array<i32>} : memref<8192xi32, #tpu.memory_space<vmem>>, vector<16xi32>,
      %get3A_456 = vector.shape_cast %get3A_455 : vector<16xi32> to vector<16xi32>
      %shift_right_arithmetic3A_457 = arith.constant 7 : i32
      %shift_right_arithmetic3A_458 = vector.broadcast %shift_right_arithmetic3A_457 : i32 to vector<16xi32>
      %shift_right_arithmetic3A_459 = arith.shrsi %get3A_456, %shift_right_arithmetic3A_458 : vector<16xi32>
      %mul3A_460 = arith.constant 896 : i32
      %mul3A_461 = vector.broadcast %mul3A_460 : i32 to vector<16xi32>
      %mul3A_462 = arith.muli %shift_right_arithmetic3A_459, %mul3A_461 : vector<16xi32>
      %add3A_463 = arith.addi %get3A_456, %mul3A_462 : vector<16xi32>
      %shift_right_arithmetic3A_464 = arith.constant 3 : i32
      %shift_right_arithmetic3A_465 = arith.shrsi %add3A_453, %shift_right_arithmetic3A_464 : i32
      %mul3A_466 = arith.constant 524288 : i32
      %mul3A_467 = arith.muli %shift_right_arithmetic3A_465, %mul3A_466 : i32
      %add3A_468 = vector.broadcast %mul3A_467 : i32 to vector<16xi32>
      %add3A_469 = arith.addi %add3A_468, %add3A_13 : vector<16xi32>
      %add3A_470 = arith.addi %add3A_463, %add3A_469 : vector<16xi32>
      %swap3A_471 = arith.index_cast %mul3A_444 : i32 to index
      %swap3A_472 = tpu.vector_load %arg5[%swap3A_471] {strides = array<i32>} : memref<8192xi32, #tpu.memory_space<vmem>>, vector<16xi32>,
      %swap3A_473 = vector.shape_cast %swap3A_472 : vector<16xi32> to vector<16xi32>
      %swap3A_474 = vector.shape_cast %add3A_470 : vector<16xi32> to vector<16xi32>
      tpu.vector_store %arg5[%swap3A_471], %swap3A_474 {strides = array<i32>} : memref<8192xi32, #tpu.memory_space<vmem>>, vector<16xi32>,
      %scan3A_475 = arith.constant 2 : i32
      %scan3A_476 = arith.addi %scan3A_411, %scan3A_475 : i32
      %mul3A_477 = arith.constant 16 : i32
      %mul3A_478 = arith.muli %scan3A_476, %mul3A_477 : i32
      %and3A_479 = arith.constant 8191 : i32
      %and3A_480 = arith.andi %mul3A_478, %and3A_479 : i32
      %shift_right_arithmetic3A_481 = arith.constant 10 : i32
      %shift_right_arithmetic3A_482 = arith.shrsi %and3A_480, %shift_right_arithmetic3A_481 : i32
      %shift_left3A_483 = arith.constant 7 : i32
      %shift_left3A_484 = arith.shli %shift_right_arithmetic3A_482, %shift_left3A_483 : i32
      %and3A_485 = arith.constant 127 : i32
      %and3A_486 = arith.andi %and3A_480, %and3A_485 : i32
      %add3A_487 = arith.addi %shift_left3A_484, %and3A_486 : i32
      %get3A_488 = arith.index_cast %mul3A_478 : i32 to index
      %get3A_489 = tpu.vector_load %arg5[%get3A_488] {strides = array<i32>} : memref<8192xi32, #tpu.memory_space<vmem>>, vector<16xi32>,
      %get3A_490 = vector.shape_cast %get3A_489 : vector<16xi32> to vector<16xi32>
      %shift_right_arithmetic3A_491 = arith.constant 7 : i32
      %shift_right_arithmetic3A_492 = vector.broadcast %shift_right_arithmetic3A_491 : i32 to vector<16xi32>
      %shift_right_arithmetic3A_493 = arith.shrsi %get3A_490, %shift_right_arithmetic3A_492 : vector<16xi32>
      %mul3A_494 = arith.constant 896 : i32
      %mul3A_495 = vector.broadcast %mul3A_494 : i32 to vector<16xi32>
      %mul3A_496 = arith.muli %shift_right_arithmetic3A_493, %mul3A_495 : vector<16xi32>
      %add3A_497 = arith.addi %get3A_490, %mul3A_496 : vector<16xi32>
      %shift_right_arithmetic3A_498 = arith.constant 3 : i32
      %shift_right_arithmetic3A_499 = arith.shrsi %add3A_487, %shift_right_arithmetic3A_498 : i32
      %mul3A_500 = arith.constant 524288 : i32
      %mul3A_501 = arith.muli %shift_right_arithmetic3A_499, %mul3A_500 : i32
      %add3A_502 = vector.broadcast %mul3A_501 : i32 to vector<16xi32>
      %add3A_503 = arith.addi %add3A_502, %add3A_13 : vector<16xi32>
      %add3A_504 = arith.addi %add3A_497, %add3A_503 : vector<16xi32>
      %swap3A_505 = arith.index_cast %mul3A_478 : i32 to index
      %swap3A_506 = tpu.vector_load %arg5[%swap3A_505] {strides = array<i32>} : memref<8192xi32, #tpu.memory_space<vmem>>, vector<16xi32>,
      %swap3A_507 = vector.shape_cast %swap3A_506 : vector<16xi32> to vector<16xi32>
      %swap3A_508 = vector.shape_cast %add3A_504 : vector<16xi32> to vector<16xi32>
      tpu.vector_store %arg5[%swap3A_505], %swap3A_508 {strides = array<i32>} : memref<8192xi32, #tpu.memory_space<vmem>>, vector<16xi32>,
      %scan3A_509 = arith.constant 3 : i32
      %scan3A_510 = arith.addi %scan3A_411, %scan3A_509 : i32
      %mul3A_511 = arith.constant 16 : i32
      %mul3A_512 = arith.muli %scan3A_510, %mul3A_511 : i32
      %and3A_513 = arith.constant 8191 : i32
      %and3A_514 = arith.andi %mul3A_512, %and3A_513 : i32
      %shift_right_arithmetic3A_515 = arith.constant 10 : i32
      %shift_right_arithmetic3A_516 = arith.shrsi %and3A_514, %shift_right_arithmetic3A_515 : i32
      %shift_left3A_517 = arith.constant 7 : i32
      %shift_left3A_518 = arith.shli %shift_right_arithmetic3A_516, %shift_left3A_517 : i32
      %and3A_519 = arith.constant 127 : i32
      %and3A_520 = arith.andi %and3A_514, %and3A_519 : i32
      %add3A_521 = arith.addi %shift_left3A_518, %and3A_520 : i32
      %get3A_522 = arith.index_cast %mul3A_512 : i32 to index
      %get3A_523 = tpu.vector_load %arg5[%get3A_522] {strides = array<i32>} : memref<8192xi32, #tpu.memory_space<vmem>>, vector<16xi32>,
      %get3A_524 = vector.shape_cast %get3A_523 : vector<16xi32> to vector<16xi32>
      %shift_right_arithmetic3A_525 = arith.constant 7 : i32
      %shift_right_arithmetic3A_526 = vector.broadcast %shift_right_arithmetic3A_525 : i32 to vector<16xi32>
      %shift_right_arithmetic3A_527 = arith.shrsi %get3A_524, %shift_right_arithmetic3A_526 : vector<16xi32>
      %mul3A_528 = arith.constant 896 : i32
      %mul3A_529 = vector.broadcast %mul3A_528 : i32 to vector<16xi32>
      %mul3A_530 = arith.muli %shift_right_arithmetic3A_527, %mul3A_529 : vector<16xi32>
      %add3A_531 = arith.addi %get3A_524, %mul3A_530 : vector<16xi32>
      %shift_right_arithmetic3A_532 = arith.constant 3 : i32
      %shift_right_arithmetic3A_533 = arith.shrsi %add3A_521, %shift_right_arithmetic3A_532 : i32
      %mul3A_534 = arith.constant 524288 : i32
      %mul3A_535 = arith.muli %shift_right_arithmetic3A_533, %mul3A_534 : i32
      %add3A_536 = vector.broadcast %mul3A_535 : i32 to vector<16xi32>
      %add3A_537 = arith.addi %add3A_536, %add3A_13 : vector<16xi32>
      %add3A_538 = arith.addi %add3A_531, %add3A_537 : vector<16xi32>
      %swap3A_539 = arith.index_cast %mul3A_512 : i32 to index
      %swap3A_540 = tpu.vector_load %arg5[%swap3A_539] {strides = array<i32>} : memref<8192xi32, #tpu.memory_space<vmem>>, vector<16xi32>,
      %swap3A_541 = vector.shape_cast %swap3A_540 : vector<16xi32> to vector<16xi32>
      %swap3A_542 = vector.shape_cast %add3A_538 : vector<16xi32> to vector<16xi32>
      tpu.vector_store %arg5[%swap3A_539], %swap3A_542 {strides = array<i32>} : memref<8192xi32, #tpu.memory_space<vmem>>, vector<16xi32>,
      %scan3A_543 = arith.constant 4 : i32
      %scan3A_544 = arith.addi %scan3A_411, %scan3A_543 : i32
      %mul3A_545 = arith.constant 16 : i32
      %mul3A_546 = arith.muli %scan3A_544, %mul3A_545 : i32
      %and3A_547 = arith.constant 8191 : i32
      %and3A_548 = arith.andi %mul3A_546, %and3A_547 : i32
      %shift_right_arithmetic3A_549 = arith.constant 10 : i32
      %shift_right_arithmetic3A_550 = arith.shrsi %and3A_548, %shift_right_arithmetic3A_549 : i32
      %shift_left3A_551 = arith.constant 7 : i32
      %shift_left3A_552 = arith.shli %shift_right_arithmetic3A_550, %shift_left3A_551 : i32
      %and3A_553 = arith.constant 127 : i32
      %and3A_554 = arith.andi %and3A_548, %and3A_553 : i32
      %add3A_555 = arith.addi %shift_left3A_552, %and3A_554 : i32
      %get3A_556 = arith.index_cast %mul3A_546 : i32 to index
      %get3A_557 = tpu.vector_load %arg5[%get3A_556] {strides = array<i32>} : memref<8192xi32, #tpu.memory_space<vmem>>, vector<16xi32>,
      %get3A_558 = vector.shape_cast %get3A_557 : vector<16xi32> to vector<16xi32>
      %shift_right_arithmetic3A_559 = arith.constant 7 : i32
      %shift_right_arithmetic3A_560 = vector.broadcast %shift_right_arithmetic3A_559 : i32 to vector<16xi32>
      %shift_right_arithmetic3A_561 = arith.shrsi %get3A_558, %shift_right_arithmetic3A_560 : vector<16xi32>
      %mul3A_562 = arith.constant 896 : i32
      %mul3A_563 = vector.broadcast %mul3A_562 : i32 to vector<16xi32>
      %mul3A_564 = arith.muli %shift_right_arithmetic3A_561, %mul3A_563 : vector<16xi32>
      %add3A_565 = arith.addi %get3A_558, %mul3A_564 : vector<16xi32>
      %shift_right_arithmetic3A_566 = arith.constant 3 : i32
      %shift_right_arithmetic3A_567 = arith.shrsi %add3A_555, %shift_right_arithmetic3A_566 : i32
      %mul3A_568 = arith.constant 524288 : i32
      %mul3A_569 = arith.muli %shift_right_arithmetic3A_567, %mul3A_568 : i32
      %add3A_570 = vector.broadcast %mul3A_569 : i32 to vector<16xi32>
      %add3A_571 = arith.addi %add3A_570, %add3A_13 : vector<16xi32>
      %add3A_572 = arith.addi %add3A_565, %add3A_571 : vector<16xi32>
      %swap3A_573 = arith.index_cast %mul3A_546 : i32 to index
      %swap3A_574 = tpu.vector_load %arg5[%swap3A_573] {strides = array<i32>} : memref<8192xi32, #tpu.memory_space<vmem>>, vector<16xi32>,
      %swap3A_575 = vector.shape_cast %swap3A_574 : vector<16xi32> to vector<16xi32>
      %swap3A_576 = vector.shape_cast %add3A_572 : vector<16xi32> to vector<16xi32>
      tpu.vector_store %arg5[%swap3A_573], %swap3A_576 {strides = array<i32>} : memref<8192xi32, #tpu.memory_space<vmem>>, vector<16xi32>,
      %scan3A_577 = arith.constant 5 : i32
      %scan3A_578 = arith.addi %scan3A_411, %scan3A_577 : i32
      %mul3A_579 = arith.constant 16 : i32
      %mul3A_580 = arith.muli %scan3A_578, %mul3A_579 : i32
      %and3A_581 = arith.constant 8191 : i32
      %and3A_582 = arith.andi %mul3A_580, %and3A_581 : i32
      %shift_right_arithmetic3A_583 = arith.constant 10 : i32
      %shift_right_arithmetic3A_584 = arith.shrsi %and3A_582, %shift_right_arithmetic3A_583 : i32
      %shift_left3A_585 = arith.constant 7 : i32
      %shift_left3A_586 = arith.shli %shift_right_arithmetic3A_584, %shift_left3A_585 : i32
      %and3A_587 = arith.constant 127 : i32
      %and3A_588 = arith.andi %and3A_582, %and3A_587 : i32
      %add3A_589 = arith.addi %shift_left3A_586, %and3A_588 : i32
      %get3A_590 = arith.index_cast %mul3A_580 : i32 to index
      %get3A_591 = tpu.vector_load %arg5[%get3A_590] {strides = array<i32>} : memref<8192xi32, #tpu.memory_space<vmem>>, vector<16xi32>,
      %get3A_592 = vector.shape_cast %get3A_591 : vector<16xi32> to vector<16xi32>
      %shift_right_arithmetic3A_593 = arith.constant 7 : i32
      %shift_right_arithmetic3A_594 = vector.broadcast %shift_right_arithmetic3A_593 : i32 to vector<16xi32>
      %shift_right_arithmetic3A_595 = arith.shrsi %get3A_592, %shift_right_arithmetic3A_594 : vector<16xi32>
      %mul3A_596 = arith.constant 896 : i32
      %mul3A_597 = vector.broadcast %mul3A_596 : i32 to vector<16xi32>
      %mul3A_598 = arith.muli %shift_right_arithmetic3A_595, %mul3A_597 : vector<16xi32>
      %add3A_599 = arith.addi %get3A_592, %mul3A_598 : vector<16xi32>
      %shift_right_arithmetic3A_600 = arith.constant 3 : i32
      %shift_right_arithmetic3A_601 = arith.shrsi %add3A_589, %shift_right_arithmetic3A_600 : i32
      %mul3A_602 = arith.constant 524288 : i32
      %mul3A_603 = arith.muli %shift_right_arithmetic3A_601, %mul3A_602 : i32
      %add3A_604 = vector.broadcast %mul3A_603 : i32 to vector<16xi32>
      %add3A_605 = arith.addi %add3A_604, %add3A_13 : vector<16xi32>
      %add3A_606 = arith.addi %add3A_599, %add3A_605 : vector<16xi32>
      %swap3A_607 = arith.index_cast %mul3A_580 : i32 to index
      %swap3A_608 = tpu.vector_load %arg5[%swap3A_607] {strides = array<i32>} : memref<8192xi32, #tpu.memory_space<vmem>>, vector<16xi32>,
      %swap3A_609 = vector.shape_cast %swap3A_608 : vector<16xi32> to vector<16xi32>
      %swap3A_610 = vector.shape_cast %add3A_606 : vector<16xi32> to vector<16xi32>
      tpu.vector_store %arg5[%swap3A_607], %swap3A_610 {strides = array<i32>} : memref<8192xi32, #tpu.memory_space<vmem>>, vector<16xi32>,
      %scan3A_611 = arith.constant 6 : i32
      %scan3A_612 = arith.addi %scan3A_411, %scan3A_611 : i32
      %mul3A_613 = arith.constant 16 : i32
      %mul3A_614 = arith.muli %scan3A_612, %mul3A_613 : i32
      %and3A_615 = arith.constant 8191 : i32
      %and3A_616 = arith.andi %mul3A_614, %and3A_615 : i32
      %shift_right_arithmetic3A_617 = arith.constant 10 : i32
      %shift_right_arithmetic3A_618 = arith.shrsi %and3A_616, %shift_right_arithmetic3A_617 : i32
      %shift_left3A_619 = arith.constant 7 : i32
      %shift_left3A_620 = arith.shli %shift_right_arithmetic3A_618, %shift_left3A_619 : i32
      %and3A_621 = arith.constant 127 : i32
      %and3A_622 = arith.andi %and3A_616, %and3A_621 : i32
      %add3A_623 = arith.addi %shift_left3A_620, %and3A_622 : i32
      %get3A_624 = arith.index_cast %mul3A_614 : i32 to index
      %get3A_625 = tpu.vector_load %arg5[%get3A_624] {strides = array<i32>} : memref<8192xi32, #tpu.memory_space<vmem>>, vector<16xi32>,
      %get3A_626 = vector.shape_cast %get3A_625 : vector<16xi32> to vector<16xi32>
      %shift_right_arithmetic3A_627 = arith.constant 7 : i32
      %shift_right_arithmetic3A_628 = vector.broadcast %shift_right_arithmetic3A_627 : i32 to vector<16xi32>
      %shift_right_arithmetic3A_629 = arith.shrsi %get3A_626, %shift_right_arithmetic3A_628 : vector<16xi32>
      %mul3A_630 = arith.constant 896 : i32
      %mul3A_631 = vector.broadcast %mul3A_630 : i32 to vector<16xi32>
      %mul3A_632 = arith.muli %shift_right_arithmetic3A_629, %mul3A_631 : vector<16xi32>
      %add3A_633 = arith.addi %get3A_626, %mul3A_632 : vector<16xi32>
      %shift_right_arithmetic3A_634 = arith.constant 3 : i32
      %shift_right_arithmetic3A_635 = arith.shrsi %add3A_623, %shift_right_arithmetic3A_634 : i32
      %mul3A_636 = arith.constant 524288 : i32
      %mul3A_637 = arith.muli %shift_right_arithmetic3A_635, %mul3A_636 : i32
      %add3A_638 = vector.broadcast %mul3A_637 : i32 to vector<16xi32>
      %add3A_639 = arith.addi %add3A_638, %add3A_13 : vector<16xi32>
      %add3A_640 = arith.addi %add3A_633, %add3A_639 : vector<16xi32>
      %swap3A_641 = arith.index_cast %mul3A_614 : i32 to index
      %swap3A_642 = tpu.vector_load %arg5[%swap3A_641] {strides = array<i32>} : memref<8192xi32, #tpu.memory_space<vmem>>, vector<16xi32>,
      %swap3A_643 = vector.shape_cast %swap3A_642 : vector<16xi32> to vector<16xi32>
      %swap3A_644 = vector.shape_cast %add3A_640 : vector<16xi32> to vector<16xi32>
      tpu.vector_store %arg5[%swap3A_641], %swap3A_644 {strides = array<i32>} : memref<8192xi32, #tpu.memory_space<vmem>>, vector<16xi32>,
      %scan3A_645 = arith.constant 7 : i32
      %scan3A_646 = arith.addi %scan3A_411, %scan3A_645 : i32
      %mul3A_647 = arith.constant 16 : i32
      %mul3A_648 = arith.muli %scan3A_646, %mul3A_647 : i32
      %and3A_649 = arith.constant 8191 : i32
      %and3A_650 = arith.andi %mul3A_648, %and3A_649 : i32
      %shift_right_arithmetic3A_651 = arith.constant 10 : i32
      %shift_right_arithmetic3A_652 = arith.shrsi %and3A_650, %shift_right_arithmetic3A_651 : i32
      %shift_left3A_653 = arith.constant 7 : i32
      %shift_left3A_654 = arith.shli %shift_right_arithmetic3A_652, %shift_left3A_653 : i32
      %and3A_655 = arith.constant 127 : i32
      %and3A_656 = arith.andi %and3A_650, %and3A_655 : i32
      %add3A_657 = arith.addi %shift_left3A_654, %and3A_656 : i32
      %get3A_658 = arith.index_cast %mul3A_648 : i32 to index
      %get3A_659 = tpu.vector_load %arg5[%get3A_658] {strides = array<i32>} : memref<8192xi32, #tpu.memory_space<vmem>>, vector<16xi32>,
      %get3A_660 = vector.shape_cast %get3A_659 : vector<16xi32> to vector<16xi32>
      %shift_right_arithmetic3A_661 = arith.constant 7 : i32
      %shift_right_arithmetic3A_662 = vector.broadcast %shift_right_arithmetic3A_661 : i32 to vector<16xi32>
      %shift_right_arithmetic3A_663 = arith.shrsi %get3A_660, %shift_right_arithmetic3A_662 : vector<16xi32>
      %mul3A_664 = arith.constant 896 : i32
      %mul3A_665 = vector.broadcast %mul3A_664 : i32 to vector<16xi32>
      %mul3A_666 = arith.muli %shift_right_arithmetic3A_663, %mul3A_665 : vector<16xi32>
      %add3A_667 = arith.addi %get3A_660, %mul3A_666 : vector<16xi32>
      %shift_right_arithmetic3A_668 = arith.constant 3 : i32
      %shift_right_arithmetic3A_669 = arith.shrsi %add3A_657, %shift_right_arithmetic3A_668 : i32
      %mul3A_670 = arith.constant 524288 : i32
      %mul3A_671 = arith.muli %shift_right_arithmetic3A_669, %mul3A_670 : i32
      %add3A_672 = vector.broadcast %mul3A_671 : i32 to vector<16xi32>
      %add3A_673 = arith.addi %add3A_672, %add3A_13 : vector<16xi32>
      %add3A_674 = arith.addi %add3A_667, %add3A_673 : vector<16xi32>
      %swap3A_675 = arith.index_cast %mul3A_648 : i32 to index
      %swap3A_676 = tpu.vector_load %arg5[%swap3A_675] {strides = array<i32>} : memref<8192xi32, #tpu.memory_space<vmem>>, vector<16xi32>,
      %swap3A_677 = vector.shape_cast %swap3A_676 : vector<16xi32> to vector<16xi32>
      %swap3A_678 = vector.shape_cast %add3A_674 : vector<16xi32> to vector<16xi32>
      tpu.vector_store %arg5[%swap3A_675], %swap3A_678 {strides = array<i32>} : memref<8192xi32, #tpu.memory_space<vmem>>, vector<16xi32>,
    }
    %scan3A_285 = arith.constant 512 : i32
    %add3A_286 = arith.constant 49152 : i32
    %add3A_287 = arith.addi %mul3A_2, %add3A_286 : i32
    %dma_wait3A_288 = tpu.memref_slice %arg4[%add3A_287] : memref<4194304xf32, #tpu.memory_space<hbm>> -> memref<8192xf32, #tpu.memory_space<hbm>>
    %dma_wait3A_289 = tpu.memref_slice %arg4[%add3A_287] : memref<4194304xf32, #tpu.memory_space<hbm>> -> memref<8192xf32, #tpu.memory_space<hbm>>
    tpu.wait_dma2 semaphore(%arg27 : memref<!tpu.dma_semaphore, #tpu.memory_space<semaphore_mem>>) src(%arg11 : memref<8192xf32, #tpu.memory_space<vmem>>) dst(%dma_wait3A_289 : memref<8192xf32, #tpu.memory_space<hbm>>)
    %dma_start3A_290 = arith.constant 0 : i32
    %dma_start3A_291 = tpu.memref_slice %arg2[%dma_start3A_290] : memref<67108864xf32, #tpu.memory_space<hbm>> -> memref<67108864xf32, #tpu.memory_space<hbm>>
    tpu.enqueue_indirect_dma source(%dma_start3A_291 : memref<67108864xf32, #tpu.memory_space<hbm>>) target(%arg11 : memref<8192xf32, #tpu.memory_space<vmem>>) offsets(%arg5 : memref<8192xi32, #tpu.memory_space<vmem>>) semaphore(%arg23 : memref<!tpu.dma_semaphore, #tpu.memory_space<semaphore_mem>>)
    %dma_wait3A_292 = arith.constant 0 : i32
    %dma_wait3A_293 = tpu.memref_slice %arg2[%dma_wait3A_292] : memref<67108864xf32, #tpu.memory_space<hbm>> -> memref<67108864xf32, #tpu.memory_space<hbm>>
    tpu.wait_indirect_dma semaphore(%arg24 : memref<!tpu.dma_semaphore, #tpu.memory_space<semaphore_mem>>) src(%dma_wait3A_293 : memref<67108864xf32, #tpu.memory_space<hbm>>) dst(%arg14 : memref<8192xf32, #tpu.memory_space<vmem>>)
    %add3A_294 = arith.constant 73728 : i32
    %add3A_295 = arith.addi %mul3A_2, %add3A_294 : i32
    %dma_start3A_296 = tpu.memref_slice %arg4[%add3A_295] : memref<4194304xf32, #tpu.memory_space<hbm>> -> memref<8192xf32, #tpu.memory_space<hbm>>
    %dma_start3A_297 = tpu.memref_slice %arg4[%add3A_295] : memref<4194304xf32, #tpu.memory_space<hbm>> -> memref<8192xf32, #tpu.memory_space<hbm>>
    tpu.enqueue_dma source(%arg14 : memref<8192xf32, #tpu.memory_space<vmem>>) target(%dma_start3A_297 : memref<8192xf32, #tpu.memory_space<hbm>>) target_semaphore(%arg30 : memref<!tpu.dma_semaphore, #tpu.memory_space<semaphore_mem>>)
    %add3A_298 = arith.constant 114688 : i32
    %add3A_299 = arith.addi %mul3A_2, %add3A_298 : i32
    %dma_start3A_300 = tpu.memref_slice %arg3[%add3A_299] : memref<4194304xi32, #tpu.memory_space<hbm>> -> memref<8192xi32, #tpu.memory_space<hbm>>
    %dma_start3A_301 = tpu.memref_slice %arg3[%add3A_299] : memref<4194304xi32, #tpu.memory_space<hbm>> -> memref<8192xi32, #tpu.memory_space<hbm>>
    tpu.enqueue_dma source(%dma_start3A_301 : memref<8192xi32, #tpu.memory_space<hbm>>) target(%arg7 : memref<8192xi32, #tpu.memory_space<vmem>>) target_semaphore(%arg19 : memref<!tpu.dma_semaphore, #tpu.memory_space<semaphore_mem>>)
    %add3A_302 = arith.constant 106496 : i32
    %add3A_303 = arith.addi %mul3A_2, %add3A_302 : i32
    %dma_wait3A_304 = tpu.memref_slice %arg3[%add3A_303] : memref<4194304xi32, #tpu.memory_space<hbm>> -> memref<8192xi32, #tpu.memory_space<hbm>>
    %dma_wait3A_305 = tpu.memref_slice %arg3[%add3A_303] : memref<4194304xi32, #tpu.memory_space<hbm>> -> memref<8192xi32, #tpu.memory_space<hbm>>
    tpu.wait_dma2 semaphore(%arg18 : memref<!tpu.dma_semaphore, #tpu.memory_space<semaphore_mem>>) src(%dma_wait3A_305 : memref<8192xi32, #tpu.memory_space<hbm>>) dst(%arg6 : memref<8192xi32, #tpu.memory_space<vmem>>)
    %scan3A_306 = arith.constant 0 : i32
    %scan3A_307 = arith.constant 512 : i32
    %scan3A_308 = arith.addi %scan3A_306, %scan3A_307 : i32
    %scan3A_309 = arith.constant 8 : i32
    scf.for %scan3A_411 = %scan3A_306 to %scan3A_308 step %scan3A_309  : i32 {
      %mul3A_412 = arith.constant 16 : i32
      %mul3A_413 = arith.muli %scan3A_411, %mul3A_412 : i32
      %and3A_414 = arith.constant 8191 : i32
      %and3A_415 = arith.andi %mul3A_413, %and3A_414 : i32
      %shift_right_arithmetic3A_416 = arith.constant 10 : i32
      %shift_right_arithmetic3A_417 = arith.shrsi %and3A_415, %shift_right_arithmetic3A_416 : i32
      %shift_left3A = arith.constant 7 : i32
      %shift_left3A_418 = arith.shli %shift_right_arithmetic3A_417, %shift_left3A : i32
      %and3A_419 = arith.constant 127 : i32
      %and3A_420 = arith.andi %and3A_415, %and3A_419 : i32
      %add3A_421 = arith.addi %shift_left3A_418, %and3A_420 : i32
      %get3A = arith.index_cast %mul3A_413 : i32 to index
      %get3A_422 = tpu.vector_load %arg6[%get3A] {strides = array<i32>} : memref<8192xi32, #tpu.memory_space<vmem>>, vector<16xi32>,
      %get3A_423 = vector.shape_cast %get3A_422 : vector<16xi32> to vector<16xi32>
      %shift_right_arithmetic3A_424 = arith.constant 7 : i32
      %shift_right_arithmetic3A_425 = vector.broadcast %shift_right_arithmetic3A_424 : i32 to vector<16xi32>
      %shift_right_arithmetic3A_426 = arith.shrsi %get3A_423, %shift_right_arithmetic3A_425 : vector<16xi32>
      %mul3A_427 = arith.constant 896 : i32
      %mul3A_428 = vector.broadcast %mul3A_427 : i32 to vector<16xi32>
      %mul3A_429 = arith.muli %shift_right_arithmetic3A_426, %mul3A_428 : vector<16xi32>
      %add3A_430 = arith.addi %get3A_423, %mul3A_429 : vector<16xi32>
      %shift_right_arithmetic3A_431 = arith.constant 3 : i32
      %shift_right_arithmetic3A_432 = arith.shrsi %add3A_421, %shift_right_arithmetic3A_431 : i32
      %mul3A_433 = arith.constant 524288 : i32
      %mul3A_434 = arith.muli %shift_right_arithmetic3A_432, %mul3A_433 : i32
      %add3A_435 = vector.broadcast %mul3A_434 : i32 to vector<16xi32>
      %add3A_436 = arith.addi %add3A_435, %add3A_13 : vector<16xi32>
      %add3A_437 = arith.addi %add3A_430, %add3A_436 : vector<16xi32>
      %swap3A = arith.index_cast %mul3A_413 : i32 to index
      %swap3A_438 = tpu.vector_load %arg6[%swap3A] {strides = array<i32>} : memref<8192xi32, #tpu.memory_space<vmem>>, vector<16xi32>,
      %swap3A_439 = vector.shape_cast %swap3A_438 : vector<16xi32> to vector<16xi32>
      %swap3A_440 = vector.shape_cast %add3A_437 : vector<16xi32> to vector<16xi32>
      tpu.vector_store %arg6[%swap3A], %swap3A_440 {strides = array<i32>} : memref<8192xi32, #tpu.memory_space<vmem>>, vector<16xi32>,
      %scan3A_441 = arith.constant 1 : i32
      %scan3A_442 = arith.addi %scan3A_411, %scan3A_441 : i32
      %mul3A_443 = arith.constant 16 : i32
      %mul3A_444 = arith.muli %scan3A_442, %mul3A_443 : i32
      %and3A_445 = arith.constant 8191 : i32
      %and3A_446 = arith.andi %mul3A_444, %and3A_445 : i32
      %shift_right_arithmetic3A_447 = arith.constant 10 : i32
      %shift_right_arithmetic3A_448 = arith.shrsi %and3A_446, %shift_right_arithmetic3A_447 : i32
      %shift_left3A_449 = arith.constant 7 : i32
      %shift_left3A_450 = arith.shli %shift_right_arithmetic3A_448, %shift_left3A_449 : i32
      %and3A_451 = arith.constant 127 : i32
      %and3A_452 = arith.andi %and3A_446, %and3A_451 : i32
      %add3A_453 = arith.addi %shift_left3A_450, %and3A_452 : i32
      %get3A_454 = arith.index_cast %mul3A_444 : i32 to index
      %get3A_455 = tpu.vector_load %arg6[%get3A_454] {strides = array<i32>} : memref<8192xi32, #tpu.memory_space<vmem>>, vector<16xi32>,
      %get3A_456 = vector.shape_cast %get3A_455 : vector<16xi32> to vector<16xi32>
      %shift_right_arithmetic3A_457 = arith.constant 7 : i32
      %shift_right_arithmetic3A_458 = vector.broadcast %shift_right_arithmetic3A_457 : i32 to vector<16xi32>
      %shift_right_arithmetic3A_459 = arith.shrsi %get3A_456, %shift_right_arithmetic3A_458 : vector<16xi32>
      %mul3A_460 = arith.constant 896 : i32
      %mul3A_461 = vector.broadcast %mul3A_460 : i32 to vector<16xi32>
      %mul3A_462 = arith.muli %shift_right_arithmetic3A_459, %mul3A_461 : vector<16xi32>
      %add3A_463 = arith.addi %get3A_456, %mul3A_462 : vector<16xi32>
      %shift_right_arithmetic3A_464 = arith.constant 3 : i32
      %shift_right_arithmetic3A_465 = arith.shrsi %add3A_453, %shift_right_arithmetic3A_464 : i32
      %mul3A_466 = arith.constant 524288 : i32
      %mul3A_467 = arith.muli %shift_right_arithmetic3A_465, %mul3A_466 : i32
      %add3A_468 = vector.broadcast %mul3A_467 : i32 to vector<16xi32>
      %add3A_469 = arith.addi %add3A_468, %add3A_13 : vector<16xi32>
      %add3A_470 = arith.addi %add3A_463, %add3A_469 : vector<16xi32>
      %swap3A_471 = arith.index_cast %mul3A_444 : i32 to index
      %swap3A_472 = tpu.vector_load %arg6[%swap3A_471] {strides = array<i32>} : memref<8192xi32, #tpu.memory_space<vmem>>, vector<16xi32>,
      %swap3A_473 = vector.shape_cast %swap3A_472 : vector<16xi32> to vector<16xi32>
      %swap3A_474 = vector.shape_cast %add3A_470 : vector<16xi32> to vector<16xi32>
      tpu.vector_store %arg6[%swap3A_471], %swap3A_474 {strides = array<i32>} : memref<8192xi32, #tpu.memory_space<vmem>>, vector<16xi32>,
      %scan3A_475 = arith.constant 2 : i32
      %scan3A_476 = arith.addi %scan3A_411, %scan3A_475 : i32
      %mul3A_477 = arith.constant 16 : i32
      %mul3A_478 = arith.muli %scan3A_476, %mul3A_477 : i32
      %and3A_479 = arith.constant 8191 : i32
      %and3A_480 = arith.andi %mul3A_478, %and3A_479 : i32
      %shift_right_arithmetic3A_481 = arith.constant 10 : i32
      %shift_right_arithmetic3A_482 = arith.shrsi %and3A_480, %shift_right_arithmetic3A_481 : i32
      %shift_left3A_483 = arith.constant 7 : i32
      %shift_left3A_484 = arith.shli %shift_right_arithmetic3A_482, %shift_left3A_483 : i32
      %and3A_485 = arith.constant 127 : i32
      %and3A_486 = arith.andi %and3A_480, %and3A_485 : i32
      %add3A_487 = arith.addi %shift_left3A_484, %and3A_486 : i32
      %get3A_488 = arith.index_cast %mul3A_478 : i32 to index
      %get3A_489 = tpu.vector_load %arg6[%get3A_488] {strides = array<i32>} : memref<8192xi32, #tpu.memory_space<vmem>>, vector<16xi32>,
      %get3A_490 = vector.shape_cast %get3A_489 : vector<16xi32> to vector<16xi32>
      %shift_right_arithmetic3A_491 = arith.constant 7 : i32
      %shift_right_arithmetic3A_492 = vector.broadcast %shift_right_arithmetic3A_491 : i32 to vector<16xi32>
      %shift_right_arithmetic3A_493 = arith.shrsi %get3A_490, %shift_right_arithmetic3A_492 : vector<16xi32>
      %mul3A_494 = arith.constant 896 : i32
      %mul3A_495 = vector.broadcast %mul3A_494 : i32 to vector<16xi32>
      %mul3A_496 = arith.muli %shift_right_arithmetic3A_493, %mul3A_495 : vector<16xi32>
      %add3A_497 = arith.addi %get3A_490, %mul3A_496 : vector<16xi32>
      %shift_right_arithmetic3A_498 = arith.constant 3 : i32
      %shift_right_arithmetic3A_499 = arith.shrsi %add3A_487, %shift_right_arithmetic3A_498 : i32
      %mul3A_500 = arith.constant 524288 : i32
      %mul3A_501 = arith.muli %shift_right_arithmetic3A_499, %mul3A_500 : i32
      %add3A_502 = vector.broadcast %mul3A_501 : i32 to vector<16xi32>
      %add3A_503 = arith.addi %add3A_502, %add3A_13 : vector<16xi32>
      %add3A_504 = arith.addi %add3A_497, %add3A_503 : vector<16xi32>
      %swap3A_505 = arith.index_cast %mul3A_478 : i32 to index
      %swap3A_506 = tpu.vector_load %arg6[%swap3A_505] {strides = array<i32>} : memref<8192xi32, #tpu.memory_space<vmem>>, vector<16xi32>,
      %swap3A_507 = vector.shape_cast %swap3A_506 : vector<16xi32> to vector<16xi32>
      %swap3A_508 = vector.shape_cast %add3A_504 : vector<16xi32> to vector<16xi32>
      tpu.vector_store %arg6[%swap3A_505], %swap3A_508 {strides = array<i32>} : memref<8192xi32, #tpu.memory_space<vmem>>, vector<16xi32>,
      %scan3A_509 = arith.constant 3 : i32
      %scan3A_510 = arith.addi %scan3A_411, %scan3A_509 : i32
      %mul3A_511 = arith.constant 16 : i32
      %mul3A_512 = arith.muli %scan3A_510, %mul3A_511 : i32
      %and3A_513 = arith.constant 8191 : i32
      %and3A_514 = arith.andi %mul3A_512, %and3A_513 : i32
      %shift_right_arithmetic3A_515 = arith.constant 10 : i32
      %shift_right_arithmetic3A_516 = arith.shrsi %and3A_514, %shift_right_arithmetic3A_515 : i32
      %shift_left3A_517 = arith.constant 7 : i32
      %shift_left3A_518 = arith.shli %shift_right_arithmetic3A_516, %shift_left3A_517 : i32
      %and3A_519 = arith.constant 127 : i32
      %and3A_520 = arith.andi %and3A_514, %and3A_519 : i32
      %add3A_521 = arith.addi %shift_left3A_518, %and3A_520 : i32
      %get3A_522 = arith.index_cast %mul3A_512 : i32 to index
      %get3A_523 = tpu.vector_load %arg6[%get3A_522] {strides = array<i32>} : memref<8192xi32, #tpu.memory_space<vmem>>, vector<16xi32>,
      %get3A_524 = vector.shape_cast %get3A_523 : vector<16xi32> to vector<16xi32>
      %shift_right_arithmetic3A_525 = arith.constant 7 : i32
      %shift_right_arithmetic3A_526 = vector.broadcast %shift_right_arithmetic3A_525 : i32 to vector<16xi32>
      %shift_right_arithmetic3A_527 = arith.shrsi %get3A_524, %shift_right_arithmetic3A_526 : vector<16xi32>
      %mul3A_528 = arith.constant 896 : i32
      %mul3A_529 = vector.broadcast %mul3A_528 : i32 to vector<16xi32>
      %mul3A_530 = arith.muli %shift_right_arithmetic3A_527, %mul3A_529 : vector<16xi32>
      %add3A_531 = arith.addi %get3A_524, %mul3A_530 : vector<16xi32>
      %shift_right_arithmetic3A_532 = arith.constant 3 : i32
      %shift_right_arithmetic3A_533 = arith.shrsi %add3A_521, %shift_right_arithmetic3A_532 : i32
      %mul3A_534 = arith.constant 524288 : i32
      %mul3A_535 = arith.muli %shift_right_arithmetic3A_533, %mul3A_534 : i32
      %add3A_536 = vector.broadcast %mul3A_535 : i32 to vector<16xi32>
      %add3A_537 = arith.addi %add3A_536, %add3A_13 : vector<16xi32>
      %add3A_538 = arith.addi %add3A_531, %add3A_537 : vector<16xi32>
      %swap3A_539 = arith.index_cast %mul3A_512 : i32 to index
      %swap3A_540 = tpu.vector_load %arg6[%swap3A_539] {strides = array<i32>} : memref<8192xi32, #tpu.memory_space<vmem>>, vector<16xi32>,
      %swap3A_541 = vector.shape_cast %swap3A_540 : vector<16xi32> to vector<16xi32>
      %swap3A_542 = vector.shape_cast %add3A_538 : vector<16xi32> to vector<16xi32>
      tpu.vector_store %arg6[%swap3A_539], %swap3A_542 {strides = array<i32>} : memref<8192xi32, #tpu.memory_space<vmem>>, vector<16xi32>,
      %scan3A_543 = arith.constant 4 : i32
      %scan3A_544 = arith.addi %scan3A_411, %scan3A_543 : i32
      %mul3A_545 = arith.constant 16 : i32
      %mul3A_546 = arith.muli %scan3A_544, %mul3A_545 : i32
      %and3A_547 = arith.constant 8191 : i32
      %and3A_548 = arith.andi %mul3A_546, %and3A_547 : i32
      %shift_right_arithmetic3A_549 = arith.constant 10 : i32
      %shift_right_arithmetic3A_550 = arith.shrsi %and3A_548, %shift_right_arithmetic3A_549 : i32
      %shift_left3A_551 = arith.constant 7 : i32
      %shift_left3A_552 = arith.shli %shift_right_arithmetic3A_550, %shift_left3A_551 : i32
      %and3A_553 = arith.constant 127 : i32
      %and3A_554 = arith.andi %and3A_548, %and3A_553 : i32
      %add3A_555 = arith.addi %shift_left3A_552, %and3A_554 : i32
      %get3A_556 = arith.index_cast %mul3A_546 : i32 to index
      %get3A_557 = tpu.vector_load %arg6[%get3A_556] {strides = array<i32>} : memref<8192xi32, #tpu.memory_space<vmem>>, vector<16xi32>,
      %get3A_558 = vector.shape_cast %get3A_557 : vector<16xi32> to vector<16xi32>
      %shift_right_arithmetic3A_559 = arith.constant 7 : i32
      %shift_right_arithmetic3A_560 = vector.broadcast %shift_right_arithmetic3A_559 : i32 to vector<16xi32>
      %shift_right_arithmetic3A_561 = arith.shrsi %get3A_558, %shift_right_arithmetic3A_560 : vector<16xi32>
      %mul3A_562 = arith.constant 896 : i32
      %mul3A_563 = vector.broadcast %mul3A_562 : i32 to vector<16xi32>
      %mul3A_564 = arith.muli %shift_right_arithmetic3A_561, %mul3A_563 : vector<16xi32>
      %add3A_565 = arith.addi %get3A_558, %mul3A_564 : vector<16xi32>
      %shift_right_arithmetic3A_566 = arith.constant 3 : i32
      %shift_right_arithmetic3A_567 = arith.shrsi %add3A_555, %shift_right_arithmetic3A_566 : i32
      %mul3A_568 = arith.constant 524288 : i32
      %mul3A_569 = arith.muli %shift_right_arithmetic3A_567, %mul3A_568 : i32
      %add3A_570 = vector.broadcast %mul3A_569 : i32 to vector<16xi32>
      %add3A_571 = arith.addi %add3A_570, %add3A_13 : vector<16xi32>
      %add3A_572 = arith.addi %add3A_565, %add3A_571 : vector<16xi32>
      %swap3A_573 = arith.index_cast %mul3A_546 : i32 to index
      %swap3A_574 = tpu.vector_load %arg6[%swap3A_573] {strides = array<i32>} : memref<8192xi32, #tpu.memory_space<vmem>>, vector<16xi32>,
      %swap3A_575 = vector.shape_cast %swap3A_574 : vector<16xi32> to vector<16xi32>
      %swap3A_576 = vector.shape_cast %add3A_572 : vector<16xi32> to vector<16xi32>
      tpu.vector_store %arg6[%swap3A_573], %swap3A_576 {strides = array<i32>} : memref<8192xi32, #tpu.memory_space<vmem>>, vector<16xi32>,
      %scan3A_577 = arith.constant 5 : i32
      %scan3A_578 = arith.addi %scan3A_411, %scan3A_577 : i32
      %mul3A_579 = arith.constant 16 : i32
      %mul3A_580 = arith.muli %scan3A_578, %mul3A_579 : i32
      %and3A_581 = arith.constant 8191 : i32
      %and3A_582 = arith.andi %mul3A_580, %and3A_581 : i32
      %shift_right_arithmetic3A_583 = arith.constant 10 : i32
      %shift_right_arithmetic3A_584 = arith.shrsi %and3A_582, %shift_right_arithmetic3A_583 : i32
      %shift_left3A_585 = arith.constant 7 : i32
      %shift_left3A_586 = arith.shli %shift_right_arithmetic3A_584, %shift_left3A_585 : i32
      %and3A_587 = arith.constant 127 : i32
      %and3A_588 = arith.andi %and3A_582, %and3A_587 : i32
      %add3A_589 = arith.addi %shift_left3A_586, %and3A_588 : i32
      %get3A_590 = arith.index_cast %mul3A_580 : i32 to index
      %get3A_591 = tpu.vector_load %arg6[%get3A_590] {strides = array<i32>} : memref<8192xi32, #tpu.memory_space<vmem>>, vector<16xi32>,
      %get3A_592 = vector.shape_cast %get3A_591 : vector<16xi32> to vector<16xi32>
      %shift_right_arithmetic3A_593 = arith.constant 7 : i32
      %shift_right_arithmetic3A_594 = vector.broadcast %shift_right_arithmetic3A_593 : i32 to vector<16xi32>
      %shift_right_arithmetic3A_595 = arith.shrsi %get3A_592, %shift_right_arithmetic3A_594 : vector<16xi32>
      %mul3A_596 = arith.constant 896 : i32
      %mul3A_597 = vector.broadcast %mul3A_596 : i32 to vector<16xi32>
      %mul3A_598 = arith.muli %shift_right_arithmetic3A_595, %mul3A_597 : vector<16xi32>
      %add3A_599 = arith.addi %get3A_592, %mul3A_598 : vector<16xi32>
      %shift_right_arithmetic3A_600 = arith.constant 3 : i32
      %shift_right_arithmetic3A_601 = arith.shrsi %add3A_589, %shift_right_arithmetic3A_600 : i32
      %mul3A_602 = arith.constant 524288 : i32
      %mul3A_603 = arith.muli %shift_right_arithmetic3A_601, %mul3A_602 : i32
      %add3A_604 = vector.broadcast %mul3A_603 : i32 to vector<16xi32>
      %add3A_605 = arith.addi %add3A_604, %add3A_13 : vector<16xi32>
      %add3A_606 = arith.addi %add3A_599, %add3A_605 : vector<16xi32>
      %swap3A_607 = arith.index_cast %mul3A_580 : i32 to index
      %swap3A_608 = tpu.vector_load %arg6[%swap3A_607] {strides = array<i32>} : memref<8192xi32, #tpu.memory_space<vmem>>, vector<16xi32>,
      %swap3A_609 = vector.shape_cast %swap3A_608 : vector<16xi32> to vector<16xi32>
      %swap3A_610 = vector.shape_cast %add3A_606 : vector<16xi32> to vector<16xi32>
      tpu.vector_store %arg6[%swap3A_607], %swap3A_610 {strides = array<i32>} : memref<8192xi32, #tpu.memory_space<vmem>>, vector<16xi32>,
      %scan3A_611 = arith.constant 6 : i32
      %scan3A_612 = arith.addi %scan3A_411, %scan3A_611 : i32
      %mul3A_613 = arith.constant 16 : i32
      %mul3A_614 = arith.muli %scan3A_612, %mul3A_613 : i32
      %and3A_615 = arith.constant 8191 : i32
      %and3A_616 = arith.andi %mul3A_614, %and3A_615 : i32
      %shift_right_arithmetic3A_617 = arith.constant 10 : i32
      %shift_right_arithmetic3A_618 = arith.shrsi %and3A_616, %shift_right_arithmetic3A_617 : i32
      %shift_left3A_619 = arith.constant 7 : i32
      %shift_left3A_620 = arith.shli %shift_right_arithmetic3A_618, %shift_left3A_619 : i32
      %and3A_621 = arith.constant 127 : i32
      %and3A_622 = arith.andi %and3A_616, %and3A_621 : i32
      %add3A_623 = arith.addi %shift_left3A_620, %and3A_622 : i32
      %get3A_624 = arith.index_cast %mul3A_614 : i32 to index
      %get3A_625 = tpu.vector_load %arg6[%get3A_624] {strides = array<i32>} : memref<8192xi32, #tpu.memory_space<vmem>>, vector<16xi32>,
      %get3A_626 = vector.shape_cast %get3A_625 : vector<16xi32> to vector<16xi32>
      %shift_right_arithmetic3A_627 = arith.constant 7 : i32
      %shift_right_arithmetic3A_628 = vector.broadcast %shift_right_arithmetic3A_627 : i32 to vector<16xi32>
      %shift_right_arithmetic3A_629 = arith.shrsi %get3A_626, %shift_right_arithmetic3A_628 : vector<16xi32>
      %mul3A_630 = arith.constant 896 : i32
      %mul3A_631 = vector.broadcast %mul3A_630 : i32 to vector<16xi32>
      %mul3A_632 = arith.muli %shift_right_arithmetic3A_629, %mul3A_631 : vector<16xi32>
      %add3A_633 = arith.addi %get3A_626, %mul3A_632 : vector<16xi32>
      %shift_right_arithmetic3A_634 = arith.constant 3 : i32
      %shift_right_arithmetic3A_635 = arith.shrsi %add3A_623, %shift_right_arithmetic3A_634 : i32
      %mul3A_636 = arith.constant 524288 : i32
      %mul3A_637 = arith.muli %shift_right_arithmetic3A_635, %mul3A_636 : i32
      %add3A_638 = vector.broadcast %mul3A_637 : i32 to vector<16xi32>
      %add3A_639 = arith.addi %add3A_638, %add3A_13 : vector<16xi32>
      %add3A_640 = arith.addi %add3A_633, %add3A_639 : vector<16xi32>
      %swap3A_641 = arith.index_cast %mul3A_614 : i32 to index
      %swap3A_642 = tpu.vector_load %arg6[%swap3A_641] {strides = array<i32>} : memref<8192xi32, #tpu.memory_space<vmem>>, vector<16xi32>,
      %swap3A_643 = vector.shape_cast %swap3A_642 : vector<16xi32> to vector<16xi32>
      %swap3A_644 = vector.shape_cast %add3A_640 : vector<16xi32> to vector<16xi32>
      tpu.vector_store %arg6[%swap3A_641], %swap3A_644 {strides = array<i32>} : memref<8192xi32, #tpu.memory_space<vmem>>, vector<16xi32>,
      %scan3A_645 = arith.constant 7 : i32
      %scan3A_646 = arith.addi %scan3A_411, %scan3A_645 : i32
      %mul3A_647 = arith.constant 16 : i32
      %mul3A_648 = arith.muli %scan3A_646, %mul3A_647 : i32
      %and3A_649 = arith.constant 8191 : i32
      %and3A_650 = arith.andi %mul3A_648, %and3A_649 : i32
      %shift_right_arithmetic3A_651 = arith.constant 10 : i32
      %shift_right_arithmetic3A_652 = arith.shrsi %and3A_650, %shift_right_arithmetic3A_651 : i32
      %shift_left3A_653 = arith.constant 7 : i32
      %shift_left3A_654 = arith.shli %shift_right_arithmetic3A_652, %shift_left3A_653 : i32
      %and3A_655 = arith.constant 127 : i32
      %and3A_656 = arith.andi %and3A_650, %and3A_655 : i32
      %add3A_657 = arith.addi %shift_left3A_654, %and3A_656 : i32
      %get3A_658 = arith.index_cast %mul3A_648 : i32 to index
      %get3A_659 = tpu.vector_load %arg6[%get3A_658] {strides = array<i32>} : memref<8192xi32, #tpu.memory_space<vmem>>, vector<16xi32>,
      %get3A_660 = vector.shape_cast %get3A_659 : vector<16xi32> to vector<16xi32>
      %shift_right_arithmetic3A_661 = arith.constant 7 : i32
      %shift_right_arithmetic3A_662 = vector.broadcast %shift_right_arithmetic3A_661 : i32 to vector<16xi32>
      %shift_right_arithmetic3A_663 = arith.shrsi %get3A_660, %shift_right_arithmetic3A_662 : vector<16xi32>
      %mul3A_664 = arith.constant 896 : i32
      %mul3A_665 = vector.broadcast %mul3A_664 : i32 to vector<16xi32>
      %mul3A_666 = arith.muli %shift_right_arithmetic3A_663, %mul3A_665 : vector<16xi32>
      %add3A_667 = arith.addi %get3A_660, %mul3A_666 : vector<16xi32>
      %shift_right_arithmetic3A_668 = arith.constant 3 : i32
      %shift_right_arithmetic3A_669 = arith.shrsi %add3A_657, %shift_right_arithmetic3A_668 : i32
      %mul3A_670 = arith.constant 524288 : i32
      %mul3A_671 = arith.muli %shift_right_arithmetic3A_669, %mul3A_670 : i32
      %add3A_672 = vector.broadcast %mul3A_671 : i32 to vector<16xi32>
      %add3A_673 = arith.addi %add3A_672, %add3A_13 : vector<16xi32>
      %add3A_674 = arith.addi %add3A_667, %add3A_673 : vector<16xi32>
      %swap3A_675 = arith.index_cast %mul3A_648 : i32 to index
      %swap3A_676 = tpu.vector_load %arg6[%swap3A_675] {strides = array<i32>} : memref<8192xi32, #tpu.memory_space<vmem>>, vector<16xi32>,
      %swap3A_677 = vector.shape_cast %swap3A_676 : vector<16xi32> to vector<16xi32>
      %swap3A_678 = vector.shape_cast %add3A_674 : vector<16xi32> to vector<16xi32>
      tpu.vector_store %arg6[%swap3A_675], %swap3A_678 {strides = array<i32>} : memref<8192xi32, #tpu.memory_space<vmem>>, vector<16xi32>,
    }
    %scan3A_310 = arith.constant 512 : i32
    %add3A_311 = arith.constant 57344 : i32
    %add3A_312 = arith.addi %mul3A_2, %add3A_311 : i32
    %dma_wait3A_313 = tpu.memref_slice %arg4[%add3A_312] : memref<4194304xf32, #tpu.memory_space<hbm>> -> memref<8192xf32, #tpu.memory_space<hbm>>
    %dma_wait3A_314 = tpu.memref_slice %arg4[%add3A_312] : memref<4194304xf32, #tpu.memory_space<hbm>> -> memref<8192xf32, #tpu.memory_space<hbm>>
    tpu.wait_dma2 semaphore(%arg28 : memref<!tpu.dma_semaphore, #tpu.memory_space<semaphore_mem>>) src(%arg12 : memref<8192xf32, #tpu.memory_space<vmem>>) dst(%dma_wait3A_314 : memref<8192xf32, #tpu.memory_space<hbm>>)
    %dma_start3A_315 = arith.constant 0 : i32
    %dma_start3A_316 = tpu.memref_slice %arg2[%dma_start3A_315] : memref<67108864xf32, #tpu.memory_space<hbm>> -> memref<67108864xf32, #tpu.memory_space<hbm>>
    tpu.enqueue_indirect_dma source(%dma_start3A_316 : memref<67108864xf32, #tpu.memory_space<hbm>>) target(%arg12 : memref<8192xf32, #tpu.memory_space<vmem>>) offsets(%arg6 : memref<8192xi32, #tpu.memory_space<vmem>>) semaphore(%arg24 : memref<!tpu.dma_semaphore, #tpu.memory_space<semaphore_mem>>)
    %dma_wait3A_317 = arith.constant 0 : i32
    %dma_wait3A_318 = tpu.memref_slice %arg2[%dma_wait3A_317] : memref<67108864xf32, #tpu.memory_space<hbm>> -> memref<67108864xf32, #tpu.memory_space<hbm>>
    tpu.wait_indirect_dma semaphore(%arg25 : memref<!tpu.dma_semaphore, #tpu.memory_space<semaphore_mem>>) src(%dma_wait3A_318 : memref<67108864xf32, #tpu.memory_space<hbm>>) dst(%arg15 : memref<8192xf32, #tpu.memory_space<vmem>>)
    %add3A_319 = arith.constant 81920 : i32
    %add3A_320 = arith.addi %mul3A_2, %add3A_319 : i32
    %dma_start3A_321 = tpu.memref_slice %arg4[%add3A_320] : memref<4194304xf32, #tpu.memory_space<hbm>> -> memref<8192xf32, #tpu.memory_space<hbm>>
    %dma_start3A_322 = tpu.memref_slice %arg4[%add3A_320] : memref<4194304xf32, #tpu.memory_space<hbm>> -> memref<8192xf32, #tpu.memory_space<hbm>>
    tpu.enqueue_dma source(%arg15 : memref<8192xf32, #tpu.memory_space<vmem>>) target(%dma_start3A_322 : memref<8192xf32, #tpu.memory_space<hbm>>) target_semaphore(%arg31 : memref<!tpu.dma_semaphore, #tpu.memory_space<semaphore_mem>>)
    %add3A_323 = arith.constant 122880 : i32
    %add3A_324 = arith.addi %mul3A_2, %add3A_323 : i32
    %dma_start3A_325 = tpu.memref_slice %arg3[%add3A_324] : memref<4194304xi32, #tpu.memory_space<hbm>> -> memref<8192xi32, #tpu.memory_space<hbm>>
    %dma_start3A_326 = tpu.memref_slice %arg3[%add3A_324] : memref<4194304xi32, #tpu.memory_space<hbm>> -> memref<8192xi32, #tpu.memory_space<hbm>>
    tpu.enqueue_dma source(%dma_start3A_326 : memref<8192xi32, #tpu.memory_space<hbm>>) target(%arg8 : memref<8192xi32, #tpu.memory_space<vmem>>) target_semaphore(%arg20 : memref<!tpu.dma_semaphore, #tpu.memory_space<semaphore_mem>>)
    %add3A_327 = arith.constant 114688 : i32
    %add3A_328 = arith.addi %mul3A_2, %add3A_327 : i32
    %dma_wait3A_329 = tpu.memref_slice %arg3[%add3A_328] : memref<4194304xi32, #tpu.memory_space<hbm>> -> memref<8192xi32, #tpu.memory_space<hbm>>
    %dma_wait3A_330 = tpu.memref_slice %arg3[%add3A_328] : memref<4194304xi32, #tpu.memory_space<hbm>> -> memref<8192xi32, #tpu.memory_space<hbm>>
    tpu.wait_dma2 semaphore(%arg19 : memref<!tpu.dma_semaphore, #tpu.memory_space<semaphore_mem>>) src(%dma_wait3A_330 : memref<8192xi32, #tpu.memory_space<hbm>>) dst(%arg7 : memref<8192xi32, #tpu.memory_space<vmem>>)
    %scan3A_331 = arith.constant 0 : i32
    %scan3A_332 = arith.constant 512 : i32
    %scan3A_333 = arith.addi %scan3A_331, %scan3A_332 : i32
    %scan3A_334 = arith.constant 8 : i32
    scf.for %scan3A_411 = %scan3A_331 to %scan3A_333 step %scan3A_334  : i32 {
      %mul3A_412 = arith.constant 16 : i32
      %mul3A_413 = arith.muli %scan3A_411, %mul3A_412 : i32
      %and3A_414 = arith.constant 8191 : i32
      %and3A_415 = arith.andi %mul3A_413, %and3A_414 : i32
      %shift_right_arithmetic3A_416 = arith.constant 10 : i32
      %shift_right_arithmetic3A_417 = arith.shrsi %and3A_415, %shift_right_arithmetic3A_416 : i32
      %shift_left3A = arith.constant 7 : i32
      %shift_left3A_418 = arith.shli %shift_right_arithmetic3A_417, %shift_left3A : i32
      %and3A_419 = arith.constant 127 : i32
      %and3A_420 = arith.andi %and3A_415, %and3A_419 : i32
      %add3A_421 = arith.addi %shift_left3A_418, %and3A_420 : i32
      %get3A = arith.index_cast %mul3A_413 : i32 to index
      %get3A_422 = tpu.vector_load %arg7[%get3A] {strides = array<i32>} : memref<8192xi32, #tpu.memory_space<vmem>>, vector<16xi32>,
      %get3A_423 = vector.shape_cast %get3A_422 : vector<16xi32> to vector<16xi32>
      %shift_right_arithmetic3A_424 = arith.constant 7 : i32
      %shift_right_arithmetic3A_425 = vector.broadcast %shift_right_arithmetic3A_424 : i32 to vector<16xi32>
      %shift_right_arithmetic3A_426 = arith.shrsi %get3A_423, %shift_right_arithmetic3A_425 : vector<16xi32>
      %mul3A_427 = arith.constant 896 : i32
      %mul3A_428 = vector.broadcast %mul3A_427 : i32 to vector<16xi32>
      %mul3A_429 = arith.muli %shift_right_arithmetic3A_426, %mul3A_428 : vector<16xi32>
      %add3A_430 = arith.addi %get3A_423, %mul3A_429 : vector<16xi32>
      %shift_right_arithmetic3A_431 = arith.constant 3 : i32
      %shift_right_arithmetic3A_432 = arith.shrsi %add3A_421, %shift_right_arithmetic3A_431 : i32
      %mul3A_433 = arith.constant 524288 : i32
      %mul3A_434 = arith.muli %shift_right_arithmetic3A_432, %mul3A_433 : i32
      %add3A_435 = vector.broadcast %mul3A_434 : i32 to vector<16xi32>
      %add3A_436 = arith.addi %add3A_435, %add3A_13 : vector<16xi32>
      %add3A_437 = arith.addi %add3A_430, %add3A_436 : vector<16xi32>
      %swap3A = arith.index_cast %mul3A_413 : i32 to index
      %swap3A_438 = tpu.vector_load %arg7[%swap3A] {strides = array<i32>} : memref<8192xi32, #tpu.memory_space<vmem>>, vector<16xi32>,
      %swap3A_439 = vector.shape_cast %swap3A_438 : vector<16xi32> to vector<16xi32>
      %swap3A_440 = vector.shape_cast %add3A_437 : vector<16xi32> to vector<16xi32>
      tpu.vector_store %arg7[%swap3A], %swap3A_440 {strides = array<i32>} : memref<8192xi32, #tpu.memory_space<vmem>>, vector<16xi32>,
      %scan3A_441 = arith.constant 1 : i32
      %scan3A_442 = arith.addi %scan3A_411, %scan3A_441 : i32
      %mul3A_443 = arith.constant 16 : i32
      %mul3A_444 = arith.muli %scan3A_442, %mul3A_443 : i32
      %and3A_445 = arith.constant 8191 : i32
      %and3A_446 = arith.andi %mul3A_444, %and3A_445 : i32
      %shift_right_arithmetic3A_447 = arith.constant 10 : i32
      %shift_right_arithmetic3A_448 = arith.shrsi %and3A_446, %shift_right_arithmetic3A_447 : i32
      %shift_left3A_449 = arith.constant 7 : i32
      %shift_left3A_450 = arith.shli %shift_right_arithmetic3A_448, %shift_left3A_449 : i32
      %and3A_451 = arith.constant 127 : i32
      %and3A_452 = arith.andi %and3A_446, %and3A_451 : i32
      %add3A_453 = arith.addi %shift_left3A_450, %and3A_452 : i32
      %get3A_454 = arith.index_cast %mul3A_444 : i32 to index
      %get3A_455 = tpu.vector_load %arg7[%get3A_454] {strides = array<i32>} : memref<8192xi32, #tpu.memory_space<vmem>>, vector<16xi32>,
      %get3A_456 = vector.shape_cast %get3A_455 : vector<16xi32> to vector<16xi32>
      %shift_right_arithmetic3A_457 = arith.constant 7 : i32
      %shift_right_arithmetic3A_458 = vector.broadcast %shift_right_arithmetic3A_457 : i32 to vector<16xi32>
      %shift_right_arithmetic3A_459 = arith.shrsi %get3A_456, %shift_right_arithmetic3A_458 : vector<16xi32>
      %mul3A_460 = arith.constant 896 : i32
      %mul3A_461 = vector.broadcast %mul3A_460 : i32 to vector<16xi32>
      %mul3A_462 = arith.muli %shift_right_arithmetic3A_459, %mul3A_461 : vector<16xi32>
      %add3A_463 = arith.addi %get3A_456, %mul3A_462 : vector<16xi32>
      %shift_right_arithmetic3A_464 = arith.constant 3 : i32
      %shift_right_arithmetic3A_465 = arith.shrsi %add3A_453, %shift_right_arithmetic3A_464 : i32
      %mul3A_466 = arith.constant 524288 : i32
      %mul3A_467 = arith.muli %shift_right_arithmetic3A_465, %mul3A_466 : i32
      %add3A_468 = vector.broadcast %mul3A_467 : i32 to vector<16xi32>
      %add3A_469 = arith.addi %add3A_468, %add3A_13 : vector<16xi32>
      %add3A_470 = arith.addi %add3A_463, %add3A_469 : vector<16xi32>
      %swap3A_471 = arith.index_cast %mul3A_444 : i32 to index
      %swap3A_472 = tpu.vector_load %arg7[%swap3A_471] {strides = array<i32>} : memref<8192xi32, #tpu.memory_space<vmem>>, vector<16xi32>,
      %swap3A_473 = vector.shape_cast %swap3A_472 : vector<16xi32> to vector<16xi32>
      %swap3A_474 = vector.shape_cast %add3A_470 : vector<16xi32> to vector<16xi32>
      tpu.vector_store %arg7[%swap3A_471], %swap3A_474 {strides = array<i32>} : memref<8192xi32, #tpu.memory_space<vmem>>, vector<16xi32>,
      %scan3A_475 = arith.constant 2 : i32
      %scan3A_476 = arith.addi %scan3A_411, %scan3A_475 : i32
      %mul3A_477 = arith.constant 16 : i32
      %mul3A_478 = arith.muli %scan3A_476, %mul3A_477 : i32
      %and3A_479 = arith.constant 8191 : i32
      %and3A_480 = arith.andi %mul3A_478, %and3A_479 : i32
      %shift_right_arithmetic3A_481 = arith.constant 10 : i32
      %shift_right_arithmetic3A_482 = arith.shrsi %and3A_480, %shift_right_arithmetic3A_481 : i32
      %shift_left3A_483 = arith.constant 7 : i32
      %shift_left3A_484 = arith.shli %shift_right_arithmetic3A_482, %shift_left3A_483 : i32
      %and3A_485 = arith.constant 127 : i32
      %and3A_486 = arith.andi %and3A_480, %and3A_485 : i32
      %add3A_487 = arith.addi %shift_left3A_484, %and3A_486 : i32
      %get3A_488 = arith.index_cast %mul3A_478 : i32 to index
      %get3A_489 = tpu.vector_load %arg7[%get3A_488] {strides = array<i32>} : memref<8192xi32, #tpu.memory_space<vmem>>, vector<16xi32>,
      %get3A_490 = vector.shape_cast %get3A_489 : vector<16xi32> to vector<16xi32>
      %shift_right_arithmetic3A_491 = arith.constant 7 : i32
      %shift_right_arithmetic3A_492 = vector.broadcast %shift_right_arithmetic3A_491 : i32 to vector<16xi32>
      %shift_right_arithmetic3A_493 = arith.shrsi %get3A_490, %shift_right_arithmetic3A_492 : vector<16xi32>
      %mul3A_494 = arith.constant 896 : i32
      %mul3A_495 = vector.broadcast %mul3A_494 : i32 to vector<16xi32>
      %mul3A_496 = arith.muli %shift_right_arithmetic3A_493, %mul3A_495 : vector<16xi32>
      %add3A_497 = arith.addi %get3A_490, %mul3A_496 : vector<16xi32>
      %shift_right_arithmetic3A_498 = arith.constant 3 : i32
      %shift_right_arithmetic3A_499 = arith.shrsi %add3A_487, %shift_right_arithmetic3A_498 : i32
      %mul3A_500 = arith.constant 524288 : i32
      %mul3A_501 = arith.muli %shift_right_arithmetic3A_499, %mul3A_500 : i32
      %add3A_502 = vector.broadcast %mul3A_501 : i32 to vector<16xi32>
      %add3A_503 = arith.addi %add3A_502, %add3A_13 : vector<16xi32>
      %add3A_504 = arith.addi %add3A_497, %add3A_503 : vector<16xi32>
      %swap3A_505 = arith.index_cast %mul3A_478 : i32 to index
      %swap3A_506 = tpu.vector_load %arg7[%swap3A_505] {strides = array<i32>} : memref<8192xi32, #tpu.memory_space<vmem>>, vector<16xi32>,
      %swap3A_507 = vector.shape_cast %swap3A_506 : vector<16xi32> to vector<16xi32>
      %swap3A_508 = vector.shape_cast %add3A_504 : vector<16xi32> to vector<16xi32>
      tpu.vector_store %arg7[%swap3A_505], %swap3A_508 {strides = array<i32>} : memref<8192xi32, #tpu.memory_space<vmem>>, vector<16xi32>,
      %scan3A_509 = arith.constant 3 : i32
      %scan3A_510 = arith.addi %scan3A_411, %scan3A_509 : i32
      %mul3A_511 = arith.constant 16 : i32
      %mul3A_512 = arith.muli %scan3A_510, %mul3A_511 : i32
      %and3A_513 = arith.constant 8191 : i32
      %and3A_514 = arith.andi %mul3A_512, %and3A_513 : i32
      %shift_right_arithmetic3A_515 = arith.constant 10 : i32
      %shift_right_arithmetic3A_516 = arith.shrsi %and3A_514, %shift_right_arithmetic3A_515 : i32
      %shift_left3A_517 = arith.constant 7 : i32
      %shift_left3A_518 = arith.shli %shift_right_arithmetic3A_516, %shift_left3A_517 : i32
      %and3A_519 = arith.constant 127 : i32
      %and3A_520 = arith.andi %and3A_514, %and3A_519 : i32
      %add3A_521 = arith.addi %shift_left3A_518, %and3A_520 : i32
      %get3A_522 = arith.index_cast %mul3A_512 : i32 to index
      %get3A_523 = tpu.vector_load %arg7[%get3A_522] {strides = array<i32>} : memref<8192xi32, #tpu.memory_space<vmem>>, vector<16xi32>,
      %get3A_524 = vector.shape_cast %get3A_523 : vector<16xi32> to vector<16xi32>
      %shift_right_arithmetic3A_525 = arith.constant 7 : i32
      %shift_right_arithmetic3A_526 = vector.broadcast %shift_right_arithmetic3A_525 : i32 to vector<16xi32>
      %shift_right_arithmetic3A_527 = arith.shrsi %get3A_524, %shift_right_arithmetic3A_526 : vector<16xi32>
      %mul3A_528 = arith.constant 896 : i32
      %mul3A_529 = vector.broadcast %mul3A_528 : i32 to vector<16xi32>
      %mul3A_530 = arith.muli %shift_right_arithmetic3A_527, %mul3A_529 : vector<16xi32>
      %add3A_531 = arith.addi %get3A_524, %mul3A_530 : vector<16xi32>
      %shift_right_arithmetic3A_532 = arith.constant 3 : i32
      %shift_right_arithmetic3A_533 = arith.shrsi %add3A_521, %shift_right_arithmetic3A_532 : i32
      %mul3A_534 = arith.constant 524288 : i32
      %mul3A_535 = arith.muli %shift_right_arithmetic3A_533, %mul3A_534 : i32
      %add3A_536 = vector.broadcast %mul3A_535 : i32 to vector<16xi32>
      %add3A_537 = arith.addi %add3A_536, %add3A_13 : vector<16xi32>
      %add3A_538 = arith.addi %add3A_531, %add3A_537 : vector<16xi32>
      %swap3A_539 = arith.index_cast %mul3A_512 : i32 to index
      %swap3A_540 = tpu.vector_load %arg7[%swap3A_539] {strides = array<i32>} : memref<8192xi32, #tpu.memory_space<vmem>>, vector<16xi32>,
      %swap3A_541 = vector.shape_cast %swap3A_540 : vector<16xi32> to vector<16xi32>
      %swap3A_542 = vector.shape_cast %add3A_538 : vector<16xi32> to vector<16xi32>
      tpu.vector_store %arg7[%swap3A_539], %swap3A_542 {strides = array<i32>} : memref<8192xi32, #tpu.memory_space<vmem>>, vector<16xi32>,
      %scan3A_543 = arith.constant 4 : i32
      %scan3A_544 = arith.addi %scan3A_411, %scan3A_543 : i32
      %mul3A_545 = arith.constant 16 : i32
      %mul3A_546 = arith.muli %scan3A_544, %mul3A_545 : i32
      %and3A_547 = arith.constant 8191 : i32
      %and3A_548 = arith.andi %mul3A_546, %and3A_547 : i32
      %shift_right_arithmetic3A_549 = arith.constant 10 : i32
      %shift_right_arithmetic3A_550 = arith.shrsi %and3A_548, %shift_right_arithmetic3A_549 : i32
      %shift_left3A_551 = arith.constant 7 : i32
      %shift_left3A_552 = arith.shli %shift_right_arithmetic3A_550, %shift_left3A_551 : i32
      %and3A_553 = arith.constant 127 : i32
      %and3A_554 = arith.andi %and3A_548, %and3A_553 : i32
      %add3A_555 = arith.addi %shift_left3A_552, %and3A_554 : i32
      %get3A_556 = arith.index_cast %mul3A_546 : i32 to index
      %get3A_557 = tpu.vector_load %arg7[%get3A_556] {strides = array<i32>} : memref<8192xi32, #tpu.memory_space<vmem>>, vector<16xi32>,
      %get3A_558 = vector.shape_cast %get3A_557 : vector<16xi32> to vector<16xi32>
      %shift_right_arithmetic3A_559 = arith.constant 7 : i32
      %shift_right_arithmetic3A_560 = vector.broadcast %shift_right_arithmetic3A_559 : i32 to vector<16xi32>
      %shift_right_arithmetic3A_561 = arith.shrsi %get3A_558, %shift_right_arithmetic3A_560 : vector<16xi32>
      %mul3A_562 = arith.constant 896 : i32
      %mul3A_563 = vector.broadcast %mul3A_562 : i32 to vector<16xi32>
      %mul3A_564 = arith.muli %shift_right_arithmetic3A_561, %mul3A_563 : vector<16xi32>
      %add3A_565 = arith.addi %get3A_558, %mul3A_564 : vector<16xi32>
      %shift_right_arithmetic3A_566 = arith.constant 3 : i32
      %shift_right_arithmetic3A_567 = arith.shrsi %add3A_555, %shift_right_arithmetic3A_566 : i32
      %mul3A_568 = arith.constant 524288 : i32
      %mul3A_569 = arith.muli %shift_right_arithmetic3A_567, %mul3A_568 : i32
      %add3A_570 = vector.broadcast %mul3A_569 : i32 to vector<16xi32>
      %add3A_571 = arith.addi %add3A_570, %add3A_13 : vector<16xi32>
      %add3A_572 = arith.addi %add3A_565, %add3A_571 : vector<16xi32>
      %swap3A_573 = arith.index_cast %mul3A_546 : i32 to index
      %swap3A_574 = tpu.vector_load %arg7[%swap3A_573] {strides = array<i32>} : memref<8192xi32, #tpu.memory_space<vmem>>, vector<16xi32>,
      %swap3A_575 = vector.shape_cast %swap3A_574 : vector<16xi32> to vector<16xi32>
      %swap3A_576 = vector.shape_cast %add3A_572 : vector<16xi32> to vector<16xi32>
      tpu.vector_store %arg7[%swap3A_573], %swap3A_576 {strides = array<i32>} : memref<8192xi32, #tpu.memory_space<vmem>>, vector<16xi32>,
      %scan3A_577 = arith.constant 5 : i32
      %scan3A_578 = arith.addi %scan3A_411, %scan3A_577 : i32
      %mul3A_579 = arith.constant 16 : i32
      %mul3A_580 = arith.muli %scan3A_578, %mul3A_579 : i32
      %and3A_581 = arith.constant 8191 : i32
      %and3A_582 = arith.andi %mul3A_580, %and3A_581 : i32
      %shift_right_arithmetic3A_583 = arith.constant 10 : i32
      %shift_right_arithmetic3A_584 = arith.shrsi %and3A_582, %shift_right_arithmetic3A_583 : i32
      %shift_left3A_585 = arith.constant 7 : i32
      %shift_left3A_586 = arith.shli %shift_right_arithmetic3A_584, %shift_left3A_585 : i32
      %and3A_587 = arith.constant 127 : i32
      %and3A_588 = arith.andi %and3A_582, %and3A_587 : i32
      %add3A_589 = arith.addi %shift_left3A_586, %and3A_588 : i32
      %get3A_590 = arith.index_cast %mul3A_580 : i32 to index
      %get3A_591 = tpu.vector_load %arg7[%get3A_590] {strides = array<i32>} : memref<8192xi32, #tpu.memory_space<vmem>>, vector<16xi32>,
      %get3A_592 = vector.shape_cast %get3A_591 : vector<16xi32> to vector<16xi32>
      %shift_right_arithmetic3A_593 = arith.constant 7 : i32
      %shift_right_arithmetic3A_594 = vector.broadcast %shift_right_arithmetic3A_593 : i32 to vector<16xi32>
      %shift_right_arithmetic3A_595 = arith.shrsi %get3A_592, %shift_right_arithmetic3A_594 : vector<16xi32>
      %mul3A_596 = arith.constant 896 : i32
      %mul3A_597 = vector.broadcast %mul3A_596 : i32 to vector<16xi32>
      %mul3A_598 = arith.muli %shift_right_arithmetic3A_595, %mul3A_597 : vector<16xi32>
      %add3A_599 = arith.addi %get3A_592, %mul3A_598 : vector<16xi32>
      %shift_right_arithmetic3A_600 = arith.constant 3 : i32
      %shift_right_arithmetic3A_601 = arith.shrsi %add3A_589, %shift_right_arithmetic3A_600 : i32
      %mul3A_602 = arith.constant 524288 : i32
      %mul3A_603 = arith.muli %shift_right_arithmetic3A_601, %mul3A_602 : i32
      %add3A_604 = vector.broadcast %mul3A_603 : i32 to vector<16xi32>
      %add3A_605 = arith.addi %add3A_604, %add3A_13 : vector<16xi32>
      %add3A_606 = arith.addi %add3A_599, %add3A_605 : vector<16xi32>
      %swap3A_607 = arith.index_cast %mul3A_580 : i32 to index
      %swap3A_608 = tpu.vector_load %arg7[%swap3A_607] {strides = array<i32>} : memref<8192xi32, #tpu.memory_space<vmem>>, vector<16xi32>,
      %swap3A_609 = vector.shape_cast %swap3A_608 : vector<16xi32> to vector<16xi32>
      %swap3A_610 = vector.shape_cast %add3A_606 : vector<16xi32> to vector<16xi32>
      tpu.vector_store %arg7[%swap3A_607], %swap3A_610 {strides = array<i32>} : memref<8192xi32, #tpu.memory_space<vmem>>, vector<16xi32>,
      %scan3A_611 = arith.constant 6 : i32
      %scan3A_612 = arith.addi %scan3A_411, %scan3A_611 : i32
      %mul3A_613 = arith.constant 16 : i32
      %mul3A_614 = arith.muli %scan3A_612, %mul3A_613 : i32
      %and3A_615 = arith.constant 8191 : i32
      %and3A_616 = arith.andi %mul3A_614, %and3A_615 : i32
      %shift_right_arithmetic3A_617 = arith.constant 10 : i32
      %shift_right_arithmetic3A_618 = arith.shrsi %and3A_616, %shift_right_arithmetic3A_617 : i32
      %shift_left3A_619 = arith.constant 7 : i32
      %shift_left3A_620 = arith.shli %shift_right_arithmetic3A_618, %shift_left3A_619 : i32
      %and3A_621 = arith.constant 127 : i32
      %and3A_622 = arith.andi %and3A_616, %and3A_621 : i32
      %add3A_623 = arith.addi %shift_left3A_620, %and3A_622 : i32
      %get3A_624 = arith.index_cast %mul3A_614 : i32 to index
      %get3A_625 = tpu.vector_load %arg7[%get3A_624] {strides = array<i32>} : memref<8192xi32, #tpu.memory_space<vmem>>, vector<16xi32>,
      %get3A_626 = vector.shape_cast %get3A_625 : vector<16xi32> to vector<16xi32>
      %shift_right_arithmetic3A_627 = arith.constant 7 : i32
      %shift_right_arithmetic3A_628 = vector.broadcast %shift_right_arithmetic3A_627 : i32 to vector<16xi32>
      %shift_right_arithmetic3A_629 = arith.shrsi %get3A_626, %shift_right_arithmetic3A_628 : vector<16xi32>
      %mul3A_630 = arith.constant 896 : i32
      %mul3A_631 = vector.broadcast %mul3A_630 : i32 to vector<16xi32>
      %mul3A_632 = arith.muli %shift_right_arithmetic3A_629, %mul3A_631 : vector<16xi32>
      %add3A_633 = arith.addi %get3A_626, %mul3A_632 : vector<16xi32>
      %shift_right_arithmetic3A_634 = arith.constant 3 : i32
      %shift_right_arithmetic3A_635 = arith.shrsi %add3A_623, %shift_right_arithmetic3A_634 : i32
      %mul3A_636 = arith.constant 524288 : i32
      %mul3A_637 = arith.muli %shift_right_arithmetic3A_635, %mul3A_636 : i32
      %add3A_638 = vector.broadcast %mul3A_637 : i32 to vector<16xi32>
      %add3A_639 = arith.addi %add3A_638, %add3A_13 : vector<16xi32>
      %add3A_640 = arith.addi %add3A_633, %add3A_639 : vector<16xi32>
      %swap3A_641 = arith.index_cast %mul3A_614 : i32 to index
      %swap3A_642 = tpu.vector_load %arg7[%swap3A_641] {strides = array<i32>} : memref<8192xi32, #tpu.memory_space<vmem>>, vector<16xi32>,
      %swap3A_643 = vector.shape_cast %swap3A_642 : vector<16xi32> to vector<16xi32>
      %swap3A_644 = vector.shape_cast %add3A_640 : vector<16xi32> to vector<16xi32>
      tpu.vector_store %arg7[%swap3A_641], %swap3A_644 {strides = array<i32>} : memref<8192xi32, #tpu.memory_space<vmem>>, vector<16xi32>,
      %scan3A_645 = arith.constant 7 : i32
      %scan3A_646 = arith.addi %scan3A_411, %scan3A_645 : i32
      %mul3A_647 = arith.constant 16 : i32
      %mul3A_648 = arith.muli %scan3A_646, %mul3A_647 : i32
      %and3A_649 = arith.constant 8191 : i32
      %and3A_650 = arith.andi %mul3A_648, %and3A_649 : i32
      %shift_right_arithmetic3A_651 = arith.constant 10 : i32
      %shift_right_arithmetic3A_652 = arith.shrsi %and3A_650, %shift_right_arithmetic3A_651 : i32
      %shift_left3A_653 = arith.constant 7 : i32
      %shift_left3A_654 = arith.shli %shift_right_arithmetic3A_652, %shift_left3A_653 : i32
      %and3A_655 = arith.constant 127 : i32
      %and3A_656 = arith.andi %and3A_650, %and3A_655 : i32
      %add3A_657 = arith.addi %shift_left3A_654, %and3A_656 : i32
      %get3A_658 = arith.index_cast %mul3A_648 : i32 to index
      %get3A_659 = tpu.vector_load %arg7[%get3A_658] {strides = array<i32>} : memref<8192xi32, #tpu.memory_space<vmem>>, vector<16xi32>,
      %get3A_660 = vector.shape_cast %get3A_659 : vector<16xi32> to vector<16xi32>
      %shift_right_arithmetic3A_661 = arith.constant 7 : i32
      %shift_right_arithmetic3A_662 = vector.broadcast %shift_right_arithmetic3A_661 : i32 to vector<16xi32>
      %shift_right_arithmetic3A_663 = arith.shrsi %get3A_660, %shift_right_arithmetic3A_662 : vector<16xi32>
      %mul3A_664 = arith.constant 896 : i32
      %mul3A_665 = vector.broadcast %mul3A_664 : i32 to vector<16xi32>
      %mul3A_666 = arith.muli %shift_right_arithmetic3A_663, %mul3A_665 : vector<16xi32>
      %add3A_667 = arith.addi %get3A_660, %mul3A_666 : vector<16xi32>
      %shift_right_arithmetic3A_668 = arith.constant 3 : i32
      %shift_right_arithmetic3A_669 = arith.shrsi %add3A_657, %shift_right_arithmetic3A_668 : i32
      %mul3A_670 = arith.constant 524288 : i32
      %mul3A_671 = arith.muli %shift_right_arithmetic3A_669, %mul3A_670 : i32
      %add3A_672 = vector.broadcast %mul3A_671 : i32 to vector<16xi32>
      %add3A_673 = arith.addi %add3A_672, %add3A_13 : vector<16xi32>
      %add3A_674 = arith.addi %add3A_667, %add3A_673 : vector<16xi32>
      %swap3A_675 = arith.index_cast %mul3A_648 : i32 to index
      %swap3A_676 = tpu.vector_load %arg7[%swap3A_675] {strides = array<i32>} : memref<8192xi32, #tpu.memory_space<vmem>>, vector<16xi32>,
      %swap3A_677 = vector.shape_cast %swap3A_676 : vector<16xi32> to vector<16xi32>
      %swap3A_678 = vector.shape_cast %add3A_674 : vector<16xi32> to vector<16xi32>
      tpu.vector_store %arg7[%swap3A_675], %swap3A_678 {strides = array<i32>} : memref<8192xi32, #tpu.memory_space<vmem>>, vector<16xi32>,
    }
    %scan3A_335 = arith.constant 512 : i32
    %add3A_336 = arith.constant 65536 : i32
    %add3A_337 = arith.addi %mul3A_2, %add3A_336 : i32
    %dma_wait3A_338 = tpu.memref_slice %arg4[%add3A_337] : memref<4194304xf32, #tpu.memory_space<hbm>> -> memref<8192xf32, #tpu.memory_space<hbm>>
    %dma_wait3A_339 = tpu.memref_slice %arg4[%add3A_337] : memref<4194304xf32, #tpu.memory_space<hbm>> -> memref<8192xf32, #tpu.memory_space<hbm>>
    tpu.wait_dma2 semaphore(%arg29 : memref<!tpu.dma_semaphore, #tpu.memory_space<semaphore_mem>>) src(%arg13 : memref<8192xf32, #tpu.memory_space<vmem>>) dst(%dma_wait3A_339 : memref<8192xf32, #tpu.memory_space<hbm>>)
    %dma_start3A_340 = arith.constant 0 : i32
    %dma_start3A_341 = tpu.memref_slice %arg2[%dma_start3A_340] : memref<67108864xf32, #tpu.memory_space<hbm>> -> memref<67108864xf32, #tpu.memory_space<hbm>>
    tpu.enqueue_indirect_dma source(%dma_start3A_341 : memref<67108864xf32, #tpu.memory_space<hbm>>) target(%arg13 : memref<8192xf32, #tpu.memory_space<vmem>>) offsets(%arg7 : memref<8192xi32, #tpu.memory_space<vmem>>) semaphore(%arg25 : memref<!tpu.dma_semaphore, #tpu.memory_space<semaphore_mem>>)
    %dma_wait3A_342 = arith.constant 0 : i32
    %dma_wait3A_343 = tpu.memref_slice %arg2[%dma_wait3A_342] : memref<67108864xf32, #tpu.memory_space<hbm>> -> memref<67108864xf32, #tpu.memory_space<hbm>>
    tpu.wait_indirect_dma semaphore(%arg26 : memref<!tpu.dma_semaphore, #tpu.memory_space<semaphore_mem>>) src(%dma_wait3A_343 : memref<67108864xf32, #tpu.memory_space<hbm>>) dst(%arg16 : memref<8192xf32, #tpu.memory_space<vmem>>)
    %add3A_344 = arith.constant 90112 : i32
    %add3A_345 = arith.addi %mul3A_2, %add3A_344 : i32
    %dma_start3A_346 = tpu.memref_slice %arg4[%add3A_345] : memref<4194304xf32, #tpu.memory_space<hbm>> -> memref<8192xf32, #tpu.memory_space<hbm>>
    %dma_start3A_347 = tpu.memref_slice %arg4[%add3A_345] : memref<4194304xf32, #tpu.memory_space<hbm>> -> memref<8192xf32, #tpu.memory_space<hbm>>
    tpu.enqueue_dma source(%arg16 : memref<8192xf32, #tpu.memory_space<vmem>>) target(%dma_start3A_347 : memref<8192xf32, #tpu.memory_space<hbm>>) target_semaphore(%arg32 : memref<!tpu.dma_semaphore, #tpu.memory_space<semaphore_mem>>)
    %add3A_348 = arith.constant 122880 : i32
    %add3A_349 = arith.addi %mul3A_2, %add3A_348 : i32
    %dma_wait3A_350 = tpu.memref_slice %arg3[%add3A_349] : memref<4194304xi32, #tpu.memory_space<hbm>> -> memref<8192xi32, #tpu.memory_space<hbm>>
    %dma_wait3A_351 = tpu.memref_slice %arg3[%add3A_349] : memref<4194304xi32, #tpu.memory_space<hbm>> -> memref<8192xi32, #tpu.memory_space<hbm>>
    tpu.wait_dma2 semaphore(%arg20 : memref<!tpu.dma_semaphore, #tpu.memory_space<semaphore_mem>>) src(%dma_wait3A_351 : memref<8192xi32, #tpu.memory_space<hbm>>) dst(%arg8 : memref<8192xi32, #tpu.memory_space<vmem>>)
    %scan3A_352 = arith.constant 0 : i32
    %scan3A_353 = arith.constant 512 : i32
    %scan3A_354 = arith.addi %scan3A_352, %scan3A_353 : i32
    %scan3A_355 = arith.constant 8 : i32
    scf.for %scan3A_411 = %scan3A_352 to %scan3A_354 step %scan3A_355  : i32 {
      %mul3A_412 = arith.constant 16 : i32
      %mul3A_413 = arith.muli %scan3A_411, %mul3A_412 : i32
      %and3A_414 = arith.constant 8191 : i32
      %and3A_415 = arith.andi %mul3A_413, %and3A_414 : i32
      %shift_right_arithmetic3A_416 = arith.constant 10 : i32
      %shift_right_arithmetic3A_417 = arith.shrsi %and3A_415, %shift_right_arithmetic3A_416 : i32
      %shift_left3A = arith.constant 7 : i32
      %shift_left3A_418 = arith.shli %shift_right_arithmetic3A_417, %shift_left3A : i32
      %and3A_419 = arith.constant 127 : i32
      %and3A_420 = arith.andi %and3A_415, %and3A_419 : i32
      %add3A_421 = arith.addi %shift_left3A_418, %and3A_420 : i32
      %get3A = arith.index_cast %mul3A_413 : i32 to index
      %get3A_422 = tpu.vector_load %arg8[%get3A] {strides = array<i32>} : memref<8192xi32, #tpu.memory_space<vmem>>, vector<16xi32>,
      %get3A_423 = vector.shape_cast %get3A_422 : vector<16xi32> to vector<16xi32>
      %shift_right_arithmetic3A_424 = arith.constant 7 : i32
      %shift_right_arithmetic3A_425 = vector.broadcast %shift_right_arithmetic3A_424 : i32 to vector<16xi32>
      %shift_right_arithmetic3A_426 = arith.shrsi %get3A_423, %shift_right_arithmetic3A_425 : vector<16xi32>
      %mul3A_427 = arith.constant 896 : i32
      %mul3A_428 = vector.broadcast %mul3A_427 : i32 to vector<16xi32>
      %mul3A_429 = arith.muli %shift_right_arithmetic3A_426, %mul3A_428 : vector<16xi32>
      %add3A_430 = arith.addi %get3A_423, %mul3A_429 : vector<16xi32>
      %shift_right_arithmetic3A_431 = arith.constant 3 : i32
      %shift_right_arithmetic3A_432 = arith.shrsi %add3A_421, %shift_right_arithmetic3A_431 : i32
      %mul3A_433 = arith.constant 524288 : i32
      %mul3A_434 = arith.muli %shift_right_arithmetic3A_432, %mul3A_433 : i32
      %add3A_435 = vector.broadcast %mul3A_434 : i32 to vector<16xi32>
      %add3A_436 = arith.addi %add3A_435, %add3A_13 : vector<16xi32>
      %add3A_437 = arith.addi %add3A_430, %add3A_436 : vector<16xi32>
      %swap3A = arith.index_cast %mul3A_413 : i32 to index
      %swap3A_438 = tpu.vector_load %arg8[%swap3A] {strides = array<i32>} : memref<8192xi32, #tpu.memory_space<vmem>>, vector<16xi32>,
      %swap3A_439 = vector.shape_cast %swap3A_438 : vector<16xi32> to vector<16xi32>
      %swap3A_440 = vector.shape_cast %add3A_437 : vector<16xi32> to vector<16xi32>
      tpu.vector_store %arg8[%swap3A], %swap3A_440 {strides = array<i32>} : memref<8192xi32, #tpu.memory_space<vmem>>, vector<16xi32>,
      %scan3A_441 = arith.constant 1 : i32
      %scan3A_442 = arith.addi %scan3A_411, %scan3A_441 : i32
      %mul3A_443 = arith.constant 16 : i32
      %mul3A_444 = arith.muli %scan3A_442, %mul3A_443 : i32
      %and3A_445 = arith.constant 8191 : i32
      %and3A_446 = arith.andi %mul3A_444, %and3A_445 : i32
      %shift_right_arithmetic3A_447 = arith.constant 10 : i32
      %shift_right_arithmetic3A_448 = arith.shrsi %and3A_446, %shift_right_arithmetic3A_447 : i32
      %shift_left3A_449 = arith.constant 7 : i32
      %shift_left3A_450 = arith.shli %shift_right_arithmetic3A_448, %shift_left3A_449 : i32
      %and3A_451 = arith.constant 127 : i32
      %and3A_452 = arith.andi %and3A_446, %and3A_451 : i32
      %add3A_453 = arith.addi %shift_left3A_450, %and3A_452 : i32
      %get3A_454 = arith.index_cast %mul3A_444 : i32 to index
      %get3A_455 = tpu.vector_load %arg8[%get3A_454] {strides = array<i32>} : memref<8192xi32, #tpu.memory_space<vmem>>, vector<16xi32>,
      %get3A_456 = vector.shape_cast %get3A_455 : vector<16xi32> to vector<16xi32>
      %shift_right_arithmetic3A_457 = arith.constant 7 : i32
      %shift_right_arithmetic3A_458 = vector.broadcast %shift_right_arithmetic3A_457 : i32 to vector<16xi32>
      %shift_right_arithmetic3A_459 = arith.shrsi %get3A_456, %shift_right_arithmetic3A_458 : vector<16xi32>
      %mul3A_460 = arith.constant 896 : i32
      %mul3A_461 = vector.broadcast %mul3A_460 : i32 to vector<16xi32>
      %mul3A_462 = arith.muli %shift_right_arithmetic3A_459, %mul3A_461 : vector<16xi32>
      %add3A_463 = arith.addi %get3A_456, %mul3A_462 : vector<16xi32>
      %shift_right_arithmetic3A_464 = arith.constant 3 : i32
      %shift_right_arithmetic3A_465 = arith.shrsi %add3A_453, %shift_right_arithmetic3A_464 : i32
      %mul3A_466 = arith.constant 524288 : i32
      %mul3A_467 = arith.muli %shift_right_arithmetic3A_465, %mul3A_466 : i32
      %add3A_468 = vector.broadcast %mul3A_467 : i32 to vector<16xi32>
      %add3A_469 = arith.addi %add3A_468, %add3A_13 : vector<16xi32>
      %add3A_470 = arith.addi %add3A_463, %add3A_469 : vector<16xi32>
      %swap3A_471 = arith.index_cast %mul3A_444 : i32 to index
      %swap3A_472 = tpu.vector_load %arg8[%swap3A_471] {strides = array<i32>} : memref<8192xi32, #tpu.memory_space<vmem>>, vector<16xi32>,
      %swap3A_473 = vector.shape_cast %swap3A_472 : vector<16xi32> to vector<16xi32>
      %swap3A_474 = vector.shape_cast %add3A_470 : vector<16xi32> to vector<16xi32>
      tpu.vector_store %arg8[%swap3A_471], %swap3A_474 {strides = array<i32>} : memref<8192xi32, #tpu.memory_space<vmem>>, vector<16xi32>,
      %scan3A_475 = arith.constant 2 : i32
      %scan3A_476 = arith.addi %scan3A_411, %scan3A_475 : i32
      %mul3A_477 = arith.constant 16 : i32
      %mul3A_478 = arith.muli %scan3A_476, %mul3A_477 : i32
      %and3A_479 = arith.constant 8191 : i32
      %and3A_480 = arith.andi %mul3A_478, %and3A_479 : i32
      %shift_right_arithmetic3A_481 = arith.constant 10 : i32
      %shift_right_arithmetic3A_482 = arith.shrsi %and3A_480, %shift_right_arithmetic3A_481 : i32
      %shift_left3A_483 = arith.constant 7 : i32
      %shift_left3A_484 = arith.shli %shift_right_arithmetic3A_482, %shift_left3A_483 : i32
      %and3A_485 = arith.constant 127 : i32
      %and3A_486 = arith.andi %and3A_480, %and3A_485 : i32
      %add3A_487 = arith.addi %shift_left3A_484, %and3A_486 : i32
      %get3A_488 = arith.index_cast %mul3A_478 : i32 to index
      %get3A_489 = tpu.vector_load %arg8[%get3A_488] {strides = array<i32>} : memref<8192xi32, #tpu.memory_space<vmem>>, vector<16xi32>,
      %get3A_490 = vector.shape_cast %get3A_489 : vector<16xi32> to vector<16xi32>
      %shift_right_arithmetic3A_491 = arith.constant 7 : i32
      %shift_right_arithmetic3A_492 = vector.broadcast %shift_right_arithmetic3A_491 : i32 to vector<16xi32>
      %shift_right_arithmetic3A_493 = arith.shrsi %get3A_490, %shift_right_arithmetic3A_492 : vector<16xi32>
      %mul3A_494 = arith.constant 896 : i32
      %mul3A_495 = vector.broadcast %mul3A_494 : i32 to vector<16xi32>
      %mul3A_496 = arith.muli %shift_right_arithmetic3A_493, %mul3A_495 : vector<16xi32>
      %add3A_497 = arith.addi %get3A_490, %mul3A_496 : vector<16xi32>
      %shift_right_arithmetic3A_498 = arith.constant 3 : i32
      %shift_right_arithmetic3A_499 = arith.shrsi %add3A_487, %shift_right_arithmetic3A_498 : i32
      %mul3A_500 = arith.constant 524288 : i32
      %mul3A_501 = arith.muli %shift_right_arithmetic3A_499, %mul3A_500 : i32
      %add3A_502 = vector.broadcast %mul3A_501 : i32 to vector<16xi32>
      %add3A_503 = arith.addi %add3A_502, %add3A_13 : vector<16xi32>
      %add3A_504 = arith.addi %add3A_497, %add3A_503 : vector<16xi32>
      %swap3A_505 = arith.index_cast %mul3A_478 : i32 to index
      %swap3A_506 = tpu.vector_load %arg8[%swap3A_505] {strides = array<i32>} : memref<8192xi32, #tpu.memory_space<vmem>>, vector<16xi32>,
      %swap3A_507 = vector.shape_cast %swap3A_506 : vector<16xi32> to vector<16xi32>
      %swap3A_508 = vector.shape_cast %add3A_504 : vector<16xi32> to vector<16xi32>
      tpu.vector_store %arg8[%swap3A_505], %swap3A_508 {strides = array<i32>} : memref<8192xi32, #tpu.memory_space<vmem>>, vector<16xi32>,
      %scan3A_509 = arith.constant 3 : i32
      %scan3A_510 = arith.addi %scan3A_411, %scan3A_509 : i32
      %mul3A_511 = arith.constant 16 : i32
      %mul3A_512 = arith.muli %scan3A_510, %mul3A_511 : i32
      %and3A_513 = arith.constant 8191 : i32
      %and3A_514 = arith.andi %mul3A_512, %and3A_513 : i32
      %shift_right_arithmetic3A_515 = arith.constant 10 : i32
      %shift_right_arithmetic3A_516 = arith.shrsi %and3A_514, %shift_right_arithmetic3A_515 : i32
      %shift_left3A_517 = arith.constant 7 : i32
      %shift_left3A_518 = arith.shli %shift_right_arithmetic3A_516, %shift_left3A_517 : i32
      %and3A_519 = arith.constant 127 : i32
      %and3A_520 = arith.andi %and3A_514, %and3A_519 : i32
      %add3A_521 = arith.addi %shift_left3A_518, %and3A_520 : i32
      %get3A_522 = arith.index_cast %mul3A_512 : i32 to index
      %get3A_523 = tpu.vector_load %arg8[%get3A_522] {strides = array<i32>} : memref<8192xi32, #tpu.memory_space<vmem>>, vector<16xi32>,
      %get3A_524 = vector.shape_cast %get3A_523 : vector<16xi32> to vector<16xi32>
      %shift_right_arithmetic3A_525 = arith.constant 7 : i32
      %shift_right_arithmetic3A_526 = vector.broadcast %shift_right_arithmetic3A_525 : i32 to vector<16xi32>
      %shift_right_arithmetic3A_527 = arith.shrsi %get3A_524, %shift_right_arithmetic3A_526 : vector<16xi32>
      %mul3A_528 = arith.constant 896 : i32
      %mul3A_529 = vector.broadcast %mul3A_528 : i32 to vector<16xi32>
      %mul3A_530 = arith.muli %shift_right_arithmetic3A_527, %mul3A_529 : vector<16xi32>
      %add3A_531 = arith.addi %get3A_524, %mul3A_530 : vector<16xi32>
      %shift_right_arithmetic3A_532 = arith.constant 3 : i32
      %shift_right_arithmetic3A_533 = arith.shrsi %add3A_521, %shift_right_arithmetic3A_532 : i32
      %mul3A_534 = arith.constant 524288 : i32
      %mul3A_535 = arith.muli %shift_right_arithmetic3A_533, %mul3A_534 : i32
      %add3A_536 = vector.broadcast %mul3A_535 : i32 to vector<16xi32>
      %add3A_537 = arith.addi %add3A_536, %add3A_13 : vector<16xi32>
      %add3A_538 = arith.addi %add3A_531, %add3A_537 : vector<16xi32>
      %swap3A_539 = arith.index_cast %mul3A_512 : i32 to index
      %swap3A_540 = tpu.vector_load %arg8[%swap3A_539] {strides = array<i32>} : memref<8192xi32, #tpu.memory_space<vmem>>, vector<16xi32>,
      %swap3A_541 = vector.shape_cast %swap3A_540 : vector<16xi32> to vector<16xi32>
      %swap3A_542 = vector.shape_cast %add3A_538 : vector<16xi32> to vector<16xi32>
      tpu.vector_store %arg8[%swap3A_539], %swap3A_542 {strides = array<i32>} : memref<8192xi32, #tpu.memory_space<vmem>>, vector<16xi32>,
      %scan3A_543 = arith.constant 4 : i32
      %scan3A_544 = arith.addi %scan3A_411, %scan3A_543 : i32
      %mul3A_545 = arith.constant 16 : i32
      %mul3A_546 = arith.muli %scan3A_544, %mul3A_545 : i32
      %and3A_547 = arith.constant 8191 : i32
      %and3A_548 = arith.andi %mul3A_546, %and3A_547 : i32
      %shift_right_arithmetic3A_549 = arith.constant 10 : i32
      %shift_right_arithmetic3A_550 = arith.shrsi %and3A_548, %shift_right_arithmetic3A_549 : i32
      %shift_left3A_551 = arith.constant 7 : i32
      %shift_left3A_552 = arith.shli %shift_right_arithmetic3A_550, %shift_left3A_551 : i32
      %and3A_553 = arith.constant 127 : i32
      %and3A_554 = arith.andi %and3A_548, %and3A_553 : i32
      %add3A_555 = arith.addi %shift_left3A_552, %and3A_554 : i32
      %get3A_556 = arith.index_cast %mul3A_546 : i32 to index
      %get3A_557 = tpu.vector_load %arg8[%get3A_556] {strides = array<i32>} : memref<8192xi32, #tpu.memory_space<vmem>>, vector<16xi32>,
      %get3A_558 = vector.shape_cast %get3A_557 : vector<16xi32> to vector<16xi32>
      %shift_right_arithmetic3A_559 = arith.constant 7 : i32
      %shift_right_arithmetic3A_560 = vector.broadcast %shift_right_arithmetic3A_559 : i32 to vector<16xi32>
      %shift_right_arithmetic3A_561 = arith.shrsi %get3A_558, %shift_right_arithmetic3A_560 : vector<16xi32>
      %mul3A_562 = arith.constant 896 : i32
      %mul3A_563 = vector.broadcast %mul3A_562 : i32 to vector<16xi32>
      %mul3A_564 = arith.muli %shift_right_arithmetic3A_561, %mul3A_563 : vector<16xi32>
      %add3A_565 = arith.addi %get3A_558, %mul3A_564 : vector<16xi32>
      %shift_right_arithmetic3A_566 = arith.constant 3 : i32
      %shift_right_arithmetic3A_567 = arith.shrsi %add3A_555, %shift_right_arithmetic3A_566 : i32
      %mul3A_568 = arith.constant 524288 : i32
      %mul3A_569 = arith.muli %shift_right_arithmetic3A_567, %mul3A_568 : i32
      %add3A_570 = vector.broadcast %mul3A_569 : i32 to vector<16xi32>
      %add3A_571 = arith.addi %add3A_570, %add3A_13 : vector<16xi32>
      %add3A_572 = arith.addi %add3A_565, %add3A_571 : vector<16xi32>
      %swap3A_573 = arith.index_cast %mul3A_546 : i32 to index
      %swap3A_574 = tpu.vector_load %arg8[%swap3A_573] {strides = array<i32>} : memref<8192xi32, #tpu.memory_space<vmem>>, vector<16xi32>,
      %swap3A_575 = vector.shape_cast %swap3A_574 : vector<16xi32> to vector<16xi32>
      %swap3A_576 = vector.shape_cast %add3A_572 : vector<16xi32> to vector<16xi32>
      tpu.vector_store %arg8[%swap3A_573], %swap3A_576 {strides = array<i32>} : memref<8192xi32, #tpu.memory_space<vmem>>, vector<16xi32>,
      %scan3A_577 = arith.constant 5 : i32
      %scan3A_578 = arith.addi %scan3A_411, %scan3A_577 : i32
      %mul3A_579 = arith.constant 16 : i32
      %mul3A_580 = arith.muli %scan3A_578, %mul3A_579 : i32
      %and3A_581 = arith.constant 8191 : i32
      %and3A_582 = arith.andi %mul3A_580, %and3A_581 : i32
      %shift_right_arithmetic3A_583 = arith.constant 10 : i32
      %shift_right_arithmetic3A_584 = arith.shrsi %and3A_582, %shift_right_arithmetic3A_583 : i32
      %shift_left3A_585 = arith.constant 7 : i32
      %shift_left3A_586 = arith.shli %shift_right_arithmetic3A_584, %shift_left3A_585 : i32
      %and3A_587 = arith.constant 127 : i32
      %and3A_588 = arith.andi %and3A_582, %and3A_587 : i32
      %add3A_589 = arith.addi %shift_left3A_586, %and3A_588 : i32
      %get3A_590 = arith.index_cast %mul3A_580 : i32 to index
      %get3A_591 = tpu.vector_load %arg8[%get3A_590] {strides = array<i32>} : memref<8192xi32, #tpu.memory_space<vmem>>, vector<16xi32>,
      %get3A_592 = vector.shape_cast %get3A_591 : vector<16xi32> to vector<16xi32>
      %shift_right_arithmetic3A_593 = arith.constant 7 : i32
      %shift_right_arithmetic3A_594 = vector.broadcast %shift_right_arithmetic3A_593 : i32 to vector<16xi32>
      %shift_right_arithmetic3A_595 = arith.shrsi %get3A_592, %shift_right_arithmetic3A_594 : vector<16xi32>
      %mul3A_596 = arith.constant 896 : i32
      %mul3A_597 = vector.broadcast %mul3A_596 : i32 to vector<16xi32>
      %mul3A_598 = arith.muli %shift_right_arithmetic3A_595, %mul3A_597 : vector<16xi32>
      %add3A_599 = arith.addi %get3A_592, %mul3A_598 : vector<16xi32>
      %shift_right_arithmetic3A_600 = arith.constant 3 : i32
      %shift_right_arithmetic3A_601 = arith.shrsi %add3A_589, %shift_right_arithmetic3A_600 : i32
      %mul3A_602 = arith.constant 524288 : i32
      %mul3A_603 = arith.muli %shift_right_arithmetic3A_601, %mul3A_602 : i32
      %add3A_604 = vector.broadcast %mul3A_603 : i32 to vector<16xi32>
      %add3A_605 = arith.addi %add3A_604, %add3A_13 : vector<16xi32>
      %add3A_606 = arith.addi %add3A_599, %add3A_605 : vector<16xi32>
      %swap3A_607 = arith.index_cast %mul3A_580 : i32 to index
      %swap3A_608 = tpu.vector_load %arg8[%swap3A_607] {strides = array<i32>} : memref<8192xi32, #tpu.memory_space<vmem>>, vector<16xi32>,
      %swap3A_609 = vector.shape_cast %swap3A_608 : vector<16xi32> to vector<16xi32>
      %swap3A_610 = vector.shape_cast %add3A_606 : vector<16xi32> to vector<16xi32>
      tpu.vector_store %arg8[%swap3A_607], %swap3A_610 {strides = array<i32>} : memref<8192xi32, #tpu.memory_space<vmem>>, vector<16xi32>,
      %scan3A_611 = arith.constant 6 : i32
      %scan3A_612 = arith.addi %scan3A_411, %scan3A_611 : i32
      %mul3A_613 = arith.constant 16 : i32
      %mul3A_614 = arith.muli %scan3A_612, %mul3A_613 : i32
      %and3A_615 = arith.constant 8191 : i32
      %and3A_616 = arith.andi %mul3A_614, %and3A_615 : i32
      %shift_right_arithmetic3A_617 = arith.constant 10 : i32
      %shift_right_arithmetic3A_618 = arith.shrsi %and3A_616, %shift_right_arithmetic3A_617 : i32
      %shift_left3A_619 = arith.constant 7 : i32
      %shift_left3A_620 = arith.shli %shift_right_arithmetic3A_618, %shift_left3A_619 : i32
      %and3A_621 = arith.constant 127 : i32
      %and3A_622 = arith.andi %and3A_616, %and3A_621 : i32
      %add3A_623 = arith.addi %shift_left3A_620, %and3A_622 : i32
      %get3A_624 = arith.index_cast %mul3A_614 : i32 to index
      %get3A_625 = tpu.vector_load %arg8[%get3A_624] {strides = array<i32>} : memref<8192xi32, #tpu.memory_space<vmem>>, vector<16xi32>,
      %get3A_626 = vector.shape_cast %get3A_625 : vector<16xi32> to vector<16xi32>
      %shift_right_arithmetic3A_627 = arith.constant 7 : i32
      %shift_right_arithmetic3A_628 = vector.broadcast %shift_right_arithmetic3A_627 : i32 to vector<16xi32>
      %shift_right_arithmetic3A_629 = arith.shrsi %get3A_626, %shift_right_arithmetic3A_628 : vector<16xi32>
      %mul3A_630 = arith.constant 896 : i32
      %mul3A_631 = vector.broadcast %mul3A_630 : i32 to vector<16xi32>
      %mul3A_632 = arith.muli %shift_right_arithmetic3A_629, %mul3A_631 : vector<16xi32>
      %add3A_633 = arith.addi %get3A_626, %mul3A_632 : vector<16xi32>
      %shift_right_arithmetic3A_634 = arith.constant 3 : i32
      %shift_right_arithmetic3A_635 = arith.shrsi %add3A_623, %shift_right_arithmetic3A_634 : i32
      %mul3A_636 = arith.constant 524288 : i32
      %mul3A_637 = arith.muli %shift_right_arithmetic3A_635, %mul3A_636 : i32
      %add3A_638 = vector.broadcast %mul3A_637 : i32 to vector<16xi32>
      %add3A_639 = arith.addi %add3A_638, %add3A_13 : vector<16xi32>
      %add3A_640 = arith.addi %add3A_633, %add3A_639 : vector<16xi32>
      %swap3A_641 = arith.index_cast %mul3A_614 : i32 to index
      %swap3A_642 = tpu.vector_load %arg8[%swap3A_641] {strides = array<i32>} : memref<8192xi32, #tpu.memory_space<vmem>>, vector<16xi32>,
      %swap3A_643 = vector.shape_cast %swap3A_642 : vector<16xi32> to vector<16xi32>
      %swap3A_644 = vector.shape_cast %add3A_640 : vector<16xi32> to vector<16xi32>
      tpu.vector_store %arg8[%swap3A_641], %swap3A_644 {strides = array<i32>} : memref<8192xi32, #tpu.memory_space<vmem>>, vector<16xi32>,
      %scan3A_645 = arith.constant 7 : i32
      %scan3A_646 = arith.addi %scan3A_411, %scan3A_645 : i32
      %mul3A_647 = arith.constant 16 : i32
      %mul3A_648 = arith.muli %scan3A_646, %mul3A_647 : i32
      %and3A_649 = arith.constant 8191 : i32
      %and3A_650 = arith.andi %mul3A_648, %and3A_649 : i32
      %shift_right_arithmetic3A_651 = arith.constant 10 : i32
      %shift_right_arithmetic3A_652 = arith.shrsi %and3A_650, %shift_right_arithmetic3A_651 : i32
      %shift_left3A_653 = arith.constant 7 : i32
      %shift_left3A_654 = arith.shli %shift_right_arithmetic3A_652, %shift_left3A_653 : i32
      %and3A_655 = arith.constant 127 : i32
      %and3A_656 = arith.andi %and3A_650, %and3A_655 : i32
      %add3A_657 = arith.addi %shift_left3A_654, %and3A_656 : i32
      %get3A_658 = arith.index_cast %mul3A_648 : i32 to index
      %get3A_659 = tpu.vector_load %arg8[%get3A_658] {strides = array<i32>} : memref<8192xi32, #tpu.memory_space<vmem>>, vector<16xi32>,
      %get3A_660 = vector.shape_cast %get3A_659 : vector<16xi32> to vector<16xi32>
      %shift_right_arithmetic3A_661 = arith.constant 7 : i32
      %shift_right_arithmetic3A_662 = vector.broadcast %shift_right_arithmetic3A_661 : i32 to vector<16xi32>
      %shift_right_arithmetic3A_663 = arith.shrsi %get3A_660, %shift_right_arithmetic3A_662 : vector<16xi32>
      %mul3A_664 = arith.constant 896 : i32
      %mul3A_665 = vector.broadcast %mul3A_664 : i32 to vector<16xi32>
      %mul3A_666 = arith.muli %shift_right_arithmetic3A_663, %mul3A_665 : vector<16xi32>
      %add3A_667 = arith.addi %get3A_660, %mul3A_666 : vector<16xi32>
      %shift_right_arithmetic3A_668 = arith.constant 3 : i32
      %shift_right_arithmetic3A_669 = arith.shrsi %add3A_657, %shift_right_arithmetic3A_668 : i32
      %mul3A_670 = arith.constant 524288 : i32
      %mul3A_671 = arith.muli %shift_right_arithmetic3A_669, %mul3A_670 : i32
      %add3A_672 = vector.broadcast %mul3A_671 : i32 to vector<16xi32>
      %add3A_673 = arith.addi %add3A_672, %add3A_13 : vector<16xi32>
      %add3A_674 = arith.addi %add3A_667, %add3A_673 : vector<16xi32>
      %swap3A_675 = arith.index_cast %mul3A_648 : i32 to index
      %swap3A_676 = tpu.vector_load %arg8[%swap3A_675] {strides = array<i32>} : memref<8192xi32, #tpu.memory_space<vmem>>, vector<16xi32>,
      %swap3A_677 = vector.shape_cast %swap3A_676 : vector<16xi32> to vector<16xi32>
      %swap3A_678 = vector.shape_cast %add3A_674 : vector<16xi32> to vector<16xi32>
      tpu.vector_store %arg8[%swap3A_675], %swap3A_678 {strides = array<i32>} : memref<8192xi32, #tpu.memory_space<vmem>>, vector<16xi32>,
    }
    %scan3A_356 = arith.constant 512 : i32
    %add3A_357 = arith.constant 73728 : i32
    %add3A_358 = arith.addi %mul3A_2, %add3A_357 : i32
    %dma_wait3A_359 = tpu.memref_slice %arg4[%add3A_358] : memref<4194304xf32, #tpu.memory_space<hbm>> -> memref<8192xf32, #tpu.memory_space<hbm>>
    %dma_wait3A_360 = tpu.memref_slice %arg4[%add3A_358] : memref<4194304xf32, #tpu.memory_space<hbm>> -> memref<8192xf32, #tpu.memory_space<hbm>>
    tpu.wait_dma2 semaphore(%arg30 : memref<!tpu.dma_semaphore, #tpu.memory_space<semaphore_mem>>) src(%arg14 : memref<8192xf32, #tpu.memory_space<vmem>>) dst(%dma_wait3A_360 : memref<8192xf32, #tpu.memory_space<hbm>>)
    %dma_start3A_361 = arith.constant 0 : i32
    %dma_start3A_362 = tpu.memref_slice %arg2[%dma_start3A_361] : memref<67108864xf32, #tpu.memory_space<hbm>> -> memref<67108864xf32, #tpu.memory_space<hbm>>
    tpu.enqueue_indirect_dma source(%dma_start3A_362 : memref<67108864xf32, #tpu.memory_space<hbm>>) target(%arg14 : memref<8192xf32, #tpu.memory_space<vmem>>) offsets(%arg8 : memref<8192xi32, #tpu.memory_space<vmem>>) semaphore(%arg26 : memref<!tpu.dma_semaphore, #tpu.memory_space<semaphore_mem>>)
    %dma_wait3A_363 = arith.constant 0 : i32
    %dma_wait3A_364 = tpu.memref_slice %arg2[%dma_wait3A_363] : memref<67108864xf32, #tpu.memory_space<hbm>> -> memref<67108864xf32, #tpu.memory_space<hbm>>
    tpu.wait_indirect_dma semaphore(%arg23 : memref<!tpu.dma_semaphore, #tpu.memory_space<semaphore_mem>>) src(%dma_wait3A_364 : memref<67108864xf32, #tpu.memory_space<hbm>>) dst(%arg11 : memref<8192xf32, #tpu.memory_space<vmem>>)
    %add3A_365 = arith.constant 98304 : i32
    %add3A_366 = arith.addi %mul3A_2, %add3A_365 : i32
    %dma_start3A_367 = tpu.memref_slice %arg4[%add3A_366] : memref<4194304xf32, #tpu.memory_space<hbm>> -> memref<8192xf32, #tpu.memory_space<hbm>>
    %dma_start3A_368 = tpu.memref_slice %arg4[%add3A_366] : memref<4194304xf32, #tpu.memory_space<hbm>> -> memref<8192xf32, #tpu.memory_space<hbm>>
    tpu.enqueue_dma source(%arg11 : memref<8192xf32, #tpu.memory_space<vmem>>) target(%dma_start3A_368 : memref<8192xf32, #tpu.memory_space<hbm>>) target_semaphore(%arg27 : memref<!tpu.dma_semaphore, #tpu.memory_space<semaphore_mem>>)
    %dma_wait3A_369 = arith.constant 0 : i32
    %dma_wait3A_370 = tpu.memref_slice %arg2[%dma_wait3A_369] : memref<67108864xf32, #tpu.memory_space<hbm>> -> memref<67108864xf32, #tpu.memory_space<hbm>>
    tpu.wait_indirect_dma semaphore(%arg24 : memref<!tpu.dma_semaphore, #tpu.memory_space<semaphore_mem>>) src(%dma_wait3A_370 : memref<67108864xf32, #tpu.memory_space<hbm>>) dst(%arg12 : memref<8192xf32, #tpu.memory_space<vmem>>)
    %add3A_371 = arith.constant 106496 : i32
    %add3A_372 = arith.addi %mul3A_2, %add3A_371 : i32
    %dma_start3A_373 = tpu.memref_slice %arg4[%add3A_372] : memref<4194304xf32, #tpu.memory_space<hbm>> -> memref<8192xf32, #tpu.memory_space<hbm>>
    %dma_start3A_374 = tpu.memref_slice %arg4[%add3A_372] : memref<4194304xf32, #tpu.memory_space<hbm>> -> memref<8192xf32, #tpu.memory_space<hbm>>
    tpu.enqueue_dma source(%arg12 : memref<8192xf32, #tpu.memory_space<vmem>>) target(%dma_start3A_374 : memref<8192xf32, #tpu.memory_space<hbm>>) target_semaphore(%arg28 : memref<!tpu.dma_semaphore, #tpu.memory_space<semaphore_mem>>)
    %dma_wait3A_375 = arith.constant 0 : i32
    %dma_wait3A_376 = tpu.memref_slice %arg2[%dma_wait3A_375] : memref<67108864xf32, #tpu.memory_space<hbm>> -> memref<67108864xf32, #tpu.memory_space<hbm>>
    tpu.wait_indirect_dma semaphore(%arg25 : memref<!tpu.dma_semaphore, #tpu.memory_space<semaphore_mem>>) src(%dma_wait3A_376 : memref<67108864xf32, #tpu.memory_space<hbm>>) dst(%arg13 : memref<8192xf32, #tpu.memory_space<vmem>>)
    %add3A_377 = arith.constant 114688 : i32
    %add3A_378 = arith.addi %mul3A_2, %add3A_377 : i32
    %dma_start3A_379 = tpu.memref_slice %arg4[%add3A_378] : memref<4194304xf32, #tpu.memory_space<hbm>> -> memref<8192xf32, #tpu.memory_space<hbm>>
    %dma_start3A_380 = tpu.memref_slice %arg4[%add3A_378] : memref<4194304xf32, #tpu.memory_space<hbm>> -> memref<8192xf32, #tpu.memory_space<hbm>>
    tpu.enqueue_dma source(%arg13 : memref<8192xf32, #tpu.memory_space<vmem>>) target(%dma_start3A_380 : memref<8192xf32, #tpu.memory_space<hbm>>) target_semaphore(%arg29 : memref<!tpu.dma_semaphore, #tpu.memory_space<semaphore_mem>>)
    %dma_wait3A_381 = arith.constant 0 : i32
    %dma_wait3A_382 = tpu.memref_slice %arg2[%dma_wait3A_381] : memref<67108864xf32, #tpu.memory_space<hbm>> -> memref<67108864xf32, #tpu.memory_space<hbm>>
    tpu.wait_indirect_dma semaphore(%arg26 : memref<!tpu.dma_semaphore, #tpu.memory_space<semaphore_mem>>) src(%dma_wait3A_382 : memref<67108864xf32, #tpu.memory_space<hbm>>) dst(%arg14 : memref<8192xf32, #tpu.memory_space<vmem>>)
    %add3A_383 = arith.constant 122880 : i32
    %add3A_384 = arith.addi %mul3A_2, %add3A_383 : i32
    %dma_start3A_385 = tpu.memref_slice %arg4[%add3A_384] : memref<4194304xf32, #tpu.memory_space<hbm>> -> memref<8192xf32, #tpu.memory_space<hbm>>
    %dma_start3A_386 = tpu.memref_slice %arg4[%add3A_384] : memref<4194304xf32, #tpu.memory_space<hbm>> -> memref<8192xf32, #tpu.memory_space<hbm>>
    tpu.enqueue_dma source(%arg14 : memref<8192xf32, #tpu.memory_space<vmem>>) target(%dma_start3A_386 : memref<8192xf32, #tpu.memory_space<hbm>>) target_semaphore(%arg30 : memref<!tpu.dma_semaphore, #tpu.memory_space<semaphore_mem>>)
    %add3A_387 = arith.constant 81920 : i32
    %add3A_388 = arith.addi %mul3A_2, %add3A_387 : i32
    %dma_wait3A_389 = tpu.memref_slice %arg4[%add3A_388] : memref<4194304xf32, #tpu.memory_space<hbm>> -> memref<8192xf32, #tpu.memory_space<hbm>>
    %dma_wait3A_390 = tpu.memref_slice %arg4[%add3A_388] : memref<4194304xf32, #tpu.memory_space<hbm>> -> memref<8192xf32, #tpu.memory_space<hbm>>
    tpu.wait_dma2 semaphore(%arg31 : memref<!tpu.dma_semaphore, #tpu.memory_space<semaphore_mem>>) src(%arg15 : memref<8192xf32, #tpu.memory_space<vmem>>) dst(%dma_wait3A_390 : memref<8192xf32, #tpu.memory_space<hbm>>)
    %add3A_391 = arith.constant 90112 : i32
    %add3A_392 = arith.addi %mul3A_2, %add3A_391 : i32
    %dma_wait3A_393 = tpu.memref_slice %arg4[%add3A_392] : memref<4194304xf32, #tpu.memory_space<hbm>> -> memref<8192xf32, #tpu.memory_space<hbm>>
    %dma_wait3A_394 = tpu.memref_slice %arg4[%add3A_392] : memref<4194304xf32, #tpu.memory_space<hbm>> -> memref<8192xf32, #tpu.memory_space<hbm>>
    tpu.wait_dma2 semaphore(%arg32 : memref<!tpu.dma_semaphore, #tpu.memory_space<semaphore_mem>>) src(%arg16 : memref<8192xf32, #tpu.memory_space<vmem>>) dst(%dma_wait3A_394 : memref<8192xf32, #tpu.memory_space<hbm>>)
    %add3A_395 = arith.constant 98304 : i32
    %add3A_396 = arith.addi %mul3A_2, %add3A_395 : i32
    %dma_wait3A_397 = tpu.memref_slice %arg4[%add3A_396] : memref<4194304xf32, #tpu.memory_space<hbm>> -> memref<8192xf32, #tpu.memory_space<hbm>>
    %dma_wait3A_398 = tpu.memref_slice %arg4[%add3A_396] : memref<4194304xf32, #tpu.memory_space<hbm>> -> memref<8192xf32, #tpu.memory_space<hbm>>
    tpu.wait_dma2 semaphore(%arg27 : memref<!tpu.dma_semaphore, #tpu.memory_space<semaphore_mem>>) src(%arg11 : memref<8192xf32, #tpu.memory_space<vmem>>) dst(%dma_wait3A_398 : memref<8192xf32, #tpu.memory_space<hbm>>)
    %add3A_399 = arith.constant 106496 : i32
    %add3A_400 = arith.addi %mul3A_2, %add3A_399 : i32
    %dma_wait3A_401 = tpu.memref_slice %arg4[%add3A_400] : memref<4194304xf32, #tpu.memory_space<hbm>> -> memref<8192xf32, #tpu.memory_space<hbm>>
    %dma_wait3A_402 = tpu.memref_slice %arg4[%add3A_400] : memref<4194304xf32, #tpu.memory_space<hbm>> -> memref<8192xf32, #tpu.memory_space<hbm>>
    tpu.wait_dma2 semaphore(%arg28 : memref<!tpu.dma_semaphore, #tpu.memory_space<semaphore_mem>>) src(%arg12 : memref<8192xf32, #tpu.memory_space<vmem>>) dst(%dma_wait3A_402 : memref<8192xf32, #tpu.memory_space<hbm>>)
    %add3A_403 = arith.constant 114688 : i32
    %add3A_404 = arith.addi %mul3A_2, %add3A_403 : i32
    %dma_wait3A_405 = tpu.memref_slice %arg4[%add3A_404] : memref<4194304xf32, #tpu.memory_space<hbm>> -> memref<8192xf32, #tpu.memory_space<hbm>>
    %dma_wait3A_406 = tpu.memref_slice %arg4[%add3A_404] : memref<4194304xf32, #tpu.memory_space<hbm>> -> memref<8192xf32, #tpu.memory_space<hbm>>
    tpu.wait_dma2 semaphore(%arg29 : memref<!tpu.dma_semaphore, #tpu.memory_space<semaphore_mem>>) src(%arg13 : memref<8192xf32, #tpu.memory_space<vmem>>) dst(%dma_wait3A_406 : memref<8192xf32, #tpu.memory_space<hbm>>)
    %add3A_407 = arith.constant 122880 : i32
    %add3A_408 = arith.addi %mul3A_2, %add3A_407 : i32
    %dma_wait3A_409 = tpu.memref_slice %arg4[%add3A_408] : memref<4194304xf32, #tpu.memory_space<hbm>> -> memref<8192xf32, #tpu.memory_space<hbm>>
    %dma_wait3A_410 = tpu.memref_slice %arg4[%add3A_408] : memref<4194304xf32, #tpu.memory_space<hbm>> -> memref<8192xf32, #tpu.memory_space<hbm>>
    tpu.wait_dma2 semaphore(%arg30 : memref<!tpu.dma_semaphore, #tpu.memory_space<semaphore_mem>>) src(%arg14 : memref<8192xf32, #tpu.memory_space<vmem>>) dst(%dma_wait3A_410 : memref<8192xf32, #tpu.memory_space<hbm>>)
    return
  }
}

</mosaic_0001>

<sc_bundles>
// kernel: kernel.3.cloned.1.call-start
scs
__scs_entry_jumppad:
0x0: {  	(pc) =	sbr.rel $0x88, $3  }
0x1: {  	(tag) =	ssettag $0x0;
	lr =	simm.s32 $0x1  }
0x2: {  	[smem:$0x3F9F] =	sst lr;
	_ =	strace $0xD0000000  }
0x3: {  	_ = 	snop  }
0x4: {  	_ = 	snop  }
0x5: {  	_ = 	snop  }
0x6: {  	_ = 	snop  }
0x7: {  	_ = 	snop  }
__scs_overlays_trampoline_lowered:
0x8: {  	[smem:$0x3FAE] =	sst s0  }
0x9: {  	[smem:$0x3FAF] =	sst s1  }
0xa: {  	[smem:$0x3FB0] =	sst s2  }
0xb: {  	[smem:$0x3FB1] =	sst s3  }
0xc: {  	[smem:$0x3FB2] =	sst s4  }
0xd: {  	[smem:$0x3FB3] =	sst s5  }
0xe: {  	[smem:$0x3FB4] =	sst s6  }
0xf: {  	[smem:$0x3FB5] =	sst s7  }
0x10: {  	[smem:$0x3FB6] =	sst s8  }
0x11: {  	[smem:$0x3FB7] =	sst s9;
	s0 =	simm.s32 @!p0 $0x0  }
0x12: {  	s1 =	sld [smem:$0x3F9D];
	s0 =	simm.s32 @p0 $0x1  }
0x13: {  	[smem:$0x3FB8] =	sst s0;
	s0 =	simm.s32 @!p1 $0x0  }
0x14: {  	s2 =	sld [smem:$0x3F9C];
	s0 =	simm.s32 @p1 $0x1  }
0x15: {  	[smem:$0x3FB9] =	sst s0;
	s0 =	simm.s32 @!p2 $0x0  }
0x16: {  	s3 =	sld [smem:$0x3FDB];
	s0 =	simm.s32 @p2 $0x1  }
0x17: {  	s4 =	simm.s32 $0x1BF5;
	[smem:$0x3FBB] =	sst s0  }
0x18: {  	s0 =	sld [smem:$0x3F9E];
	_ =	swait.ge [sflag:s4], $0x0  }
0x19: {  	s7 =	sld [smem:$0x3F9F]  }
0x1a: {  	s8 =	sadd.s32 $0xFFFFE003, lr  }
0x1b: {  	s9 =	sadd.s32 $0xFFFFFEF7, lr;
	s5 =	simm.s32 $0xFFFFFFFF;
	p2 =	slt.u32 s8, $0xFFFFF086  }
0x1c: {  	p1 =	slt.u32 s9, $0xF7A;
	s5 =	simm.s32 @!p2 $0x0  }
0x1d: {  	s5 =	simm.s32 @p1 $0x1;
	p0 =	seq.s32 s7, s2  }
0x1e: {  	s7 =	smul.u32 @!p0 $0xF7A, s2;
	p2 =	seq.s32 @!p0 s5, $0x0  }
0x1f: {  	s9 =	smul.u32 $0xF7A, s1;
	s8 =	simm.s32 @!p0 $0x1BF5;
	p2 =	por !p2, p0  }
0x20: {  	[sflag:s8] =	ssyncset.s32 @!p0 $0xFFFFF086;
	s6 =	sadd.s32 @!p0 s3, s7;
	s7 =	simm.s32 @!p0 $0x108  }
0x21: {  	s3 =	sadd.s32 s3, s9;
	s6 =	sadd.s32 @!p0 $0x88, s6;
	s7 =	simm.s32 @p2 $0x1082  }
0x22: {  	[simem:s7], [sflag:s8] =	dma.local @!p0 [hbm:s6], $0xF7A  }
0x23: {  	s9 =	sor.u32 $0xD0000000, s2;
	s6 =	simm.s32 $0x108;
	_ =	swait.ge @!p0 [sflag:s8], $0x0  }
0x24: {  	s3 =	sadd.s32 $0x88, s3;
	s6 =	simm.s32 @!p1 $0x1082;
	[sflag:s4] =	ssyncset.s32 $0xFFFFF086  }
0x25: {  	[simem:s6], [sflag:s4] =	dma.local [hbm:s3], $0xF7A  }
0x26: {  	[smem:$0x3F9F] =	sst s1;
	(tag) =	ssettag s2;
	_ =	strace s9  }
0x27: {  	s1 =	sld [smem:$0x3FAF]  }
0x28: {  	s2 =	sld [smem:$0x3FB0]  }
0x29: {  	s4 =	sld [smem:$0x3FB2]  }
0x2a: {  	p0 =	seq.s32 s5, $0x0;
	s5 =	sld [smem:$0x3FB3]  }
0x2b: {  	s6 =	sld [smem:$0x3FB4]  }
0x2c: {  	s7 =	sld [smem:$0x3FB5]  }
0x2d: {  	s3 =	simm.s32 $0x108;
	s8 =	sld [smem:$0x3FB6]  }
0x2e: {  	s3 =	simm.s32 @!p0 $0x1082;
	s9 =	sld [smem:$0x3FB7]  }
0x2f: {  	lr =	sadd.s32 s0, s3;
	s0 =	sld [smem:$0x3FAE]  }
0x30: {  	s3 =	sld [smem:$0x3FB1]  }
0x31: {  	[smem:$0x3FBA] =	sst s10  }
0x32: {  	s10 =	sld [smem:$0x3FB8];
	_ =	sdelay $0x3  }
0x33: {  	p0 =	seq.s32 s10, $0x1;
	s10 =	sld [smem:$0x3FBA];
	_ =	sdelay $0x3  }
0x34: {  	[smem:$0x3FBA] =	sst s10  }
0x35: {  	s10 =	sld [smem:$0x3FB9];
	_ =	sdelay $0x3  }
0x36: {  	p1 =	seq.s32 s10, $0x1;
	s10 =	sld [smem:$0x3FBA];
	_ =	sdelay $0x3  }
0x37: {  	[smem:$0x3FBA] =	sst s10  }
0x38: {  	s10 =	sld [smem:$0x3FBB]  }
0x39: {  	_ = 	snop;
	(pc) =	sbr.ind lr, $3  }
0x3a: {  	_ = 	snop  }
0x3b: {  	_ = 	snop  }
0x3c: {  	p2 =	seq.s32 s10, $0x1;
	s10 =	sld [smem:$0x3FBA]  }
0x3d: {  	_ =	shalt  }
0x3e: {  	_ =	shalt  }
0x3f: {  	_ =	shalt  }
0x40: {  	_ =	shalt  }
0x41: {  	_ =	shalt  }
0x42: {  	_ =	shalt  }
0x43: {  	_ =	shalt  }
0x44: {  	_ =	shalt  }
0x45: {  	_ =	shalt  }
0x46: {  	_ =	shalt  }
0x47: {  	_ =	shalt  }
0x48: {  	_ =	shalt  }
0x49: {  	_ =	shalt  }
0x4a: {  	_ =	shalt  }
0x4b: {  	_ =	shalt  }
0x4c: {  	_ =	shalt  }
0x4d: {  	_ =	shalt  }
0x4e: {  	_ =	shalt  }
0x4f: {  	_ =	shalt  }
0x50: {  	_ =	shalt  }
0x51: {  	_ =	shalt  }
0x52: {  	_ =	shalt  }
0x53: {  	_ =	shalt  }
0x54: {  	_ =	shalt  }
0x55: {  	_ =	shalt  }
0x56: {  	_ =	shalt  }
0x57: {  	_ =	shalt  }
0x58: {  	_ =	shalt  }
0x59: {  	_ =	shalt  }
0x5a: {  	_ =	shalt  }
0x5b: {  	_ =	shalt  }
0x5c: {  	_ =	shalt  }
0x5d: {  	_ =	shalt  }
0x5e: {  	_ =	shalt  }
0x5f: {  	_ =	shalt  }
0x60: {  	_ =	shalt  }
0x61: {  	_ =	shalt  }
0x62: {  	_ =	shalt  }
0x63: {  	_ =	shalt  }
0x64: {  	_ =	shalt  }
0x65: {  	_ =	shalt  }
0x66: {  	_ =	shalt  }
0x67: {  	_ =	shalt  }
0x68: {  	_ =	shalt  }
0x69: {  	_ =	shalt  }
0x6a: {  	_ =	shalt  }
0x6b: {  	_ =	shalt  }
0x6c: {  	_ =	shalt  }
0x6d: {  	_ =	shalt  }
0x6e: {  	_ =	shalt  }
0x6f: {  	_ =	shalt  }
0x70: {  	_ =	shalt  }
0x71: {  	_ =	shalt  }
0x72: {  	_ =	shalt  }
0x73: {  	_ =	shalt  }
0x74: {  	_ =	shalt  }
0x75: {  	_ =	shalt  }
0x76: {  	_ =	shalt  }
0x77: {  	_ =	shalt  }
0x78: {  	_ =	shalt  }
0x79: {  	_ =	shalt  }
0x7a: {  	_ =	shalt  }
0x7b: {  	_ =	shalt  }
0x7c: {  	_ =	shalt  }
0x7d: {  	_ =	shalt  }
0x7e: {  	_ =	shalt  }
0x7f: {  	_ =	shalt  }
0x80: {  	_ =	shalt  }
0x81: {  	_ =	shalt  }
0x82: {  	_ =	shalt  }
0x83: {  	_ =	shalt  }
0x84: {  	_ =	shalt  }
0x85: {  	_ =	shalt  }
0x86: {  	_ =	shalt  }
0x87: {  	_ =	shalt  }
.Lfunc_end0:
.L_simem_size_0:
called_computation_lowered:
.L_overlay_start_0:
0x88: {  	s2 =	sld [smem:$0x3FD9]  }
0x89: {  	s3 =	sld [smem:$0x3FFE];
	_ =	sdelay $0x1  }
0x8a: {  	s1 =	srdreg.scid  }
0x8b: {  	s0 =	sand.u32 $0x1, s1  }
0x8c: {  	s18 =	sshll.u32 s0, $0xA;
	s2 =	sadd.s32 s3, s2  }
0x8d: {  	s2 =	sadd.s32 s2, s18  }
0x8e: {  	[smem:$0x3FC6] =	sst s2  }
0x8f: {  	_ = 	snop  }
0x90: {  	s2 =	sld [smem:$0x3FC9]  }
0x91: {  	s19 =	sld [smem:$0x3FC8]  }
0x92: {  	s4 =	sld [smem:$0x3FD0];
	(tm) =	ssettm $0x1  }
0x93: {  	s5 =	sld [smem:$0x3FFB];
	_ =	sdelay $0x3  }
0x94: {  	_ =	strace s5  }
0x95: {  	s5 =	sld [smem:$0x3FFC];
	_ =	sdelay $0x3  }
0x96: {  	_ =	strace s5  }
0x97: {  	s5 =	sld [smem:$0x3FFD];
	_ =	sdelay $0x3  }
0x98: {  	_ =	strace s5  }
0x99: {  	_ =	strace $0x8FFFFFFF  }
0x9a: {  	s20 =	sld [smem:$0x3FDB];
	_ =	sdelay $0x1  }
0x9b: {  	s6 =	simm.s32 $_scs_section_size  }
0x9c: {  	s7 =	simm.s32 $_size__tile_overlayer_lowered;
	s8 =	simm.s32 $_tile_overlayer_lowered  }
0x9d: {  	s23 =	simm.s32 $0x1BFF;
	s22 =	sshll.u32 s8, $0x1;
	s5 =	sadd.s32 s6, s20  }
0x9e: {  	s9 =	simm.s32 $0x0;
	s21 =	sshll.u32 s7, $0x1;
	s7 =	sadd.s32 s22, s5  }
0x9f: {  	[timem:s9], [sflag:s23] =	dma.local [hbm:s7], s21  }
0xa0: {  	_ =	swait.ge [sflag:s23], s21  }
0xa1: {  	s6 =	ssub.s32 $0x0, s21;
	[sflag:s23] =	ssyncset.done $0x0  }
0xa2: {  	[sflag:s23] =	ssyncadd.s32 s6;
	_ =	sdelay $0x1  }
0xa3: {  	s24 =	simm.s32 $0x1B8B  }
0xa4: {  	_ =	swait.ge [sflag:s24], $0x1  }
0xa5: {  	[sflag:s24] =	ssyncset.done $0x0  }
0xa6: {  	s25 =	simm.s32 $0x1B8E;
	[sflag:s24] =	ssyncadd.s32 $0xFFFFFFFF  }
0xa7: {  	s26 =	simm.s32 $execute0_lowered;
	[smem:$0x3FD2] =	sst s25  }
0xa8: {  	s6 =	sshll.u32 s26, $0x1;
	_ =	strace $0x80000046;
	[dreg:$0x1] =	wrdreg $0xFFFFFFFF  }
0xa9: {  	s28 =	simm.s32 $_size_execute0_lowered;
	s5 =	sadd.s32 s5, s6;
	[dreg:$0x0] =	wrdreg $0x0  }
0xaa: {  	s6 =	sshll.u32 s28, $0x1;
	[dreg:$0x2] =	wrdreg s5  }
0xab: {  	[dreg:$0x3] =	wrdreg s6  }
0xac: {  	[dreg:$0x4] =	wrdreg $0xC0  }
0xad: {  	_ =	task [dreg:s9], $0x5FFFF  }
0xae: {  	[dreg:$0x1] =	wrdreg $0xFFFFFFFF  }
0xaf: {  	[dreg:$0x0] =	wrdreg $0x60  }
0xb0: {  	[dreg:$0x2] =	wrdreg s2  }
0xb1: {  	[dreg:$0x3] =	wrdreg s19  }
0xb2: {  	[dreg:$0x4] =	wrdreg s4  }
0xb3: {  	[dreg:$0x5] =	wrdreg $0x9  }
0xb4: {  	_ =	task.clear_ibuf [dreg:s9], $0x6FFFF;
	_ =	strace $0x90000046  }
0xb5: {  	s29 =	simm.s32 $0x9;
	_ =	strace $0x80000048  }
0xb6: {  	_ =	swait.ge [sflag:s29], $0x1  }
0xb7: {  	[sflag:s29] =	ssyncadd.s32 $0xFFFFFFFF  }
0xb8: {  	_ =	strace $0x90000048  }
0xb9: {  	_ =	sfence  }
0xba: {  	s30 =	sld [smem:$0x0];
	_ =	sdelay $0x2  }
0xbb: {  	s31 =	sshll.u32 s1, $0xD;
	s1 =	sshrl.u32 s1, $0x2  }
0xbc: {  	s3 =	sand.u32 $0x4000, s31;
	s1 =	sadd.s32 s1, s30  }
0xbd: {  	s0 =	sor.u32 s3, s0;
	s1 =	sshll.u32 s1, $0x11  }
0xbe: {  	s0 =	sor.u32 s1, s0  }
0xbf: {  	s0 =	sadd.s32 $0x8F2B, s0  }
0xc0: {  	[sflag:s0] =	ssyncadd.remote.s32 $0x1  }
0xc1: {  	_ =	sfence.sel $0xFFFF  }
0xc2: {  	[dreg:$0x0] =	wrdreg $0xFFFFFFFF;
	(pc) =	sbr.abs _section_cstart, $3  }
0xc3: {  	[dreg:$0x1] =	wrdreg $0xFFFFFFFF  }
0xc4: {  	_ =	task.clear_ibuf [dreg:s9], $0x2FFFF;
	_ =	strace $0x9FFFFFFF  }
0xc5: {  	(tm) =	ssettm $0x7FFFFFFF  }
tec
execute0_lowered:
.L_overlay_start_1:
0x0: {  	(tag) =	ssettag $0x1  }
0x1: {  	s1 =	srdreg.scid  }
0x2: {  	s4 =	stileid.u32;
	s1 =	sand.u32 $0x1, s1  }
0x3: {  	s2 =	rddreg [dreg:$0x1];
	s4 =	sshll.u32 s4, $0xF;
	s5 =	sshll.u32 s1, $0xE  }
0x4: {  	s0 =	rddreg [dreg:$0x2];
	s4 =	sor.u32 s5, s4  }
0x5: {  	s3 =	ssub.s32 $0x2, s1;
	s1 =	simm.s32 $0x0;
	s5 =	sor.u32 $0x400, s4  }
0x6: {  	[smem:$0x7FF] =	sst s1;
	s26 =	sor.u32 $0x800, s4;
	s25 =	sadd.s32 s2, s5  }
0x7: {  	s7 =	sor.u32 $0xC00, s4;
	s8 =	sadd.s32 s2, s26;
	[dreg:$0x4] =	wrdreg s25  }
0x8: {  	s13 =	sor.u32 $0x1000, s4;
	s12 =	sadd.s32 s2, s7;
	[dreg:$0x5] =	wrdreg s8  }
0x9: {  	s14 =	sor.u32 $0x1400, s4;
	s9 =	sadd.s32 s2, s13;
	[dreg:$0x6] =	wrdreg s12  }
0xa: {  	s11 =	sadd.s32 s2, s14;
	[dreg:$0x7] =	wrdreg s9  }
0xb: {  	s10 =	sor.u32 $0x1800, s4;
	s5 =	sadd.s32 s0, s5;
	[dreg:$0x8] =	wrdreg s11  }
0xc: {  	s15 =	sadd.s32 s2, s10;
	[dreg:$0x9] =	wrdreg s5  }
0xd: {  	s17 =	sor.u32 $0x1C00, s4;
	s16 =	sadd.s32 s0, s26;
	[dreg:$0xa] =	wrdreg s15  }
0xe: {  	s19 =	sadd.s32 s2, s17;
	[dreg:$0xb] =	wrdreg s16  }
0xf: {  	s18 =	sor.u32 $0x2000, s4;
	s7 =	sadd.s32 s0, s7;
	[dreg:$0xc] =	wrdreg s19  }
0x10: {  	s20 =	sadd.s32 s2, s18;
	[dreg:$0xd] =	wrdreg s7  }
0x11: {  	s22 =	sor.u32 $0x2400, s4;
	s21 =	sadd.s32 s0, s13;
	[dreg:$0xe] =	wrdreg s20  }
0x12: {  	s28 =	simm.s32 $0xA;
	s24 =	sadd.s32 s2, s22;
	[dreg:$0xf] =	wrdreg s21  }
0x13: {  	s29 =	simm.s32 $0xC;
	s26 =	sadd.s32 s0, s10;
	[dreg:$0x10] =	wrdreg s24  }
0x14: {  	s30 =	simm.s32 $0xD;
	s10 =	sadd.s32 s0, s22;
	[dreg:$0x13] =	wrdreg s26  }
0x15: {  	s31 =	simm.s32 $0xE;
	s13 =	sadd.s32 s0, s4;
	[dreg:$0x16] =	wrdreg s10  }
0x16: {  	s23 =	sor.u32 $0x2800, s4;
	s9 =	sadd.s32 s0, s14;
	[dreg:$0x19] =	wrdreg s13  }
0x17: {  	s6 =	sshrl.u32 s3, $0x1;
	s25 =	sadd.s32 s2, s23;
	[dreg:$0x11] =	wrdreg s9  }
0x18: {  	s3 =	ssub.s32 s3, s6;
	s5 =	sadd.s32 s0, s17;
	[dreg:$0x12] =	wrdreg s25  }
0x19: {  	s6 =	simm.s32 $0x2000;
	s11 =	sadd.s32 s0, s23;
	[dreg:$0x14] =	wrdreg s5  }
0x1a: {  	s12 =	sadd.s32 s2, s4;
	s14 =	sor.u32 $0x2C00, s4;
	[dreg:$0x17] =	wrdreg s11  }
0x1b: {  	v0 =	vimm.s32 $0x80380;
	vm0 =	vcmask $0x300;
	s15 =	sor.u32 $0x3000, s4;
	s9 =	sadd.s32 s0, s18;
	[dreg:$0x18] =	wrdreg s12  }
0x1c: {  	vm14 =	vcmask $0x704;
	v0 =	vsel vm0, $0x0, v0;
	s16 =	sor.u32 $0x3400, s4;
	s18 =	sadd.s32 s2, s14;
	[dreg:$0x15] =	wrdreg s9  }
0x1d: {  	vm15 =	vcmask $0xB08;
	v0 =	vsel vm14, $0x80, v0;
	s17 =	sor.u32 $0x3800, s4;
	s19 =	sadd.s32 s2, s15;
	[dreg:$0x1a] =	wrdreg s18  }
0x1e: {  	vm4 =	vcmask $0xF0C;
	v0 =	vsel vm15, $0x100, v0;
	s4 =	sor.u32 $0x3C00, s4;
	s20 =	sadd.s32 s2, s16;
	[dreg:$0x1b] =	wrdreg s19  }
0x1f: {  	vm5 =	vcmask $0x1310;
	v0 =	vsel vm4, $0x180, v0;
	s26 =	smax.u32 s3, $0x1;
	s21 =	sadd.s32 s2, s17;
	[dreg:$0x1c] =	wrdreg s20  }
0x20: {  	vm6 =	vcmask $0x1714;
	v0 =	vsel vm5, $0x200, v0;
	s8 =	simm.s32 $0x6000;
	s2 =	sadd.s32 s2, s4;
	[dreg:$0x1d] =	wrdreg s21  }
0x21: {  	vm7 =	vcmask $0x1B18;
	v0 =	vsel vm6, $0x280, v0;
	s10 =	simm.s32 $0x1;
	s22 =	sadd.s32 s0, s14;
	[dreg:$0x1e] =	wrdreg s2  }
0x22: {  	vm8 =	vcmask $0x1F1C;
	s13 =	simm.s32 $0xE000;
	s23 =	sadd.s32 s0, s15;
	v0 =	vsel vm7, $0x300, v0;
	[dreg:$0x1f] =	wrdreg s22  }
0x23: {  	vm9 =	vcmask $0x2320;
	s3 =	simm.s32 $0x10;
	s24 =	sadd.s32 s0, s16;
	[smem:$0x7F9] =	sst s23;
	v0 =	vsel vm8, $0x380, v0  }
0x24: {  	vm10 =	vcmask $0x2724;
	s25 =	sadd.s32 s0, s17;
	s0 =	sadd.s32 s0, s4;
	[smem:$0x7FA] =	sst s24;
	v0 =	vsel vm9, $0x80000, v0  }
0x25: {  	vm11 =	vcmask $0x2B28;
	s12 =	simm.s32 $0x2;
	s14 =	simm.s32 $0x3;
	s2 =	rddreg [dreg:$0x0];
	v0 =	vsel vm10, $0x80080, v0  }
0x26: {  	vm12 =	vcmask $0x2F2C;
	s15 =	simm.s32 $0x10000;
	s16 =	simm.s32 $0x4;
	[smem:$0x7FB] =	sst s25;
	v0 =	vsel vm11, $0x80100, v0  }
0x27: {  	vm13 =	vcmask $0x3330;
	s17 =	simm.s32 $0x12000;
	s4 =	simm.s32 $0x0;
	[smem:$0x7FC] =	sst s0;
	v0 =	vsel vm12, $0x80180, v0  }
0x28: {  	vm14 =	vcmask $0x3734;
	s18 =	simm.s32 $0x7;
	s20 =	simm.s32 $0x5;
	s22 =	simm.s32 $0x8;
	v0 =	vsel vm13, $0x80200, v0  }
0x29: {  	vm15 =	vcmask $0x3B38;
	s23 =	simm.s32 $0x6;
	s25 =	simm.s32 $0x9;
	s0 =	simm.s32 $0xF;
	v0 =	vsel vm14, $0x80280, v0  }
0x2a: {  	_ =	strace $0x80000047;
	[smem:$0x7FD] =	sst s26;
	s26 =	simm.s32 $0xB;
	v0 =	vsel vm15, $0x80300, v0  }
.LBB2_1:
0x2b: {  	s5 =	rddreg [dreg:$0x18]  }
0x2c: {  	[tilespmem:s1], [sflag:$0x1] =	stream.linear.gather [hbm4b:s5+s1], $0x2000, $0x38;
	[tilespmem:$0x18000] =	vst v63  }
0x2d: {  	s21 =	rddreg [dreg:$0x4]  }
0x2e: {  	[tilespmem:s6], [sflag:$0x2] =	stream.linear.gather [hbm4b:s21+s1], $0x2000, $0x38;
	[tilespmem:$0x18000] =	vst v63  }
0x2f: {  	s24 =	rddreg [dreg:$0x5];
	s7 =	simm.s32 $0x4000  }
0x30: {  	[tilespmem:s7], [sflag:$0x3] =	stream.linear.gather [hbm4b:s24+s1], $0x2000, $0x38;
	[tilespmem:$0x18000] =	vst v63  }
0x31: {  	s9 =	rddreg [dreg:$0x6]  }
0x32: {  	[tilespmem:s8], [sflag:$0x4] =	stream.linear.gather [hbm4b:s9+s1], $0x2000, $0x38;
	[tilespmem:$0x18000] =	vst v63  }
0x33: {  	s11 =	rddreg [dreg:$0x7];
	s19 =	simm.s32 $0x8000  }
0x34: {  	[tilespmem:s19], [sflag:$0x5] =	stream.linear.gather [hbm4b:s11+s1], $0x2000, $0x38;
	[tilespmem:$0x18000] =	vst v63  }
0x35: {  	_ =	swait.ge [sflag:s10], $0x2000  }
0x36: {  	[sflag:s10] =	ssyncset.done $0x0  }
0x37: {  	s5 =	simm.s32 $0x40;
	[sflag:s10] =	ssyncadd.s32 $0xFFFFE000  }
0x38: {  	v4 =	vld [tilespmem:s5+$0xFFFFFFE0]  }
0x39: {  	v3 =	vld [tilespmem:s5+$0x30]  }
0x3a: {  	v5 =	vld [tilespmem:s5+$0x10]  }
0x3b: {  	v6 =	vld [tilespmem:s5+$0x0];
	_ =	sdelay $0x1  }
0x3c: {  	s9 =	sand.u32 $0x3800000, s1;
	v7 =	vld [tilespmem:s5+$0x20]  }
0x3d: {  	s19 =	sor.u32 $0x500000, s9  }
0x3e: {  	s21 =	sor.u32 $0x700000, s1;
	s24 =	sor.u32 $0x200000, s9;
	v1 =	vld [tilespmem:s5+$0xFFFFFFF0];
	v2 =	vshrl.u32 v4, $0x7;
	v9 =	vshrl.u32 v3, $0x7;
	v11 =	vadd.s32 s19, v5  }
0x3f: {  	v10 =	vadd.s32 s21, v3;
	v3 =	vld [tilespmem:s5+$0xFFFFFFD0];
	v4 =	vadd.s32 s24, v4;
	v12 =	vshrl.u32 v6, $0x7  }
0x40: {  	v13 =	vshrl.u32 v5, $0x7;
	s21 =	sor.u32 $0x600000, s9;
	v8 =	vmul.u32 $0x380, v2;
	v2 =	vld [tilespmem:s5+$0xFFFFFFC0];
	v9 =	vmul.u32 $0x380, v9  }
0x41: {  	s24 =	sor.u32 $0x400000, s9;
	v5 =	vadd.s32 s21, v7;
	v7 =	vshrl.u32 v7, $0x7;
	v13 =	vmul.u32 $0x380, v13  }
0x42: {  	v6 =	vadd.s32 s24, v6;
	v4 =	vadd.s32 v8, v4;
	v8 =	vmul.u32 $0x380, v12  }
0x43: {  	v9 =	vadd.s32 v9, v10;
	v11 =	vadd.s32 v13, v11;
	v63 =	vadd.s32 v0, v4  }
0x44: {  	v4 =	vshrl.u32 v1, $0x7;
	v10 =	vadd.s32 v8, v6;
	v8 =	vmul.u32 $0x380, v7  }
0x45: {  	s19 =	simm.s32 $0x0;
	s21 =	simm.s32 $0xC0;
	s24 =	simm.s32 $0x0;
	v9 =	vadd.s32 v0, v9;
	[tilespmem:s5+$0xFFFFFFE0] =	vst v63;
	v7 =	vshrl.u32 v3, $0x7;
	v6 =	vshrl.u32 v2, $0x7  }
.LBB2_2:
0x46: {  	v12 =	vld [tilespmem:s21+$0xFFFFFFE0];
	s19 =	sadd.s32 $0x8, s19;
	v10 =	vadd.s32 v0, v10;
	v11 =	vadd.s32 v0, v11;
	v5 =	vadd.s32 v8, v5;
	[tilespmem:s5+$0x30] =	vst v9;
	s24 =	sadd.s32 $0x100000, s24  }
0x47: {  	v6 =	vmul.u32 $0x380, v6;
	v7 =	vmul.u32 $0x380, v7;
	s7 =	sor.u32 $0x100000, s9;
	v8 =	vld [tilespmem:s21+$0x30];
	p0 =	slt.u32 s19, $0x1F8;
	[tilespmem:s5+$0x10] =	vst v11;
	v5 =	vadd.s32 v0, v5  }
0x48: {  	v2 =	vadd.s32 s9, v2;
	v4 =	vmul.u32 $0x380, v4;
	v3 =	vadd.s32 s7, v3;
	s7 =	sor.u32 $0x300000, s9;
	v9 =	vld [tilespmem:s21+$0x10];
	[tilespmem:s5+$0x0] =	vst v10  }
0x49: {  	v2 =	vadd.s32 v6, v2;
	v3 =	vadd.s32 v7, v3;
	v1 =	vadd.s32 s7, v1;
	v10 =	vld [tilespmem:s21+$0x0];
	[tilespmem:s5+$0x20] =	vst v5  }
0x4a: {  	v2 =	vadd.s32 v0, v2;
	v3 =	vadd.s32 v0, v3;
	v4 =	vadd.s32 v4, v1;
	v6 =	vld [tilespmem:s21+$0x20]  }
0x4b: {  	s9 =	sand.u32 $0x3800000, s24;
	v5 =	vshrl.u32 v12, $0x7;
	v1 =	vld [tilespmem:s21+$0xFFFFFFF0];
	[tilespmem:s5+$0xFFFFFFC0] =	vst v2;
	v2 =	vadd.s32 v0, v4  }
0x4c: {  	s8 =	sor.u32 $0x700000, s24;
	s7 =	sor.u32 $0x500000, s9;
	v4 =	vmul.u32 $0x380, v5;
	v5 =	vshrl.u32 v8, $0x7;
	[tilespmem:s5+$0xFFFFFFF0] =	vst v2  }
0x4d: {  	s11 =	sor.u32 $0x200000, s9;
	v8 =	vadd.s32 s8, v8;
	v2 =	vld [tilespmem:s21+$0xFFFFFFC0];
	v11 =	vadd.s32 s7, v9;
	v7 =	vmul.u32 $0x380, v5;
	[tilespmem:s5+$0xFFFFFFD0] =	vst v3;
	s5 =	smov.u32 s21  }
0x4e: {  	v5 =	vadd.s32 s11, v12;
	v9 =	vshrl.u32 v9, $0x7;
	s7 =	sor.u32 $0x600000, s9;
	v3 =	vld [tilespmem:s21+$0xFFFFFFD0];
	v12 =	vshrl.u32 v10, $0x7  }
.Ltmp0:
0x4f: {  	v4 =	vadd.s32 v4, v5;
	v12 =	vmul.u32 $0x380, v12;
	v5 =	vadd.s32 s7, v6;
	(pc) =	sbr.rel @p0 .LBB2_2-.Ltmp0, $4  }
0x50: {  	v13 =	vadd.s32 v0, v4;
	s7 =	sor.u32 $0x400000, s9;
	v6 =	vshrl.u32 v6, $0x7;
	v4 =	vshrl.u32 v1, $0x7  }
0x51: {  	v7 =	vadd.s32 v7, v8;
	v10 =	vadd.s32 s7, v10;
	[tilespmem:s21+$0xFFFFFFE0] =	vst v13;
	v13 =	vmul.u32 $0x380, v9  }
0x52: {  	v8 =	vmul.u32 $0x380, v6;
	v10 =	vadd.s32 v12, v10;
	v9 =	vadd.s32 v0, v7  }
0x53: {  	s21 =	sadd.s32 $0x80, s21;
	v6 =	vshrl.u32 v2, $0x7;
	v7 =	vshrl.u32 v3, $0x7;
	v11 =	vadd.s32 v13, v11  }
0x54: {  	v10 =	vadd.s32 v0, v10  }
0x55: {  	v11 =	vadd.s32 v0, v11;
	v5 =	vadd.s32 v8, v5;
	[tilespmem:s5+$0x30] =	vst v9;
	v6 =	vmul.u32 $0x380, v6  }
0x56: {  	v7 =	vmul.u32 $0x380, v7;
	v2 =	vadd.s32 s9, v2;
	v4 =	vmul.u32 $0x380, v4;
	s7 =	sor.u32 $0x300000, s9;
	[tilespmem:s5+$0x10] =	vst v11  }
0x57: {  	s8 =	sor.u32 $0x100000, s9;
	v5 =	vadd.s32 v0, v5;
	[tilespmem:s5+$0x0] =	vst v10;
	v1 =	vadd.s32 s7, v1;
	v2 =	vadd.s32 v6, v2  }
0x58: {  	v3 =	vadd.s32 s8, v3;
	[tilespmem:s5+$0x20] =	vst v5;
	v1 =	vadd.s32 v4, v1;
	v2 =	vadd.s32 v0, v2  }
0x59: {  	v3 =	vadd.s32 v7, v3;
	v1 =	vadd.s32 v0, v1;
	[tilespmem:s5+$0xFFFFFFC0] =	vst v2  }
0x5a: {  	v2 =	vadd.s32 v0, v3;
	[tilespmem:s5+$0xFFFFFFF0] =	vst v1  }
0x5b: {  	s9 =	simm.s32 $0x0;
	s19 =	simm.s32 $0xC000;
	[tilespmem:s5+$0xFFFFFFD0] =	vst v2  }
0x5c: {  	[tilespmem:s19], [sflag:$0x7] =	stream.indirect.gather [hbm4b:s2+s6], $0x1, s9, s6, $0xb8;
	[tilespmem:$0x18000] =	vst v63  }
0x5d: {  	_ =	swait.ge [sflag:s12], $0x2000  }
0x5e: {  	[sflag:s12] =	ssyncset.done $0x0  }
0x5f: {  	s5 =	simm.s32 $0x2040;
	[sflag:s12] =	ssyncadd.s32 $0xFFFFE000  }
0x60: {  	v4 =	vld [tilespmem:s5+$0xFFFFFFE0]  }
0x61: {  	v3 =	vld [tilespmem:s5+$0x30]  }
0x62: {  	v5 =	vld [tilespmem:s5+$0x10]  }
0x63: {  	v6 =	vld [tilespmem:s5+$0x0];
	_ =	sdelay $0x1  }
0x64: {  	s19 =	sand.u32 $0x3800000, s9;
	v7 =	vld [tilespmem:s5+$0x20]  }
0x65: {  	s21 =	sor.u32 $0x500000, s19  }
0x66: {  	s24 =	sor.u32 $0x700000, s9;
	s11 =	sor.u32 $0x200000, s19;
	v1 =	vld [tilespmem:s5+$0xFFFFFFF0];
	v2 =	vshrl.u32 v4, $0x7;
	v9 =	vshrl.u32 v3, $0x7;
	v11 =	vadd.s32 s21, v5  }
0x67: {  	v10 =	vadd.s32 s24, v3;
	v3 =	vld [tilespmem:s5+$0xFFFFFFD0];
	v4 =	vadd.s32 s11, v4;
	v12 =	vshrl.u32 v6, $0x7  }
0x68: {  	v13 =	vshrl.u32 v5, $0x7;
	s21 =	sor.u32 $0x600000, s19;
	v8 =	vmul.u32 $0x380, v2;
	v2 =	vld [tilespmem:s5+$0xFFFFFFC0];
	v9 =	vmul.u32 $0x380, v9  }
0x69: {  	s24 =	sor.u32 $0x400000, s19;
	v5 =	vadd.s32 s21, v7;
	v7 =	vshrl.u32 v7, $0x7;
	v13 =	vmul.u32 $0x380, v13  }
0x6a: {  	v6 =	vadd.s32 s24, v6;
	v4 =	vadd.s32 v8, v4;
	v8 =	vmul.u32 $0x380, v12  }
0x6b: {  	v9 =	vadd.s32 v9, v10;
	v11 =	vadd.s32 v13, v11;
	v63 =	vadd.s32 v0, v4  }
0x6c: {  	v4 =	vshrl.u32 v1, $0x7;
	v10 =	vadd.s32 v8, v6;
	v8 =	vmul.u32 $0x380, v7  }
0x6d: {  	s21 =	simm.s32 $0x0;
	s24 =	simm.s32 $0x20C0;
	v9 =	vadd.s32 v0, v9;
	[tilespmem:s5+$0xFFFFFFE0] =	vst v63;
	v7 =	vshrl.u32 v3, $0x7;
	v6 =	vshrl.u32 v2, $0x7  }
.LBB2_4:
0x6e: {  	v12 =	vld [tilespmem:s24+$0xFFFFFFE0];
	s21 =	sadd.s32 $0x8, s21;
	v10 =	vadd.s32 v0, v10;
	v11 =	vadd.s32 v0, v11;
	v5 =	vadd.s32 v8, v5;
	[tilespmem:s5+$0x30] =	vst v9;
	s9 =	sadd.s32 $0x100000, s9  }
0x6f: {  	v6 =	vmul.u32 $0x380, v6;
	v7 =	vmul.u32 $0x380, v7;
	s7 =	sor.u32 $0x100000, s19;
	v8 =	vld [tilespmem:s24+$0x30];
	p0 =	slt.u32 s21, $0x1F8;
	[tilespmem:s5+$0x10] =	vst v11;
	v5 =	vadd.s32 v0, v5  }
0x70: {  	v2 =	vadd.s32 s19, v2;
	v4 =	vmul.u32 $0x380, v4;
	v3 =	vadd.s32 s7, v3;
	s7 =	sor.u32 $0x300000, s19;
	v9 =	vld [tilespmem:s24+$0x10];
	[tilespmem:s5+$0x0] =	vst v10  }
0x71: {  	v2 =	vadd.s32 v6, v2;
	v3 =	vadd.s32 v7, v3;
	v1 =	vadd.s32 s7, v1;
	v10 =	vld [tilespmem:s24+$0x0];
	[tilespmem:s5+$0x20] =	vst v5  }
0x72: {  	v2 =	vadd.s32 v0, v2;
	v3 =	vadd.s32 v0, v3;
	v4 =	vadd.s32 v4, v1;
	v6 =	vld [tilespmem:s24+$0x20]  }
0x73: {  	s19 =	sand.u32 $0x3800000, s9;
	v5 =	vshrl.u32 v12, $0x7;
	v1 =	vld [tilespmem:s24+$0xFFFFFFF0];
	[tilespmem:s5+$0xFFFFFFC0] =	vst v2;
	v2 =	vadd.s32 v0, v4  }
0x74: {  	s8 =	sor.u32 $0x700000, s9;
	s7 =	sor.u32 $0x500000, s19;
	v4 =	vmul.u32 $0x380, v5;
	v5 =	vshrl.u32 v8, $0x7;
	[tilespmem:s5+$0xFFFFFFF0] =	vst v2  }
0x75: {  	s11 =	sor.u32 $0x200000, s19;
	v8 =	vadd.s32 s8, v8;
	v2 =	vld [tilespmem:s24+$0xFFFFFFC0];
	v11 =	vadd.s32 s7, v9;
	v7 =	vmul.u32 $0x380, v5;
	[tilespmem:s5+$0xFFFFFFD0] =	vst v3;
	s5 =	smov.u32 s24  }
0x76: {  	v5 =	vadd.s32 s11, v12;
	v9 =	vshrl.u32 v9, $0x7;
	s7 =	sor.u32 $0x600000, s19;
	v3 =	vld [tilespmem:s24+$0xFFFFFFD0];
	v12 =	vshrl.u32 v10, $0x7  }
.Ltmp1:
0x77: {  	v4 =	vadd.s32 v4, v5;
	v12 =	vmul.u32 $0x380, v12;
	v5 =	vadd.s32 s7, v6;
	(pc) =	sbr.rel @p0 .LBB2_4-.Ltmp1, $4  }
0x78: {  	v13 =	vadd.s32 v0, v4;
	s7 =	sor.u32 $0x400000, s19;
	v6 =	vshrl.u32 v6, $0x7;
	v4 =	vshrl.u32 v1, $0x7  }
0x79: {  	v7 =	vadd.s32 v7, v8;
	v10 =	vadd.s32 s7, v10;
	[tilespmem:s24+$0xFFFFFFE0] =	vst v13;
	v13 =	vmul.u32 $0x380, v9  }
0x7a: {  	v8 =	vmul.u32 $0x380, v6;
	v10 =	vadd.s32 v12, v10;
	v9 =	vadd.s32 v0, v7  }
0x7b: {  	s24 =	sadd.s32 $0x80, s24;
	v6 =	vshrl.u32 v2, $0x7;
	v7 =	vshrl.u32 v3, $0x7;
	v11 =	vadd.s32 v13, v11  }
0x7c: {  	v10 =	vadd.s32 v0, v10  }
0x7d: {  	v11 =	vadd.s32 v0, v11;
	v5 =	vadd.s32 v8, v5;
	[tilespmem:s5+$0x30] =	vst v9;
	v6 =	vmul.u32 $0x380, v6  }
0x7e: {  	v7 =	vmul.u32 $0x380, v7;
	v2 =	vadd.s32 s19, v2;
	v4 =	vmul.u32 $0x380, v4;
	s7 =	sor.u32 $0x300000, s19;
	[tilespmem:s5+$0x10] =	vst v11  }
0x7f: {  	s8 =	sor.u32 $0x100000, s19;
	v5 =	vadd.s32 v0, v5;
	[tilespmem:s5+$0x0] =	vst v10;
	v1 =	vadd.s32 s7, v1;
	v2 =	vadd.s32 v6, v2  }
0x80: {  	v3 =	vadd.s32 s8, v3;
	[tilespmem:s5+$0x20] =	vst v5;
	v1 =	vadd.s32 v4, v1;
	v2 =	vadd.s32 v0, v2  }
0x81: {  	v3 =	vadd.s32 v7, v3;
	v1 =	vadd.s32 v0, v1;
	[tilespmem:s5+$0xFFFFFFC0] =	vst v2  }
0x82: {  	v2 =	vadd.s32 v0, v3;
	[tilespmem:s5+$0xFFFFFFF0] =	vst v1  }
0x83: {  	[tilespmem:s5+$0xFFFFFFD0] =	vst v2  }
0x84: {  	[tilespmem:s13], [sflag:$0x8] =	stream.indirect.gather [hbm4b:s2+s6], $0x1, s6, s6, $0xb8;
	[tilespmem:$0x18000] =	vst v63  }
0x85: {  	_ =	swait.ge [sflag:s14], $0x2000  }
0x86: {  	[sflag:s14] =	ssyncset.done $0x0  }
0x87: {  	s5 =	simm.s32 $0x4040;
	[sflag:s14] =	ssyncadd.s32 $0xFFFFE000  }
0x88: {  	v4 =	vld [tilespmem:s5+$0xFFFFFFE0]  }
0x89: {  	v3 =	vld [tilespmem:s5+$0x30]  }
0x8a: {  	v5 =	vld [tilespmem:s5+$0x10]  }
0x8b: {  	v6 =	vld [tilespmem:s5+$0x0]  }
0x8c: {  	s9 =	simm.s32 $0x0  }
0x8d: {  	s19 =	sand.u32 $0x3800000, s9;
	v7 =	vld [tilespmem:s5+$0x20]  }
0x8e: {  	s21 =	sor.u32 $0x500000, s19  }
0x8f: {  	s24 =	sor.u32 $0x700000, s9;
	s11 =	sor.u32 $0x200000, s19;
	v1 =	vld [tilespmem:s5+$0xFFFFFFF0];
	v2 =	vshrl.u32 v4, $0x7;
	v9 =	vshrl.u32 v3, $0x7;
	v11 =	vadd.s32 s21, v5  }
0x90: {  	v10 =	vadd.s32 s24, v3;
	v3 =	vld [tilespmem:s5+$0xFFFFFFD0];
	v4 =	vadd.s32 s11, v4;
	v12 =	vshrl.u32 v6, $0x7  }
0x91: {  	v13 =	vshrl.u32 v5, $0x7;
	s21 =	sor.u32 $0x600000, s19;
	v8 =	vmul.u32 $0x380, v2;
	v2 =	vld [tilespmem:s5+$0xFFFFFFC0];
	v9 =	vmul.u32 $0x380, v9  }
0x92: {  	s24 =	sor.u32 $0x400000, s19;
	v5 =	vadd.s32 s21, v7;
	v7 =	vshrl.u32 v7, $0x7;
	v13 =	vmul.u32 $0x380, v13  }
0x93: {  	v6 =	vadd.s32 s24, v6;
	v4 =	vadd.s32 v8, v4;
	v8 =	vmul.u32 $0x380, v12  }
0x94: {  	v9 =	vadd.s32 v9, v10;
	v11 =	vadd.s32 v13, v11;
	v63 =	vadd.s32 v0, v4  }
0x95: {  	v4 =	vshrl.u32 v1, $0x7;
	v10 =	vadd.s32 v8, v6;
	v8 =	vmul.u32 $0x380, v7  }
0x96: {  	s21 =	simm.s32 $0x0;
	s24 =	simm.s32 $0x40C0;
	v9 =	vadd.s32 v0, v9;
	[tilespmem:s5+$0xFFFFFFE0] =	vst v63;
	v7 =	vshrl.u32 v3, $0x7;
	v6 =	vshrl.u32 v2, $0x7  }
.LBB2_6:
0x97: {  	v12 =	vld [tilespmem:s24+$0xFFFFFFE0];
	s21 =	sadd.s32 $0x8, s21;
	v10 =	vadd.s32 v0, v10;
	v11 =	vadd.s32 v0, v11;
	v5 =	vadd.s32 v8, v5;
	[tilespmem:s5+$0x30] =	vst v9;
	s9 =	sadd.s32 $0x100000, s9  }
0x98: {  	v6 =	vmul.u32 $0x380, v6;
	v7 =	vmul.u32 $0x380, v7;
	s7 =	sor.u32 $0x100000, s19;
	v8 =	vld [tilespmem:s24+$0x30];
	p0 =	slt.u32 s21, $0x1F8;
	[tilespmem:s5+$0x10] =	vst v11;
	v5 =	vadd.s32 v0, v5  }
0x99: {  	v2 =	vadd.s32 s19, v2;
	v4 =	vmul.u32 $0x380, v4;
	v3 =	vadd.s32 s7, v3;
	s7 =	sor.u32 $0x300000, s19;
	v9 =	vld [tilespmem:s24+$0x10];
	[tilespmem:s5+$0x0] =	vst v10  }
0x9a: {  	v2 =	vadd.s32 v6, v2;
	v3 =	vadd.s32 v7, v3;
	v1 =	vadd.s32 s7, v1;
	v10 =	vld [tilespmem:s24+$0x0];
	[tilespmem:s5+$0x20] =	vst v5  }
0x9b: {  	v2 =	vadd.s32 v0, v2;
	v3 =	vadd.s32 v0, v3;
	v4 =	vadd.s32 v4, v1;
	v6 =	vld [tilespmem:s24+$0x20]  }
0x9c: {  	s19 =	sand.u32 $0x3800000, s9;
	v5 =	vshrl.u32 v12, $0x7;
	v1 =	vld [tilespmem:s24+$0xFFFFFFF0];
	[tilespmem:s5+$0xFFFFFFC0] =	vst v2;
	v2 =	vadd.s32 v0, v4  }
0x9d: {  	s8 =	sor.u32 $0x700000, s9;
	s7 =	sor.u32 $0x500000, s19;
	v4 =	vmul.u32 $0x380, v5;
	v5 =	vshrl.u32 v8, $0x7;
	[tilespmem:s5+$0xFFFFFFF0] =	vst v2  }
0x9e: {  	s11 =	sor.u32 $0x200000, s19;
	v8 =	vadd.s32 s8, v8;
	v2 =	vld [tilespmem:s24+$0xFFFFFFC0];
	v11 =	vadd.s32 s7, v9;
	v7 =	vmul.u32 $0x380, v5;
	[tilespmem:s5+$0xFFFFFFD0] =	vst v3;
	s5 =	smov.u32 s24  }
0x9f: {  	v5 =	vadd.s32 s11, v12;
	v9 =	vshrl.u32 v9, $0x7;
	s7 =	sor.u32 $0x600000, s19;
	v3 =	vld [tilespmem:s24+$0xFFFFFFD0];
	v12 =	vshrl.u32 v10, $0x7  }
.Ltmp2:
0xa0: {  	v4 =	vadd.s32 v4, v5;
	v12 =	vmul.u32 $0x380, v12;
	v5 =	vadd.s32 s7, v6;
	(pc) =	sbr.rel @p0 .LBB2_6-.Ltmp2, $4  }
0xa1: {  	v13 =	vadd.s32 v0, v4;
	s7 =	sor.u32 $0x400000, s19;
	v6 =	vshrl.u32 v6, $0x7;
	v4 =	vshrl.u32 v1, $0x7  }
0xa2: {  	v7 =	vadd.s32 v7, v8;
	v10 =	vadd.s32 s7, v10;
	[tilespmem:s24+$0xFFFFFFE0] =	vst v13;
	v13 =	vmul.u32 $0x380, v9  }
0xa3: {  	v8 =	vmul.u32 $0x380, v6;
	v10 =	vadd.s32 v12, v10;
	v9 =	vadd.s32 v0, v7  }
0xa4: {  	s24 =	sadd.s32 $0x80, s24;
	v6 =	vshrl.u32 v2, $0x7;
	v7 =	vshrl.u32 v3, $0x7;
	v11 =	vadd.s32 v13, v11  }
0xa5: {  	v10 =	vadd.s32 v0, v10  }
0xa6: {  	v11 =	vadd.s32 v0, v11;
	v5 =	vadd.s32 v8, v5;
	[tilespmem:s5+$0x30] =	vst v9;
	v6 =	vmul.u32 $0x380, v6  }
0xa7: {  	v7 =	vmul.u32 $0x380, v7;
	v2 =	vadd.s32 s19, v2;
	v4 =	vmul.u32 $0x380, v4;
	s7 =	sor.u32 $0x300000, s19;
	[tilespmem:s5+$0x10] =	vst v11  }
0xa8: {  	s8 =	sor.u32 $0x100000, s19;
	v5 =	vadd.s32 v0, v5;
	[tilespmem:s5+$0x0] =	vst v10;
	v1 =	vadd.s32 s7, v1;
	v2 =	vadd.s32 v6, v2  }
0xa9: {  	v3 =	vadd.s32 s8, v3;
	[tilespmem:s5+$0x20] =	vst v5;
	v1 =	vadd.s32 v4, v1;
	v2 =	vadd.s32 v0, v2  }
0xaa: {  	v3 =	vadd.s32 v7, v3;
	v1 =	vadd.s32 v0, v1;
	[tilespmem:s5+$0xFFFFFFC0] =	vst v2  }
0xab: {  	v2 =	vadd.s32 v0, v3;
	[tilespmem:s5+$0xFFFFFFF0] =	vst v1  }
0xac: {  	s19 =	simm.s32 $0x4000;
	[tilespmem:s5+$0xFFFFFFD0] =	vst v2  }
0xad: {  	[tilespmem:s15], [sflag:$0x9] =	stream.indirect.gather [hbm4b:s2+s6], $0x1, s19, s6, $0xb8;
	[tilespmem:$0x18000] =	vst v63  }
0xae: {  	_ =	swait.ge [sflag:s16], $0x2000  }
0xaf: {  	[sflag:s16] =	ssyncset.done $0x0  }
0xb0: {  	s5 =	simm.s32 $0x6040;
	[sflag:s16] =	ssyncadd.s32 $0xFFFFE000  }
0xb1: {  	v4 =	vld [tilespmem:s5+$0xFFFFFFE0]  }
0xb2: {  	v3 =	vld [tilespmem:s5+$0x30]  }
0xb3: {  	v5 =	vld [tilespmem:s5+$0x10]  }
0xb4: {  	v6 =	vld [tilespmem:s5+$0x0]  }
0xb5: {  	s9 =	simm.s32 $0x0  }
0xb6: {  	s19 =	sand.u32 $0x3800000, s9;
	v7 =	vld [tilespmem:s5+$0x20]  }
0xb7: {  	s21 =	sor.u32 $0x500000, s19  }
0xb8: {  	s24 =	sor.u32 $0x700000, s9;
	s11 =	sor.u32 $0x200000, s19;
	v1 =	vld [tilespmem:s5+$0xFFFFFFF0];
	v2 =	vshrl.u32 v4, $0x7;
	v9 =	vshrl.u32 v3, $0x7;
	v11 =	vadd.s32 s21, v5  }
0xb9: {  	v10 =	vadd.s32 s24, v3;
	v3 =	vld [tilespmem:s5+$0xFFFFFFD0];
	v4 =	vadd.s32 s11, v4;
	v12 =	vshrl.u32 v6, $0x7  }
0xba: {  	v13 =	vshrl.u32 v5, $0x7;
	s21 =	sor.u32 $0x600000, s19;
	v8 =	vmul.u32 $0x380, v2;
	v2 =	vld [tilespmem:s5+$0xFFFFFFC0];
	v9 =	vmul.u32 $0x380, v9  }
0xbb: {  	s24 =	sor.u32 $0x400000, s19;
	v5 =	vadd.s32 s21, v7;
	v7 =	vshrl.u32 v7, $0x7;
	v13 =	vmul.u32 $0x380, v13  }
0xbc: {  	v6 =	vadd.s32 s24, v6;
	v4 =	vadd.s32 v8, v4;
	v8 =	vmul.u32 $0x380, v12  }
0xbd: {  	v9 =	vadd.s32 v9, v10;
	v11 =	vadd.s32 v13, v11;
	v63 =	vadd.s32 v0, v4  }
0xbe: {  	v4 =	vshrl.u32 v1, $0x7;
	v10 =	vadd.s32 v8, v6;
	v8 =	vmul.u32 $0x380, v7  }
0xbf: {  	s21 =	simm.s32 $0x0;
	s24 =	simm.s32 $0x60C0;
	v9 =	vadd.s32 v0, v9;
	[tilespmem:s5+$0xFFFFFFE0] =	vst v63;
	v7 =	vshrl.u32 v3, $0x7;
	v6 =	vshrl.u32 v2, $0x7  }
.LBB2_8:
0xc0: {  	v12 =	vld [tilespmem:s24+$0xFFFFFFE0];
	s21 =	sadd.s32 $0x8, s21;
	v10 =	vadd.s32 v0, v10;
	v11 =	vadd.s32 v0, v11;
	v5 =	vadd.s32 v8, v5;
	[tilespmem:s5+$0x30] =	vst v9;
	s9 =	sadd.s32 $0x100000, s9  }
0xc1: {  	v6 =	vmul.u32 $0x380, v6;
	v7 =	vmul.u32 $0x380, v7;
	s7 =	sor.u32 $0x100000, s19;
	v8 =	vld [tilespmem:s24+$0x30];
	p0 =	slt.u32 s21, $0x1F8;
	[tilespmem:s5+$0x10] =	vst v11;
	v5 =	vadd.s32 v0, v5  }
0xc2: {  	v2 =	vadd.s32 s19, v2;
	v4 =	vmul.u32 $0x380, v4;
	v3 =	vadd.s32 s7, v3;
	s7 =	sor.u32 $0x300000, s19;
	v9 =	vld [tilespmem:s24+$0x10];
	[tilespmem:s5+$0x0] =	vst v10  }
0xc3: {  	v2 =	vadd.s32 v6, v2;
	v3 =	vadd.s32 v7, v3;
	v1 =	vadd.s32 s7, v1;
	v10 =	vld [tilespmem:s24+$0x0];
	[tilespmem:s5+$0x20] =	vst v5  }
0xc4: {  	v2 =	vadd.s32 v0, v2;
	v3 =	vadd.s32 v0, v3;
	v4 =	vadd.s32 v4, v1;
	v6 =	vld [tilespmem:s24+$0x20]  }
0xc5: {  	s19 =	sand.u32 $0x3800000, s9;
	v5 =	vshrl.u32 v12, $0x7;
	v1 =	vld [tilespmem:s24+$0xFFFFFFF0];
	[tilespmem:s5+$0xFFFFFFC0] =	vst v2;
	v2 =	vadd.s32 v0, v4  }
0xc6: {  	s8 =	sor.u32 $0x700000, s9;
	s7 =	sor.u32 $0x500000, s19;
	v4 =	vmul.u32 $0x380, v5;
	v5 =	vshrl.u32 v8, $0x7;
	[tilespmem:s5+$0xFFFFFFF0] =	vst v2  }
0xc7: {  	s11 =	sor.u32 $0x200000, s19;
	v8 =	vadd.s32 s8, v8;
	v2 =	vld [tilespmem:s24+$0xFFFFFFC0];
	v11 =	vadd.s32 s7, v9;
	v7 =	vmul.u32 $0x380, v5;
	[tilespmem:s5+$0xFFFFFFD0] =	vst v3;
	s5 =	smov.u32 s24  }
0xc8: {  	v5 =	vadd.s32 s11, v12;
	v9 =	vshrl.u32 v9, $0x7;
	s7 =	sor.u32 $0x600000, s19;
	v3 =	vld [tilespmem:s24+$0xFFFFFFD0];
	v12 =	vshrl.u32 v10, $0x7  }
.Ltmp3:
0xc9: {  	v4 =	vadd.s32 v4, v5;
	v12 =	vmul.u32 $0x380, v12;
	v5 =	vadd.s32 s7, v6;
	(pc) =	sbr.rel @p0 .LBB2_8-.Ltmp3, $4  }
0xca: {  	v13 =	vadd.s32 v0, v4;
	s7 =	sor.u32 $0x400000, s19;
	v6 =	vshrl.u32 v6, $0x7;
	v4 =	vshrl.u32 v1, $0x7  }
0xcb: {  	v7 =	vadd.s32 v7, v8;
	v10 =	vadd.s32 s7, v10;
	[tilespmem:s24+$0xFFFFFFE0] =	vst v13;
	v13 =	vmul.u32 $0x380, v9  }
0xcc: {  	v8 =	vmul.u32 $0x380, v6;
	v10 =	vadd.s32 v12, v10;
	v9 =	vadd.s32 v0, v7  }
0xcd: {  	s24 =	sadd.s32 $0x80, s24;
	v6 =	vshrl.u32 v2, $0x7;
	v7 =	vshrl.u32 v3, $0x7;
	v11 =	vadd.s32 v13, v11  }
0xce: {  	v10 =	vadd.s32 v0, v10  }
0xcf: {  	v11 =	vadd.s32 v0, v11;
	v5 =	vadd.s32 v8, v5;
	[tilespmem:s5+$0x30] =	vst v9;
	v6 =	vmul.u32 $0x380, v6  }
0xd0: {  	v7 =	vmul.u32 $0x380, v7;
	v2 =	vadd.s32 s19, v2;
	v4 =	vmul.u32 $0x380, v4;
	s7 =	sor.u32 $0x300000, s19;
	[tilespmem:s5+$0x10] =	vst v11  }
0xd1: {  	s8 =	sor.u32 $0x100000, s19;
	v5 =	vadd.s32 v0, v5;
	[tilespmem:s5+$0x0] =	vst v10;
	v1 =	vadd.s32 s7, v1;
	v2 =	vadd.s32 v6, v2  }
0xd2: {  	v3 =	vadd.s32 s8, v3;
	[tilespmem:s5+$0x20] =	vst v5;
	v1 =	vadd.s32 v4, v1;
	v2 =	vadd.s32 v0, v2  }
0xd3: {  	v3 =	vadd.s32 v7, v3;
	v1 =	vadd.s32 v0, v1;
	[tilespmem:s5+$0xFFFFFFC0] =	vst v2  }
0xd4: {  	v2 =	vadd.s32 v0, v3;
	[tilespmem:s5+$0xFFFFFFF0] =	vst v1  }
0xd5: {  	s24 =	simm.s32 $0x6000;
	[tilespmem:s5+$0xFFFFFFD0] =	vst v2  }
0xd6: {  	[tilespmem:s17], [sflag:$0xA] =	stream.indirect.gather [hbm4b:s2+s6], $0x1, s24, s6, $0xb8;
	[tilespmem:$0x18000] =	vst v63  }
0xd7: {  	_ =	swait.ge [sflag:s18], $0x2000  }
0xd8: {  	s9 =	simm.s32 $0x0;
	[sflag:s18] =	ssyncset.done $0x0  }
0xd9: {  	s8 =	simm.s32 $0xC000;
	s7 =	rddreg [dreg:$0x19];
	[sflag:s18] =	ssyncadd.s32 $0xFFFFE000  }
0xda: {  	[hbm4b:s7+s9] =	stream.linear.scatter [tilespmem:s8], [sflag:$0xB], $0x2000, $0x38;
	[tilespmem:$0x18000] =	vst v63  }
0xdb: {  	s19 =	simm.s32 $0xA000;
	s11 =	rddreg [dreg:$0x8]  }
0xdc: {  	[tilespmem:s19], [sflag:$0x6] =	stream.linear.gather [hbm4b:s11+s9], $0x2000, $0x38;
	[tilespmem:$0x18000] =	vst v63  }
0xdd: {  	_ =	swait.ge [sflag:s20], $0x2000  }
0xde: {  	[sflag:s20] =	ssyncset.done $0x0  }
0xdf: {  	s5 =	simm.s32 $0x8040;
	[sflag:s20] =	ssyncadd.s32 $0xFFFFE000  }
0xe0: {  	v4 =	vld [tilespmem:s5+$0xFFFFFFE0]  }
0xe1: {  	v3 =	vld [tilespmem:s5+$0x30]  }
0xe2: {  	v5 =	vld [tilespmem:s5+$0x10]  }
0xe3: {  	v6 =	vld [tilespmem:s5+$0x0];
	_ =	sdelay $0x1  }
0xe4: {  	s19 =	sand.u32 $0x3800000, s9;
	v7 =	vld [tilespmem:s5+$0x20]  }
0xe5: {  	s21 =	sor.u32 $0x500000, s19  }
0xe6: {  	s24 =	sor.u32 $0x700000, s9;
	s11 =	sor.u32 $0x200000, s19;
	v1 =	vld [tilespmem:s5+$0xFFFFFFF0];
	v2 =	vshrl.u32 v4, $0x7;
	v9 =	vshrl.u32 v3, $0x7;
	v11 =	vadd.s32 s21, v5  }
0xe7: {  	v10 =	vadd.s32 s24, v3;
	v3 =	vld [tilespmem:s5+$0xFFFFFFD0];
	v4 =	vadd.s32 s11, v4;
	v12 =	vshrl.u32 v6, $0x7  }
0xe8: {  	v13 =	vshrl.u32 v5, $0x7;
	s21 =	sor.u32 $0x600000, s19;
	v8 =	vmul.u32 $0x380, v2;
	v2 =	vld [tilespmem:s5+$0xFFFFFFC0];
	v9 =	vmul.u32 $0x380, v9  }
0xe9: {  	s24 =	sor.u32 $0x400000, s19;
	v5 =	vadd.s32 s21, v7;
	v7 =	vshrl.u32 v7, $0x7;
	v13 =	vmul.u32 $0x380, v13  }
0xea: {  	v6 =	vadd.s32 s24, v6;
	v4 =	vadd.s32 v8, v4;
	v8 =	vmul.u32 $0x380, v12  }
0xeb: {  	v9 =	vadd.s32 v9, v10;
	v11 =	vadd.s32 v13, v11;
	v63 =	vadd.s32 v0, v4  }
0xec: {  	v4 =	vshrl.u32 v1, $0x7;
	v10 =	vadd.s32 v8, v6;
	v8 =	vmul.u32 $0x380, v7  }
0xed: {  	s21 =	simm.s32 $0x0;
	s24 =	simm.s32 $0x80C0;
	v9 =	vadd.s32 v0, v9;
	[tilespmem:s5+$0xFFFFFFE0] =	vst v63;
	v7 =	vshrl.u32 v3, $0x7;
	v6 =	vshrl.u32 v2, $0x7  }
.LBB2_10:
0xee: {  	v12 =	vld [tilespmem:s24+$0xFFFFFFE0];
	s21 =	sadd.s32 $0x8, s21;
	v10 =	vadd.s32 v0, v10;
	v11 =	vadd.s32 v0, v11;
	v5 =	vadd.s32 v8, v5;
	[tilespmem:s5+$0x30] =	vst v9;
	s9 =	sadd.s32 $0x100000, s9  }
0xef: {  	v6 =	vmul.u32 $0x380, v6;
	v7 =	vmul.u32 $0x380, v7;
	s7 =	sor.u32 $0x100000, s19;
	v8 =	vld [tilespmem:s24+$0x30];
	p0 =	slt.u32 s21, $0x1F8;
	[tilespmem:s5+$0x10] =	vst v11;
	v5 =	vadd.s32 v0, v5  }
0xf0: {  	v2 =	vadd.s32 s19, v2;
	v4 =	vmul.u32 $0x380, v4;
	v3 =	vadd.s32 s7, v3;
	s7 =	sor.u32 $0x300000, s19;
	v9 =	vld [tilespmem:s24+$0x10];
	[tilespmem:s5+$0x0] =	vst v10  }
0xf1: {  	v2 =	vadd.s32 v6, v2;
	v3 =	vadd.s32 v7, v3;
	v1 =	vadd.s32 s7, v1;
	v10 =	vld [tilespmem:s24+$0x0];
	[tilespmem:s5+$0x20] =	vst v5  }
0xf2: {  	v2 =	vadd.s32 v0, v2;
	v3 =	vadd.s32 v0, v3;
	v4 =	vadd.s32 v4, v1;
	v6 =	vld [tilespmem:s24+$0x20]  }
0xf3: {  	s19 =	sand.u32 $0x3800000, s9;
	v5 =	vshrl.u32 v12, $0x7;
	v1 =	vld [tilespmem:s24+$0xFFFFFFF0];
	[tilespmem:s5+$0xFFFFFFC0] =	vst v2;
	v2 =	vadd.s32 v0, v4  }
0xf4: {  	s8 =	sor.u32 $0x700000, s9;
	s7 =	sor.u32 $0x500000, s19;
	v4 =	vmul.u32 $0x380, v5;
	v5 =	vshrl.u32 v8, $0x7;
	[tilespmem:s5+$0xFFFFFFF0] =	vst v2  }
0xf5: {  	s11 =	sor.u32 $0x200000, s19;
	v8 =	vadd.s32 s8, v8;
	v2 =	vld [tilespmem:s24+$0xFFFFFFC0];
	v11 =	vadd.s32 s7, v9;
	v7 =	vmul.u32 $0x380, v5;
	[tilespmem:s5+$0xFFFFFFD0] =	vst v3;
	s5 =	smov.u32 s24  }
0xf6: {  	v5 =	vadd.s32 s11, v12;
	v9 =	vshrl.u32 v9, $0x7;
	s7 =	sor.u32 $0x600000, s19;
	v3 =	vld [tilespmem:s24+$0xFFFFFFD0];
	v12 =	vshrl.u32 v10, $0x7  }
.Ltmp4:
0xf7: {  	v4 =	vadd.s32 v4, v5;
	v12 =	vmul.u32 $0x380, v12;
	v5 =	vadd.s32 s7, v6;
	(pc) =	sbr.rel @p0 .LBB2_10-.Ltmp4, $4  }
0xf8: {  	v13 =	vadd.s32 v0, v4;
	s7 =	sor.u32 $0x400000, s19;
	v6 =	vshrl.u32 v6, $0x7;
	v4 =	vshrl.u32 v1, $0x7  }
0xf9: {  	v7 =	vadd.s32 v7, v8;
	v10 =	vadd.s32 s7, v10;
	[tilespmem:s24+$0xFFFFFFE0] =	vst v13;
	v13 =	vmul.u32 $0x380, v9  }
0xfa: {  	v8 =	vmul.u32 $0x380, v6;
	v10 =	vadd.s32 v12, v10;
	v9 =	vadd.s32 v0, v7  }
0xfb: {  	s24 =	sadd.s32 $0x80, s24;
	v6 =	vshrl.u32 v2, $0x7;
	v7 =	vshrl.u32 v3, $0x7;
	v11 =	vadd.s32 v13, v11  }
0xfc: {  	v10 =	vadd.s32 v0, v10  }
0xfd: {  	v11 =	vadd.s32 v0, v11;
	v5 =	vadd.s32 v8, v5;
	[tilespmem:s5+$0x30] =	vst v9;
	v6 =	vmul.u32 $0x380, v6  }
0xfe: {  	v7 =	vmul.u32 $0x380, v7;
	v2 =	vadd.s32 s19, v2;
	v4 =	vmul.u32 $0x380, v4;
	s7 =	sor.u32 $0x300000, s19;
	[tilespmem:s5+$0x10] =	vst v11  }
0xff: {  	s8 =	sor.u32 $0x100000, s19;
	v5 =	vadd.s32 v0, v5;
	[tilespmem:s5+$0x0] =	vst v10;
	v1 =	vadd.s32 s7, v1;
	v2 =	vadd.s32 v6, v2  }
0x100: {  	v3 =	vadd.s32 s8, v3;
	[tilespmem:s5+$0x20] =	vst v5;
	v1 =	vadd.s32 v4, v1;
	v2 =	vadd.s32 v0, v2  }
0x101: {  	v3 =	vadd.s32 v7, v3;
	v1 =	vadd.s32 v0, v1;
	[tilespmem:s5+$0xFFFFFFC0] =	vst v2  }
0x102: {  	v2 =	vadd.s32 v0, v3;
	[tilespmem:s5+$0xFFFFFFF0] =	vst v1  }
0x103: {  	s9 =	simm.s32 $0x14000;
	s8 =	simm.s32 $0x8000;
	[tilespmem:s5+$0xFFFFFFD0] =	vst v2  }
0x104: {  	[tilespmem:s9], [sflag:$0x7] =	stream.indirect.gather [hbm4b:s2+s6], $0x1, s8, s6, $0xb8;
	[tilespmem:$0x18000] =	vst v63  }
0x105: {  	_ =	swait.ge [sflag:s22], $0x2000  }
0x106: {  	[sflag:s22] =	ssyncset.done $0x0  }
0x107: {  	s9 =	simm.s32 $0x0;
	s11 =	rddreg [dreg:$0x9];
	[sflag:s22] =	ssyncadd.s32 $0xFFFFE000  }
0x108: {  	[hbm4b:s11+s9] =	stream.linear.scatter [tilespmem:s13], [sflag:$0xC], $0x2000, $0x38;
	[tilespmem:$0x18000] =	vst v63  }
0x109: {  	s19 =	rddreg [dreg:$0xa]  }
0x10a: {  	[tilespmem:s9], [sflag:$0x1] =	stream.linear.gather [hbm4b:s19+s9], $0x2000, $0x38;
	[tilespmem:$0x18000] =	vst v63  }
0x10b: {  	_ =	swait.ge [sflag:s23], $0x2000  }
0x10c: {  	[sflag:s23] =	ssyncset.done $0x0  }
0x10d: {  	s5 =	simm.s32 $0xA040;
	[sflag:s23] =	ssyncadd.s32 $0xFFFFE000  }
0x10e: {  	v4 =	vld [tilespmem:s5+$0xFFFFFFE0]  }
0x10f: {  	v3 =	vld [tilespmem:s5+$0x30]  }
0x110: {  	v5 =	vld [tilespmem:s5+$0x10]  }
0x111: {  	v6 =	vld [tilespmem:s5+$0x0];
	_ =	sdelay $0x1  }
0x112: {  	s19 =	sand.u32 $0x3800000, s9;
	v7 =	vld [tilespmem:s5+$0x20]  }
0x113: {  	s21 =	sor.u32 $0x500000, s19  }
0x114: {  	s24 =	sor.u32 $0x700000, s9;
	s11 =	sor.u32 $0x200000, s19;
	v1 =	vld [tilespmem:s5+$0xFFFFFFF0];
	v2 =	vshrl.u32 v4, $0x7;
	v9 =	vshrl.u32 v3, $0x7;
	v11 =	vadd.s32 s21, v5  }
0x115: {  	v10 =	vadd.s32 s24, v3;
	v3 =	vld [tilespmem:s5+$0xFFFFFFD0];
	v4 =	vadd.s32 s11, v4;
	v12 =	vshrl.u32 v6, $0x7  }
0x116: {  	v13 =	vshrl.u32 v5, $0x7;
	s21 =	sor.u32 $0x600000, s19;
	v8 =	vmul.u32 $0x380, v2;
	v2 =	vld [tilespmem:s5+$0xFFFFFFC0];
	v9 =	vmul.u32 $0x380, v9  }
0x117: {  	s24 =	sor.u32 $0x400000, s19;
	v5 =	vadd.s32 s21, v7;
	v7 =	vshrl.u32 v7, $0x7;
	v13 =	vmul.u32 $0x380, v13  }
0x118: {  	v6 =	vadd.s32 s24, v6;
	v4 =	vadd.s32 v8, v4;
	v8 =	vmul.u32 $0x380, v12  }
0x119: {  	v9 =	vadd.s32 v9, v10;
	v11 =	vadd.s32 v13, v11;
	v63 =	vadd.s32 v0, v4  }
0x11a: {  	v4 =	vshrl.u32 v1, $0x7;
	v10 =	vadd.s32 v8, v6;
	v8 =	vmul.u32 $0x380, v7  }
0x11b: {  	s21 =	simm.s32 $0x0;
	s24 =	simm.s32 $0xA0C0;
	v9 =	vadd.s32 v0, v9;
	[tilespmem:s5+$0xFFFFFFE0] =	vst v63;
	v7 =	vshrl.u32 v3, $0x7;
	v6 =	vshrl.u32 v2, $0x7  }
.LBB2_12:
0x11c: {  	v12 =	vld [tilespmem:s24+$0xFFFFFFE0];
	s21 =	sadd.s32 $0x8, s21;
	v10 =	vadd.s32 v0, v10;
	v11 =	vadd.s32 v0, v11;
	v5 =	vadd.s32 v8, v5;
	[tilespmem:s5+$0x30] =	vst v9;
	s9 =	sadd.s32 $0x100000, s9  }
0x11d: {  	v6 =	vmul.u32 $0x380, v6;
	v7 =	vmul.u32 $0x380, v7;
	s7 =	sor.u32 $0x100000, s19;
	v8 =	vld [tilespmem:s24+$0x30];
	p0 =	slt.u32 s21, $0x1F8;
	[tilespmem:s5+$0x10] =	vst v11;
	v5 =	vadd.s32 v0, v5  }
0x11e: {  	v2 =	vadd.s32 s19, v2;
	v4 =	vmul.u32 $0x380, v4;
	v3 =	vadd.s32 s7, v3;
	s7 =	sor.u32 $0x300000, s19;
	v9 =	vld [tilespmem:s24+$0x10];
	[tilespmem:s5+$0x0] =	vst v10  }
0x11f: {  	v2 =	vadd.s32 v6, v2;
	v3 =	vadd.s32 v7, v3;
	v1 =	vadd.s32 s7, v1;
	v10 =	vld [tilespmem:s24+$0x0];
	[tilespmem:s5+$0x20] =	vst v5  }
0x120: {  	v2 =	vadd.s32 v0, v2;
	v3 =	vadd.s32 v0, v3;
	v4 =	vadd.s32 v4, v1;
	v6 =	vld [tilespmem:s24+$0x20]  }
0x121: {  	s19 =	sand.u32 $0x3800000, s9;
	v5 =	vshrl.u32 v12, $0x7;
	v1 =	vld [tilespmem:s24+$0xFFFFFFF0];
	[tilespmem:s5+$0xFFFFFFC0] =	vst v2;
	v2 =	vadd.s32 v0, v4  }
0x122: {  	s8 =	sor.u32 $0x700000, s9;
	s7 =	sor.u32 $0x500000, s19;
	v4 =	vmul.u32 $0x380, v5;
	v5 =	vshrl.u32 v8, $0x7;
	[tilespmem:s5+$0xFFFFFFF0] =	vst v2  }
0x123: {  	s11 =	sor.u32 $0x200000, s19;
	v8 =	vadd.s32 s8, v8;
	v2 =	vld [tilespmem:s24+$0xFFFFFFC0];
	v11 =	vadd.s32 s7, v9;
	v7 =	vmul.u32 $0x380, v5;
	[tilespmem:s5+$0xFFFFFFD0] =	vst v3;
	s5 =	smov.u32 s24  }
0x124: {  	v5 =	vadd.s32 s11, v12;
	v9 =	vshrl.u32 v9, $0x7;
	s7 =	sor.u32 $0x600000, s19;
	v3 =	vld [tilespmem:s24+$0xFFFFFFD0];
	v12 =	vshrl.u32 v10, $0x7  }
.Ltmp5:
0x125: {  	v4 =	vadd.s32 v4, v5;
	v12 =	vmul.u32 $0x380, v12;
	v5 =	vadd.s32 s7, v6;
	(pc) =	sbr.rel @p0 .LBB2_12-.Ltmp5, $4  }
0x126: {  	v13 =	vadd.s32 v0, v4;
	s7 =	sor.u32 $0x400000, s19;
	v6 =	vshrl.u32 v6, $0x7;
	v4 =	vshrl.u32 v1, $0x7  }
0x127: {  	v7 =	vadd.s32 v7, v8;
	v10 =	vadd.s32 s7, v10;
	[tilespmem:s24+$0xFFFFFFE0] =	vst v13;
	v13 =	vmul.u32 $0x380, v9  }
0x128: {  	v8 =	vmul.u32 $0x380, v6;
	v10 =	vadd.s32 v12, v10;
	v9 =	vadd.s32 v0, v7  }
0x129: {  	s24 =	sadd.s32 $0x80, s24;
	v6 =	vshrl.u32 v2, $0x7;
	v7 =	vshrl.u32 v3, $0x7;
	v11 =	vadd.s32 v13, v11  }
0x12a: {  	v10 =	vadd.s32 v0, v10  }
0x12b: {  	v11 =	vadd.s32 v0, v11;
	v5 =	vadd.s32 v8, v5;
	[tilespmem:s5+$0x30] =	vst v9;
	v6 =	vmul.u32 $0x380, v6  }
0x12c: {  	v7 =	vmul.u32 $0x380, v7;
	v2 =	vadd.s32 s19, v2;
	v4 =	vmul.u32 $0x380, v4;
	s7 =	sor.u32 $0x300000, s19;
	[tilespmem:s5+$0x10] =	vst v11  }
0x12d: {  	s8 =	sor.u32 $0x100000, s19;
	v5 =	vadd.s32 v0, v5;
	[tilespmem:s5+$0x0] =	vst v10;
	v1 =	vadd.s32 s7, v1;
	v2 =	vadd.s32 v6, v2  }
0x12e: {  	v3 =	vadd.s32 s8, v3;
	[tilespmem:s5+$0x20] =	vst v5;
	v1 =	vadd.s32 v4, v1;
	v2 =	vadd.s32 v0, v2  }
0x12f: {  	v3 =	vadd.s32 v7, v3;
	v1 =	vadd.s32 v0, v1;
	[tilespmem:s5+$0xFFFFFFC0] =	vst v2  }
0x130: {  	v2 =	vadd.s32 v0, v3;
	[tilespmem:s5+$0xFFFFFFF0] =	vst v1  }
0x131: {  	s9 =	simm.s32 $0x16000;
	s8 =	simm.s32 $0xA000;
	[tilespmem:s5+$0xFFFFFFD0] =	vst v2  }
0x132: {  	[tilespmem:s9], [sflag:$0x8] =	stream.indirect.gather [hbm4b:s2+s6], $0x1, s8, s6, $0xb8;
	[tilespmem:$0x18000] =	vst v63  }
0x133: {  	_ =	swait.ge [sflag:s25], $0x2000  }
0x134: {  	[sflag:s25] =	ssyncset.done $0x0  }
0x135: {  	s9 =	simm.s32 $0x0;
	s11 =	rddreg [dreg:$0xb];
	[sflag:s25] =	ssyncadd.s32 $0xFFFFE000  }
0x136: {  	[hbm4b:s11+s9] =	stream.linear.scatter [tilespmem:s15], [sflag:$0xD], $0x2000, $0x38;
	[tilespmem:$0x18000] =	vst v63  }
0x137: {  	s19 =	rddreg [dreg:$0xc]  }
0x138: {  	[tilespmem:s6], [sflag:$0x2] =	stream.linear.gather [hbm4b:s19+s9], $0x2000, $0x38;
	[tilespmem:$0x18000] =	vst v63  }
0x139: {  	_ =	swait.ge [sflag:s10], $0x2000  }
0x13a: {  	[sflag:s10] =	ssyncset.done $0x0  }
0x13b: {  	s5 =	simm.s32 $0x40;
	[sflag:s10] =	ssyncadd.s32 $0xFFFFE000  }
0x13c: {  	v4 =	vld [tilespmem:s5+$0xFFFFFFE0]  }
0x13d: {  	v3 =	vld [tilespmem:s5+$0x30]  }
0x13e: {  	v5 =	vld [tilespmem:s5+$0x10]  }
0x13f: {  	v6 =	vld [tilespmem:s5+$0x0];
	_ =	sdelay $0x1  }
0x140: {  	s19 =	sand.u32 $0x3800000, s9;
	v7 =	vld [tilespmem:s5+$0x20]  }
0x141: {  	s21 =	sor.u32 $0x500000, s19  }
0x142: {  	s24 =	sor.u32 $0x700000, s9;
	s11 =	sor.u32 $0x200000, s19;
	v1 =	vld [tilespmem:s5+$0xFFFFFFF0];
	v2 =	vshrl.u32 v4, $0x7;
	v9 =	vshrl.u32 v3, $0x7;
	v11 =	vadd.s32 s21, v5  }
0x143: {  	v10 =	vadd.s32 s24, v3;
	v3 =	vld [tilespmem:s5+$0xFFFFFFD0];
	v4 =	vadd.s32 s11, v4;
	v12 =	vshrl.u32 v6, $0x7  }
0x144: {  	v13 =	vshrl.u32 v5, $0x7;
	s21 =	sor.u32 $0x600000, s19;
	v8 =	vmul.u32 $0x380, v2;
	v2 =	vld [tilespmem:s5+$0xFFFFFFC0];
	v9 =	vmul.u32 $0x380, v9  }
0x145: {  	s24 =	sor.u32 $0x400000, s19;
	v5 =	vadd.s32 s21, v7;
	v7 =	vshrl.u32 v7, $0x7;
	v13 =	vmul.u32 $0x380, v13  }
0x146: {  	v6 =	vadd.s32 s24, v6;
	v4 =	vadd.s32 v8, v4;
	v8 =	vmul.u32 $0x380, v12  }
0x147: {  	v9 =	vadd.s32 v9, v10;
	v11 =	vadd.s32 v13, v11;
	v63 =	vadd.s32 v0, v4  }
0x148: {  	v4 =	vshrl.u32 v1, $0x7;
	v10 =	vadd.s32 v8, v6;
	v8 =	vmul.u32 $0x380, v7  }
0x149: {  	s21 =	simm.s32 $0x0;
	s24 =	simm.s32 $0xC0;
	v9 =	vadd.s32 v0, v9;
	[tilespmem:s5+$0xFFFFFFE0] =	vst v63;
	v7 =	vshrl.u32 v3, $0x7;
	v6 =	vshrl.u32 v2, $0x7  }
.LBB2_14:
0x14a: {  	v12 =	vld [tilespmem:s24+$0xFFFFFFE0];
	s21 =	sadd.s32 $0x8, s21;
	v10 =	vadd.s32 v0, v10;
	v11 =	vadd.s32 v0, v11;
	v5 =	vadd.s32 v8, v5;
	[tilespmem:s5+$0x30] =	vst v9;
	s9 =	sadd.s32 $0x100000, s9  }
0x14b: {  	v6 =	vmul.u32 $0x380, v6;
	v7 =	vmul.u32 $0x380, v7;
	s7 =	sor.u32 $0x100000, s19;
	v8 =	vld [tilespmem:s24+$0x30];
	p0 =	slt.u32 s21, $0x1F8;
	[tilespmem:s5+$0x10] =	vst v11;
	v5 =	vadd.s32 v0, v5  }
0x14c: {  	v2 =	vadd.s32 s19, v2;
	v4 =	vmul.u32 $0x380, v4;
	v3 =	vadd.s32 s7, v3;
	s7 =	sor.u32 $0x300000, s19;
	v9 =	vld [tilespmem:s24+$0x10];
	[tilespmem:s5+$0x0] =	vst v10  }
0x14d: {  	v2 =	vadd.s32 v6, v2;
	v3 =	vadd.s32 v7, v3;
	v1 =	vadd.s32 s7, v1;
	v10 =	vld [tilespmem:s24+$0x0];
	[tilespmem:s5+$0x20] =	vst v5  }
0x14e: {  	v2 =	vadd.s32 v0, v2;
	v3 =	vadd.s32 v0, v3;
	v4 =	vadd.s32 v4, v1;
	v6 =	vld [tilespmem:s24+$0x20]  }
0x14f: {  	s19 =	sand.u32 $0x3800000, s9;
	v5 =	vshrl.u32 v12, $0x7;
	v1 =	vld [tilespmem:s24+$0xFFFFFFF0];
	[tilespmem:s5+$0xFFFFFFC0] =	vst v2;
	v2 =	vadd.s32 v0, v4  }
0x150: {  	s8 =	sor.u32 $0x700000, s9;
	s7 =	sor.u32 $0x500000, s19;
	v4 =	vmul.u32 $0x380, v5;
	v5 =	vshrl.u32 v8, $0x7;
	[tilespmem:s5+$0xFFFFFFF0] =	vst v2  }
0x151: {  	s11 =	sor.u32 $0x200000, s19;
	v8 =	vadd.s32 s8, v8;
	v2 =	vld [tilespmem:s24+$0xFFFFFFC0];
	v11 =	vadd.s32 s7, v9;
	v7 =	vmul.u32 $0x380, v5;
	[tilespmem:s5+$0xFFFFFFD0] =	vst v3;
	s5 =	smov.u32 s24  }
0x152: {  	v5 =	vadd.s32 s11, v12;
	v9 =	vshrl.u32 v9, $0x7;
	s7 =	sor.u32 $0x600000, s19;
	v3 =	vld [tilespmem:s24+$0xFFFFFFD0];
	v12 =	vshrl.u32 v10, $0x7  }
.Ltmp6:
0x153: {  	v4 =	vadd.s32 v4, v5;
	v12 =	vmul.u32 $0x380, v12;
	v5 =	vadd.s32 s7, v6;
	(pc) =	sbr.rel @p0 .LBB2_14-.Ltmp6, $4  }
0x154: {  	v13 =	vadd.s32 v0, v4;
	s7 =	sor.u32 $0x400000, s19;
	v6 =	vshrl.u32 v6, $0x7;
	v4 =	vshrl.u32 v1, $0x7  }
0x155: {  	v7 =	vadd.s32 v7, v8;
	v10 =	vadd.s32 s7, v10;
	[tilespmem:s24+$0xFFFFFFE0] =	vst v13;
	v13 =	vmul.u32 $0x380, v9  }
0x156: {  	v8 =	vmul.u32 $0x380, v6;
	v10 =	vadd.s32 v12, v10;
	v9 =	vadd.s32 v0, v7  }
0x157: {  	s24 =	sadd.s32 $0x80, s24;
	v6 =	vshrl.u32 v2, $0x7;
	v7 =	vshrl.u32 v3, $0x7;
	v11 =	vadd.s32 v13, v11  }
0x158: {  	v10 =	vadd.s32 v0, v10  }
0x159: {  	v11 =	vadd.s32 v0, v11;
	v5 =	vadd.s32 v8, v5;
	[tilespmem:s5+$0x30] =	vst v9;
	v6 =	vmul.u32 $0x380, v6  }
0x15a: {  	v7 =	vmul.u32 $0x380, v7;
	v2 =	vadd.s32 s19, v2;
	v4 =	vmul.u32 $0x380, v4;
	s7 =	sor.u32 $0x300000, s19;
	[tilespmem:s5+$0x10] =	vst v11  }
0x15b: {  	s8 =	sor.u32 $0x100000, s19;
	v5 =	vadd.s32 v0, v5;
	[tilespmem:s5+$0x0] =	vst v10;
	v1 =	vadd.s32 s7, v1;
	v2 =	vadd.s32 v6, v2  }
0x15c: {  	v3 =	vadd.s32 s8, v3;
	[tilespmem:s5+$0x20] =	vst v5;
	v1 =	vadd.s32 v4, v1;
	v2 =	vadd.s32 v0, v2  }
0x15d: {  	v3 =	vadd.s32 v7, v3;
	v1 =	vadd.s32 v0, v1;
	[tilespmem:s5+$0xFFFFFFC0] =	vst v2  }
0x15e: {  	v2 =	vadd.s32 v0, v3;
	[tilespmem:s5+$0xFFFFFFF0] =	vst v1  }
0x15f: {  	[tilespmem:s5+$0xFFFFFFD0] =	vst v2  }
0x160: {  	_ =	swait.ge [sflag:s26], $0x2000  }
0x161: {  	[sflag:s26] =	ssyncset.done $0x0  }
0x162: {  	s9 =	simm.s32 $0x0;
	s7 =	simm.s32 $0xC000;
	[sflag:s26] =	ssyncadd.s32 $0xFFFFE000  }
0x163: {  	[tilespmem:s7], [sflag:$0x9] =	stream.indirect.gather [hbm4b:s2+s6], $0x1, s9, s6, $0xb8;
	[tilespmem:$0x18000] =	vst v63  }
0x164: {  	_ =	swait.ge [sflag:s28], $0x2000  }
0x165: {  	[sflag:s28] =	ssyncset.done $0x0  }
0x166: {  	s8 =	rddreg [dreg:$0xd];
	[sflag:s28] =	ssyncadd.s32 $0xFFFFE000  }
0x167: {  	[hbm4b:s8+s9] =	stream.linear.scatter [tilespmem:s17], [sflag:$0xE], $0x2000, $0x38;
	[tilespmem:$0x18000] =	vst v63  }
0x168: {  	s19 =	simm.s32 $0x4000;
	s11 =	rddreg [dreg:$0xe]  }
0x169: {  	[tilespmem:s19], [sflag:$0x3] =	stream.linear.gather [hbm4b:s11+s9], $0x2000, $0x38;
	[tilespmem:$0x18000] =	vst v63  }
0x16a: {  	_ =	swait.ge [sflag:s12], $0x2000  }
0x16b: {  	[sflag:s12] =	ssyncset.done $0x0  }
0x16c: {  	s5 =	simm.s32 $0x2040;
	[sflag:s12] =	ssyncadd.s32 $0xFFFFE000  }
0x16d: {  	v4 =	vld [tilespmem:s5+$0xFFFFFFE0]  }
0x16e: {  	v3 =	vld [tilespmem:s5+$0x30]  }
0x16f: {  	v5 =	vld [tilespmem:s5+$0x10]  }
0x170: {  	v6 =	vld [tilespmem:s5+$0x0];
	_ =	sdelay $0x1  }
0x171: {  	s19 =	sand.u32 $0x3800000, s9;
	v7 =	vld [tilespmem:s5+$0x20]  }
0x172: {  	s21 =	sor.u32 $0x500000, s19  }
0x173: {  	s24 =	sor.u32 $0x700000, s9;
	s11 =	sor.u32 $0x200000, s19;
	v1 =	vld [tilespmem:s5+$0xFFFFFFF0];
	v2 =	vshrl.u32 v4, $0x7;
	v9 =	vshrl.u32 v3, $0x7;
	v11 =	vadd.s32 s21, v5  }
0x174: {  	v10 =	vadd.s32 s24, v3;
	v3 =	vld [tilespmem:s5+$0xFFFFFFD0];
	v4 =	vadd.s32 s11, v4;
	v12 =	vshrl.u32 v6, $0x7  }
0x175: {  	v13 =	vshrl.u32 v5, $0x7;
	s21 =	sor.u32 $0x600000, s19;
	v8 =	vmul.u32 $0x380, v2;
	v2 =	vld [tilespmem:s5+$0xFFFFFFC0];
	v9 =	vmul.u32 $0x380, v9  }
0x176: {  	s24 =	sor.u32 $0x400000, s19;
	v5 =	vadd.s32 s21, v7;
	v7 =	vshrl.u32 v7, $0x7;
	v13 =	vmul.u32 $0x380, v13  }
0x177: {  	v6 =	vadd.s32 s24, v6;
	v4 =	vadd.s32 v8, v4;
	v8 =	vmul.u32 $0x380, v12  }
0x178: {  	v9 =	vadd.s32 v9, v10;
	v11 =	vadd.s32 v13, v11;
	v63 =	vadd.s32 v0, v4  }
0x179: {  	v4 =	vshrl.u32 v1, $0x7;
	v10 =	vadd.s32 v8, v6;
	v8 =	vmul.u32 $0x380, v7  }
0x17a: {  	s21 =	simm.s32 $0x0;
	s24 =	simm.s32 $0x20C0;
	v9 =	vadd.s32 v0, v9;
	[tilespmem:s5+$0xFFFFFFE0] =	vst v63;
	v7 =	vshrl.u32 v3, $0x7;
	v6 =	vshrl.u32 v2, $0x7  }
.LBB2_16:
0x17b: {  	v12 =	vld [tilespmem:s24+$0xFFFFFFE0];
	s21 =	sadd.s32 $0x8, s21;
	v10 =	vadd.s32 v0, v10;
	v11 =	vadd.s32 v0, v11;
	v5 =	vadd.s32 v8, v5;
	[tilespmem:s5+$0x30] =	vst v9;
	s9 =	sadd.s32 $0x100000, s9  }
0x17c: {  	v6 =	vmul.u32 $0x380, v6;
	v7 =	vmul.u32 $0x380, v7;
	s7 =	sor.u32 $0x100000, s19;
	v8 =	vld [tilespmem:s24+$0x30];
	p0 =	slt.u32 s21, $0x1F8;
	[tilespmem:s5+$0x10] =	vst v11;
	v5 =	vadd.s32 v0, v5  }
0x17d: {  	v2 =	vadd.s32 s19, v2;
	v4 =	vmul.u32 $0x380, v4;
	v3 =	vadd.s32 s7, v3;
	s7 =	sor.u32 $0x300000, s19;
	v9 =	vld [tilespmem:s24+$0x10];
	[tilespmem:s5+$0x0] =	vst v10  }
0x17e: {  	v2 =	vadd.s32 v6, v2;
	v3 =	vadd.s32 v7, v3;
	v1 =	vadd.s32 s7, v1;
	v10 =	vld [tilespmem:s24+$0x0];
	[tilespmem:s5+$0x20] =	vst v5  }
0x17f: {  	v2 =	vadd.s32 v0, v2;
	v3 =	vadd.s32 v0, v3;
	v4 =	vadd.s32 v4, v1;
	v6 =	vld [tilespmem:s24+$0x20]  }
0x180: {  	s19 =	sand.u32 $0x3800000, s9;
	v5 =	vshrl.u32 v12, $0x7;
	v1 =	vld [tilespmem:s24+$0xFFFFFFF0];
	[tilespmem:s5+$0xFFFFFFC0] =	vst v2;
	v2 =	vadd.s32 v0, v4  }
0x181: {  	s8 =	sor.u32 $0x700000, s9;
	s7 =	sor.u32 $0x500000, s19;
	v4 =	vmul.u32 $0x380, v5;
	v5 =	vshrl.u32 v8, $0x7;
	[tilespmem:s5+$0xFFFFFFF0] =	vst v2  }
0x182: {  	s11 =	sor.u32 $0x200000, s19;
	v8 =	vadd.s32 s8, v8;
	v2 =	vld [tilespmem:s24+$0xFFFFFFC0];
	v11 =	vadd.s32 s7, v9;
	v7 =	vmul.u32 $0x380, v5;
	[tilespmem:s5+$0xFFFFFFD0] =	vst v3;
	s5 =	smov.u32 s24  }
0x183: {  	v5 =	vadd.s32 s11, v12;
	v9 =	vshrl.u32 v9, $0x7;
	s7 =	sor.u32 $0x600000, s19;
	v3 =	vld [tilespmem:s24+$0xFFFFFFD0];
	v12 =	vshrl.u32 v10, $0x7  }
.Ltmp7:
0x184: {  	v4 =	vadd.s32 v4, v5;
	v12 =	vmul.u32 $0x380, v12;
	v5 =	vadd.s32 s7, v6;
	(pc) =	sbr.rel @p0 .LBB2_16-.Ltmp7, $4  }
0x185: {  	v13 =	vadd.s32 v0, v4;
	s7 =	sor.u32 $0x400000, s19;
	v6 =	vshrl.u32 v6, $0x7;
	v4 =	vshrl.u32 v1, $0x7  }
0x186: {  	v7 =	vadd.s32 v7, v8;
	v10 =	vadd.s32 s7, v10;
	[tilespmem:s24+$0xFFFFFFE0] =	vst v13;
	v13 =	vmul.u32 $0x380, v9  }
0x187: {  	v8 =	vmul.u32 $0x380, v6;
	v10 =	vadd.s32 v12, v10;
	v9 =	vadd.s32 v0, v7  }
0x188: {  	s24 =	sadd.s32 $0x80, s24;
	v6 =	vshrl.u32 v2, $0x7;
	v7 =	vshrl.u32 v3, $0x7;
	v11 =	vadd.s32 v13, v11  }
0x189: {  	v10 =	vadd.s32 v0, v10  }
0x18a: {  	v11 =	vadd.s32 v0, v11;
	v5 =	vadd.s32 v8, v5;
	[tilespmem:s5+$0x30] =	vst v9;
	v6 =	vmul.u32 $0x380, v6  }
0x18b: {  	v7 =	vmul.u32 $0x380, v7;
	v2 =	vadd.s32 s19, v2;
	v4 =	vmul.u32 $0x380, v4;
	s7 =	sor.u32 $0x300000, s19;
	[tilespmem:s5+$0x10] =	vst v11  }
0x18c: {  	s8 =	sor.u32 $0x100000, s19;
	v5 =	vadd.s32 v0, v5;
	[tilespmem:s5+$0x0] =	vst v10;
	v1 =	vadd.s32 s7, v1;
	v2 =	vadd.s32 v6, v2  }
0x18d: {  	v3 =	vadd.s32 s8, v3;
	[tilespmem:s5+$0x20] =	vst v5;
	v1 =	vadd.s32 v4, v1;
	v2 =	vadd.s32 v0, v2  }
0x18e: {  	v3 =	vadd.s32 v7, v3;
	v1 =	vadd.s32 v0, v1;
	[tilespmem:s5+$0xFFFFFFC0] =	vst v2  }
0x18f: {  	v2 =	vadd.s32 v0, v3;
	[tilespmem:s5+$0xFFFFFFF0] =	vst v1  }
0x190: {  	[tilespmem:s5+$0xFFFFFFD0] =	vst v2  }
0x191: {  	_ =	swait.ge [sflag:s29], $0x2000  }
0x192: {  	[sflag:s29] =	ssyncset.done $0x0  }
0x193: {  	[sflag:s29] =	ssyncadd.s32 $0xFFFFE000  }
0x194: {  	[tilespmem:s13], [sflag:$0xA] =	stream.indirect.gather [hbm4b:s2+s6], $0x1, s6, s6, $0xb8;
	[tilespmem:$0x18000] =	vst v63  }
0x195: {  	_ =	swait.ge [sflag:s18], $0x2000  }
0x196: {  	s9 =	simm.s32 $0x0;
	[sflag:s18] =	ssyncset.done $0x0  }
0x197: {  	s8 =	simm.s32 $0x14000;
	s7 =	rddreg [dreg:$0xf];
	[sflag:s18] =	ssyncadd.s32 $0xFFFFE000  }
0x198: {  	[hbm4b:s7+s9] =	stream.linear.scatter [tilespmem:s8], [sflag:$0xF], $0x2000, $0x38;
	[tilespmem:$0x18000] =	vst v63  }
0x199: {  	s19 =	simm.s32 $0x6000;
	s11 =	rddreg [dreg:$0x10]  }
0x19a: {  	[tilespmem:s19], [sflag:$0x4] =	stream.linear.gather [hbm4b:s11+s9], $0x2000, $0x38;
	[tilespmem:$0x18000] =	vst v63  }
0x19b: {  	_ =	swait.ge [sflag:s14], $0x2000  }
0x19c: {  	[sflag:s14] =	ssyncset.done $0x0  }
0x19d: {  	s5 =	simm.s32 $0x4040;
	[sflag:s14] =	ssyncadd.s32 $0xFFFFE000  }
0x19e: {  	v4 =	vld [tilespmem:s5+$0xFFFFFFE0]  }
0x19f: {  	v3 =	vld [tilespmem:s5+$0x30]  }
0x1a0: {  	v5 =	vld [tilespmem:s5+$0x10]  }
0x1a1: {  	v6 =	vld [tilespmem:s5+$0x0];
	_ =	sdelay $0x1  }
0x1a2: {  	s19 =	sand.u32 $0x3800000, s9;
	v7 =	vld [tilespmem:s5+$0x20]  }
0x1a3: {  	s21 =	sor.u32 $0x500000, s19  }
0x1a4: {  	s24 =	sor.u32 $0x700000, s9;
	s11 =	sor.u32 $0x200000, s19;
	v1 =	vld [tilespmem:s5+$0xFFFFFFF0];
	v2 =	vshrl.u32 v4, $0x7;
	v9 =	vshrl.u32 v3, $0x7;
	v11 =	vadd.s32 s21, v5  }
0x1a5: {  	v10 =	vadd.s32 s24, v3;
	v3 =	vld [tilespmem:s5+$0xFFFFFFD0];
	v4 =	vadd.s32 s11, v4;
	v12 =	vshrl.u32 v6, $0x7  }
0x1a6: {  	v13 =	vshrl.u32 v5, $0x7;
	s21 =	sor.u32 $0x600000, s19;
	v8 =	vmul.u32 $0x380, v2;
	v2 =	vld [tilespmem:s5+$0xFFFFFFC0];
	v9 =	vmul.u32 $0x380, v9  }
0x1a7: {  	s24 =	sor.u32 $0x400000, s19;
	v5 =	vadd.s32 s21, v7;
	v7 =	vshrl.u32 v7, $0x7;
	v13 =	vmul.u32 $0x380, v13  }
0x1a8: {  	v6 =	vadd.s32 s24, v6;
	v4 =	vadd.s32 v8, v4;
	v8 =	vmul.u32 $0x380, v12  }
0x1a9: {  	v9 =	vadd.s32 v9, v10;
	v11 =	vadd.s32 v13, v11;
	v63 =	vadd.s32 v0, v4  }
0x1aa: {  	v4 =	vshrl.u32 v1, $0x7;
	v10 =	vadd.s32 v8, v6;
	v8 =	vmul.u32 $0x380, v7  }
0x1ab: {  	s21 =	simm.s32 $0x0;
	s24 =	simm.s32 $0x40C0;
	v9 =	vadd.s32 v0, v9;
	[tilespmem:s5+$0xFFFFFFE0] =	vst v63;
	v7 =	vshrl.u32 v3, $0x7;
	v6 =	vshrl.u32 v2, $0x7  }
.LBB2_18:
0x1ac: {  	v12 =	vld [tilespmem:s24+$0xFFFFFFE0];
	s21 =	sadd.s32 $0x8, s21;
	v10 =	vadd.s32 v0, v10;
	v11 =	vadd.s32 v0, v11;
	v5 =	vadd.s32 v8, v5;
	[tilespmem:s5+$0x30] =	vst v9;
	s9 =	sadd.s32 $0x100000, s9  }
0x1ad: {  	v6 =	vmul.u32 $0x380, v6;
	v7 =	vmul.u32 $0x380, v7;
	s7 =	sor.u32 $0x100000, s19;
	v8 =	vld [tilespmem:s24+$0x30];
	p0 =	slt.u32 s21, $0x1F8;
	[tilespmem:s5+$0x10] =	vst v11;
	v5 =	vadd.s32 v0, v5  }
0x1ae: {  	v2 =	vadd.s32 s19, v2;
	v4 =	vmul.u32 $0x380, v4;
	v3 =	vadd.s32 s7, v3;
	s7 =	sor.u32 $0x300000, s19;
	v9 =	vld [tilespmem:s24+$0x10];
	[tilespmem:s5+$0x0] =	vst v10  }
0x1af: {  	v2 =	vadd.s32 v6, v2;
	v3 =	vadd.s32 v7, v3;
	v1 =	vadd.s32 s7, v1;
	v10 =	vld [tilespmem:s24+$0x0];
	[tilespmem:s5+$0x20] =	vst v5  }
0x1b0: {  	v2 =	vadd.s32 v0, v2;
	v3 =	vadd.s32 v0, v3;
	v4 =	vadd.s32 v4, v1;
	v6 =	vld [tilespmem:s24+$0x20]  }
0x1b1: {  	s19 =	sand.u32 $0x3800000, s9;
	v5 =	vshrl.u32 v12, $0x7;
	v1 =	vld [tilespmem:s24+$0xFFFFFFF0];
	[tilespmem:s5+$0xFFFFFFC0] =	vst v2;
	v2 =	vadd.s32 v0, v4  }
0x1b2: {  	s8 =	sor.u32 $0x700000, s9;
	s7 =	sor.u32 $0x500000, s19;
	v4 =	vmul.u32 $0x380, v5;
	v5 =	vshrl.u32 v8, $0x7;
	[tilespmem:s5+$0xFFFFFFF0] =	vst v2  }
0x1b3: {  	s11 =	sor.u32 $0x200000, s19;
	v8 =	vadd.s32 s8, v8;
	v2 =	vld [tilespmem:s24+$0xFFFFFFC0];
	v11 =	vadd.s32 s7, v9;
	v7 =	vmul.u32 $0x380, v5;
	[tilespmem:s5+$0xFFFFFFD0] =	vst v3;
	s5 =	smov.u32 s24  }
0x1b4: {  	v5 =	vadd.s32 s11, v12;
	v9 =	vshrl.u32 v9, $0x7;
	s7 =	sor.u32 $0x600000, s19;
	v3 =	vld [tilespmem:s24+$0xFFFFFFD0];
	v12 =	vshrl.u32 v10, $0x7  }
.Ltmp8:
0x1b5: {  	v4 =	vadd.s32 v4, v5;
	v12 =	vmul.u32 $0x380, v12;
	v5 =	vadd.s32 s7, v6;
	(pc) =	sbr.rel @p0 .LBB2_18-.Ltmp8, $4  }
0x1b6: {  	v13 =	vadd.s32 v0, v4;
	s7 =	sor.u32 $0x400000, s19;
	v6 =	vshrl.u32 v6, $0x7;
	v4 =	vshrl.u32 v1, $0x7  }
0x1b7: {  	v7 =	vadd.s32 v7, v8;
	v10 =	vadd.s32 s7, v10;
	[tilespmem:s24+$0xFFFFFFE0] =	vst v13;
	v13 =	vmul.u32 $0x380, v9  }
0x1b8: {  	v8 =	vmul.u32 $0x380, v6;
	v10 =	vadd.s32 v12, v10;
	v9 =	vadd.s32 v0, v7  }
0x1b9: {  	s24 =	sadd.s32 $0x80, s24;
	v6 =	vshrl.u32 v2, $0x7;
	v7 =	vshrl.u32 v3, $0x7;
	v11 =	vadd.s32 v13, v11  }
0x1ba: {  	v10 =	vadd.s32 v0, v10  }
0x1bb: {  	v11 =	vadd.s32 v0, v11;
	v5 =	vadd.s32 v8, v5;
	[tilespmem:s5+$0x30] =	vst v9;
	v6 =	vmul.u32 $0x380, v6  }
0x1bc: {  	v7 =	vmul.u32 $0x380, v7;
	v2 =	vadd.s32 s19, v2;
	v4 =	vmul.u32 $0x380, v4;
	s7 =	sor.u32 $0x300000, s19;
	[tilespmem:s5+$0x10] =	vst v11  }
0x1bd: {  	s8 =	sor.u32 $0x100000, s19;
	v5 =	vadd.s32 v0, v5;
	[tilespmem:s5+$0x0] =	vst v10;
	v1 =	vadd.s32 s7, v1;
	v2 =	vadd.s32 v6, v2  }
0x1be: {  	v3 =	vadd.s32 s8, v3;
	[tilespmem:s5+$0x20] =	vst v5;
	v1 =	vadd.s32 v4, v1;
	v2 =	vadd.s32 v0, v2  }
0x1bf: {  	v3 =	vadd.s32 v7, v3;
	v1 =	vadd.s32 v0, v1;
	[tilespmem:s5+$0xFFFFFFC0] =	vst v2  }
0x1c0: {  	v2 =	vadd.s32 v0, v3;
	[tilespmem:s5+$0xFFFFFFF0] =	vst v1  }
0x1c1: {  	[tilespmem:s5+$0xFFFFFFD0] =	vst v2  }
0x1c2: {  	_ =	swait.ge [sflag:s30], $0x2000  }
0x1c3: {  	[sflag:s30] =	ssyncset.done $0x0  }
0x1c4: {  	s24 =	simm.s32 $0x4000;
	[sflag:s30] =	ssyncadd.s32 $0xFFFFE000  }
0x1c5: {  	[tilespmem:s15], [sflag:$0x7] =	stream.indirect.gather [hbm4b:s2+s6], $0x1, s24, s6, $0xb8;
	[tilespmem:$0x18000] =	vst v63  }
0x1c6: {  	_ =	swait.ge [sflag:s22], $0x2000  }
0x1c7: {  	s9 =	simm.s32 $0x0;
	[sflag:s22] =	ssyncset.done $0x0  }
0x1c8: {  	s8 =	simm.s32 $0x16000;
	s7 =	rddreg [dreg:$0x11];
	[sflag:s22] =	ssyncadd.s32 $0xFFFFE000  }
0x1c9: {  	[hbm4b:s7+s9] =	stream.linear.scatter [tilespmem:s8], [sflag:$0x10], $0x2000, $0x38;
	[tilespmem:$0x18000] =	vst v63  }
0x1ca: {  	s19 =	simm.s32 $0x8000;
	s11 =	rddreg [dreg:$0x12]  }
0x1cb: {  	[tilespmem:s19], [sflag:$0x5] =	stream.linear.gather [hbm4b:s11+s9], $0x2000, $0x38;
	[tilespmem:$0x18000] =	vst v63  }
0x1cc: {  	_ =	swait.ge [sflag:s16], $0x2000  }
0x1cd: {  	[sflag:s16] =	ssyncset.done $0x0  }
0x1ce: {  	s5 =	simm.s32 $0x6040;
	[sflag:s16] =	ssyncadd.s32 $0xFFFFE000  }
0x1cf: {  	v4 =	vld [tilespmem:s5+$0xFFFFFFE0]  }
0x1d0: {  	v3 =	vld [tilespmem:s5+$0x30]  }
0x1d1: {  	v5 =	vld [tilespmem:s5+$0x10]  }
0x1d2: {  	v6 =	vld [tilespmem:s5+$0x0];
	_ =	sdelay $0x1  }
0x1d3: {  	s19 =	sand.u32 $0x3800000, s9;
	v7 =	vld [tilespmem:s5+$0x20]  }
0x1d4: {  	s21 =	sor.u32 $0x500000, s19  }
0x1d5: {  	s24 =	sor.u32 $0x700000, s9;
	s11 =	sor.u32 $0x200000, s19;
	v1 =	vld [tilespmem:s5+$0xFFFFFFF0];
	v2 =	vshrl.u32 v4, $0x7;
	v9 =	vshrl.u32 v3, $0x7;
	v11 =	vadd.s32 s21, v5  }
0x1d6: {  	v10 =	vadd.s32 s24, v3;
	v3 =	vld [tilespmem:s5+$0xFFFFFFD0];
	v4 =	vadd.s32 s11, v4;
	v12 =	vshrl.u32 v6, $0x7  }
0x1d7: {  	v13 =	vshrl.u32 v5, $0x7;
	s21 =	sor.u32 $0x600000, s19;
	v8 =	vmul.u32 $0x380, v2;
	v2 =	vld [tilespmem:s5+$0xFFFFFFC0];
	v9 =	vmul.u32 $0x380, v9  }
0x1d8: {  	s24 =	sor.u32 $0x400000, s19;
	v5 =	vadd.s32 s21, v7;
	v7 =	vshrl.u32 v7, $0x7;
	v13 =	vmul.u32 $0x380, v13  }
0x1d9: {  	v6 =	vadd.s32 s24, v6;
	v4 =	vadd.s32 v8, v4;
	v8 =	vmul.u32 $0x380, v12  }
0x1da: {  	v9 =	vadd.s32 v9, v10;
	v11 =	vadd.s32 v13, v11;
	v63 =	vadd.s32 v0, v4  }
0x1db: {  	v4 =	vshrl.u32 v1, $0x7;
	v10 =	vadd.s32 v8, v6;
	v8 =	vmul.u32 $0x380, v7  }
0x1dc: {  	s21 =	simm.s32 $0x0;
	s24 =	simm.s32 $0x60C0;
	v9 =	vadd.s32 v0, v9;
	[tilespmem:s5+$0xFFFFFFE0] =	vst v63;
	v7 =	vshrl.u32 v3, $0x7;
	v6 =	vshrl.u32 v2, $0x7  }
.LBB2_20:
0x1dd: {  	v12 =	vld [tilespmem:s24+$0xFFFFFFE0];
	s21 =	sadd.s32 $0x8, s21;
	v10 =	vadd.s32 v0, v10;
	v11 =	vadd.s32 v0, v11;
	v5 =	vadd.s32 v8, v5;
	[tilespmem:s5+$0x30] =	vst v9;
	s9 =	sadd.s32 $0x100000, s9  }
0x1de: {  	v6 =	vmul.u32 $0x380, v6;
	v7 =	vmul.u32 $0x380, v7;
	s7 =	sor.u32 $0x100000, s19;
	v8 =	vld [tilespmem:s24+$0x30];
	p0 =	slt.u32 s21, $0x1F8;
	[tilespmem:s5+$0x10] =	vst v11;
	v5 =	vadd.s32 v0, v5  }
0x1df: {  	v2 =	vadd.s32 s19, v2;
	v4 =	vmul.u32 $0x380, v4;
	v3 =	vadd.s32 s7, v3;
	s7 =	sor.u32 $0x300000, s19;
	v9 =	vld [tilespmem:s24+$0x10];
	[tilespmem:s5+$0x0] =	vst v10  }
0x1e0: {  	v2 =	vadd.s32 v6, v2;
	v3 =	vadd.s32 v7, v3;
	v1 =	vadd.s32 s7, v1;
	v10 =	vld [tilespmem:s24+$0x0];
	[tilespmem:s5+$0x20] =	vst v5  }
0x1e1: {  	v2 =	vadd.s32 v0, v2;
	v3 =	vadd.s32 v0, v3;
	v4 =	vadd.s32 v4, v1;
	v6 =	vld [tilespmem:s24+$0x20]  }
0x1e2: {  	s19 =	sand.u32 $0x3800000, s9;
	v5 =	vshrl.u32 v12, $0x7;
	v1 =	vld [tilespmem:s24+$0xFFFFFFF0];
	[tilespmem:s5+$0xFFFFFFC0] =	vst v2;
	v2 =	vadd.s32 v0, v4  }
0x1e3: {  	s8 =	sor.u32 $0x700000, s9;
	s7 =	sor.u32 $0x500000, s19;
	v4 =	vmul.u32 $0x380, v5;
	v5 =	vshrl.u32 v8, $0x7;
	[tilespmem:s5+$0xFFFFFFF0] =	vst v2  }
0x1e4: {  	s11 =	sor.u32 $0x200000, s19;
	v8 =	vadd.s32 s8, v8;
	v2 =	vld [tilespmem:s24+$0xFFFFFFC0];
	v11 =	vadd.s32 s7, v9;
	v7 =	vmul.u32 $0x380, v5;
	[tilespmem:s5+$0xFFFFFFD0] =	vst v3;
	s5 =	smov.u32 s24  }
0x1e5: {  	v5 =	vadd.s32 s11, v12;
	v9 =	vshrl.u32 v9, $0x7;
	s7 =	sor.u32 $0x600000, s19;
	v3 =	vld [tilespmem:s24+$0xFFFFFFD0];
	v12 =	vshrl.u32 v10, $0x7  }
.Ltmp9:
0x1e6: {  	v4 =	vadd.s32 v4, v5;
	v12 =	vmul.u32 $0x380, v12;
	v5 =	vadd.s32 s7, v6;
	(pc) =	sbr.rel @p0 .LBB2_20-.Ltmp9, $4  }
0x1e7: {  	v13 =	vadd.s32 v0, v4;
	s7 =	sor.u32 $0x400000, s19;
	v6 =	vshrl.u32 v6, $0x7;
	v4 =	vshrl.u32 v1, $0x7  }
0x1e8: {  	v7 =	vadd.s32 v7, v8;
	v10 =	vadd.s32 s7, v10;
	[tilespmem:s24+$0xFFFFFFE0] =	vst v13;
	v13 =	vmul.u32 $0x380, v9  }
0x1e9: {  	v8 =	vmul.u32 $0x380, v6;
	v10 =	vadd.s32 v12, v10;
	v9 =	vadd.s32 v0, v7  }
0x1ea: {  	s24 =	sadd.s32 $0x80, s24;
	v6 =	vshrl.u32 v2, $0x7;
	v7 =	vshrl.u32 v3, $0x7;
	v11 =	vadd.s32 v13, v11  }
0x1eb: {  	v10 =	vadd.s32 v0, v10  }
0x1ec: {  	v11 =	vadd.s32 v0, v11;
	v5 =	vadd.s32 v8, v5;
	[tilespmem:s5+$0x30] =	vst v9;
	v6 =	vmul.u32 $0x380, v6  }
0x1ed: {  	v7 =	vmul.u32 $0x380, v7;
	v2 =	vadd.s32 s19, v2;
	v4 =	vmul.u32 $0x380, v4;
	s7 =	sor.u32 $0x300000, s19;
	[tilespmem:s5+$0x10] =	vst v11  }
0x1ee: {  	s8 =	sor.u32 $0x100000, s19;
	v5 =	vadd.s32 v0, v5;
	[tilespmem:s5+$0x0] =	vst v10;
	v1 =	vadd.s32 s7, v1;
	v2 =	vadd.s32 v6, v2  }
0x1ef: {  	v3 =	vadd.s32 s8, v3;
	[tilespmem:s5+$0x20] =	vst v5;
	v1 =	vadd.s32 v4, v1;
	v2 =	vadd.s32 v0, v2  }
0x1f0: {  	v3 =	vadd.s32 v7, v3;
	v1 =	vadd.s32 v0, v1;
	[tilespmem:s5+$0xFFFFFFC0] =	vst v2  }
0x1f1: {  	v2 =	vadd.s32 v0, v3;
	[tilespmem:s5+$0xFFFFFFF0] =	vst v1  }
0x1f2: {  	[tilespmem:s5+$0xFFFFFFD0] =	vst v2  }
0x1f3: {  	_ =	swait.ge [sflag:s31], $0x2000  }
0x1f4: {  	[sflag:s31] =	ssyncset.done $0x0  }
0x1f5: {  	s24 =	simm.s32 $0x6000;
	[sflag:s31] =	ssyncadd.s32 $0xFFFFE000  }
0x1f6: {  	[tilespmem:s17], [sflag:$0x8] =	stream.indirect.gather [hbm4b:s2+s6], $0x1, s24, s6, $0xb8;
	[tilespmem:$0x18000] =	vst v63  }
0x1f7: {  	_ =	swait.ge [sflag:s25], $0x2000  }
0x1f8: {  	s9 =	simm.s32 $0x0;
	[sflag:s25] =	ssyncset.done $0x0  }
0x1f9: {  	s8 =	simm.s32 $0xC000;
	s7 =	rddreg [dreg:$0x13];
	[sflag:s25] =	ssyncadd.s32 $0xFFFFE000  }
0x1fa: {  	[hbm4b:s7+s9] =	stream.linear.scatter [tilespmem:s8], [sflag:$0xB], $0x2000, $0x38;
	[tilespmem:$0x18000] =	vst v63  }
0x1fb: {  	s19 =	simm.s32 $0xA000;
	s11 =	rddreg [dreg:$0x1a]  }
0x1fc: {  	[tilespmem:s19], [sflag:$0x6] =	stream.linear.gather [hbm4b:s11+s9], $0x2000, $0x38;
	[tilespmem:$0x18000] =	vst v63  }
0x1fd: {  	_ =	swait.ge [sflag:s20], $0x2000  }
0x1fe: {  	[sflag:s20] =	ssyncset.done $0x0  }
0x1ff: {  	s5 =	simm.s32 $0x8040;
	[sflag:s20] =	ssyncadd.s32 $0xFFFFE000  }
0x200: {  	v4 =	vld [tilespmem:s5+$0xFFFFFFE0]  }
0x201: {  	v3 =	vld [tilespmem:s5+$0x30]  }
0x202: {  	v5 =	vld [tilespmem:s5+$0x10]  }
0x203: {  	v6 =	vld [tilespmem:s5+$0x0];
	_ =	sdelay $0x1  }
0x204: {  	s19 =	sand.u32 $0x3800000, s9;
	v7 =	vld [tilespmem:s5+$0x20]  }
0x205: {  	s21 =	sor.u32 $0x500000, s19  }
0x206: {  	s24 =	sor.u32 $0x700000, s9;
	s11 =	sor.u32 $0x200000, s19;
	v1 =	vld [tilespmem:s5+$0xFFFFFFF0];
	v2 =	vshrl.u32 v4, $0x7;
	v9 =	vshrl.u32 v3, $0x7;
	v11 =	vadd.s32 s21, v5  }
0x207: {  	v10 =	vadd.s32 s24, v3;
	v3 =	vld [tilespmem:s5+$0xFFFFFFD0];
	v4 =	vadd.s32 s11, v4;
	v12 =	vshrl.u32 v6, $0x7  }
0x208: {  	v13 =	vshrl.u32 v5, $0x7;
	s21 =	sor.u32 $0x600000, s19;
	v8 =	vmul.u32 $0x380, v2;
	v2 =	vld [tilespmem:s5+$0xFFFFFFC0];
	v9 =	vmul.u32 $0x380, v9  }
0x209: {  	s24 =	sor.u32 $0x400000, s19;
	v5 =	vadd.s32 s21, v7;
	v7 =	vshrl.u32 v7, $0x7;
	v13 =	vmul.u32 $0x380, v13  }
0x20a: {  	v6 =	vadd.s32 s24, v6;
	v4 =	vadd.s32 v8, v4;
	v8 =	vmul.u32 $0x380, v12  }
0x20b: {  	v9 =	vadd.s32 v9, v10;
	v11 =	vadd.s32 v13, v11;
	v63 =	vadd.s32 v0, v4  }
0x20c: {  	v4 =	vshrl.u32 v1, $0x7;
	v10 =	vadd.s32 v8, v6;
	v8 =	vmul.u32 $0x380, v7  }
0x20d: {  	s21 =	simm.s32 $0x0;
	s24 =	simm.s32 $0x80C0;
	v9 =	vadd.s32 v0, v9;
	[tilespmem:s5+$0xFFFFFFE0] =	vst v63;
	v7 =	vshrl.u32 v3, $0x7;
	v6 =	vshrl.u32 v2, $0x7  }
.LBB2_22:
0x20e: {  	v12 =	vld [tilespmem:s24+$0xFFFFFFE0];
	s21 =	sadd.s32 $0x8, s21;
	v10 =	vadd.s32 v0, v10;
	v11 =	vadd.s32 v0, v11;
	v5 =	vadd.s32 v8, v5;
	[tilespmem:s5+$0x30] =	vst v9;
	s9 =	sadd.s32 $0x100000, s9  }
0x20f: {  	v6 =	vmul.u32 $0x380, v6;
	v7 =	vmul.u32 $0x380, v7;
	s7 =	sor.u32 $0x100000, s19;
	v8 =	vld [tilespmem:s24+$0x30];
	p0 =	slt.u32 s21, $0x1F8;
	[tilespmem:s5+$0x10] =	vst v11;
	v5 =	vadd.s32 v0, v5  }
0x210: {  	v2 =	vadd.s32 s19, v2;
	v4 =	vmul.u32 $0x380, v4;
	v3 =	vadd.s32 s7, v3;
	s7 =	sor.u32 $0x300000, s19;
	v9 =	vld [tilespmem:s24+$0x10];
	[tilespmem:s5+$0x0] =	vst v10  }
0x211: {  	v2 =	vadd.s32 v6, v2;
	v3 =	vadd.s32 v7, v3;
	v1 =	vadd.s32 s7, v1;
	v10 =	vld [tilespmem:s24+$0x0];
	[tilespmem:s5+$0x20] =	vst v5  }
0x212: {  	v2 =	vadd.s32 v0, v2;
	v3 =	vadd.s32 v0, v3;
	v4 =	vadd.s32 v4, v1;
	v6 =	vld [tilespmem:s24+$0x20]  }
0x213: {  	s19 =	sand.u32 $0x3800000, s9;
	v5 =	vshrl.u32 v12, $0x7;
	v1 =	vld [tilespmem:s24+$0xFFFFFFF0];
	[tilespmem:s5+$0xFFFFFFC0] =	vst v2;
	v2 =	vadd.s32 v0, v4  }
0x214: {  	s8 =	sor.u32 $0x700000, s9;
	s7 =	sor.u32 $0x500000, s19;
	v4 =	vmul.u32 $0x380, v5;
	v5 =	vshrl.u32 v8, $0x7;
	[tilespmem:s5+$0xFFFFFFF0] =	vst v2  }
0x215: {  	s11 =	sor.u32 $0x200000, s19;
	v8 =	vadd.s32 s8, v8;
	v2 =	vld [tilespmem:s24+$0xFFFFFFC0];
	v11 =	vadd.s32 s7, v9;
	v7 =	vmul.u32 $0x380, v5;
	[tilespmem:s5+$0xFFFFFFD0] =	vst v3;
	s5 =	smov.u32 s24  }
0x216: {  	v5 =	vadd.s32 s11, v12;
	v9 =	vshrl.u32 v9, $0x7;
	s7 =	sor.u32 $0x600000, s19;
	v3 =	vld [tilespmem:s24+$0xFFFFFFD0];
	v12 =	vshrl.u32 v10, $0x7  }
.Ltmp10:
0x217: {  	v4 =	vadd.s32 v4, v5;
	v12 =	vmul.u32 $0x380, v12;
	v5 =	vadd.s32 s7, v6;
	(pc) =	sbr.rel @p0 .LBB2_22-.Ltmp10, $4  }
0x218: {  	v13 =	vadd.s32 v0, v4;
	s7 =	sor.u32 $0x400000, s19;
	v6 =	vshrl.u32 v6, $0x7;
	v4 =	vshrl.u32 v1, $0x7  }
0x219: {  	v7 =	vadd.s32 v7, v8;
	v10 =	vadd.s32 s7, v10;
	[tilespmem:s24+$0xFFFFFFE0] =	vst v13;
	v13 =	vmul.u32 $0x380, v9  }
0x21a: {  	v8 =	vmul.u32 $0x380, v6;
	v10 =	vadd.s32 v12, v10;
	v9 =	vadd.s32 v0, v7  }
0x21b: {  	s24 =	sadd.s32 $0x80, s24;
	v6 =	vshrl.u32 v2, $0x7;
	v7 =	vshrl.u32 v3, $0x7;
	v11 =	vadd.s32 v13, v11  }
0x21c: {  	v10 =	vadd.s32 v0, v10  }
0x21d: {  	v11 =	vadd.s32 v0, v11;
	v5 =	vadd.s32 v8, v5;
	[tilespmem:s5+$0x30] =	vst v9;
	v6 =	vmul.u32 $0x380, v6  }
0x21e: {  	v7 =	vmul.u32 $0x380, v7;
	v2 =	vadd.s32 s19, v2;
	v4 =	vmul.u32 $0x380, v4;
	s7 =	sor.u32 $0x300000, s19;
	[tilespmem:s5+$0x10] =	vst v11  }
0x21f: {  	s8 =	sor.u32 $0x100000, s19;
	v5 =	vadd.s32 v0, v5;
	[tilespmem:s5+$0x0] =	vst v10;
	v1 =	vadd.s32 s7, v1;
	v2 =	vadd.s32 v6, v2  }
0x220: {  	v3 =	vadd.s32 s8, v3;
	[tilespmem:s5+$0x20] =	vst v5;
	v1 =	vadd.s32 v4, v1;
	v2 =	vadd.s32 v0, v2  }
0x221: {  	v3 =	vadd.s32 v7, v3;
	v1 =	vadd.s32 v0, v1;
	[tilespmem:s5+$0xFFFFFFC0] =	vst v2  }
0x222: {  	v2 =	vadd.s32 v0, v3;
	[tilespmem:s5+$0xFFFFFFF0] =	vst v1  }
0x223: {  	[tilespmem:s5+$0xFFFFFFD0] =	vst v2  }
0x224: {  	_ =	swait.ge [sflag:s0], $0x2000  }
0x225: {  	[sflag:s0] =	ssyncset.done $0x0  }
0x226: {  	s9 =	simm.s32 $0x14000;
	s8 =	simm.s32 $0x8000;
	[sflag:s0] =	ssyncadd.s32 $0xFFFFE000  }
0x227: {  	[tilespmem:s9], [sflag:$0x9] =	stream.indirect.gather [hbm4b:s2+s6], $0x1, s8, s6, $0xb8;
	[tilespmem:$0x18000] =	vst v63  }
0x228: {  	_ =	swait.ge [sflag:s28], $0x2000  }
0x229: {  	[sflag:s28] =	ssyncset.done $0x0  }
0x22a: {  	s9 =	simm.s32 $0x0;
	s11 =	rddreg [dreg:$0x14];
	[sflag:s28] =	ssyncadd.s32 $0xFFFFE000  }
0x22b: {  	[hbm4b:s11+s9] =	stream.linear.scatter [tilespmem:s13], [sflag:$0xC], $0x2000, $0x38;
	[tilespmem:$0x18000] =	vst v63  }
0x22c: {  	s19 =	rddreg [dreg:$0x1b]  }
0x22d: {  	[tilespmem:s9], [sflag:$0x1] =	stream.linear.gather [hbm4b:s19+s9], $0x2000, $0x38;
	[tilespmem:$0x18000] =	vst v63  }
0x22e: {  	_ =	swait.ge [sflag:s23], $0x2000  }
0x22f: {  	[sflag:s23] =	ssyncset.done $0x0  }
0x230: {  	s5 =	simm.s32 $0xA040;
	[sflag:s23] =	ssyncadd.s32 $0xFFFFE000  }
0x231: {  	v4 =	vld [tilespmem:s5+$0xFFFFFFE0]  }
0x232: {  	v3 =	vld [tilespmem:s5+$0x30]  }
0x233: {  	v5 =	vld [tilespmem:s5+$0x10]  }
0x234: {  	v6 =	vld [tilespmem:s5+$0x0];
	_ =	sdelay $0x1  }
0x235: {  	s19 =	sand.u32 $0x3800000, s9;
	v7 =	vld [tilespmem:s5+$0x20]  }
0x236: {  	s21 =	sor.u32 $0x500000, s19  }
0x237: {  	s24 =	sor.u32 $0x700000, s9;
	s11 =	sor.u32 $0x200000, s19;
	v1 =	vld [tilespmem:s5+$0xFFFFFFF0];
	v2 =	vshrl.u32 v4, $0x7;
	v9 =	vshrl.u32 v3, $0x7;
	v11 =	vadd.s32 s21, v5  }
0x238: {  	v10 =	vadd.s32 s24, v3;
	v3 =	vld [tilespmem:s5+$0xFFFFFFD0];
	v4 =	vadd.s32 s11, v4;
	v12 =	vshrl.u32 v6, $0x7  }
0x239: {  	v13 =	vshrl.u32 v5, $0x7;
	s21 =	sor.u32 $0x600000, s19;
	v8 =	vmul.u32 $0x380, v2;
	v2 =	vld [tilespmem:s5+$0xFFFFFFC0];
	v9 =	vmul.u32 $0x380, v9  }
0x23a: {  	s24 =	sor.u32 $0x400000, s19;
	v5 =	vadd.s32 s21, v7;
	v7 =	vshrl.u32 v7, $0x7;
	v13 =	vmul.u32 $0x380, v13  }
0x23b: {  	v6 =	vadd.s32 s24, v6;
	v4 =	vadd.s32 v8, v4;
	v8 =	vmul.u32 $0x380, v12  }
0x23c: {  	v9 =	vadd.s32 v9, v10;
	v11 =	vadd.s32 v13, v11;
	v63 =	vadd.s32 v0, v4  }
0x23d: {  	v4 =	vshrl.u32 v1, $0x7;
	v10 =	vadd.s32 v8, v6;
	v8 =	vmul.u32 $0x380, v7  }
0x23e: {  	s21 =	simm.s32 $0x0;
	s24 =	simm.s32 $0xA0C0;
	v9 =	vadd.s32 v0, v9;
	[tilespmem:s5+$0xFFFFFFE0] =	vst v63;
	v7 =	vshrl.u32 v3, $0x7;
	v6 =	vshrl.u32 v2, $0x7  }
.LBB2_24:
0x23f: {  	v12 =	vld [tilespmem:s24+$0xFFFFFFE0];
	s21 =	sadd.s32 $0x8, s21;
	v10 =	vadd.s32 v0, v10;
	v11 =	vadd.s32 v0, v11;
	v5 =	vadd.s32 v8, v5;
	[tilespmem:s5+$0x30] =	vst v9;
	s9 =	sadd.s32 $0x100000, s9  }
0x240: {  	v6 =	vmul.u32 $0x380, v6;
	v7 =	vmul.u32 $0x380, v7;
	s7 =	sor.u32 $0x100000, s19;
	v8 =	vld [tilespmem:s24+$0x30];
	p0 =	slt.u32 s21, $0x1F8;
	[tilespmem:s5+$0x10] =	vst v11;
	v5 =	vadd.s32 v0, v5  }
0x241: {  	v2 =	vadd.s32 s19, v2;
	v4 =	vmul.u32 $0x380, v4;
	v3 =	vadd.s32 s7, v3;
	s7 =	sor.u32 $0x300000, s19;
	v9 =	vld [tilespmem:s24+$0x10];
	[tilespmem:s5+$0x0] =	vst v10  }
0x242: {  	v2 =	vadd.s32 v6, v2;
	v3 =	vadd.s32 v7, v3;
	v1 =	vadd.s32 s7, v1;
	v10 =	vld [tilespmem:s24+$0x0];
	[tilespmem:s5+$0x20] =	vst v5  }
0x243: {  	v2 =	vadd.s32 v0, v2;
	v3 =	vadd.s32 v0, v3;
	v4 =	vadd.s32 v4, v1;
	v6 =	vld [tilespmem:s24+$0x20]  }
0x244: {  	s19 =	sand.u32 $0x3800000, s9;
	v5 =	vshrl.u32 v12, $0x7;
	v1 =	vld [tilespmem:s24+$0xFFFFFFF0];
	[tilespmem:s5+$0xFFFFFFC0] =	vst v2;
	v2 =	vadd.s32 v0, v4  }
0x245: {  	s8 =	sor.u32 $0x700000, s9;
	s7 =	sor.u32 $0x500000, s19;
	v4 =	vmul.u32 $0x380, v5;
	v5 =	vshrl.u32 v8, $0x7;
	[tilespmem:s5+$0xFFFFFFF0] =	vst v2  }
0x246: {  	s11 =	sor.u32 $0x200000, s19;
	v8 =	vadd.s32 s8, v8;
	v2 =	vld [tilespmem:s24+$0xFFFFFFC0];
	v11 =	vadd.s32 s7, v9;
	v7 =	vmul.u32 $0x380, v5;
	[tilespmem:s5+$0xFFFFFFD0] =	vst v3;
	s5 =	smov.u32 s24  }
0x247: {  	v5 =	vadd.s32 s11, v12;
	v9 =	vshrl.u32 v9, $0x7;
	s7 =	sor.u32 $0x600000, s19;
	v3 =	vld [tilespmem:s24+$0xFFFFFFD0];
	v12 =	vshrl.u32 v10, $0x7  }
.Ltmp11:
0x248: {  	v4 =	vadd.s32 v4, v5;
	v12 =	vmul.u32 $0x380, v12;
	v5 =	vadd.s32 s7, v6;
	(pc) =	sbr.rel @p0 .LBB2_24-.Ltmp11, $4  }
0x249: {  	v13 =	vadd.s32 v0, v4;
	s7 =	sor.u32 $0x400000, s19;
	v6 =	vshrl.u32 v6, $0x7;
	v4 =	vshrl.u32 v1, $0x7  }
0x24a: {  	v7 =	vadd.s32 v7, v8;
	v10 =	vadd.s32 s7, v10;
	[tilespmem:s24+$0xFFFFFFE0] =	vst v13;
	v13 =	vmul.u32 $0x380, v9  }
0x24b: {  	v8 =	vmul.u32 $0x380, v6;
	v10 =	vadd.s32 v12, v10;
	v9 =	vadd.s32 v0, v7  }
0x24c: {  	s24 =	sadd.s32 $0x80, s24;
	v6 =	vshrl.u32 v2, $0x7;
	v7 =	vshrl.u32 v3, $0x7;
	v11 =	vadd.s32 v13, v11  }
0x24d: {  	v10 =	vadd.s32 v0, v10  }
0x24e: {  	v11 =	vadd.s32 v0, v11;
	v5 =	vadd.s32 v8, v5;
	[tilespmem:s5+$0x30] =	vst v9;
	v6 =	vmul.u32 $0x380, v6  }
0x24f: {  	v7 =	vmul.u32 $0x380, v7;
	v2 =	vadd.s32 s19, v2;
	v4 =	vmul.u32 $0x380, v4;
	s7 =	sor.u32 $0x300000, s19;
	[tilespmem:s5+$0x10] =	vst v11  }
0x250: {  	s8 =	sor.u32 $0x100000, s19;
	v5 =	vadd.s32 v0, v5;
	[tilespmem:s5+$0x0] =	vst v10;
	v1 =	vadd.s32 s7, v1;
	v2 =	vadd.s32 v6, v2  }
0x251: {  	v3 =	vadd.s32 s8, v3;
	[tilespmem:s5+$0x20] =	vst v5;
	v1 =	vadd.s32 v4, v1;
	v2 =	vadd.s32 v0, v2  }
0x252: {  	v3 =	vadd.s32 v7, v3;
	v1 =	vadd.s32 v0, v1;
	[tilespmem:s5+$0xFFFFFFC0] =	vst v2  }
0x253: {  	v2 =	vadd.s32 v0, v3;
	[tilespmem:s5+$0xFFFFFFF0] =	vst v1  }
0x254: {  	[tilespmem:s5+$0xFFFFFFD0] =	vst v2  }
0x255: {  	_ =	swait.ge [sflag:s3], $0x2000  }
0x256: {  	[sflag:s3] =	ssyncset.done $0x0  }
0x257: {  	s9 =	simm.s32 $0x16000;
	s8 =	simm.s32 $0xA000;
	[sflag:s3] =	ssyncadd.s32 $0xFFFFE000  }
0x258: {  	[tilespmem:s9], [sflag:$0xA] =	stream.indirect.gather [hbm4b:s2+s6], $0x1, s8, s6, $0xb8;
	[tilespmem:$0x18000] =	vst v63  }
0x259: {  	_ =	swait.ge [sflag:s18], $0x2000  }
0x25a: {  	[sflag:s18] =	ssyncset.done $0x0  }
0x25b: {  	s9 =	simm.s32 $0x0;
	s11 =	rddreg [dreg:$0x15];
	[sflag:s18] =	ssyncadd.s32 $0xFFFFE000  }
0x25c: {  	[hbm4b:s11+s9] =	stream.linear.scatter [tilespmem:s15], [sflag:$0xD], $0x2000, $0x38;
	[tilespmem:$0x18000] =	vst v63  }
0x25d: {  	s19 =	rddreg [dreg:$0x1c]  }
0x25e: {  	[tilespmem:s6], [sflag:$0x2] =	stream.linear.gather [hbm4b:s19+s9], $0x2000, $0x38;
	[tilespmem:$0x18000] =	vst v63  }
0x25f: {  	_ =	swait.ge [sflag:s10], $0x2000  }
0x260: {  	[sflag:s10] =	ssyncset.done $0x0  }
0x261: {  	s5 =	simm.s32 $0x40;
	[sflag:s10] =	ssyncadd.s32 $0xFFFFE000  }
0x262: {  	v4 =	vld [tilespmem:s5+$0xFFFFFFE0]  }
0x263: {  	v3 =	vld [tilespmem:s5+$0x30]  }
0x264: {  	v5 =	vld [tilespmem:s5+$0x10]  }
0x265: {  	v6 =	vld [tilespmem:s5+$0x0];
	_ =	sdelay $0x1  }
0x266: {  	s19 =	sand.u32 $0x3800000, s9;
	v7 =	vld [tilespmem:s5+$0x20]  }
0x267: {  	s21 =	sor.u32 $0x500000, s19  }
0x268: {  	s24 =	sor.u32 $0x700000, s9;
	s11 =	sor.u32 $0x200000, s19;
	v1 =	vld [tilespmem:s5+$0xFFFFFFF0];
	v2 =	vshrl.u32 v4, $0x7;
	v9 =	vshrl.u32 v3, $0x7;
	v11 =	vadd.s32 s21, v5  }
0x269: {  	v10 =	vadd.s32 s24, v3;
	v3 =	vld [tilespmem:s5+$0xFFFFFFD0];
	v4 =	vadd.s32 s11, v4;
	v12 =	vshrl.u32 v6, $0x7  }
0x26a: {  	v13 =	vshrl.u32 v5, $0x7;
	s21 =	sor.u32 $0x600000, s19;
	v8 =	vmul.u32 $0x380, v2;
	v2 =	vld [tilespmem:s5+$0xFFFFFFC0];
	v9 =	vmul.u32 $0x380, v9  }
0x26b: {  	s24 =	sor.u32 $0x400000, s19;
	v5 =	vadd.s32 s21, v7;
	v7 =	vshrl.u32 v7, $0x7;
	v13 =	vmul.u32 $0x380, v13  }
0x26c: {  	v6 =	vadd.s32 s24, v6;
	v4 =	vadd.s32 v8, v4;
	v8 =	vmul.u32 $0x380, v12  }
0x26d: {  	v9 =	vadd.s32 v9, v10;
	v11 =	vadd.s32 v13, v11;
	v63 =	vadd.s32 v0, v4  }
0x26e: {  	v4 =	vshrl.u32 v1, $0x7;
	v10 =	vadd.s32 v8, v6;
	v8 =	vmul.u32 $0x380, v7  }
0x26f: {  	s21 =	simm.s32 $0x0;
	s24 =	simm.s32 $0xC0;
	v9 =	vadd.s32 v0, v9;
	[tilespmem:s5+$0xFFFFFFE0] =	vst v63;
	v7 =	vshrl.u32 v3, $0x7;
	v6 =	vshrl.u32 v2, $0x7  }
.LBB2_26:
0x270: {  	v12 =	vld [tilespmem:s24+$0xFFFFFFE0];
	s21 =	sadd.s32 $0x8, s21;
	v10 =	vadd.s32 v0, v10;
	v11 =	vadd.s32 v0, v11;
	v5 =	vadd.s32 v8, v5;
	[tilespmem:s5+$0x30] =	vst v9;
	s9 =	sadd.s32 $0x100000, s9  }
0x271: {  	v6 =	vmul.u32 $0x380, v6;
	v7 =	vmul.u32 $0x380, v7;
	s7 =	sor.u32 $0x100000, s19;
	v8 =	vld [tilespmem:s24+$0x30];
	p0 =	slt.u32 s21, $0x1F8;
	[tilespmem:s5+$0x10] =	vst v11;
	v5 =	vadd.s32 v0, v5  }
0x272: {  	v2 =	vadd.s32 s19, v2;
	v4 =	vmul.u32 $0x380, v4;
	v3 =	vadd.s32 s7, v3;
	s7 =	sor.u32 $0x300000, s19;
	v9 =	vld [tilespmem:s24+$0x10];
	[tilespmem:s5+$0x0] =	vst v10  }
0x273: {  	v2 =	vadd.s32 v6, v2;
	v3 =	vadd.s32 v7, v3;
	v1 =	vadd.s32 s7, v1;
	v10 =	vld [tilespmem:s24+$0x0];
	[tilespmem:s5+$0x20] =	vst v5  }
0x274: {  	v2 =	vadd.s32 v0, v2;
	v3 =	vadd.s32 v0, v3;
	v4 =	vadd.s32 v4, v1;
	v6 =	vld [tilespmem:s24+$0x20]  }
0x275: {  	s19 =	sand.u32 $0x3800000, s9;
	v5 =	vshrl.u32 v12, $0x7;
	v1 =	vld [tilespmem:s24+$0xFFFFFFF0];
	[tilespmem:s5+$0xFFFFFFC0] =	vst v2;
	v2 =	vadd.s32 v0, v4  }
0x276: {  	s8 =	sor.u32 $0x700000, s9;
	s7 =	sor.u32 $0x500000, s19;
	v4 =	vmul.u32 $0x380, v5;
	v5 =	vshrl.u32 v8, $0x7;
	[tilespmem:s5+$0xFFFFFFF0] =	vst v2  }
0x277: {  	s11 =	sor.u32 $0x200000, s19;
	v8 =	vadd.s32 s8, v8;
	v2 =	vld [tilespmem:s24+$0xFFFFFFC0];
	v11 =	vadd.s32 s7, v9;
	v7 =	vmul.u32 $0x380, v5;
	[tilespmem:s5+$0xFFFFFFD0] =	vst v3;
	s5 =	smov.u32 s24  }
0x278: {  	v5 =	vadd.s32 s11, v12;
	v9 =	vshrl.u32 v9, $0x7;
	s7 =	sor.u32 $0x600000, s19;
	v3 =	vld [tilespmem:s24+$0xFFFFFFD0];
	v12 =	vshrl.u32 v10, $0x7  }
.Ltmp12:
0x279: {  	v4 =	vadd.s32 v4, v5;
	v12 =	vmul.u32 $0x380, v12;
	v5 =	vadd.s32 s7, v6;
	(pc) =	sbr.rel @p0 .LBB2_26-.Ltmp12, $4  }
0x27a: {  	v13 =	vadd.s32 v0, v4;
	s7 =	sor.u32 $0x400000, s19;
	v6 =	vshrl.u32 v6, $0x7;
	v4 =	vshrl.u32 v1, $0x7  }
0x27b: {  	v7 =	vadd.s32 v7, v8;
	v10 =	vadd.s32 s7, v10;
	[tilespmem:s24+$0xFFFFFFE0] =	vst v13;
	v13 =	vmul.u32 $0x380, v9  }
0x27c: {  	v8 =	vmul.u32 $0x380, v6;
	v10 =	vadd.s32 v12, v10;
	v9 =	vadd.s32 v0, v7  }
0x27d: {  	s24 =	sadd.s32 $0x80, s24;
	v6 =	vshrl.u32 v2, $0x7;
	v7 =	vshrl.u32 v3, $0x7;
	v11 =	vadd.s32 v13, v11  }
0x27e: {  	v10 =	vadd.s32 v0, v10  }
0x27f: {  	v11 =	vadd.s32 v0, v11;
	v5 =	vadd.s32 v8, v5;
	[tilespmem:s5+$0x30] =	vst v9;
	v6 =	vmul.u32 $0x380, v6  }
0x280: {  	v7 =	vmul.u32 $0x380, v7;
	v2 =	vadd.s32 s19, v2;
	v4 =	vmul.u32 $0x380, v4;
	s7 =	sor.u32 $0x300000, s19;
	[tilespmem:s5+$0x10] =	vst v11  }
0x281: {  	s8 =	sor.u32 $0x100000, s19;
	v5 =	vadd.s32 v0, v5;
	[tilespmem:s5+$0x0] =	vst v10;
	v1 =	vadd.s32 s7, v1;
	v2 =	vadd.s32 v6, v2  }
0x282: {  	v3 =	vadd.s32 s8, v3;
	[tilespmem:s5+$0x20] =	vst v5;
	v1 =	vadd.s32 v4, v1;
	v2 =	vadd.s32 v0, v2  }
0x283: {  	v3 =	vadd.s32 v7, v3;
	v1 =	vadd.s32 v0, v1;
	[tilespmem:s5+$0xFFFFFFC0] =	vst v2  }
0x284: {  	v2 =	vadd.s32 v0, v3;
	[tilespmem:s5+$0xFFFFFFF0] =	vst v1  }
0x285: {  	[tilespmem:s5+$0xFFFFFFD0] =	vst v2  }
0x286: {  	_ =	swait.ge [sflag:s26], $0x2000  }
0x287: {  	[sflag:s26] =	ssyncset.done $0x0  }
0x288: {  	s9 =	simm.s32 $0x0;
	s7 =	simm.s32 $0xC000;
	[sflag:s26] =	ssyncadd.s32 $0xFFFFE000  }
0x289: {  	[tilespmem:s7], [sflag:$0x7] =	stream.indirect.gather [hbm4b:s2+s6], $0x1, s9, s6, $0xb8;
	[tilespmem:$0x18000] =	vst v63  }
0x28a: {  	_ =	swait.ge [sflag:s22], $0x2000  }
0x28b: {  	[sflag:s22] =	ssyncset.done $0x0  }
0x28c: {  	s8 =	rddreg [dreg:$0x16];
	[sflag:s22] =	ssyncadd.s32 $0xFFFFE000  }
0x28d: {  	[hbm4b:s8+s9] =	stream.linear.scatter [tilespmem:s17], [sflag:$0xE], $0x2000, $0x38;
	[tilespmem:$0x18000] =	vst v63  }
0x28e: {  	s19 =	simm.s32 $0x4000;
	s11 =	rddreg [dreg:$0x1d]  }
0x28f: {  	[tilespmem:s19], [sflag:$0x3] =	stream.linear.gather [hbm4b:s11+s9], $0x2000, $0x38;
	[tilespmem:$0x18000] =	vst v63  }
0x290: {  	_ =	swait.ge [sflag:s12], $0x2000  }
0x291: {  	[sflag:s12] =	ssyncset.done $0x0  }
0x292: {  	s5 =	simm.s32 $0x2040;
	[sflag:s12] =	ssyncadd.s32 $0xFFFFE000  }
0x293: {  	v4 =	vld [tilespmem:s5+$0xFFFFFFE0]  }
0x294: {  	v3 =	vld [tilespmem:s5+$0x30]  }
0x295: {  	v5 =	vld [tilespmem:s5+$0x10]  }
0x296: {  	v6 =	vld [tilespmem:s5+$0x0];
	_ =	sdelay $0x1  }
0x297: {  	s19 =	sand.u32 $0x3800000, s9;
	v7 =	vld [tilespmem:s5+$0x20]  }
0x298: {  	s21 =	sor.u32 $0x500000, s19  }
0x299: {  	s24 =	sor.u32 $0x700000, s9;
	s11 =	sor.u32 $0x200000, s19;
	v1 =	vld [tilespmem:s5+$0xFFFFFFF0];
	v2 =	vshrl.u32 v4, $0x7;
	v9 =	vshrl.u32 v3, $0x7;
	v11 =	vadd.s32 s21, v5  }
0x29a: {  	v10 =	vadd.s32 s24, v3;
	v3 =	vld [tilespmem:s5+$0xFFFFFFD0];
	v4 =	vadd.s32 s11, v4;
	v12 =	vshrl.u32 v6, $0x7  }
0x29b: {  	v13 =	vshrl.u32 v5, $0x7;
	s21 =	sor.u32 $0x600000, s19;
	v8 =	vmul.u32 $0x380, v2;
	v2 =	vld [tilespmem:s5+$0xFFFFFFC0];
	v9 =	vmul.u32 $0x380, v9  }
0x29c: {  	s24 =	sor.u32 $0x400000, s19;
	v5 =	vadd.s32 s21, v7;
	v7 =	vshrl.u32 v7, $0x7;
	v13 =	vmul.u32 $0x380, v13  }
0x29d: {  	v6 =	vadd.s32 s24, v6;
	v4 =	vadd.s32 v8, v4;
	v8 =	vmul.u32 $0x380, v12  }
0x29e: {  	v9 =	vadd.s32 v9, v10;
	v11 =	vadd.s32 v13, v11;
	v63 =	vadd.s32 v0, v4  }
0x29f: {  	v4 =	vshrl.u32 v1, $0x7;
	v10 =	vadd.s32 v8, v6;
	v8 =	vmul.u32 $0x380, v7  }
0x2a0: {  	s21 =	simm.s32 $0x0;
	s24 =	simm.s32 $0x20C0;
	v9 =	vadd.s32 v0, v9;
	[tilespmem:s5+$0xFFFFFFE0] =	vst v63;
	v7 =	vshrl.u32 v3, $0x7;
	v6 =	vshrl.u32 v2, $0x7  }
.LBB2_28:
0x2a1: {  	v12 =	vld [tilespmem:s24+$0xFFFFFFE0];
	s21 =	sadd.s32 $0x8, s21;
	v10 =	vadd.s32 v0, v10;
	v11 =	vadd.s32 v0, v11;
	v5 =	vadd.s32 v8, v5;
	[tilespmem:s5+$0x30] =	vst v9;
	s9 =	sadd.s32 $0x100000, s9  }
0x2a2: {  	v6 =	vmul.u32 $0x380, v6;
	v7 =	vmul.u32 $0x380, v7;
	s7 =	sor.u32 $0x100000, s19;
	v8 =	vld [tilespmem:s24+$0x30];
	p0 =	slt.u32 s21, $0x1F8;
	[tilespmem:s5+$0x10] =	vst v11;
	v5 =	vadd.s32 v0, v5  }
0x2a3: {  	v2 =	vadd.s32 s19, v2;
	v4 =	vmul.u32 $0x380, v4;
	v3 =	vadd.s32 s7, v3;
	s7 =	sor.u32 $0x300000, s19;
	v9 =	vld [tilespmem:s24+$0x10];
	[tilespmem:s5+$0x0] =	vst v10  }
0x2a4: {  	v2 =	vadd.s32 v6, v2;
	v3 =	vadd.s32 v7, v3;
	v1 =	vadd.s32 s7, v1;
	v10 =	vld [tilespmem:s24+$0x0];
	[tilespmem:s5+$0x20] =	vst v5  }
0x2a5: {  	v2 =	vadd.s32 v0, v2;
	v3 =	vadd.s32 v0, v3;
	v4 =	vadd.s32 v4, v1;
	v6 =	vld [tilespmem:s24+$0x20]  }
0x2a6: {  	s19 =	sand.u32 $0x3800000, s9;
	v5 =	vshrl.u32 v12, $0x7;
	v1 =	vld [tilespmem:s24+$0xFFFFFFF0];
	[tilespmem:s5+$0xFFFFFFC0] =	vst v2;
	v2 =	vadd.s32 v0, v4  }
0x2a7: {  	s8 =	sor.u32 $0x700000, s9;
	s7 =	sor.u32 $0x500000, s19;
	v4 =	vmul.u32 $0x380, v5;
	v5 =	vshrl.u32 v8, $0x7;
	[tilespmem:s5+$0xFFFFFFF0] =	vst v2  }
0x2a8: {  	s11 =	sor.u32 $0x200000, s19;
	v8 =	vadd.s32 s8, v8;
	v2 =	vld [tilespmem:s24+$0xFFFFFFC0];
	v11 =	vadd.s32 s7, v9;
	v7 =	vmul.u32 $0x380, v5;
	[tilespmem:s5+$0xFFFFFFD0] =	vst v3;
	s5 =	smov.u32 s24  }
0x2a9: {  	v5 =	vadd.s32 s11, v12;
	v9 =	vshrl.u32 v9, $0x7;
	s7 =	sor.u32 $0x600000, s19;
	v3 =	vld [tilespmem:s24+$0xFFFFFFD0];
	v12 =	vshrl.u32 v10, $0x7  }
.Ltmp13:
0x2aa: {  	v4 =	vadd.s32 v4, v5;
	v12 =	vmul.u32 $0x380, v12;
	v5 =	vadd.s32 s7, v6;
	(pc) =	sbr.rel @p0 .LBB2_28-.Ltmp13, $4  }
0x2ab: {  	v13 =	vadd.s32 v0, v4;
	s7 =	sor.u32 $0x400000, s19;
	v6 =	vshrl.u32 v6, $0x7;
	v4 =	vshrl.u32 v1, $0x7  }
0x2ac: {  	v7 =	vadd.s32 v7, v8;
	v10 =	vadd.s32 s7, v10;
	[tilespmem:s24+$0xFFFFFFE0] =	vst v13;
	v13 =	vmul.u32 $0x380, v9  }
0x2ad: {  	v8 =	vmul.u32 $0x380, v6;
	v10 =	vadd.s32 v12, v10;
	v9 =	vadd.s32 v0, v7  }
0x2ae: {  	s24 =	sadd.s32 $0x80, s24;
	v6 =	vshrl.u32 v2, $0x7;
	v7 =	vshrl.u32 v3, $0x7;
	v11 =	vadd.s32 v13, v11  }
0x2af: {  	v10 =	vadd.s32 v0, v10  }
0x2b0: {  	v11 =	vadd.s32 v0, v11;
	v5 =	vadd.s32 v8, v5;
	[tilespmem:s5+$0x30] =	vst v9;
	v6 =	vmul.u32 $0x380, v6  }
0x2b1: {  	v7 =	vmul.u32 $0x380, v7;
	v2 =	vadd.s32 s19, v2;
	v4 =	vmul.u32 $0x380, v4;
	s7 =	sor.u32 $0x300000, s19;
	[tilespmem:s5+$0x10] =	vst v11  }
0x2b2: {  	s8 =	sor.u32 $0x100000, s19;
	v5 =	vadd.s32 v0, v5;
	[tilespmem:s5+$0x0] =	vst v10;
	v1 =	vadd.s32 s7, v1;
	v2 =	vadd.s32 v6, v2  }
0x2b3: {  	v3 =	vadd.s32 s8, v3;
	[tilespmem:s5+$0x20] =	vst v5;
	v1 =	vadd.s32 v4, v1;
	v2 =	vadd.s32 v0, v2  }
0x2b4: {  	v3 =	vadd.s32 v7, v3;
	v1 =	vadd.s32 v0, v1;
	[tilespmem:s5+$0xFFFFFFC0] =	vst v2  }
0x2b5: {  	v2 =	vadd.s32 v0, v3;
	[tilespmem:s5+$0xFFFFFFF0] =	vst v1  }
0x2b6: {  	[tilespmem:s5+$0xFFFFFFD0] =	vst v2  }
0x2b7: {  	_ =	swait.ge [sflag:s29], $0x2000  }
0x2b8: {  	[sflag:s29] =	ssyncset.done $0x0  }
0x2b9: {  	[sflag:s29] =	ssyncadd.s32 $0xFFFFE000  }
0x2ba: {  	[tilespmem:s13], [sflag:$0x8] =	stream.indirect.gather [hbm4b:s2+s6], $0x1, s6, s6, $0xb8;
	[tilespmem:$0x18000] =	vst v63  }
0x2bb: {  	_ =	swait.ge [sflag:s25], $0x2000  }
0x2bc: {  	s9 =	simm.s32 $0x0;
	[sflag:s25] =	ssyncset.done $0x0  }
0x2bd: {  	s8 =	simm.s32 $0x14000;
	s7 =	rddreg [dreg:$0x17];
	[sflag:s25] =	ssyncadd.s32 $0xFFFFE000  }
0x2be: {  	[hbm4b:s7+s9] =	stream.linear.scatter [tilespmem:s8], [sflag:$0xF], $0x2000, $0x38;
	[tilespmem:$0x18000] =	vst v63  }
0x2bf: {  	s19 =	simm.s32 $0x6000;
	s11 =	rddreg [dreg:$0x1e]  }
0x2c0: {  	[tilespmem:s19], [sflag:$0x4] =	stream.linear.gather [hbm4b:s11+s9], $0x2000, $0x38;
	[tilespmem:$0x18000] =	vst v63  }
0x2c1: {  	_ =	swait.ge [sflag:s14], $0x2000  }
0x2c2: {  	[sflag:s14] =	ssyncset.done $0x0  }
0x2c3: {  	s5 =	simm.s32 $0x4040;
	[sflag:s14] =	ssyncadd.s32 $0xFFFFE000  }
0x2c4: {  	v4 =	vld [tilespmem:s5+$0xFFFFFFE0]  }
0x2c5: {  	v3 =	vld [tilespmem:s5+$0x30]  }
0x2c6: {  	v5 =	vld [tilespmem:s5+$0x10]  }
0x2c7: {  	v6 =	vld [tilespmem:s5+$0x0];
	_ =	sdelay $0x1  }
0x2c8: {  	s19 =	sand.u32 $0x3800000, s9;
	v7 =	vld [tilespmem:s5+$0x20]  }
0x2c9: {  	s21 =	sor.u32 $0x500000, s19  }
0x2ca: {  	s24 =	sor.u32 $0x700000, s9;
	s11 =	sor.u32 $0x200000, s19;
	v1 =	vld [tilespmem:s5+$0xFFFFFFF0];
	v2 =	vshrl.u32 v4, $0x7;
	v9 =	vshrl.u32 v3, $0x7;
	v11 =	vadd.s32 s21, v5  }
0x2cb: {  	v10 =	vadd.s32 s24, v3;
	v3 =	vld [tilespmem:s5+$0xFFFFFFD0];
	v4 =	vadd.s32 s11, v4;
	v12 =	vshrl.u32 v6, $0x7  }
0x2cc: {  	v13 =	vshrl.u32 v5, $0x7;
	s21 =	sor.u32 $0x600000, s19;
	v8 =	vmul.u32 $0x380, v2;
	v2 =	vld [tilespmem:s5+$0xFFFFFFC0];
	v9 =	vmul.u32 $0x380, v9  }
0x2cd: {  	s24 =	sor.u32 $0x400000, s19;
	v5 =	vadd.s32 s21, v7;
	v7 =	vshrl.u32 v7, $0x7;
	v13 =	vmul.u32 $0x380, v13  }
0x2ce: {  	v6 =	vadd.s32 s24, v6;
	v4 =	vadd.s32 v8, v4;
	v8 =	vmul.u32 $0x380, v12  }
0x2cf: {  	v9 =	vadd.s32 v9, v10;
	v11 =	vadd.s32 v13, v11;
	v63 =	vadd.s32 v0, v4  }
0x2d0: {  	v4 =	vshrl.u32 v1, $0x7;
	v10 =	vadd.s32 v8, v6;
	v8 =	vmul.u32 $0x380, v7  }
0x2d1: {  	s21 =	simm.s32 $0x0;
	s24 =	simm.s32 $0x40C0;
	v9 =	vadd.s32 v0, v9;
	[tilespmem:s5+$0xFFFFFFE0] =	vst v63;
	v7 =	vshrl.u32 v3, $0x7;
	v6 =	vshrl.u32 v2, $0x7  }
.LBB2_30:
0x2d2: {  	v12 =	vld [tilespmem:s24+$0xFFFFFFE0];
	s21 =	sadd.s32 $0x8, s21;
	v10 =	vadd.s32 v0, v10;
	v11 =	vadd.s32 v0, v11;
	v5 =	vadd.s32 v8, v5;
	[tilespmem:s5+$0x30] =	vst v9;
	s9 =	sadd.s32 $0x100000, s9  }
0x2d3: {  	v6 =	vmul.u32 $0x380, v6;
	v7 =	vmul.u32 $0x380, v7;
	s7 =	sor.u32 $0x100000, s19;
	v8 =	vld [tilespmem:s24+$0x30];
	p0 =	slt.u32 s21, $0x1F8;
	[tilespmem:s5+$0x10] =	vst v11;
	v5 =	vadd.s32 v0, v5  }
0x2d4: {  	v2 =	vadd.s32 s19, v2;
	v4 =	vmul.u32 $0x380, v4;
	v3 =	vadd.s32 s7, v3;
	s7 =	sor.u32 $0x300000, s19;
	v9 =	vld [tilespmem:s24+$0x10];
	[tilespmem:s5+$0x0] =	vst v10  }
0x2d5: {  	v2 =	vadd.s32 v6, v2;
	v3 =	vadd.s32 v7, v3;
	v1 =	vadd.s32 s7, v1;
	v10 =	vld [tilespmem:s24+$0x0];
	[tilespmem:s5+$0x20] =	vst v5  }
0x2d6: {  	v2 =	vadd.s32 v0, v2;
	v3 =	vadd.s32 v0, v3;
	v4 =	vadd.s32 v4, v1;
	v6 =	vld [tilespmem:s24+$0x20]  }
0x2d7: {  	s19 =	sand.u32 $0x3800000, s9;
	v5 =	vshrl.u32 v12, $0x7;
	v1 =	vld [tilespmem:s24+$0xFFFFFFF0];
	[tilespmem:s5+$0xFFFFFFC0] =	vst v2;
	v2 =	vadd.s32 v0, v4  }
0x2d8: {  	s8 =	sor.u32 $0x700000, s9;
	s7 =	sor.u32 $0x500000, s19;
	v4 =	vmul.u32 $0x380, v5;
	v5 =	vshrl.u32 v8, $0x7;
	[tilespmem:s5+$0xFFFFFFF0] =	vst v2  }
0x2d9: {  	s11 =	sor.u32 $0x200000, s19;
	v8 =	vadd.s32 s8, v8;
	v2 =	vld [tilespmem:s24+$0xFFFFFFC0];
	v11 =	vadd.s32 s7, v9;
	v7 =	vmul.u32 $0x380, v5;
	[tilespmem:s5+$0xFFFFFFD0] =	vst v3;
	s5 =	smov.u32 s24  }
0x2da: {  	v5 =	vadd.s32 s11, v12;
	v9 =	vshrl.u32 v9, $0x7;
	s7 =	sor.u32 $0x600000, s19;
	v3 =	vld [tilespmem:s24+$0xFFFFFFD0];
	v12 =	vshrl.u32 v10, $0x7  }
.Ltmp14:
0x2db: {  	v4 =	vadd.s32 v4, v5;
	v12 =	vmul.u32 $0x380, v12;
	v5 =	vadd.s32 s7, v6;
	(pc) =	sbr.rel @p0 .LBB2_30-.Ltmp14, $4  }
0x2dc: {  	v13 =	vadd.s32 v0, v4;
	s7 =	sor.u32 $0x400000, s19;
	v6 =	vshrl.u32 v6, $0x7;
	v4 =	vshrl.u32 v1, $0x7  }
0x2dd: {  	v7 =	vadd.s32 v7, v8;
	v10 =	vadd.s32 s7, v10;
	[tilespmem:s24+$0xFFFFFFE0] =	vst v13;
	v13 =	vmul.u32 $0x380, v9  }
0x2de: {  	v8 =	vmul.u32 $0x380, v6;
	v10 =	vadd.s32 v12, v10;
	v9 =	vadd.s32 v0, v7  }
0x2df: {  	s24 =	sadd.s32 $0x80, s24;
	v6 =	vshrl.u32 v2, $0x7;
	v7 =	vshrl.u32 v3, $0x7;
	v11 =	vadd.s32 v13, v11  }
0x2e0: {  	v10 =	vadd.s32 v0, v10  }
0x2e1: {  	v11 =	vadd.s32 v0, v11;
	v5 =	vadd.s32 v8, v5;
	[tilespmem:s5+$0x30] =	vst v9;
	v6 =	vmul.u32 $0x380, v6  }
0x2e2: {  	v7 =	vmul.u32 $0x380, v7;
	v2 =	vadd.s32 s19, v2;
	v4 =	vmul.u32 $0x380, v4;
	s7 =	sor.u32 $0x300000, s19;
	[tilespmem:s5+$0x10] =	vst v11  }
0x2e3: {  	s8 =	sor.u32 $0x100000, s19;
	v5 =	vadd.s32 v0, v5;
	[tilespmem:s5+$0x0] =	vst v10;
	v1 =	vadd.s32 s7, v1;
	v2 =	vadd.s32 v6, v2  }
0x2e4: {  	v3 =	vadd.s32 s8, v3;
	[tilespmem:s5+$0x20] =	vst v5;
	v1 =	vadd.s32 v4, v1;
	v2 =	vadd.s32 v0, v2  }
0x2e5: {  	v3 =	vadd.s32 v7, v3;
	v1 =	vadd.s32 v0, v1;
	[tilespmem:s5+$0xFFFFFFC0] =	vst v2  }
0x2e6: {  	v2 =	vadd.s32 v0, v3;
	[tilespmem:s5+$0xFFFFFFF0] =	vst v1  }
0x2e7: {  	[tilespmem:s5+$0xFFFFFFD0] =	vst v2  }
0x2e8: {  	_ =	swait.ge [sflag:s30], $0x2000  }
0x2e9: {  	[sflag:s30] =	ssyncset.done $0x0  }
0x2ea: {  	s9 =	simm.s32 $0x4000;
	[sflag:s30] =	ssyncadd.s32 $0xFFFFE000  }
0x2eb: {  	[tilespmem:s15], [sflag:$0x9] =	stream.indirect.gather [hbm4b:s2+s6], $0x1, s9, s6, $0xb8;
	[tilespmem:$0x18000] =	vst v63  }
0x2ec: {  	_ =	swait.ge [sflag:s28], $0x2000  }
0x2ed: {  	s19 =	simm.s32 $0x16000;
	[sflag:s28] =	ssyncset.done $0x0  }
0x2ee: {  	s9 =	simm.s32 $0x0;
	s11 =	rddreg [dreg:$0x1f];
	[sflag:s28] =	ssyncadd.s32 $0xFFFFE000  }
0x2ef: {  	[hbm4b:s11+s9] =	stream.linear.scatter [tilespmem:s19], [sflag:$0x10], $0x2000, $0x38;
	[tilespmem:$0x18000] =	vst v63  }
0x2f0: {  	_ =	swait.ge [sflag:s16], $0x2000  }
0x2f1: {  	[sflag:s16] =	ssyncset.done $0x0  }
0x2f2: {  	s5 =	simm.s32 $0x6040;
	[sflag:s16] =	ssyncadd.s32 $0xFFFFE000  }
0x2f3: {  	v4 =	vld [tilespmem:s5+$0xFFFFFFE0]  }
0x2f4: {  	v3 =	vld [tilespmem:s5+$0x30]  }
0x2f5: {  	v5 =	vld [tilespmem:s5+$0x10]  }
0x2f6: {  	v6 =	vld [tilespmem:s5+$0x0];
	_ =	sdelay $0x1  }
0x2f7: {  	s19 =	sand.u32 $0x3800000, s9;
	v7 =	vld [tilespmem:s5+$0x20]  }
0x2f8: {  	s21 =	sor.u32 $0x500000, s19  }
0x2f9: {  	s24 =	sor.u32 $0x700000, s9;
	s11 =	sor.u32 $0x200000, s19;
	v1 =	vld [tilespmem:s5+$0xFFFFFFF0];
	v2 =	vshrl.u32 v4, $0x7;
	v9 =	vshrl.u32 v3, $0x7;
	v11 =	vadd.s32 s21, v5  }
0x2fa: {  	v10 =	vadd.s32 s24, v3;
	v3 =	vld [tilespmem:s5+$0xFFFFFFD0];
	v4 =	vadd.s32 s11, v4;
	v12 =	vshrl.u32 v6, $0x7  }
0x2fb: {  	v13 =	vshrl.u32 v5, $0x7;
	s21 =	sor.u32 $0x600000, s19;
	v8 =	vmul.u32 $0x380, v2;
	v2 =	vld [tilespmem:s5+$0xFFFFFFC0];
	v9 =	vmul.u32 $0x380, v9  }
0x2fc: {  	s24 =	sor.u32 $0x400000, s19;
	v5 =	vadd.s32 s21, v7;
	v7 =	vshrl.u32 v7, $0x7;
	v13 =	vmul.u32 $0x380, v13  }
0x2fd: {  	v6 =	vadd.s32 s24, v6;
	v7 =	vmul.u32 $0x380, v7;
	v4 =	vadd.s32 v8, v4  }
0x2fe: {  	v8 =	vmul.u32 $0x380, v12;
	v9 =	vadd.s32 v9, v10;
	v11 =	vadd.s32 v13, v11  }
0x2ff: {  	v63 =	vadd.s32 v0, v4;
	v4 =	vshrl.u32 v1, $0x7;
	v9 =	vadd.s32 v0, v9  }
0x300: {  	s21 =	simm.s32 $0x0;
	s24 =	simm.s32 $0x60C0;
	v10 =	vadd.s32 v8, v6;
	[tilespmem:s5+$0xFFFFFFE0] =	vst v63;
	v6 =	vshrl.u32 v3, $0x7;
	v8 =	vshrl.u32 v2, $0x7  }
.LBB2_32:
0x301: {  	v12 =	vld [tilespmem:s24+$0xFFFFFFE0];
	s21 =	sadd.s32 $0x8, s21;
	v10 =	vadd.s32 v0, v10;
	v11 =	vadd.s32 v0, v11;
	v5 =	vadd.s32 v7, v5;
	[tilespmem:s5+$0x30] =	vst v9;
	s9 =	sadd.s32 $0x100000, s9  }
0x302: {  	v8 =	vmul.u32 $0x380, v8;
	v6 =	vmul.u32 $0x380, v6;
	s7 =	sor.u32 $0x100000, s19;
	v7 =	vld [tilespmem:s24+$0x30];
	p0 =	slt.u32 s21, $0x1F8;
	[tilespmem:s5+$0x10] =	vst v11;
	v5 =	vadd.s32 v0, v5  }
0x303: {  	v2 =	vadd.s32 s19, v2;
	v4 =	vmul.u32 $0x380, v4;
	v3 =	vadd.s32 s7, v3;
	s7 =	sor.u32 $0x300000, s19;
	v9 =	vld [tilespmem:s24+$0x10];
	[tilespmem:s5+$0x0] =	vst v10  }
0x304: {  	v2 =	vadd.s32 v8, v2;
	v3 =	vadd.s32 v6, v3;
	v1 =	vadd.s32 s7, v1;
	v10 =	vld [tilespmem:s24+$0x0];
	[tilespmem:s5+$0x20] =	vst v5  }
0x305: {  	v2 =	vadd.s32 v0, v2;
	v3 =	vadd.s32 v0, v3;
	v4 =	vadd.s32 v4, v1;
	v6 =	vld [tilespmem:s24+$0x20]  }
0x306: {  	s19 =	sand.u32 $0x3800000, s9;
	v5 =	vshrl.u32 v12, $0x7;
	v1 =	vld [tilespmem:s24+$0xFFFFFFF0];
	[tilespmem:s5+$0xFFFFFFC0] =	vst v2;
	v2 =	vadd.s32 v0, v4  }
0x307: {  	s8 =	sor.u32 $0x700000, s9;
	s7 =	sor.u32 $0x500000, s19;
	v4 =	vmul.u32 $0x380, v5;
	v5 =	vshrl.u32 v7, $0x7;
	[tilespmem:s5+$0xFFFFFFF0] =	vst v2  }
0x308: {  	s11 =	sor.u32 $0x200000, s19;
	v7 =	vadd.s32 s8, v7;
	v2 =	vld [tilespmem:s24+$0xFFFFFFC0];
	v11 =	vadd.s32 s7, v9;
	v8 =	vmul.u32 $0x380, v5;
	[tilespmem:s5+$0xFFFFFFD0] =	vst v3;
	s5 =	smov.u32 s24  }
0x309: {  	v5 =	vadd.s32 s11, v12;
	v9 =	vshrl.u32 v9, $0x7;
	s7 =	sor.u32 $0x600000, s19;
	v3 =	vld [tilespmem:s24+$0xFFFFFFD0];
	v12 =	vshrl.u32 v10, $0x7  }
.Ltmp15:
0x30a: {  	v4 =	vadd.s32 v4, v5;
	v12 =	vmul.u32 $0x380, v12;
	v5 =	vadd.s32 s7, v6;
	(pc) =	sbr.rel @p0 .LBB2_32-.Ltmp15, $4  }
0x30b: {  	v13 =	vadd.s32 v0, v4;
	s7 =	sor.u32 $0x400000, s19;
	v6 =	vshrl.u32 v6, $0x7;
	v4 =	vshrl.u32 v1, $0x7  }
0x30c: {  	v8 =	vadd.s32 v8, v7;
	v10 =	vadd.s32 s7, v10;
	[tilespmem:s24+$0xFFFFFFE0] =	vst v13;
	v13 =	vmul.u32 $0x380, v9  }
0x30d: {  	v7 =	vmul.u32 $0x380, v6;
	v10 =	vadd.s32 v12, v10;
	v9 =	vadd.s32 v0, v8  }
0x30e: {  	s24 =	sadd.s32 $0x80, s24;
	v8 =	vshrl.u32 v2, $0x7;
	v6 =	vshrl.u32 v3, $0x7;
	v11 =	vadd.s32 v13, v11  }
0x30f: {  	v10 =	vadd.s32 v0, v10  }
0x310: {  	v11 =	vadd.s32 v0, v11;
	[tilespmem:s5+$0x30] =	vst v9;
	v8 =	vmul.u32 $0x380, v8;
	v5 =	vadd.s32 v7, v5  }
0x311: {  	s7 =	sor.u32 $0x300000, s19;
	v2 =	vadd.s32 s19, v2;
	v4 =	vmul.u32 $0x380, v4;
	v6 =	vmul.u32 $0x380, v6;
	[tilespmem:s5+$0x10] =	vst v11  }
0x312: {  	s24 =	sor.u32 $0x100000, s19;
	v1 =	vadd.s32 s7, v1;
	v5 =	vadd.s32 v0, v5;
	[tilespmem:s5+$0x0] =	vst v10;
	v2 =	vadd.s32 v8, v2  }
0x313: {  	v3 =	vadd.s32 s24, v3;
	[tilespmem:s5+$0x20] =	vst v5;
	v1 =	vadd.s32 v4, v1;
	v2 =	vadd.s32 v0, v2  }
0x314: {  	v3 =	vadd.s32 v6, v3;
	v1 =	vadd.s32 v0, v1;
	[tilespmem:s5+$0xFFFFFFC0] =	vst v2  }
0x315: {  	v2 =	vadd.s32 v0, v3;
	[tilespmem:s5+$0xFFFFFFF0] =	vst v1  }
0x316: {  	[tilespmem:s5+$0xFFFFFFD0] =	vst v2  }
0x317: {  	_ =	swait.ge [sflag:s31], $0x2000  }
0x318: {  	[sflag:s31] =	ssyncset.done $0x0  }
0x319: {  	s8 =	simm.s32 $0x6000;
	[sflag:s31] =	ssyncadd.s32 $0xFFFFE000  }
0x31a: {  	[tilespmem:s17], [sflag:$0xA] =	stream.indirect.gather [hbm4b:s2+s6], $0x1, s8, s6, $0xb8;
	[tilespmem:$0x18000] =	vst v63  }
0x31b: {  	_ =	swait.ge [sflag:s18], $0x2000  }
0x31c: {  	s7 =	sld [smem:$0x7F9]  }
0x31d: {  	[sflag:s18] =	ssyncset.done $0x0  }
0x31e: {  	s9 =	simm.s32 $0xC000;
	[sflag:s18] =	ssyncadd.s32 $0xFFFFE000  }
0x31f: {  	[hbm4b:s7+s1] =	stream.linear.scatter [tilespmem:s9], [sflag:$0xB], $0x2000, $0x38;
	[tilespmem:$0x18000] =	vst v63  }
0x320: {  	_ =	swait.ge [sflag:s22], $0x2000  }
0x321: {  	s11 =	sld [smem:$0x7FA]  }
0x322: {  	[sflag:s22] =	ssyncset.done $0x0  }
0x323: {  	[sflag:s22] =	ssyncadd.s32 $0xFFFFE000  }
0x324: {  	[hbm4b:s11+s1] =	stream.linear.scatter [tilespmem:s13], [sflag:$0xC], $0x2000, $0x38;
	[tilespmem:$0x18000] =	vst v63  }
0x325: {  	_ =	swait.ge [sflag:s25], $0x2000  }
0x326: {  	s19 =	sld [smem:$0x7FB]  }
0x327: {  	[sflag:s25] =	ssyncset.done $0x0  }
0x328: {  	[sflag:s25] =	ssyncadd.s32 $0xFFFFE000  }
0x329: {  	[hbm4b:s19+s1] =	stream.linear.scatter [tilespmem:s15], [sflag:$0xD], $0x2000, $0x38;
	[tilespmem:$0x18000] =	vst v63  }
0x32a: {  	_ =	swait.ge [sflag:s28], $0x2000  }
0x32b: {  	s21 =	sld [smem:$0x7FC]  }
0x32c: {  	[sflag:s28] =	ssyncset.done $0x0  }
0x32d: {  	[sflag:s28] =	ssyncadd.s32 $0xFFFFE000  }
0x32e: {  	[hbm4b:s21+s1] =	stream.linear.scatter [tilespmem:s17], [sflag:$0xE], $0x2000, $0x38;
	[tilespmem:$0x18000] =	vst v63  }
0x32f: {  	_ =	swait.ge [sflag:s0], $0x2000  }
0x330: {  	[sflag:s0] =	ssyncset.done $0x0  }
0x331: {  	[sflag:s0] =	ssyncadd.s32 $0xFFFFE000  }
0x332: {  	_ =	swait.ge [sflag:s3], $0x2000  }
0x333: {  	[sflag:s3] =	ssyncset.done $0x0  }
0x334: {  	[sflag:s3] =	ssyncadd.s32 $0xFFFFE000  }
0x335: {  	_ =	swait.ge [sflag:s26], $0x2000  }
0x336: {  	[sflag:s26] =	ssyncset.done $0x0  }
0x337: {  	[sflag:s26] =	ssyncadd.s32 $0xFFFFE000  }
0x338: {  	_ =	swait.ge [sflag:s29], $0x2000  }
0x339: {  	[sflag:s29] =	ssyncset.done $0x0  }
0x33a: {  	[sflag:s29] =	ssyncadd.s32 $0xFFFFE000  }
0x33b: {  	_ =	swait.ge [sflag:s30], $0x2000  }
0x33c: {  	[sflag:s30] =	ssyncset.done $0x0  }
0x33d: {  	[sflag:s30] =	ssyncadd.s32 $0xFFFFE000  }
0x33e: {  	_ =	swait.ge [sflag:s31], $0x2000  }
0x33f: {  	s24 =	sld [smem:$0x7FD];
	_ =	sdelay $0x1  }
0x340: {  	s4 =	sadd.s32 $0x1, s4  }
0x341: {  	p0 =	sne.s32 s4, s24  }
.Ltmp16:
0x342: {  	_ = 	snop;
	(pc) =	sbr.rel @p0 .LBB2_1-.Ltmp16, $3  }
0x343: {  	_ =	sdelay $0x1  }
0x344: {  	[sflag:s31] =	ssyncset.done $0x0  }
0x345: {  	[sflag:s31] =	ssyncadd.s32 $0xFFFFE000  }
0x346: {  	_ =	sfence.sel $0x180000  }
0x347: {  	[bflag:$0x0] =	sbarrier.arrive $0xFFFF  }
0x348: {  	_ =	strace $0x90000047  }
0x349: {  	s0 =	stileid.u32;
	[bflag:$0x2] =	sbarrier.arrive $0xFFFF  }
0x34a: {  	p0 =	sne.s32 s0, $0x0;
	s0 =	rddreg [dreg:$0x3]  }
0x34b: {  	s0 =	sadd.s32 @!p0 $0x100000, s0  }
0x34c: {  	[sflag:s0] =	ssyncadd.tile.s32 @!p0 $0x1;
	_ =	shalt  }
.Lfunc_end2:
_tile_overlayer_lowered:
.L_overlay_start_2:
0x34d: {  	(tag) =	ssettag $0x2  }
0x34e: {  	s0 =	rddreg [dreg:$0x0];
	s2 =	stileid.u32  }
0x34f: {  	s1 =	rddreg [dreg:$0x1];
	p0 =	sne.s32 s2, $0x0  }
0x350: {  	s3 =	rddreg [dreg:$0x2];
	[bflag:$0x3] =	sbarrier.arrive $0xFFFF;
	s2 =	simm.s32 @!p0 $0x1C11  }
0x351: {  	[timem:s3], [sflag:s2] =	dma.local @!p0 [hbm:s0], s1  }
0x352: {  	s0 =	simm.s32 @!p0 $0x11  }
0x353: {  	_ =	swait.ge @!p0 [sflag:s0], s1  }
0x354: {  	s1 =	ssub.s32 @!p0 $0x0, s1;
	[sflag:s0] =	ssyncset.done @!p0 $0x0  }
0x355: {  	[sflag:s0] =	ssyncadd.s32 @!p0 s1  }
0x356: {  	[bflag:$0x3] =	sbarrier.arrive $0xFFFF  }
0x357: {  	_ =	shalt  }

</sc_bundles>
